<compile_context>
chip_gen: v7x
topology: tpu7x:2x2x1
jax: 0.10.2.dev20260603
libtpu: 0.0.44.dev20260713+nightly
codegen_flags: <defaults>
</compile_context>

<pallas_src>
import functools

import jax
import jax.numpy as jnp
from jax import lax
from jax.experimental import pallas as pl
from jax.experimental.pallas import tpu as pltpu
from jax.experimental.pallas import tpu_sc as plsc

N = 10000
D = 128
E = 320000
ITERS = 3

RB = 1000
NRB = N // RB
EB = 4000
NEB = E // EB
TW = 256

NC = 2
NS = 16
NW = NC * NS
EPW = E // NW
CH = 80
NCHUNK = EPW // CH



def _proj_body(x_ref, e1_ref, e2_ref, x1_ref, x2_ref):
    xb = x_ref[...]
    x1_ref[...] = jnp.dot(xb, e1_ref[...], preferred_element_type=jnp.float32)
    x2_ref[...] = jnp.dot(xb, e2_ref[...], preferred_element_type=jnp.float32)


def _proj(x, e1, e2):
    return pl.pallas_call(
        _proj_body,
        grid=(NRB,),
        in_specs=[
            pl.BlockSpec((RB, D), lambda i: (i, 0)),
            pl.BlockSpec((D, D), lambda i: (0, 0)),
            pl.BlockSpec((D, D), lambda i: (0, 0)),
        ],
        out_specs=[
            pl.BlockSpec((RB, D), lambda i: (i, 0)),
            pl.BlockSpec((RB, D), lambda i: (i, 0)),
        ],
        out_shape=[
            jax.ShapeDtypeStruct((N, D), jnp.float32),
            jax.ShapeDtypeStruct((N, D), jnp.float32),
        ],
    )(x, e1, e2)



def _stats_body(x1_ref, x2_ref, m_ref, s_ref):
    j = pl.program_id(1)
    t = lax.dot_general(x1_ref[...], x2_ref[...],
                        (((1,), (1,)), ((), ())),
                        preferred_element_type=jnp.float32)
    t = jnp.where(t >= 0, t, 0.2 * t)
    tmax = jnp.max(t, axis=1, keepdims=True)

    @pl.when(j == 0)
    def _():
        m_ref[...] = tmax
        s_ref[...] = jnp.sum(jnp.exp(t - tmax), axis=1, keepdims=True)

    @pl.when(j > 0)
    def _():
        m_old = m_ref[...]
        s_old = s_ref[...]
        m_new = jnp.maximum(m_old, tmax)
        s_ref[...] = (s_old * jnp.exp(m_old - m_new)
                      + jnp.sum(jnp.exp(t - m_new), axis=1, keepdims=True))
        m_ref[...] = m_new


def _stats(x1, x2):
    return pl.pallas_call(
        _stats_body,
        grid=(NRB, NRB),
        in_specs=[
            pl.BlockSpec((RB, D), lambda i, j: (i, 0)),
            pl.BlockSpec((RB, D), lambda i, j: (j, 0)),
        ],
        out_specs=[
            pl.BlockSpec((RB, 1), lambda i, j: (i, 0)),
            pl.BlockSpec((RB, 1), lambda i, j: (i, 0)),
        ],
        out_shape=[
            jax.ShapeDtypeStruct((N, 1), jnp.float32),
            jax.ShapeDtypeStruct((N, 1), jnp.float32),
        ],
    )(x1, x2)



def _sc_gather(table_r, x2, rows, cols):
    mesh = plsc.VectorSubcoreMesh(core_axis_name="c", subcore_axis_name="s")

    @functools.partial(
        pl.kernel, mesh=mesh,
        out_type=[
            jax.ShapeDtypeStruct((E, TW), jnp.float32),
            jax.ShapeDtypeStruct((E, D), jnp.float32),
        ],
        scratch_types=[
            pltpu.VMEM((CH,), jnp.int32),
            pltpu.VMEM((CH,), jnp.int32),
            pltpu.VMEM((CH,), jnp.int32),
            pltpu.VMEM((CH,), jnp.int32),
            pltpu.VMEM((CH, TW), jnp.float32),
            pltpu.VMEM((CH, TW), jnp.float32),
            pltpu.VMEM((CH, D), jnp.float32),
            pltpu.VMEM((CH, D), jnp.float32),
            pltpu.SemaphoreType.DMA,
            pltpu.SemaphoreType.DMA,
            pltpu.SemaphoreType.DMA,
            pltpu.SemaphoreType.DMA,
        ],
    )
    def k(tr_hbm, x2_hbm, row_hbm, col_hbm, gr_hbm, gc_hbm,
          ri0, ri1, ci0, ci1, gr_v0, gr_v1, gc_v0, gc_v1, sa0, sa1, sb0, sb1):
        wid = lax.axis_index("s") * NC + lax.axis_index("c")
        base = wid * EPW

        def start(i, ri, ci, gr_v, gc_v, sa, sb):
            off = base + i * CH
            pltpu.sync_copy(row_hbm.at[pl.ds(off, CH)], ri)
            pltpu.sync_copy(col_hbm.at[pl.ds(off, CH)], ci)
            pltpu.async_copy(tr_hbm.at[ri], gr_v, sa)
            pltpu.async_copy(x2_hbm.at[ci], gc_v, sb)

        def finish(i, ri, ci, gr_v, gc_v, sa, sb,
                   ri_n, ci_n, gr_n, gc_n, sa_n, sb_n):
            @pl.when(i + 1 < NCHUNK)
            def _():
                start(i + 1, ri_n, ci_n, gr_n, gc_n, sa_n, sb_n)

            off = base + i * CH
            pltpu.make_async_copy(tr_hbm.at[ri], gr_v, sa).wait()
            pltpu.make_async_copy(x2_hbm.at[ci], gc_v, sb).wait()
            pltpu.sync_copy(gr_v, gr_hbm.at[pl.ds(off, CH)])
            pltpu.sync_copy(gc_v, gc_hbm.at[pl.ds(off, CH)])

        start(0, ri0, ci0, gr_v0, gc_v0, sa0, sb0)

        def body(i, carry):
            @pl.when(lax.rem(i, 2) == 0)
            def _():
                finish(i, ri0, ci0, gr_v0, gc_v0, sa0, sb0,
                       ri1, ci1, gr_v1, gc_v1, sa1, sb1)

            @pl.when(lax.rem(i, 2) == 1)
            def _():
                finish(i, ri1, ci1, gr_v1, gc_v1, sa1, sb1,
                       ri0, ci0, gr_v0, gc_v0, sa0, sb0)

            return carry

        lax.fori_loop(0, NCHUNK, body, 0)

    return k(table_r, x2, rows, cols)



def _vals_body(gr_ref, gc_ref, sv_ref, v_ref):
    logit = jnp.sum(gr_ref[:, :D] * gc_ref[...], axis=1, keepdims=True)
    logit = jnp.where(logit >= 0, logit, 0.2 * logit)
    m = gr_ref[:, D:D + 1]
    s = gr_ref[:, D + 1:D + 2]
    v_ref[...] = sv_ref[...] * jnp.exp(logit - m) / s


def _vals(gr, gc, sv):
    return pl.pallas_call(
        _vals_body,
        grid=(NEB,),
        in_specs=[
            pl.BlockSpec((EB, TW), lambda i: (i, 0)),
            pl.BlockSpec((EB, D), lambda i: (i, 0)),
            pl.BlockSpec((EB, 1), lambda i: (i, 0)),
        ],
        out_specs=pl.BlockSpec((EB, 1), lambda i: (i, 0)),
        out_shape=jax.ShapeDtypeStruct((E, 1), jnp.float32),
    )(gr, gc, sv)



def _sc_spmm(out_cur, cols, rows, vals, zerosD):
    mesh = plsc.VectorSubcoreMesh(core_axis_name="c", subcore_axis_name="s")

    @functools.partial(
        pl.kernel, mesh=mesh,
        out_type=jax.ShapeDtypeStruct((NC, N, D), jnp.float32),
        scratch_types=[
            pltpu.VMEM((CH,), jnp.int32),
            pltpu.VMEM((CH,), jnp.int32),
            pltpu.VMEM((CH,), jnp.int32),
            pltpu.VMEM((CH + 16,), jnp.float32),
            pltpu.VMEM((CH, D), jnp.float32),
            pltpu.VMEM((CH, D), jnp.float32),
            pltpu.VMEM_SHARED((N, D), jnp.float32),
            pltpu.SemaphoreType.DMA,
            pltpu.SemaphoreType.DMA,
        ],
    )
    def k(o_hbm, col_hbm, row_hbm, val_hbm, z_hbm, part_hbm,
          ci0, ci1, ri, v_v, g_v0, g_v1, acc, sem0, sem1):
        cid = lax.axis_index("c")
        sid = lax.axis_index("s")

        @pl.when(sid == 0)
        def _():
            pltpu.sync_copy(z_hbm, acc)

        base = (sid * NC + cid) * EPW

        def start(i, ci, g_v, sem):
            pltpu.sync_copy(col_hbm.at[pl.ds(base + i * CH, CH)], ci)
            pltpu.async_copy(o_hbm.at[ci], g_v, sem)

        def finish(i, ci, g_v, sem, ci_n, g_n, sem_n):
            @pl.when(i + 1 < NCHUNK)
            def _():
                start(i + 1, ci_n, g_n, sem_n)

            off = base + i * CH
            pltpu.sync_copy(row_hbm.at[pl.ds(off, CH)], ri)
            pltpu.sync_copy(val_hbm.at[pl.ds(off, CH)], v_v.at[pl.ds(0, CH)])
            pltpu.make_async_copy(o_hbm.at[ci], g_v, sem).wait()

            def mult(e, c2):
                val = v_v[pl.ds(e, 16)][0]
                for jj in range(D // 16):
                    sl = pl.ds(jj * 16, 16)
                    g_v[e, sl] = g_v[e, sl] * val
                return c2

            lax.fori_loop(0, CH, mult, 0)
            pltpu.sync_copy(g_v, acc.at[ri], add=True)

        start(0, ci0, g_v0, sem0)
        plsc.subcore_barrier()

        def body(i, carry):
            @pl.when(lax.rem(i, 2) == 0)
            def _():
                finish(i, ci0, g_v0, sem0, ci1, g_v1, sem1)

            @pl.when(lax.rem(i, 2) == 1)
            def _():
                finish(i, ci1, g_v1, sem1, ci0, g_v0, sem0)

            return carry

        lax.fori_loop(0, NCHUNK, body, 0)
        plsc.subcore_barrier()

        @pl.when(sid == 0)
        def _():
            pltpu.sync_copy(acc, part_hbm.at[cid])

    return k(out_cur, cols, rows, vals, zerosD)



def _upd_body(x_ref, o_ref, p0_ref, p1_ref, n0_ref, n1_ref,
              a_ref, b_ref, out_ref):
    a = jnp.exp(a_ref[0])
    b = jnp.exp(b_ref[0])
    norm = n0_ref[...] + n1_ref[...]
    spmm = p0_ref[...] + p1_ref[...]
    out_ref[...] = ((x_ref[...] * b + (spmm + o_ref[...]) * a)
                    / (b + norm * a + a))


def _update(x, o, p0, p1, n0, n1, a1, b1):
    return pl.pallas_call(
        _upd_body,
        grid=(NRB,),
        in_specs=[
            pl.BlockSpec((RB, D), lambda i: (i, 0)),
            pl.BlockSpec((RB, D), lambda i: (i, 0)),
            pl.BlockSpec((RB, D), lambda i: (i, 0)),
            pl.BlockSpec((RB, D), lambda i: (i, 0)),
            pl.BlockSpec((RB, D), lambda i: (i, 0)),
            pl.BlockSpec((RB, D), lambda i: (i, 0)),
            pl.BlockSpec(memory_space=pltpu.SMEM),
            pl.BlockSpec(memory_space=pltpu.SMEM),
        ],
        out_specs=pl.BlockSpec((RB, D), lambda i: (i, 0)),
        out_shape=jax.ShapeDtypeStruct((N, D), jnp.float32),
    )(x, o, p0, p1, n0, n1, a1, b1)



def kernel(x, edge_index, support_vals, emb_1, emb_2, alpha, beta):
    x = x.astype(jnp.float32)
    rows = edge_index[0]
    cols = edge_index[1]

    x1, x2 = _proj(x, emb_1, emb_2)
    m, s = _stats(x1, x2)
    table_r = jnp.concatenate(
        [x1, m, s, jnp.zeros((N, TW - D - 2), jnp.float32)], axis=1)

    gr, gc = _sc_gather(table_r, x2, rows, cols)
    sv = support_vals.reshape(E, 1)
    vals = _vals(gr, gc, sv).reshape(E)

    zerosD = jnp.zeros((N, D), jnp.float32)
    npart = _sc_spmm(jnp.ones((N, D), jnp.float32), cols, rows, vals, zerosD)
    a1 = alpha.reshape(1)
    b1 = beta.reshape(1)

    out = x
    for _ in range(ITERS):
        part = _sc_spmm(out, cols, rows, vals, zerosD)
        out = _update(x, out, part[0], part[1], npart[0], npart[1], a1, b1)
    return out

# --- scband reference (transcript-rebuilt; emitter-appended) ---
"""Pipeline reference for scband-crf-nn-48095043781147 (READ-ONLY COPY).

The authoritative reference and input builder live on the scoring server;
editing this copy changes nothing except your own understanding.
"""

import jax, jax.numpy as jnp
import numpy as np

N = 10000
D = 128
D_OUT = 128
E = 320000
NUM_ITERS = 3


def setup_inputs(seed: int = 0) -> dict:
    key = jax.random.key(seed)
    k1, k2, k3, k4, k5 = jax.random.split(key, 5)
    x = jax.random.normal(k1, (N, D), dtype=jnp.float32)
    edge_index = jax.random.randint(k2, (2, E), 0, N, dtype=jnp.int32)
    support_vals = jax.random.uniform(k3, (E,), dtype=jnp.float32)
    glorot_scale = np.sqrt(2.0 / (D + D_OUT)).astype(np.float32)
    emb_1 = jax.random.normal(k4, (D, D_OUT), dtype=jnp.float32) * glorot_scale
    emb_2 = jax.random.normal(k5, (D, D_OUT), dtype=jnp.float32) * glorot_scale
    alpha = jnp.zeros((1,), dtype=jnp.float32)
    beta = jnp.zeros((1,), dtype=jnp.float32)
    return {"x": x, "edge_index": edge_index, "support_vals": support_vals,
            "emb_1": emb_1, "emb_2": emb_2, "alpha": alpha, "beta": beta}


def reference(x, edge_index, support_vals, emb_1, emb_2, alpha, beta):
    n, d = x.shape
    # inputs_1 = X @ emb_1 ; inputs_2 = X @ emb_2
    x1 = jnp.matmul(x, emb_1)
    x2 = jnp.matmul(x, emb_2)
    # logits = X1 @ X2^T ; similarity = softmax(leaky_relu(logits))
    logits = jnp.matmul(x1, x2.T)
    sim = jax.nn.softmax(jax.nn.leaky_relu(logits, negative_slope=0.2), axis=-1)
    row = edge_index[0]
    col = edge_index[1]
    # support = sparse_adj * similarity (elementwise on sparse pattern)
    vals = support_vals * sim[row, col]
    # normalize = sparse_reduce_sum(support, axis=1), tiled to [N, input_dim]
    normalize = jax.ops.segment_sum(vals, row, num_segments=n)
    normalize = jnp.tile(normalize[:, None], (1, d))
    a = jnp.exp(alpha)
    b = jnp.exp(beta)
    output = x
    for _ in range(NUM_ITERS):
        spmm = jax.ops.segment_sum(vals[:, None] * output[col], row, num_segments=n)
        output = (x * b + (spmm + output) * a) / (b + normalize * a + a)
    return output

if __name__ == "__main__":
    import jax
    _d = setup_inputs()
    print(jax.jit(kernel)(*tuple(_d.values())))

</pallas_src>

<mosaic_0001>
#map = affine_map<(d0, d1) -> (0, 0)>
#map1 = affine_map<(d0, d1) -> (0)>
#map2 = affine_map<(d0, d1) -> (0, 0, 0)>
module attributes {stable_mosaic.version = 14 : i64} {
  func.func @k(%arg0: i32, %arg1: i32, %arg2: memref<10000x128xf32, #tpu.memory_space<hbm>>, %arg3: memref<320000xi32, #tpu.memory_space<hbm>>, %arg4: memref<320000xi32, #tpu.memory_space<hbm>>, %arg5: memref<320000xf32, #tpu.memory_space<hbm>>, %arg6: memref<10000x128xf32, #tpu.memory_space<hbm>>, %arg7: memref<2x10000x128xf32, #tpu.memory_space<hbm>>, %arg8: memref<80xi32, #tpu.memory_space<vmem>>, %arg9: memref<80xi32, #tpu.memory_space<vmem>>, %arg10: memref<80xi32, #tpu.memory_space<vmem>>, %arg11: memref<96xf32, #tpu.memory_space<vmem>>, %arg12: memref<80x128xf32, #tpu.memory_space<vmem>>, %arg13: memref<80x128xf32, #tpu.memory_space<vmem>>, %arg14: memref<10000x128xf32, #tpu.memory_space<vmem_shared>>, %arg15: memref<!tpu.dma_semaphore, #tpu.memory_space<semaphore_mem>>, %arg16: memref<!tpu.dma_semaphore, #tpu.memory_space<semaphore_mem>>) attributes {dimension_semantics = [#tpu.dimension_semantics<core_parallel>, #tpu.dimension_semantics<subcore_parallel>], iteration_bounds = array<i64: 2, 16>, scalar_prefetch = 0 : i64, scratch_operands = 9 : i64, tpu.core_type = #tpu.core_type<sc_vector_subcore>, window_params = [{transform_indices = #map}, {transform_indices = #map1}, {transform_indices = #map1}, {transform_indices = #map1}, {transform_indices = #map}, {transform_indices = #map2}]} {
    %eq3A = arith.constant 0 : i32
    %eq3A_0 = arith.cmpi eq, %arg1, %eq3A : i32
    %convert_element_type3A = arith.extui %eq3A_0 : i1 to i32
    %cond3A = arith.constant 0 : i32
    %cond3A_1 = arith.cmpi ne, %convert_element_type3A, %cond3A : i32
    scf.if %cond3A_1 {
      "tpu.region"() ({
        %run_scoped3A = tpu.sem_alloc : memref<!tpu.dma_semaphore, #tpu.memory_space<semaphore_mem>>
        tpu.enqueue_dma source(%arg6 : memref<10000x128xf32, #tpu.memory_space<hbm>>) target(%arg14 : memref<10000x128xf32, #tpu.memory_space<vmem_shared>>) target_semaphore(%run_scoped3A : memref<!tpu.dma_semaphore, #tpu.memory_space<semaphore_mem>>)
        tpu.wait_dma2 semaphore(%run_scoped3A : memref<!tpu.dma_semaphore, #tpu.memory_space<semaphore_mem>>) src(%arg6 : memref<10000x128xf32, #tpu.memory_space<hbm>>) dst(%arg14 : memref<10000x128xf32, #tpu.memory_space<vmem_shared>>)
        tpu.yield
      }) : () -> ()
    } else {
    }
    %mul3A = arith.constant 2 : i32
    %mul3A_2 = arith.muli %arg1, %mul3A : i32
    %add3A = arith.addi %mul3A_2, %arg0 : i32
    %mul3A_3 = arith.constant 10000 : i32
    %mul3A_4 = arith.muli %add3A, %mul3A_3 : i32
    %add3A_5 = arith.constant 0 : i32
    %add3A_6 = arith.addi %mul3A_4, %add3A_5 : i32
    "tpu.region"() ({
      %run_scoped3A = tpu.sem_alloc : memref<!tpu.dma_semaphore, #tpu.memory_space<semaphore_mem>>
      %dma_start3A_20 = tpu.memref_slice %arg3[%add3A_6] : memref<320000xi32, #tpu.memory_space<hbm>> -> memref<80xi32, #tpu.memory_space<hbm>>
      %dma_start3A_21 = tpu.memref_slice %arg3[%add3A_6] : memref<320000xi32, #tpu.memory_space<hbm>> -> memref<80xi32, #tpu.memory_space<hbm>>
      tpu.enqueue_dma source(%dma_start3A_21 : memref<80xi32, #tpu.memory_space<hbm>>) target(%arg8 : memref<80xi32, #tpu.memory_space<vmem>>) target_semaphore(%run_scoped3A : memref<!tpu.dma_semaphore, #tpu.memory_space<semaphore_mem>>)
      %dma_wait3A = tpu.memref_slice %arg3[%add3A_6] : memref<320000xi32, #tpu.memory_space<hbm>> -> memref<80xi32, #tpu.memory_space<hbm>>
      %dma_wait3A_22 = tpu.memref_slice %arg3[%add3A_6] : memref<320000xi32, #tpu.memory_space<hbm>> -> memref<80xi32, #tpu.memory_space<hbm>>
      tpu.wait_dma2 semaphore(%run_scoped3A : memref<!tpu.dma_semaphore, #tpu.memory_space<semaphore_mem>>) src(%dma_wait3A_22 : memref<80xi32, #tpu.memory_space<hbm>>) dst(%arg8 : memref<80xi32, #tpu.memory_space<vmem>>)
      tpu.yield
    }) : () -> ()
    %dma_start3A = arith.constant 0 : i32
    %dma_start3A_7 = arith.constant 0 : i32
    %dma_start3A_8 = tpu.memref_slice %arg2[%dma_start3A, %dma_start3A_7] : memref<10000x128xf32, #tpu.memory_space<hbm>> -> memref<10000x128xf32, #tpu.memory_space<hbm>>
    tpu.enqueue_indirect_dma source(%dma_start3A_8 : memref<10000x128xf32, #tpu.memory_space<hbm>>) target(%arg12 : memref<80x128xf32, #tpu.memory_space<vmem>>) offsets(%arg8 : memref<80xi32, #tpu.memory_space<vmem>>) semaphore(%arg15 : memref<!tpu.dma_semaphore, #tpu.memory_space<semaphore_mem>>)
    %barrier3A = arith.constant 0 : index
    tpu.barrier barrier_id(%barrier3A)
    %scan3A = arith.constant 0 : i32
    %scan3A_9 = arith.constant 0 : i32
    %scan3A_10 = arith.constant 125 : i32
    %scan3A_11 = arith.addi %scan3A_9, %scan3A_10 : i32
    %scan3A_12 = arith.constant 1 : i32
    scf.for %scan3A_20 = %scan3A_9 to %scan3A_11 step %scan3A_12  : i32 {
      %rem3A = arith.constant 2 : i32
      %rem3A_21 = arith.remsi %scan3A_20, %rem3A : i32
      %eq3A_22 = arith.constant 0 : i32
      %eq3A_23 = arith.cmpi eq, %rem3A_21, %eq3A_22 : i32
      %convert_element_type3A_24 = arith.extui %eq3A_23 : i1 to i32
      %cond3A_25 = arith.constant 0 : i32
      %cond3A_26 = arith.cmpi ne, %convert_element_type3A_24, %cond3A_25 : i32
      scf.if %cond3A_26 {
        %add3A_34 = arith.constant 1 : i32
        %add3A_35 = arith.addi %scan3A_20, %add3A_34 : i32
        %lt3A = arith.constant 125 : i32
        %lt3A_36 = arith.cmpi slt, %add3A_35, %lt3A : i32
        %convert_element_type3A_37 = arith.extui %lt3A_36 : i1 to i32
        %cond3A_38 = arith.constant 0 : i32
        %cond3A_39 = arith.cmpi ne, %convert_element_type3A_37, %cond3A_38 : i32
        scf.if %cond3A_39 {
          %add3A_51 = arith.constant 1 : i32
          %add3A_52 = arith.addi %scan3A_20, %add3A_51 : i32
          %mul3A_53 = arith.constant 80 : i32
          %mul3A_54 = arith.muli %add3A_52, %mul3A_53 : i32
          %add3A_55 = arith.addi %mul3A_4, %mul3A_54 : i32
          "tpu.region"() ({
            %run_scoped3A = tpu.sem_alloc : memref<!tpu.dma_semaphore, #tpu.memory_space<semaphore_mem>>
            %dma_start3A_59 = tpu.memref_slice %arg3[%add3A_55] : memref<320000xi32, #tpu.memory_space<hbm>> -> memref<80xi32, #tpu.memory_space<hbm>>
            %dma_start3A_60 = tpu.memref_slice %arg3[%add3A_55] : memref<320000xi32, #tpu.memory_space<hbm>> -> memref<80xi32, #tpu.memory_space<hbm>>
            tpu.enqueue_dma source(%dma_start3A_60 : memref<80xi32, #tpu.memory_space<hbm>>) target(%arg9 : memref<80xi32, #tpu.memory_space<vmem>>) target_semaphore(%run_scoped3A : memref<!tpu.dma_semaphore, #tpu.memory_space<semaphore_mem>>)
            %dma_wait3A_61 = tpu.memref_slice %arg3[%add3A_55] : memref<320000xi32, #tpu.memory_space<hbm>> -> memref<80xi32, #tpu.memory_space<hbm>>
            %dma_wait3A_62 = tpu.memref_slice %arg3[%add3A_55] : memref<320000xi32, #tpu.memory_space<hbm>> -> memref<80xi32, #tpu.memory_space<hbm>>
            tpu.wait_dma2 semaphore(%run_scoped3A : memref<!tpu.dma_semaphore, #tpu.memory_space<semaphore_mem>>) src(%dma_wait3A_62 : memref<80xi32, #tpu.memory_space<hbm>>) dst(%arg9 : memref<80xi32, #tpu.memory_space<vmem>>)
            tpu.yield
          }) : () -> ()
          %dma_start3A_56 = arith.constant 0 : i32
          %dma_start3A_57 = arith.constant 0 : i32
          %dma_start3A_58 = tpu.memref_slice %arg2[%dma_start3A_56, %dma_start3A_57] : memref<10000x128xf32, #tpu.memory_space<hbm>> -> memref<10000x128xf32, #tpu.memory_space<hbm>>
          tpu.enqueue_indirect_dma source(%dma_start3A_58 : memref<10000x128xf32, #tpu.memory_space<hbm>>) target(%arg13 : memref<80x128xf32, #tpu.memory_space<vmem>>) offsets(%arg9 : memref<80xi32, #tpu.memory_space<vmem>>) semaphore(%arg16 : memref<!tpu.dma_semaphore, #tpu.memory_space<semaphore_mem>>)
        } else {
        }
        %mul3A_40 = arith.constant 80 : i32
        %mul3A_41 = arith.muli %scan3A_20, %mul3A_40 : i32
        %add3A_42 = arith.addi %mul3A_4, %mul3A_41 : i32
        "tpu.region"() ({
          %run_scoped3A = tpu.sem_alloc : memref<!tpu.dma_semaphore, #tpu.memory_space<semaphore_mem>>
          %dma_start3A_51 = tpu.memref_slice %arg4[%add3A_42] : memref<320000xi32, #tpu.memory_space<hbm>> -> memref<80xi32, #tpu.memory_space<hbm>>
          %dma_start3A_52 = tpu.memref_slice %arg4[%add3A_42] : memref<320000xi32, #tpu.memory_space<hbm>> -> memref<80xi32, #tpu.memory_space<hbm>>
          tpu.enqueue_dma source(%dma_start3A_52 : memref<80xi32, #tpu.memory_space<hbm>>) target(%arg10 : memref<80xi32, #tpu.memory_space<vmem>>) target_semaphore(%run_scoped3A : memref<!tpu.dma_semaphore, #tpu.memory_space<semaphore_mem>>)
          %dma_wait3A_53 = tpu.memref_slice %arg4[%add3A_42] : memref<320000xi32, #tpu.memory_space<hbm>> -> memref<80xi32, #tpu.memory_space<hbm>>
          %dma_wait3A_54 = tpu.memref_slice %arg4[%add3A_42] : memref<320000xi32, #tpu.memory_space<hbm>> -> memref<80xi32, #tpu.memory_space<hbm>>
          tpu.wait_dma2 semaphore(%run_scoped3A : memref<!tpu.dma_semaphore, #tpu.memory_space<semaphore_mem>>) src(%dma_wait3A_54 : memref<80xi32, #tpu.memory_space<hbm>>) dst(%arg10 : memref<80xi32, #tpu.memory_space<vmem>>)
          tpu.yield
        }) : () -> ()
        "tpu.region"() ({
          %run_scoped3A = tpu.sem_alloc : memref<!tpu.dma_semaphore, #tpu.memory_space<semaphore_mem>>
          %dma_start3A_51 = arith.constant 0 : i32
          %dma_start3A_52 = tpu.memref_slice %arg11[%dma_start3A_51] : memref<96xf32, #tpu.memory_space<vmem>> -> memref<80xf32, #tpu.memory_space<vmem>>
          %dma_start3A_53 = tpu.memref_slice %arg5[%add3A_42] : memref<320000xf32, #tpu.memory_space<hbm>> -> memref<80xf32, #tpu.memory_space<hbm>>
          %dma_start3A_54 = arith.constant 0 : i32
          %dma_start3A_55 = tpu.memref_slice %arg11[%dma_start3A_54] : memref<96xf32, #tpu.memory_space<vmem>> -> memref<80xf32, #tpu.memory_space<vmem>>
          %dma_start3A_56 = tpu.memref_slice %arg5[%add3A_42] : memref<320000xf32, #tpu.memory_space<hbm>> -> memref<80xf32, #tpu.memory_space<hbm>>
          tpu.enqueue_dma source(%dma_start3A_56 : memref<80xf32, #tpu.memory_space<hbm>>) target(%dma_start3A_55 : memref<80xf32, #tpu.memory_space<vmem>>) target_semaphore(%run_scoped3A : memref<!tpu.dma_semaphore, #tpu.memory_space<semaphore_mem>>)
          %dma_wait3A_57 = arith.constant 0 : i32
          %dma_wait3A_58 = tpu.memref_slice %arg11[%dma_wait3A_57] : memref<96xf32, #tpu.memory_space<vmem>> -> memref<80xf32, #tpu.memory_space<vmem>>
          %dma_wait3A_59 = tpu.memref_slice %arg5[%add3A_42] : memref<320000xf32, #tpu.memory_space<hbm>> -> memref<80xf32, #tpu.memory_space<hbm>>
          %dma_wait3A_60 = arith.constant 0 : i32
          %dma_wait3A_61 = tpu.memref_slice %arg11[%dma_wait3A_60] : memref<96xf32, #tpu.memory_space<vmem>> -> memref<80xf32, #tpu.memory_space<vmem>>
          %dma_wait3A_62 = tpu.memref_slice %arg5[%add3A_42] : memref<320000xf32, #tpu.memory_space<hbm>> -> memref<80xf32, #tpu.memory_space<hbm>>
          tpu.wait_dma2 semaphore(%run_scoped3A : memref<!tpu.dma_semaphore, #tpu.memory_space<semaphore_mem>>) src(%dma_wait3A_62 : memref<80xf32, #tpu.memory_space<hbm>>) dst(%dma_wait3A_61 : memref<80xf32, #tpu.memory_space<vmem>>)
          tpu.yield
        }) : () -> ()
        %dma_wait3A = arith.constant 0 : i32
        %dma_wait3A_43 = arith.constant 0 : i32
        %dma_wait3A_44 = tpu.memref_slice %arg2[%dma_wait3A, %dma_wait3A_43] : memref<10000x128xf32, #tpu.memory_space<hbm>> -> memref<10000x128xf32, #tpu.memory_space<hbm>>
        tpu.wait_indirect_dma semaphore(%arg15 : memref<!tpu.dma_semaphore, #tpu.memory_space<semaphore_mem>>) src(%dma_wait3A_44 : memref<10000x128xf32, #tpu.memory_space<hbm>>) dst(%arg12 : memref<80x128xf32, #tpu.memory_space<vmem>>)
        %scan3A_45 = arith.constant 0 : i32
        %scan3A_46 = arith.constant 0 : i32
        %scan3A_47 = arith.constant 80 : i32
        %scan3A_48 = arith.addi %scan3A_46, %scan3A_47 : i32
        %scan3A_49 = arith.constant 1 : i32
        scf.for %scan3A_51 = %scan3A_46 to %scan3A_48 step %scan3A_49  : i32 {
          %get3A = arith.index_cast %scan3A_51 : i32 to index
          %get3A_52 = tpu.vector_load %arg11[%get3A] {strides = array<i32>} : memref<96xf32, #tpu.memory_space<vmem>>, vector<16xf32>,
          %get3A_53 = vector.shape_cast %get3A_52 : vector<16xf32> to vector<16xf32>
          %slice3A = vector.extract_strided_slice %get3A_53 {offsets = [0], sizes = [1], strides = [1]} : vector<16xf32> to vector<1xf32>
          %squeeze3A = vector.extract %slice3A[0] : f32 from vector<1xf32>
          %get3A_54 = arith.index_cast %scan3A_51 : i32 to index
          %get3A_55 = arith.constant 0 : index
          %get3A_56 = tpu.vector_load %arg12[%get3A_54, %get3A_55] {strides = array<i32>} : memref<80x128xf32, #tpu.memory_space<vmem>>, vector<1x16xf32>,
          %get3A_57 = vector.shape_cast %get3A_56 : vector<1x16xf32> to vector<16xf32>
          %mul3A_58 = vector.broadcast %squeeze3A : f32 to vector<16xf32>
          %mul3A_59 = arith.mulf %get3A_57, %mul3A_58 : vector<16xf32>
          %swap3A = arith.index_cast %scan3A_51 : i32 to index
          %swap3A_60 = arith.constant 0 : index
          %swap3A_61 = tpu.vector_load %arg12[%swap3A, %swap3A_60] {strides = array<i32>} : memref<80x128xf32, #tpu.memory_space<vmem>>, vector<1x16xf32>,
          %swap3A_62 = vector.shape_cast %swap3A_61 : vector<1x16xf32> to vector<16xf32>
          %swap3A_63 = vector.shape_cast %mul3A_59 : vector<16xf32> to vector<1x16xf32>
          tpu.vector_store %arg12[%swap3A, %swap3A_60], %swap3A_63 {strides = array<i32>} : memref<80x128xf32, #tpu.memory_space<vmem>>, vector<1x16xf32>,
          %get3A_64 = arith.index_cast %scan3A_51 : i32 to index
          %get3A_65 = arith.constant 16 : index
          %get3A_66 = tpu.vector_load %arg12[%get3A_64, %get3A_65] {strides = array<i32>} : memref<80x128xf32, #tpu.memory_space<vmem>>, vector<1x16xf32>,
          %get3A_67 = vector.shape_cast %get3A_66 : vector<1x16xf32> to vector<16xf32>
          %mul3A_68 = vector.broadcast %squeeze3A : f32 to vector<16xf32>
          %mul3A_69 = arith.mulf %get3A_67, %mul3A_68 : vector<16xf32>
          %swap3A_70 = arith.index_cast %scan3A_51 : i32 to index
          %swap3A_71 = arith.constant 16 : index
          %swap3A_72 = tpu.vector_load %arg12[%swap3A_70, %swap3A_71] {strides = array<i32>} : memref<80x128xf32, #tpu.memory_space<vmem>>, vector<1x16xf32>,
          %swap3A_73 = vector.shape_cast %swap3A_72 : vector<1x16xf32> to vector<16xf32>
          %swap3A_74 = vector.shape_cast %mul3A_69 : vector<16xf32> to vector<1x16xf32>
          tpu.vector_store %arg12[%swap3A_70, %swap3A_71], %swap3A_74 {strides = array<i32>} : memref<80x128xf32, #tpu.memory_space<vmem>>, vector<1x16xf32>,
          %get3A_75 = arith.index_cast %scan3A_51 : i32 to index
          %get3A_76 = arith.constant 32 : index
          %get3A_77 = tpu.vector_load %arg12[%get3A_75, %get3A_76] {strides = array<i32>} : memref<80x128xf32, #tpu.memory_space<vmem>>, vector<1x16xf32>,
          %get3A_78 = vector.shape_cast %get3A_77 : vector<1x16xf32> to vector<16xf32>
          %mul3A_79 = vector.broadcast %squeeze3A : f32 to vector<16xf32>
          %mul3A_80 = arith.mulf %get3A_78, %mul3A_79 : vector<16xf32>
          %swap3A_81 = arith.index_cast %scan3A_51 : i32 to index
          %swap3A_82 = arith.constant 32 : index
          %swap3A_83 = tpu.vector_load %arg12[%swap3A_81, %swap3A_82] {strides = array<i32>} : memref<80x128xf32, #tpu.memory_space<vmem>>, vector<1x16xf32>,
          %swap3A_84 = vector.shape_cast %swap3A_83 : vector<1x16xf32> to vector<16xf32>
          %swap3A_85 = vector.shape_cast %mul3A_80 : vector<16xf32> to vector<1x16xf32>
          tpu.vector_store %arg12[%swap3A_81, %swap3A_82], %swap3A_85 {strides = array<i32>} : memref<80x128xf32, #tpu.memory_space<vmem>>, vector<1x16xf32>,
          %get3A_86 = arith.index_cast %scan3A_51 : i32 to index
          %get3A_87 = arith.constant 48 : index
          %get3A_88 = tpu.vector_load %arg12[%get3A_86, %get3A_87] {strides = array<i32>} : memref<80x128xf32, #tpu.memory_space<vmem>>, vector<1x16xf32>,
          %get3A_89 = vector.shape_cast %get3A_88 : vector<1x16xf32> to vector<16xf32>
          %mul3A_90 = vector.broadcast %squeeze3A : f32 to vector<16xf32>
          %mul3A_91 = arith.mulf %get3A_89, %mul3A_90 : vector<16xf32>
          %swap3A_92 = arith.index_cast %scan3A_51 : i32 to index
          %swap3A_93 = arith.constant 48 : index
          %swap3A_94 = tpu.vector_load %arg12[%swap3A_92, %swap3A_93] {strides = array<i32>} : memref<80x128xf32, #tpu.memory_space<vmem>>, vector<1x16xf32>,
          %swap3A_95 = vector.shape_cast %swap3A_94 : vector<1x16xf32> to vector<16xf32>
          %swap3A_96 = vector.shape_cast %mul3A_91 : vector<16xf32> to vector<1x16xf32>
          tpu.vector_store %arg12[%swap3A_92, %swap3A_93], %swap3A_96 {strides = array<i32>} : memref<80x128xf32, #tpu.memory_space<vmem>>, vector<1x16xf32>,
          %get3A_97 = arith.index_cast %scan3A_51 : i32 to index
          %get3A_98 = arith.constant 64 : index
          %get3A_99 = tpu.vector_load %arg12[%get3A_97, %get3A_98] {strides = array<i32>} : memref<80x128xf32, #tpu.memory_space<vmem>>, vector<1x16xf32>,
          %get3A_100 = vector.shape_cast %get3A_99 : vector<1x16xf32> to vector<16xf32>
          %mul3A_101 = vector.broadcast %squeeze3A : f32 to vector<16xf32>
          %mul3A_102 = arith.mulf %get3A_100, %mul3A_101 : vector<16xf32>
          %swap3A_103 = arith.index_cast %scan3A_51 : i32 to index
          %swap3A_104 = arith.constant 64 : index
          %swap3A_105 = tpu.vector_load %arg12[%swap3A_103, %swap3A_104] {strides = array<i32>} : memref<80x128xf32, #tpu.memory_space<vmem>>, vector<1x16xf32>,
          %swap3A_106 = vector.shape_cast %swap3A_105 : vector<1x16xf32> to vector<16xf32>
          %swap3A_107 = vector.shape_cast %mul3A_102 : vector<16xf32> to vector<1x16xf32>
          tpu.vector_store %arg12[%swap3A_103, %swap3A_104], %swap3A_107 {strides = array<i32>} : memref<80x128xf32, #tpu.memory_space<vmem>>, vector<1x16xf32>,
          %get3A_108 = arith.index_cast %scan3A_51 : i32 to index
          %get3A_109 = arith.constant 80 : index
          %get3A_110 = tpu.vector_load %arg12[%get3A_108, %get3A_109] {strides = array<i32>} : memref<80x128xf32, #tpu.memory_space<vmem>>, vector<1x16xf32>,
          %get3A_111 = vector.shape_cast %get3A_110 : vector<1x16xf32> to vector<16xf32>
          %mul3A_112 = vector.broadcast %squeeze3A : f32 to vector<16xf32>
          %mul3A_113 = arith.mulf %get3A_111, %mul3A_112 : vector<16xf32>
          %swap3A_114 = arith.index_cast %scan3A_51 : i32 to index
          %swap3A_115 = arith.constant 80 : index
          %swap3A_116 = tpu.vector_load %arg12[%swap3A_114, %swap3A_115] {strides = array<i32>} : memref<80x128xf32, #tpu.memory_space<vmem>>, vector<1x16xf32>,
          %swap3A_117 = vector.shape_cast %swap3A_116 : vector<1x16xf32> to vector<16xf32>
          %swap3A_118 = vector.shape_cast %mul3A_113 : vector<16xf32> to vector<1x16xf32>
          tpu.vector_store %arg12[%swap3A_114, %swap3A_115], %swap3A_118 {strides = array<i32>} : memref<80x128xf32, #tpu.memory_space<vmem>>, vector<1x16xf32>,
          %get3A_119 = arith.index_cast %scan3A_51 : i32 to index
          %get3A_120 = arith.constant 96 : index
          %get3A_121 = tpu.vector_load %arg12[%get3A_119, %get3A_120] {strides = array<i32>} : memref<80x128xf32, #tpu.memory_space<vmem>>, vector<1x16xf32>,
          %get3A_122 = vector.shape_cast %get3A_121 : vector<1x16xf32> to vector<16xf32>
          %mul3A_123 = vector.broadcast %squeeze3A : f32 to vector<16xf32>
          %mul3A_124 = arith.mulf %get3A_122, %mul3A_123 : vector<16xf32>
          %swap3A_125 = arith.index_cast %scan3A_51 : i32 to index
          %swap3A_126 = arith.constant 96 : index
          %swap3A_127 = tpu.vector_load %arg12[%swap3A_125, %swap3A_126] {strides = array<i32>} : memref<80x128xf32, #tpu.memory_space<vmem>>, vector<1x16xf32>,
          %swap3A_128 = vector.shape_cast %swap3A_127 : vector<1x16xf32> to vector<16xf32>
          %swap3A_129 = vector.shape_cast %mul3A_124 : vector<16xf32> to vector<1x16xf32>
          tpu.vector_store %arg12[%swap3A_125, %swap3A_126], %swap3A_129 {strides = array<i32>} : memref<80x128xf32, #tpu.memory_space<vmem>>, vector<1x16xf32>,
          %get3A_130 = arith.index_cast %scan3A_51 : i32 to index
          %get3A_131 = arith.constant 112 : index
          %get3A_132 = tpu.vector_load %arg12[%get3A_130, %get3A_131] {strides = array<i32>} : memref<80x128xf32, #tpu.memory_space<vmem>>, vector<1x16xf32>,
          %get3A_133 = vector.shape_cast %get3A_132 : vector<1x16xf32> to vector<16xf32>
          %mul3A_134 = vector.broadcast %squeeze3A : f32 to vector<16xf32>
          %mul3A_135 = arith.mulf %get3A_133, %mul3A_134 : vector<16xf32>
          %swap3A_136 = arith.index_cast %scan3A_51 : i32 to index
          %swap3A_137 = arith.constant 112 : index
          %swap3A_138 = tpu.vector_load %arg12[%swap3A_136, %swap3A_137] {strides = array<i32>} : memref<80x128xf32, #tpu.memory_space<vmem>>, vector<1x16xf32>,
          %swap3A_139 = vector.shape_cast %swap3A_138 : vector<1x16xf32> to vector<16xf32>
          %swap3A_140 = vector.shape_cast %mul3A_135 : vector<16xf32> to vector<1x16xf32>
          tpu.vector_store %arg12[%swap3A_136, %swap3A_137], %swap3A_140 {strides = array<i32>} : memref<80x128xf32, #tpu.memory_space<vmem>>, vector<1x16xf32>,
        }
        %scan3A_50 = arith.constant 80 : i32
        "tpu.region"() ({
          %run_scoped3A = tpu.sem_alloc : memref<!tpu.dma_semaphore, #tpu.memory_space<semaphore_mem>>
          %dma_start3A_51 = arith.constant 0 : i32
          %dma_start3A_52 = arith.constant 0 : i32
          %dma_start3A_53 = tpu.memref_slice %arg14[%dma_start3A_51, %dma_start3A_52] : memref<10000x128xf32, #tpu.memory_space<vmem_shared>> -> memref<10000x128xf32, #tpu.memory_space<vmem_shared>>
          tpu.enqueue_indirect_dma source(%arg12 : memref<80x128xf32, #tpu.memory_space<vmem>>) target(%dma_start3A_53 : memref<10000x128xf32, #tpu.memory_space<vmem_shared>>) offsets(%arg10 : memref<80xi32, #tpu.memory_space<vmem>>) semaphore(%run_scoped3A : memref<!tpu.dma_semaphore, #tpu.memory_space<semaphore_mem>>) {add = true}
          %dma_wait3A_54 = arith.constant 0 : i32
          %dma_wait3A_55 = arith.constant 0 : i32
          %dma_wait3A_56 = tpu.memref_slice %arg14[%dma_wait3A_54, %dma_wait3A_55] : memref<10000x128xf32, #tpu.memory_space<vmem_shared>> -> memref<10000x128xf32, #tpu.memory_space<vmem_shared>>
          tpu.wait_indirect_dma semaphore(%run_scoped3A : memref<!tpu.dma_semaphore, #tpu.memory_space<semaphore_mem>>) src(%arg12 : memref<80x128xf32, #tpu.memory_space<vmem>>) dst(%dma_wait3A_56 : memref<10000x128xf32, #tpu.memory_space<vmem_shared>>)
          tpu.yield
        }) : () -> ()
      } else {
      }
      %rem3A_27 = arith.constant 2 : i32
      %rem3A_28 = arith.remsi %scan3A_20, %rem3A_27 : i32
      %eq3A_29 = arith.constant 1 : i32
      %eq3A_30 = arith.cmpi eq, %rem3A_28, %eq3A_29 : i32
      %convert_element_type3A_31 = arith.extui %eq3A_30 : i1 to i32
      %cond3A_32 = arith.constant 0 : i32
      %cond3A_33 = arith.cmpi ne, %convert_element_type3A_31, %cond3A_32 : i32
      scf.if %cond3A_33 {
        %add3A_34 = arith.constant 1 : i32
        %add3A_35 = arith.addi %scan3A_20, %add3A_34 : i32
        %lt3A = arith.constant 125 : i32
        %lt3A_36 = arith.cmpi slt, %add3A_35, %lt3A : i32
        %convert_element_type3A_37 = arith.extui %lt3A_36 : i1 to i32
        %cond3A_38 = arith.constant 0 : i32
        %cond3A_39 = arith.cmpi ne, %convert_element_type3A_37, %cond3A_38 : i32
        scf.if %cond3A_39 {
          %add3A_51 = arith.constant 1 : i32
          %add3A_52 = arith.addi %scan3A_20, %add3A_51 : i32
          %mul3A_53 = arith.constant 80 : i32
          %mul3A_54 = arith.muli %add3A_52, %mul3A_53 : i32
          %add3A_55 = arith.addi %mul3A_4, %mul3A_54 : i32
          "tpu.region"() ({
            %run_scoped3A = tpu.sem_alloc : memref<!tpu.dma_semaphore, #tpu.memory_space<semaphore_mem>>
            %dma_start3A_59 = tpu.memref_slice %arg3[%add3A_55] : memref<320000xi32, #tpu.memory_space<hbm>> -> memref<80xi32, #tpu.memory_space<hbm>>
            %dma_start3A_60 = tpu.memref_slice %arg3[%add3A_55] : memref<320000xi32, #tpu.memory_space<hbm>> -> memref<80xi32, #tpu.memory_space<hbm>>
            tpu.enqueue_dma source(%dma_start3A_60 : memref<80xi32, #tpu.memory_space<hbm>>) target(%arg8 : memref<80xi32, #tpu.memory_space<vmem>>) target_semaphore(%run_scoped3A : memref<!tpu.dma_semaphore, #tpu.memory_space<semaphore_mem>>)
            %dma_wait3A_61 = tpu.memref_slice %arg3[%add3A_55] : memref<320000xi32, #tpu.memory_space<hbm>> -> memref<80xi32, #tpu.memory_space<hbm>>
            %dma_wait3A_62 = tpu.memref_slice %arg3[%add3A_55] : memref<320000xi32, #tpu.memory_space<hbm>> -> memref<80xi32, #tpu.memory_space<hbm>>
            tpu.wait_dma2 semaphore(%run_scoped3A : memref<!tpu.dma_semaphore, #tpu.memory_space<semaphore_mem>>) src(%dma_wait3A_62 : memref<80xi32, #tpu.memory_space<hbm>>) dst(%arg8 : memref<80xi32, #tpu.memory_space<vmem>>)
            tpu.yield
          }) : () -> ()
          %dma_start3A_56 = arith.constant 0 : i32
          %dma_start3A_57 = arith.constant 0 : i32
          %dma_start3A_58 = tpu.memref_slice %arg2[%dma_start3A_56, %dma_start3A_57] : memref<10000x128xf32, #tpu.memory_space<hbm>> -> memref<10000x128xf32, #tpu.memory_space<hbm>>
          tpu.enqueue_indirect_dma source(%dma_start3A_58 : memref<10000x128xf32, #tpu.memory_space<hbm>>) target(%arg12 : memref<80x128xf32, #tpu.memory_space<vmem>>) offsets(%arg8 : memref<80xi32, #tpu.memory_space<vmem>>) semaphore(%arg15 : memref<!tpu.dma_semaphore, #tpu.memory_space<semaphore_mem>>)
        } else {
        }
        %mul3A_40 = arith.constant 80 : i32
        %mul3A_41 = arith.muli %scan3A_20, %mul3A_40 : i32
        %add3A_42 = arith.addi %mul3A_4, %mul3A_41 : i32
        "tpu.region"() ({
          %run_scoped3A = tpu.sem_alloc : memref<!tpu.dma_semaphore, #tpu.memory_space<semaphore_mem>>
          %dma_start3A_51 = tpu.memref_slice %arg4[%add3A_42] : memref<320000xi32, #tpu.memory_space<hbm>> -> memref<80xi32, #tpu.memory_space<hbm>>
          %dma_start3A_52 = tpu.memref_slice %arg4[%add3A_42] : memref<320000xi32, #tpu.memory_space<hbm>> -> memref<80xi32, #tpu.memory_space<hbm>>
          tpu.enqueue_dma source(%dma_start3A_52 : memref<80xi32, #tpu.memory_space<hbm>>) target(%arg10 : memref<80xi32, #tpu.memory_space<vmem>>) target_semaphore(%run_scoped3A : memref<!tpu.dma_semaphore, #tpu.memory_space<semaphore_mem>>)
          %dma_wait3A_53 = tpu.memref_slice %arg4[%add3A_42] : memref<320000xi32, #tpu.memory_space<hbm>> -> memref<80xi32, #tpu.memory_space<hbm>>
          %dma_wait3A_54 = tpu.memref_slice %arg4[%add3A_42] : memref<320000xi32, #tpu.memory_space<hbm>> -> memref<80xi32, #tpu.memory_space<hbm>>
          tpu.wait_dma2 semaphore(%run_scoped3A : memref<!tpu.dma_semaphore, #tpu.memory_space<semaphore_mem>>) src(%dma_wait3A_54 : memref<80xi32, #tpu.memory_space<hbm>>) dst(%arg10 : memref<80xi32, #tpu.memory_space<vmem>>)
          tpu.yield
        }) : () -> ()
        "tpu.region"() ({
          %run_scoped3A = tpu.sem_alloc : memref<!tpu.dma_semaphore, #tpu.memory_space<semaphore_mem>>
          %dma_start3A_51 = arith.constant 0 : i32
          %dma_start3A_52 = tpu.memref_slice %arg11[%dma_start3A_51] : memref<96xf32, #tpu.memory_space<vmem>> -> memref<80xf32, #tpu.memory_space<vmem>>
          %dma_start3A_53 = tpu.memref_slice %arg5[%add3A_42] : memref<320000xf32, #tpu.memory_space<hbm>> -> memref<80xf32, #tpu.memory_space<hbm>>
          %dma_start3A_54 = arith.constant 0 : i32
          %dma_start3A_55 = tpu.memref_slice %arg11[%dma_start3A_54] : memref<96xf32, #tpu.memory_space<vmem>> -> memref<80xf32, #tpu.memory_space<vmem>>
          %dma_start3A_56 = tpu.memref_slice %arg5[%add3A_42] : memref<320000xf32, #tpu.memory_space<hbm>> -> memref<80xf32, #tpu.memory_space<hbm>>
          tpu.enqueue_dma source(%dma_start3A_56 : memref<80xf32, #tpu.memory_space<hbm>>) target(%dma_start3A_55 : memref<80xf32, #tpu.memory_space<vmem>>) target_semaphore(%run_scoped3A : memref<!tpu.dma_semaphore, #tpu.memory_space<semaphore_mem>>)
          %dma_wait3A_57 = arith.constant 0 : i32
          %dma_wait3A_58 = tpu.memref_slice %arg11[%dma_wait3A_57] : memref<96xf32, #tpu.memory_space<vmem>> -> memref<80xf32, #tpu.memory_space<vmem>>
          %dma_wait3A_59 = tpu.memref_slice %arg5[%add3A_42] : memref<320000xf32, #tpu.memory_space<hbm>> -> memref<80xf32, #tpu.memory_space<hbm>>
          %dma_wait3A_60 = arith.constant 0 : i32
          %dma_wait3A_61 = tpu.memref_slice %arg11[%dma_wait3A_60] : memref<96xf32, #tpu.memory_space<vmem>> -> memref<80xf32, #tpu.memory_space<vmem>>
          %dma_wait3A_62 = tpu.memref_slice %arg5[%add3A_42] : memref<320000xf32, #tpu.memory_space<hbm>> -> memref<80xf32, #tpu.memory_space<hbm>>
          tpu.wait_dma2 semaphore(%run_scoped3A : memref<!tpu.dma_semaphore, #tpu.memory_space<semaphore_mem>>) src(%dma_wait3A_62 : memref<80xf32, #tpu.memory_space<hbm>>) dst(%dma_wait3A_61 : memref<80xf32, #tpu.memory_space<vmem>>)
          tpu.yield
        }) : () -> ()
        %dma_wait3A = arith.constant 0 : i32
        %dma_wait3A_43 = arith.constant 0 : i32
        %dma_wait3A_44 = tpu.memref_slice %arg2[%dma_wait3A, %dma_wait3A_43] : memref<10000x128xf32, #tpu.memory_space<hbm>> -> memref<10000x128xf32, #tpu.memory_space<hbm>>
        tpu.wait_indirect_dma semaphore(%arg16 : memref<!tpu.dma_semaphore, #tpu.memory_space<semaphore_mem>>) src(%dma_wait3A_44 : memref<10000x128xf32, #tpu.memory_space<hbm>>) dst(%arg13 : memref<80x128xf32, #tpu.memory_space<vmem>>)
        %scan3A_45 = arith.constant 0 : i32
        %scan3A_46 = arith.constant 0 : i32
        %scan3A_47 = arith.constant 80 : i32
        %scan3A_48 = arith.addi %scan3A_46, %scan3A_47 : i32
        %scan3A_49 = arith.constant 1 : i32
        scf.for %scan3A_51 = %scan3A_46 to %scan3A_48 step %scan3A_49  : i32 {
          %get3A = arith.index_cast %scan3A_51 : i32 to index
          %get3A_52 = tpu.vector_load %arg11[%get3A] {strides = array<i32>} : memref<96xf32, #tpu.memory_space<vmem>>, vector<16xf32>,
          %get3A_53 = vector.shape_cast %get3A_52 : vector<16xf32> to vector<16xf32>
          %slice3A = vector.extract_strided_slice %get3A_53 {offsets = [0], sizes = [1], strides = [1]} : vector<16xf32> to vector<1xf32>
          %squeeze3A = vector.extract %slice3A[0] : f32 from vector<1xf32>
          %get3A_54 = arith.index_cast %scan3A_51 : i32 to index
          %get3A_55 = arith.constant 0 : index
          %get3A_56 = tpu.vector_load %arg13[%get3A_54, %get3A_55] {strides = array<i32>} : memref<80x128xf32, #tpu.memory_space<vmem>>, vector<1x16xf32>,
          %get3A_57 = vector.shape_cast %get3A_56 : vector<1x16xf32> to vector<16xf32>
          %mul3A_58 = vector.broadcast %squeeze3A : f32 to vector<16xf32>
          %mul3A_59 = arith.mulf %get3A_57, %mul3A_58 : vector<16xf32>
          %swap3A = arith.index_cast %scan3A_51 : i32 to index
          %swap3A_60 = arith.constant 0 : index
          %swap3A_61 = tpu.vector_load %arg13[%swap3A, %swap3A_60] {strides = array<i32>} : memref<80x128xf32, #tpu.memory_space<vmem>>, vector<1x16xf32>,
          %swap3A_62 = vector.shape_cast %swap3A_61 : vector<1x16xf32> to vector<16xf32>
          %swap3A_63 = vector.shape_cast %mul3A_59 : vector<16xf32> to vector<1x16xf32>
          tpu.vector_store %arg13[%swap3A, %swap3A_60], %swap3A_63 {strides = array<i32>} : memref<80x128xf32, #tpu.memory_space<vmem>>, vector<1x16xf32>,
          %get3A_64 = arith.index_cast %scan3A_51 : i32 to index
          %get3A_65 = arith.constant 16 : index
          %get3A_66 = tpu.vector_load %arg13[%get3A_64, %get3A_65] {strides = array<i32>} : memref<80x128xf32, #tpu.memory_space<vmem>>, vector<1x16xf32>,
          %get3A_67 = vector.shape_cast %get3A_66 : vector<1x16xf32> to vector<16xf32>
          %mul3A_68 = vector.broadcast %squeeze3A : f32 to vector<16xf32>
          %mul3A_69 = arith.mulf %get3A_67, %mul3A_68 : vector<16xf32>
          %swap3A_70 = arith.index_cast %scan3A_51 : i32 to index
          %swap3A_71 = arith.constant 16 : index
          %swap3A_72 = tpu.vector_load %arg13[%swap3A_70, %swap3A_71] {strides = array<i32>} : memref<80x128xf32, #tpu.memory_space<vmem>>, vector<1x16xf32>,
          %swap3A_73 = vector.shape_cast %swap3A_72 : vector<1x16xf32> to vector<16xf32>
          %swap3A_74 = vector.shape_cast %mul3A_69 : vector<16xf32> to vector<1x16xf32>
          tpu.vector_store %arg13[%swap3A_70, %swap3A_71], %swap3A_74 {strides = array<i32>} : memref<80x128xf32, #tpu.memory_space<vmem>>, vector<1x16xf32>,
          %get3A_75 = arith.index_cast %scan3A_51 : i32 to index
          %get3A_76 = arith.constant 32 : index
          %get3A_77 = tpu.vector_load %arg13[%get3A_75, %get3A_76] {strides = array<i32>} : memref<80x128xf32, #tpu.memory_space<vmem>>, vector<1x16xf32>,
          %get3A_78 = vector.shape_cast %get3A_77 : vector<1x16xf32> to vector<16xf32>
          %mul3A_79 = vector.broadcast %squeeze3A : f32 to vector<16xf32>
          %mul3A_80 = arith.mulf %get3A_78, %mul3A_79 : vector<16xf32>
          %swap3A_81 = arith.index_cast %scan3A_51 : i32 to index
          %swap3A_82 = arith.constant 32 : index
          %swap3A_83 = tpu.vector_load %arg13[%swap3A_81, %swap3A_82] {strides = array<i32>} : memref<80x128xf32, #tpu.memory_space<vmem>>, vector<1x16xf32>,
          %swap3A_84 = vector.shape_cast %swap3A_83 : vector<1x16xf32> to vector<16xf32>
          %swap3A_85 = vector.shape_cast %mul3A_80 : vector<16xf32> to vector<1x16xf32>
          tpu.vector_store %arg13[%swap3A_81, %swap3A_82], %swap3A_85 {strides = array<i32>} : memref<80x128xf32, #tpu.memory_space<vmem>>, vector<1x16xf32>,
          %get3A_86 = arith.index_cast %scan3A_51 : i32 to index
          %get3A_87 = arith.constant 48 : index
          %get3A_88 = tpu.vector_load %arg13[%get3A_86, %get3A_87] {strides = array<i32>} : memref<80x128xf32, #tpu.memory_space<vmem>>, vector<1x16xf32>,
          %get3A_89 = vector.shape_cast %get3A_88 : vector<1x16xf32> to vector<16xf32>
          %mul3A_90 = vector.broadcast %squeeze3A : f32 to vector<16xf32>
          %mul3A_91 = arith.mulf %get3A_89, %mul3A_90 : vector<16xf32>
          %swap3A_92 = arith.index_cast %scan3A_51 : i32 to index
          %swap3A_93 = arith.constant 48 : index
          %swap3A_94 = tpu.vector_load %arg13[%swap3A_92, %swap3A_93] {strides = array<i32>} : memref<80x128xf32, #tpu.memory_space<vmem>>, vector<1x16xf32>,
          %swap3A_95 = vector.shape_cast %swap3A_94 : vector<1x16xf32> to vector<16xf32>
          %swap3A_96 = vector.shape_cast %mul3A_91 : vector<16xf32> to vector<1x16xf32>
          tpu.vector_store %arg13[%swap3A_92, %swap3A_93], %swap3A_96 {strides = array<i32>} : memref<80x128xf32, #tpu.memory_space<vmem>>, vector<1x16xf32>,
          %get3A_97 = arith.index_cast %scan3A_51 : i32 to index
          %get3A_98 = arith.constant 64 : index
          %get3A_99 = tpu.vector_load %arg13[%get3A_97, %get3A_98] {strides = array<i32>} : memref<80x128xf32, #tpu.memory_space<vmem>>, vector<1x16xf32>,
          %get3A_100 = vector.shape_cast %get3A_99 : vector<1x16xf32> to vector<16xf32>
          %mul3A_101 = vector.broadcast %squeeze3A : f32 to vector<16xf32>
          %mul3A_102 = arith.mulf %get3A_100, %mul3A_101 : vector<16xf32>
          %swap3A_103 = arith.index_cast %scan3A_51 : i32 to index
          %swap3A_104 = arith.constant 64 : index
          %swap3A_105 = tpu.vector_load %arg13[%swap3A_103, %swap3A_104] {strides = array<i32>} : memref<80x128xf32, #tpu.memory_space<vmem>>, vector<1x16xf32>,
          %swap3A_106 = vector.shape_cast %swap3A_105 : vector<1x16xf32> to vector<16xf32>
          %swap3A_107 = vector.shape_cast %mul3A_102 : vector<16xf32> to vector<1x16xf32>
          tpu.vector_store %arg13[%swap3A_103, %swap3A_104], %swap3A_107 {strides = array<i32>} : memref<80x128xf32, #tpu.memory_space<vmem>>, vector<1x16xf32>,
          %get3A_108 = arith.index_cast %scan3A_51 : i32 to index
          %get3A_109 = arith.constant 80 : index
          %get3A_110 = tpu.vector_load %arg13[%get3A_108, %get3A_109] {strides = array<i32>} : memref<80x128xf32, #tpu.memory_space<vmem>>, vector<1x16xf32>,
          %get3A_111 = vector.shape_cast %get3A_110 : vector<1x16xf32> to vector<16xf32>
          %mul3A_112 = vector.broadcast %squeeze3A : f32 to vector<16xf32>
          %mul3A_113 = arith.mulf %get3A_111, %mul3A_112 : vector<16xf32>
          %swap3A_114 = arith.index_cast %scan3A_51 : i32 to index
          %swap3A_115 = arith.constant 80 : index
          %swap3A_116 = tpu.vector_load %arg13[%swap3A_114, %swap3A_115] {strides = array<i32>} : memref<80x128xf32, #tpu.memory_space<vmem>>, vector<1x16xf32>,
          %swap3A_117 = vector.shape_cast %swap3A_116 : vector<1x16xf32> to vector<16xf32>
          %swap3A_118 = vector.shape_cast %mul3A_113 : vector<16xf32> to vector<1x16xf32>
          tpu.vector_store %arg13[%swap3A_114, %swap3A_115], %swap3A_118 {strides = array<i32>} : memref<80x128xf32, #tpu.memory_space<vmem>>, vector<1x16xf32>,
          %get3A_119 = arith.index_cast %scan3A_51 : i32 to index
          %get3A_120 = arith.constant 96 : index
          %get3A_121 = tpu.vector_load %arg13[%get3A_119, %get3A_120] {strides = array<i32>} : memref<80x128xf32, #tpu.memory_space<vmem>>, vector<1x16xf32>,
          %get3A_122 = vector.shape_cast %get3A_121 : vector<1x16xf32> to vector<16xf32>
          %mul3A_123 = vector.broadcast %squeeze3A : f32 to vector<16xf32>
          %mul3A_124 = arith.mulf %get3A_122, %mul3A_123 : vector<16xf32>
          %swap3A_125 = arith.index_cast %scan3A_51 : i32 to index
          %swap3A_126 = arith.constant 96 : index
          %swap3A_127 = tpu.vector_load %arg13[%swap3A_125, %swap3A_126] {strides = array<i32>} : memref<80x128xf32, #tpu.memory_space<vmem>>, vector<1x16xf32>,
          %swap3A_128 = vector.shape_cast %swap3A_127 : vector<1x16xf32> to vector<16xf32>
          %swap3A_129 = vector.shape_cast %mul3A_124 : vector<16xf32> to vector<1x16xf32>
          tpu.vector_store %arg13[%swap3A_125, %swap3A_126], %swap3A_129 {strides = array<i32>} : memref<80x128xf32, #tpu.memory_space<vmem>>, vector<1x16xf32>,
          %get3A_130 = arith.index_cast %scan3A_51 : i32 to index
          %get3A_131 = arith.constant 112 : index
          %get3A_132 = tpu.vector_load %arg13[%get3A_130, %get3A_131] {strides = array<i32>} : memref<80x128xf32, #tpu.memory_space<vmem>>, vector<1x16xf32>,
          %get3A_133 = vector.shape_cast %get3A_132 : vector<1x16xf32> to vector<16xf32>
          %mul3A_134 = vector.broadcast %squeeze3A : f32 to vector<16xf32>
          %mul3A_135 = arith.mulf %get3A_133, %mul3A_134 : vector<16xf32>
          %swap3A_136 = arith.index_cast %scan3A_51 : i32 to index
          %swap3A_137 = arith.constant 112 : index
          %swap3A_138 = tpu.vector_load %arg13[%swap3A_136, %swap3A_137] {strides = array<i32>} : memref<80x128xf32, #tpu.memory_space<vmem>>, vector<1x16xf32>,
          %swap3A_139 = vector.shape_cast %swap3A_138 : vector<1x16xf32> to vector<16xf32>
          %swap3A_140 = vector.shape_cast %mul3A_135 : vector<16xf32> to vector<1x16xf32>
          tpu.vector_store %arg13[%swap3A_136, %swap3A_137], %swap3A_140 {strides = array<i32>} : memref<80x128xf32, #tpu.memory_space<vmem>>, vector<1x16xf32>,
        }
        %scan3A_50 = arith.constant 80 : i32
        "tpu.region"() ({
          %run_scoped3A = tpu.sem_alloc : memref<!tpu.dma_semaphore, #tpu.memory_space<semaphore_mem>>
          %dma_start3A_51 = arith.constant 0 : i32
          %dma_start3A_52 = arith.constant 0 : i32
          %dma_start3A_53 = tpu.memref_slice %arg14[%dma_start3A_51, %dma_start3A_52] : memref<10000x128xf32, #tpu.memory_space<vmem_shared>> -> memref<10000x128xf32, #tpu.memory_space<vmem_shared>>
          tpu.enqueue_indirect_dma source(%arg13 : memref<80x128xf32, #tpu.memory_space<vmem>>) target(%dma_start3A_53 : memref<10000x128xf32, #tpu.memory_space<vmem_shared>>) offsets(%arg10 : memref<80xi32, #tpu.memory_space<vmem>>) semaphore(%run_scoped3A : memref<!tpu.dma_semaphore, #tpu.memory_space<semaphore_mem>>) {add = true}
          %dma_wait3A_54 = arith.constant 0 : i32
          %dma_wait3A_55 = arith.constant 0 : i32
          %dma_wait3A_56 = tpu.memref_slice %arg14[%dma_wait3A_54, %dma_wait3A_55] : memref<10000x128xf32, #tpu.memory_space<vmem_shared>> -> memref<10000x128xf32, #tpu.memory_space<vmem_shared>>
          tpu.wait_indirect_dma semaphore(%run_scoped3A : memref<!tpu.dma_semaphore, #tpu.memory_space<semaphore_mem>>) src(%arg13 : memref<80x128xf32, #tpu.memory_space<vmem>>) dst(%dma_wait3A_56 : memref<10000x128xf32, #tpu.memory_space<vmem_shared>>)
          tpu.yield
        }) : () -> ()
      } else {
      }
    }
    %scan3A_13 = arith.constant 125 : i32
    %barrier3A_14 = arith.constant 0 : index
    tpu.barrier barrier_id(%barrier3A_14)
    %eq3A_15 = arith.constant 0 : i32
    %eq3A_16 = arith.cmpi eq, %arg1, %eq3A_15 : i32
    %convert_element_type3A_17 = arith.extui %eq3A_16 : i1 to i32
    %cond3A_18 = arith.constant 0 : i32
    %cond3A_19 = arith.cmpi ne, %convert_element_type3A_17, %cond3A_18 : i32
    scf.if %cond3A_19 {
      "tpu.region"() ({
        %run_scoped3A = tpu.sem_alloc : memref<!tpu.dma_semaphore, #tpu.memory_space<semaphore_mem>>
        %dma_start3A_20 = arith.constant 0 : i32
        %dma_start3A_21 = arith.constant 0 : i32
        %dma_start3A_22 = tpu.memref_slice %arg7[%arg0, %dma_start3A_20, %dma_start3A_21] : memref<2x10000x128xf32, #tpu.memory_space<hbm>> -> memref<1x10000x128xf32, #tpu.memory_space<hbm>>
        %dma_start3A_23 = tpu.memref_squeeze %dma_start3A_22 : memref<1x10000x128xf32, #tpu.memory_space<hbm>> -> memref<10000x128xf32, #tpu.memory_space<hbm>>
        tpu.enqueue_dma source(%arg14 : memref<10000x128xf32, #tpu.memory_space<vmem_shared>>) target(%dma_start3A_23 : memref<10000x128xf32, #tpu.memory_space<hbm>>) target_semaphore(%run_scoped3A : memref<!tpu.dma_semaphore, #tpu.memory_space<semaphore_mem>>)
        %dma_wait3A = arith.constant 0 : i32
        %dma_wait3A_24 = arith.constant 0 : i32
        %dma_wait3A_25 = tpu.memref_slice %arg7[%arg0, %dma_wait3A, %dma_wait3A_24] : memref<2x10000x128xf32, #tpu.memory_space<hbm>> -> memref<1x10000x128xf32, #tpu.memory_space<hbm>>
        %dma_wait3A_26 = tpu.memref_squeeze %dma_wait3A_25 : memref<1x10000x128xf32, #tpu.memory_space<hbm>> -> memref<10000x128xf32, #tpu.memory_space<hbm>>
        tpu.wait_dma2 semaphore(%run_scoped3A : memref<!tpu.dma_semaphore, #tpu.memory_space<semaphore_mem>>) src(%arg14 : memref<10000x128xf32, #tpu.memory_space<vmem_shared>>) dst(%dma_wait3A_26 : memref<10000x128xf32, #tpu.memory_space<hbm>>)
        tpu.yield
      }) : () -> ()
    } else {
    }
    return
  }
}

#map = affine_map<(d0, d1) -> (0, 0)>
#map1 = affine_map<(d0, d1) -> (0)>
module attributes {stable_mosaic.version = 14 : i64} {
  func.func @k(%arg0: i32, %arg1: i32, %arg2: memref<10000x256xf32, #tpu.memory_space<hbm>>, %arg3: memref<10000x128xf32, #tpu.memory_space<hbm>>, %arg4: memref<320000xi32, #tpu.memory_space<hbm>>, %arg5: memref<320000xi32, #tpu.memory_space<hbm>>, %arg6: memref<320000x256xf32, #tpu.memory_space<hbm>>, %arg7: memref<320000x128xf32, #tpu.memory_space<hbm>>, %arg8: memref<80xi32, #tpu.memory_space<vmem>>, %arg9: memref<80xi32, #tpu.memory_space<vmem>>, %arg10: memref<80xi32, #tpu.memory_space<vmem>>, %arg11: memref<80xi32, #tpu.memory_space<vmem>>, %arg12: memref<80x256xf32, #tpu.memory_space<vmem>>, %arg13: memref<80x256xf32, #tpu.memory_space<vmem>>, %arg14: memref<80x128xf32, #tpu.memory_space<vmem>>, %arg15: memref<80x128xf32, #tpu.memory_space<vmem>>, %arg16: memref<!tpu.dma_semaphore, #tpu.memory_space<semaphore_mem>>, %arg17: memref<!tpu.dma_semaphore, #tpu.memory_space<semaphore_mem>>, %arg18: memref<!tpu.dma_semaphore, #tpu.memory_space<semaphore_mem>>, %arg19: memref<!tpu.dma_semaphore, #tpu.memory_space<semaphore_mem>>) attributes {dimension_semantics = [#tpu.dimension_semantics<core_parallel>, #tpu.dimension_semantics<subcore_parallel>], iteration_bounds = array<i64: 2, 16>, scalar_prefetch = 0 : i64, scratch_operands = 12 : i64, tpu.core_type = #tpu.core_type<sc_vector_subcore>, window_params = [{transform_indices = #map}, {transform_indices = #map}, {transform_indices = #map1}, {transform_indices = #map1}, {transform_indices = #map}, {transform_indices = #map}]} {
    %mul3A = arith.constant 2 : i32
    %mul3A_0 = arith.muli %arg1, %mul3A : i32
    %add3A = arith.addi %mul3A_0, %arg0 : i32
    %mul3A_1 = arith.constant 10000 : i32
    %mul3A_2 = arith.muli %add3A, %mul3A_1 : i32
    %add3A_3 = arith.constant 0 : i32
    %add3A_4 = arith.addi %mul3A_2, %add3A_3 : i32
    "tpu.region"() ({
      %run_scoped3A = tpu.sem_alloc : memref<!tpu.dma_semaphore, #tpu.memory_space<semaphore_mem>>
      %dma_start3A_15 = tpu.memref_slice %arg4[%add3A_4] : memref<320000xi32, #tpu.memory_space<hbm>> -> memref<80xi32, #tpu.memory_space<hbm>>
      %dma_start3A_16 = tpu.memref_slice %arg4[%add3A_4] : memref<320000xi32, #tpu.memory_space<hbm>> -> memref<80xi32, #tpu.memory_space<hbm>>
      tpu.enqueue_dma source(%dma_start3A_16 : memref<80xi32, #tpu.memory_space<hbm>>) target(%arg8 : memref<80xi32, #tpu.memory_space<vmem>>) target_semaphore(%run_scoped3A : memref<!tpu.dma_semaphore, #tpu.memory_space<semaphore_mem>>)
      %dma_wait3A = tpu.memref_slice %arg4[%add3A_4] : memref<320000xi32, #tpu.memory_space<hbm>> -> memref<80xi32, #tpu.memory_space<hbm>>
      %dma_wait3A_17 = tpu.memref_slice %arg4[%add3A_4] : memref<320000xi32, #tpu.memory_space<hbm>> -> memref<80xi32, #tpu.memory_space<hbm>>
      tpu.wait_dma2 semaphore(%run_scoped3A : memref<!tpu.dma_semaphore, #tpu.memory_space<semaphore_mem>>) src(%dma_wait3A_17 : memref<80xi32, #tpu.memory_space<hbm>>) dst(%arg8 : memref<80xi32, #tpu.memory_space<vmem>>)
      tpu.yield
    }) : () -> ()
    "tpu.region"() ({
      %run_scoped3A = tpu.sem_alloc : memref<!tpu.dma_semaphore, #tpu.memory_space<semaphore_mem>>
      %dma_start3A_15 = tpu.memref_slice %arg5[%add3A_4] : memref<320000xi32, #tpu.memory_space<hbm>> -> memref<80xi32, #tpu.memory_space<hbm>>
      %dma_start3A_16 = tpu.memref_slice %arg5[%add3A_4] : memref<320000xi32, #tpu.memory_space<hbm>> -> memref<80xi32, #tpu.memory_space<hbm>>
      tpu.enqueue_dma source(%dma_start3A_16 : memref<80xi32, #tpu.memory_space<hbm>>) target(%arg10 : memref<80xi32, #tpu.memory_space<vmem>>) target_semaphore(%run_scoped3A : memref<!tpu.dma_semaphore, #tpu.memory_space<semaphore_mem>>)
      %dma_wait3A = tpu.memref_slice %arg5[%add3A_4] : memref<320000xi32, #tpu.memory_space<hbm>> -> memref<80xi32, #tpu.memory_space<hbm>>
      %dma_wait3A_17 = tpu.memref_slice %arg5[%add3A_4] : memref<320000xi32, #tpu.memory_space<hbm>> -> memref<80xi32, #tpu.memory_space<hbm>>
      tpu.wait_dma2 semaphore(%run_scoped3A : memref<!tpu.dma_semaphore, #tpu.memory_space<semaphore_mem>>) src(%dma_wait3A_17 : memref<80xi32, #tpu.memory_space<hbm>>) dst(%arg10 : memref<80xi32, #tpu.memory_space<vmem>>)
      tpu.yield
    }) : () -> ()
    %dma_start3A = arith.constant 0 : i32
    %dma_start3A_5 = arith.constant 0 : i32
    %dma_start3A_6 = tpu.memref_slice %arg2[%dma_start3A, %dma_start3A_5] : memref<10000x256xf32, #tpu.memory_space<hbm>> -> memref<10000x256xf32, #tpu.memory_space<hbm>>
    tpu.enqueue_indirect_dma source(%dma_start3A_6 : memref<10000x256xf32, #tpu.memory_space<hbm>>) target(%arg12 : memref<80x256xf32, #tpu.memory_space<vmem>>) offsets(%arg8 : memref<80xi32, #tpu.memory_space<vmem>>) semaphore(%arg16 : memref<!tpu.dma_semaphore, #tpu.memory_space<semaphore_mem>>)
    %dma_start3A_7 = arith.constant 0 : i32
    %dma_start3A_8 = arith.constant 0 : i32
    %dma_start3A_9 = tpu.memref_slice %arg3[%dma_start3A_7, %dma_start3A_8] : memref<10000x128xf32, #tpu.memory_space<hbm>> -> memref<10000x128xf32, #tpu.memory_space<hbm>>
    tpu.enqueue_indirect_dma source(%dma_start3A_9 : memref<10000x128xf32, #tpu.memory_space<hbm>>) target(%arg14 : memref<80x128xf32, #tpu.memory_space<vmem>>) offsets(%arg10 : memref<80xi32, #tpu.memory_space<vmem>>) semaphore(%arg18 : memref<!tpu.dma_semaphore, #tpu.memory_space<semaphore_mem>>)
    %scan3A = arith.constant 0 : i32
    %scan3A_10 = arith.constant 0 : i32
    %scan3A_11 = arith.constant 125 : i32
    %scan3A_12 = arith.addi %scan3A_10, %scan3A_11 : i32
    %scan3A_13 = arith.constant 1 : i32
    scf.for %scan3A_15 = %scan3A_10 to %scan3A_12 step %scan3A_13  : i32 {
      %rem3A = arith.constant 2 : i32
      %rem3A_16 = arith.remsi %scan3A_15, %rem3A : i32
      %eq3A = arith.constant 0 : i32
      %eq3A_17 = arith.cmpi eq, %rem3A_16, %eq3A : i32
      %convert_element_type3A = arith.extui %eq3A_17 : i1 to i32
      %cond3A = arith.constant 0 : i32
      %cond3A_18 = arith.cmpi ne, %convert_element_type3A, %cond3A : i32
      scf.if %cond3A_18 {
        %add3A_26 = arith.constant 1 : i32
        %add3A_27 = arith.addi %scan3A_15, %add3A_26 : i32
        %lt3A = arith.constant 125 : i32
        %lt3A_28 = arith.cmpi slt, %add3A_27, %lt3A : i32
        %convert_element_type3A_29 = arith.extui %lt3A_28 : i1 to i32
        %cond3A_30 = arith.constant 0 : i32
        %cond3A_31 = arith.cmpi ne, %convert_element_type3A_29, %cond3A_30 : i32
        scf.if %cond3A_31 {
          %add3A_40 = arith.constant 1 : i32
          %add3A_41 = arith.addi %scan3A_15, %add3A_40 : i32
          %mul3A_42 = arith.constant 80 : i32
          %mul3A_43 = arith.muli %add3A_41, %mul3A_42 : i32
          %add3A_44 = arith.addi %mul3A_2, %mul3A_43 : i32
          "tpu.region"() ({
            %run_scoped3A = tpu.sem_alloc : memref<!tpu.dma_semaphore, #tpu.memory_space<semaphore_mem>>
            %dma_start3A_51 = tpu.memref_slice %arg4[%add3A_44] : memref<320000xi32, #tpu.memory_space<hbm>> -> memref<80xi32, #tpu.memory_space<hbm>>
            %dma_start3A_52 = tpu.memref_slice %arg4[%add3A_44] : memref<320000xi32, #tpu.memory_space<hbm>> -> memref<80xi32, #tpu.memory_space<hbm>>
            tpu.enqueue_dma source(%dma_start3A_52 : memref<80xi32, #tpu.memory_space<hbm>>) target(%arg9 : memref<80xi32, #tpu.memory_space<vmem>>) target_semaphore(%run_scoped3A : memref<!tpu.dma_semaphore, #tpu.memory_space<semaphore_mem>>)
            %dma_wait3A_53 = tpu.memref_slice %arg4[%add3A_44] : memref<320000xi32, #tpu.memory_space<hbm>> -> memref<80xi32, #tpu.memory_space<hbm>>
            %dma_wait3A_54 = tpu.memref_slice %arg4[%add3A_44] : memref<320000xi32, #tpu.memory_space<hbm>> -> memref<80xi32, #tpu.memory_space<hbm>>
            tpu.wait_dma2 semaphore(%run_scoped3A : memref<!tpu.dma_semaphore, #tpu.memory_space<semaphore_mem>>) src(%dma_wait3A_54 : memref<80xi32, #tpu.memory_space<hbm>>) dst(%arg9 : memref<80xi32, #tpu.memory_space<vmem>>)
            tpu.yield
          }) : () -> ()
          "tpu.region"() ({
            %run_scoped3A = tpu.sem_alloc : memref<!tpu.dma_semaphore, #tpu.memory_space<semaphore_mem>>
            %dma_start3A_51 = tpu.memref_slice %arg5[%add3A_44] : memref<320000xi32, #tpu.memory_space<hbm>> -> memref<80xi32, #tpu.memory_space<hbm>>
            %dma_start3A_52 = tpu.memref_slice %arg5[%add3A_44] : memref<320000xi32, #tpu.memory_space<hbm>> -> memref<80xi32, #tpu.memory_space<hbm>>
            tpu.enqueue_dma source(%dma_start3A_52 : memref<80xi32, #tpu.memory_space<hbm>>) target(%arg11 : memref<80xi32, #tpu.memory_space<vmem>>) target_semaphore(%run_scoped3A : memref<!tpu.dma_semaphore, #tpu.memory_space<semaphore_mem>>)
            %dma_wait3A_53 = tpu.memref_slice %arg5[%add3A_44] : memref<320000xi32, #tpu.memory_space<hbm>> -> memref<80xi32, #tpu.memory_space<hbm>>
            %dma_wait3A_54 = tpu.memref_slice %arg5[%add3A_44] : memref<320000xi32, #tpu.memory_space<hbm>> -> memref<80xi32, #tpu.memory_space<hbm>>
            tpu.wait_dma2 semaphore(%run_scoped3A : memref<!tpu.dma_semaphore, #tpu.memory_space<semaphore_mem>>) src(%dma_wait3A_54 : memref<80xi32, #tpu.memory_space<hbm>>) dst(%arg11 : memref<80xi32, #tpu.memory_space<vmem>>)
            tpu.yield
          }) : () -> ()
          %dma_start3A_45 = arith.constant 0 : i32
          %dma_start3A_46 = arith.constant 0 : i32
          %dma_start3A_47 = tpu.memref_slice %arg2[%dma_start3A_45, %dma_start3A_46] : memref<10000x256xf32, #tpu.memory_space<hbm>> -> memref<10000x256xf32, #tpu.memory_space<hbm>>
          tpu.enqueue_indirect_dma source(%dma_start3A_47 : memref<10000x256xf32, #tpu.memory_space<hbm>>) target(%arg13 : memref<80x256xf32, #tpu.memory_space<vmem>>) offsets(%arg9 : memref<80xi32, #tpu.memory_space<vmem>>) semaphore(%arg17 : memref<!tpu.dma_semaphore, #tpu.memory_space<semaphore_mem>>)
          %dma_start3A_48 = arith.constant 0 : i32
          %dma_start3A_49 = arith.constant 0 : i32
          %dma_start3A_50 = tpu.memref_slice %arg3[%dma_start3A_48, %dma_start3A_49] : memref<10000x128xf32, #tpu.memory_space<hbm>> -> memref<10000x128xf32, #tpu.memory_space<hbm>>
          tpu.enqueue_indirect_dma source(%dma_start3A_50 : memref<10000x128xf32, #tpu.memory_space<hbm>>) target(%arg15 : memref<80x128xf32, #tpu.memory_space<vmem>>) offsets(%arg11 : memref<80xi32, #tpu.memory_space<vmem>>) semaphore(%arg19 : memref<!tpu.dma_semaphore, #tpu.memory_space<semaphore_mem>>)
        } else {
        }
        %mul3A_32 = arith.constant 80 : i32
        %mul3A_33 = arith.muli %scan3A_15, %mul3A_32 : i32
        %add3A_34 = arith.addi %mul3A_2, %mul3A_33 : i32
        %dma_wait3A = arith.constant 0 : i32
        %dma_wait3A_35 = arith.constant 0 : i32
        %dma_wait3A_36 = tpu.memref_slice %arg2[%dma_wait3A, %dma_wait3A_35] : memref<10000x256xf32, #tpu.memory_space<hbm>> -> memref<10000x256xf32, #tpu.memory_space<hbm>>
        tpu.wait_indirect_dma semaphore(%arg16 : memref<!tpu.dma_semaphore, #tpu.memory_space<semaphore_mem>>) src(%dma_wait3A_36 : memref<10000x256xf32, #tpu.memory_space<hbm>>) dst(%arg12 : memref<80x256xf32, #tpu.memory_space<vmem>>)
        %dma_wait3A_37 = arith.constant 0 : i32
        %dma_wait3A_38 = arith.constant 0 : i32
        %dma_wait3A_39 = tpu.memref_slice %arg3[%dma_wait3A_37, %dma_wait3A_38] : memref<10000x128xf32, #tpu.memory_space<hbm>> -> memref<10000x128xf32, #tpu.memory_space<hbm>>
        tpu.wait_indirect_dma semaphore(%arg18 : memref<!tpu.dma_semaphore, #tpu.memory_space<semaphore_mem>>) src(%dma_wait3A_39 : memref<10000x128xf32, #tpu.memory_space<hbm>>) dst(%arg14 : memref<80x128xf32, #tpu.memory_space<vmem>>)
        "tpu.region"() ({
          %run_scoped3A = tpu.sem_alloc : memref<!tpu.dma_semaphore, #tpu.memory_space<semaphore_mem>>
          %dma_start3A_40 = arith.constant 0 : i32
          %dma_start3A_41 = tpu.memref_slice %arg6[%add3A_34, %dma_start3A_40] : memref<320000x256xf32, #tpu.memory_space<hbm>> -> memref<80x256xf32, #tpu.memory_space<hbm>>
          %dma_start3A_42 = arith.constant 0 : i32
          %dma_start3A_43 = tpu.memref_slice %arg6[%add3A_34, %dma_start3A_42] : memref<320000x256xf32, #tpu.memory_space<hbm>> -> memref<80x256xf32, #tpu.memory_space<hbm>>
          tpu.enqueue_dma source(%arg12 : memref<80x256xf32, #tpu.memory_space<vmem>>) target(%dma_start3A_43 : memref<80x256xf32, #tpu.memory_space<hbm>>) target_semaphore(%run_scoped3A : memref<!tpu.dma_semaphore, #tpu.memory_space<semaphore_mem>>)
          %dma_wait3A_44 = arith.constant 0 : i32
          %dma_wait3A_45 = tpu.memref_slice %arg6[%add3A_34, %dma_wait3A_44] : memref<320000x256xf32, #tpu.memory_space<hbm>> -> memref<80x256xf32, #tpu.memory_space<hbm>>
          %dma_wait3A_46 = arith.constant 0 : i32
          %dma_wait3A_47 = tpu.memref_slice %arg6[%add3A_34, %dma_wait3A_46] : memref<320000x256xf32, #tpu.memory_space<hbm>> -> memref<80x256xf32, #tpu.memory_space<hbm>>
          tpu.wait_dma2 semaphore(%run_scoped3A : memref<!tpu.dma_semaphore, #tpu.memory_space<semaphore_mem>>) src(%arg12 : memref<80x256xf32, #tpu.memory_space<vmem>>) dst(%dma_wait3A_47 : memref<80x256xf32, #tpu.memory_space<hbm>>)
          tpu.yield
        }) : () -> ()
        "tpu.region"() ({
          %run_scoped3A = tpu.sem_alloc : memref<!tpu.dma_semaphore, #tpu.memory_space<semaphore_mem>>
          %dma_start3A_40 = arith.constant 0 : i32
          %dma_start3A_41 = tpu.memref_slice %arg7[%add3A_34, %dma_start3A_40] : memref<320000x128xf32, #tpu.memory_space<hbm>> -> memref<80x128xf32, #tpu.memory_space<hbm>>
          %dma_start3A_42 = arith.constant 0 : i32
          %dma_start3A_43 = tpu.memref_slice %arg7[%add3A_34, %dma_start3A_42] : memref<320000x128xf32, #tpu.memory_space<hbm>> -> memref<80x128xf32, #tpu.memory_space<hbm>>
          tpu.enqueue_dma source(%arg14 : memref<80x128xf32, #tpu.memory_space<vmem>>) target(%dma_start3A_43 : memref<80x128xf32, #tpu.memory_space<hbm>>) target_semaphore(%run_scoped3A : memref<!tpu.dma_semaphore, #tpu.memory_space<semaphore_mem>>)
          %dma_wait3A_44 = arith.constant 0 : i32
          %dma_wait3A_45 = tpu.memref_slice %arg7[%add3A_34, %dma_wait3A_44] : memref<320000x128xf32, #tpu.memory_space<hbm>> -> memref<80x128xf32, #tpu.memory_space<hbm>>
          %dma_wait3A_46 = arith.constant 0 : i32
          %dma_wait3A_47 = tpu.memref_slice %arg7[%add3A_34, %dma_wait3A_46] : memref<320000x128xf32, #tpu.memory_space<hbm>> -> memref<80x128xf32, #tpu.memory_space<hbm>>
          tpu.wait_dma2 semaphore(%run_scoped3A : memref<!tpu.dma_semaphore, #tpu.memory_space<semaphore_mem>>) src(%arg14 : memref<80x128xf32, #tpu.memory_space<vmem>>) dst(%dma_wait3A_47 : memref<80x128xf32, #tpu.memory_space<hbm>>)
          tpu.yield
        }) : () -> ()
      } else {
      }
      %rem3A_19 = arith.constant 2 : i32
      %rem3A_20 = arith.remsi %scan3A_15, %rem3A_19 : i32
      %eq3A_21 = arith.constant 1 : i32
      %eq3A_22 = arith.cmpi eq, %rem3A_20, %eq3A_21 : i32
      %convert_element_type3A_23 = arith.extui %eq3A_22 : i1 to i32
      %cond3A_24 = arith.constant 0 : i32
      %cond3A_25 = arith.cmpi ne, %convert_element_type3A_23, %cond3A_24 : i32
      scf.if %cond3A_25 {
        %add3A_26 = arith.constant 1 : i32
        %add3A_27 = arith.addi %scan3A_15, %add3A_26 : i32
        %lt3A = arith.constant 125 : i32
        %lt3A_28 = arith.cmpi slt, %add3A_27, %lt3A : i32
        %convert_element_type3A_29 = arith.extui %lt3A_28 : i1 to i32
        %cond3A_30 = arith.constant 0 : i32
        %cond3A_31 = arith.cmpi ne, %convert_element_type3A_29, %cond3A_30 : i32
        scf.if %cond3A_31 {
          %add3A_40 = arith.constant 1 : i32
          %add3A_41 = arith.addi %scan3A_15, %add3A_40 : i32
          %mul3A_42 = arith.constant 80 : i32
          %mul3A_43 = arith.muli %add3A_41, %mul3A_42 : i32
          %add3A_44 = arith.addi %mul3A_2, %mul3A_43 : i32
          "tpu.region"() ({
            %run_scoped3A = tpu.sem_alloc : memref<!tpu.dma_semaphore, #tpu.memory_space<semaphore_mem>>
            %dma_start3A_51 = tpu.memref_slice %arg4[%add3A_44] : memref<320000xi32, #tpu.memory_space<hbm>> -> memref<80xi32, #tpu.memory_space<hbm>>
            %dma_start3A_52 = tpu.memref_slice %arg4[%add3A_44] : memref<320000xi32, #tpu.memory_space<hbm>> -> memref<80xi32, #tpu.memory_space<hbm>>
            tpu.enqueue_dma source(%dma_start3A_52 : memref<80xi32, #tpu.memory_space<hbm>>) target(%arg8 : memref<80xi32, #tpu.memory_space<vmem>>) target_semaphore(%run_scoped3A : memref<!tpu.dma_semaphore, #tpu.memory_space<semaphore_mem>>)
            %dma_wait3A_53 = tpu.memref_slice %arg4[%add3A_44] : memref<320000xi32, #tpu.memory_space<hbm>> -> memref<80xi32, #tpu.memory_space<hbm>>
            %dma_wait3A_54 = tpu.memref_slice %arg4[%add3A_44] : memref<320000xi32, #tpu.memory_space<hbm>> -> memref<80xi32, #tpu.memory_space<hbm>>
            tpu.wait_dma2 semaphore(%run_scoped3A : memref<!tpu.dma_semaphore, #tpu.memory_space<semaphore_mem>>) src(%dma_wait3A_54 : memref<80xi32, #tpu.memory_space<hbm>>) dst(%arg8 : memref<80xi32, #tpu.memory_space<vmem>>)
            tpu.yield
          }) : () -> ()
          "tpu.region"() ({
            %run_scoped3A = tpu.sem_alloc : memref<!tpu.dma_semaphore, #tpu.memory_space<semaphore_mem>>
            %dma_start3A_51 = tpu.memref_slice %arg5[%add3A_44] : memref<320000xi32, #tpu.memory_space<hbm>> -> memref<80xi32, #tpu.memory_space<hbm>>
            %dma_start3A_52 = tpu.memref_slice %arg5[%add3A_44] : memref<320000xi32, #tpu.memory_space<hbm>> -> memref<80xi32, #tpu.memory_space<hbm>>
            tpu.enqueue_dma source(%dma_start3A_52 : memref<80xi32, #tpu.memory_space<hbm>>) target(%arg10 : memref<80xi32, #tpu.memory_space<vmem>>) target_semaphore(%run_scoped3A : memref<!tpu.dma_semaphore, #tpu.memory_space<semaphore_mem>>)
            %dma_wait3A_53 = tpu.memref_slice %arg5[%add3A_44] : memref<320000xi32, #tpu.memory_space<hbm>> -> memref<80xi32, #tpu.memory_space<hbm>>
            %dma_wait3A_54 = tpu.memref_slice %arg5[%add3A_44] : memref<320000xi32, #tpu.memory_space<hbm>> -> memref<80xi32, #tpu.memory_space<hbm>>
            tpu.wait_dma2 semaphore(%run_scoped3A : memref<!tpu.dma_semaphore, #tpu.memory_space<semaphore_mem>>) src(%dma_wait3A_54 : memref<80xi32, #tpu.memory_space<hbm>>) dst(%arg10 : memref<80xi32, #tpu.memory_space<vmem>>)
            tpu.yield
          }) : () -> ()
          %dma_start3A_45 = arith.constant 0 : i32
          %dma_start3A_46 = arith.constant 0 : i32
          %dma_start3A_47 = tpu.memref_slice %arg2[%dma_start3A_45, %dma_start3A_46] : memref<10000x256xf32, #tpu.memory_space<hbm>> -> memref<10000x256xf32, #tpu.memory_space<hbm>>
          tpu.enqueue_indirect_dma source(%dma_start3A_47 : memref<10000x256xf32, #tpu.memory_space<hbm>>) target(%arg12 : memref<80x256xf32, #tpu.memory_space<vmem>>) offsets(%arg8 : memref<80xi32, #tpu.memory_space<vmem>>) semaphore(%arg16 : memref<!tpu.dma_semaphore, #tpu.memory_space<semaphore_mem>>)
          %dma_start3A_48 = arith.constant 0 : i32
          %dma_start3A_49 = arith.constant 0 : i32
          %dma_start3A_50 = tpu.memref_slice %arg3[%dma_start3A_48, %dma_start3A_49] : memref<10000x128xf32, #tpu.memory_space<hbm>> -> memref<10000x128xf32, #tpu.memory_space<hbm>>
          tpu.enqueue_indirect_dma source(%dma_start3A_50 : memref<10000x128xf32, #tpu.memory_space<hbm>>) target(%arg14 : memref<80x128xf32, #tpu.memory_space<vmem>>) offsets(%arg10 : memref<80xi32, #tpu.memory_space<vmem>>) semaphore(%arg18 : memref<!tpu.dma_semaphore, #tpu.memory_space<semaphore_mem>>)
        } else {
        }
        %mul3A_32 = arith.constant 80 : i32
        %mul3A_33 = arith.muli %scan3A_15, %mul3A_32 : i32
        %add3A_34 = arith.addi %mul3A_2, %mul3A_33 : i32
        %dma_wait3A = arith.constant 0 : i32
        %dma_wait3A_35 = arith.constant 0 : i32
        %dma_wait3A_36 = tpu.memref_slice %arg2[%dma_wait3A, %dma_wait3A_35] : memref<10000x256xf32, #tpu.memory_space<hbm>> -> memref<10000x256xf32, #tpu.memory_space<hbm>>
        tpu.wait_indirect_dma semaphore(%arg17 : memref<!tpu.dma_semaphore, #tpu.memory_space<semaphore_mem>>) src(%dma_wait3A_36 : memref<10000x256xf32, #tpu.memory_space<hbm>>) dst(%arg13 : memref<80x256xf32, #tpu.memory_space<vmem>>)
        %dma_wait3A_37 = arith.constant 0 : i32
        %dma_wait3A_38 = arith.constant 0 : i32
        %dma_wait3A_39 = tpu.memref_slice %arg3[%dma_wait3A_37, %dma_wait3A_38] : memref<10000x128xf32, #tpu.memory_space<hbm>> -> memref<10000x128xf32, #tpu.memory_space<hbm>>
        tpu.wait_indirect_dma semaphore(%arg19 : memref<!tpu.dma_semaphore, #tpu.memory_space<semaphore_mem>>) src(%dma_wait3A_39 : memref<10000x128xf32, #tpu.memory_space<hbm>>) dst(%arg15 : memref<80x128xf32, #tpu.memory_space<vmem>>)
        "tpu.region"() ({
          %run_scoped3A = tpu.sem_alloc : memref<!tpu.dma_semaphore, #tpu.memory_space<semaphore_mem>>
          %dma_start3A_40 = arith.constant 0 : i32
          %dma_start3A_41 = tpu.memref_slice %arg6[%add3A_34, %dma_start3A_40] : memref<320000x256xf32, #tpu.memory_space<hbm>> -> memref<80x256xf32, #tpu.memory_space<hbm>>
          %dma_start3A_42 = arith.constant 0 : i32
          %dma_start3A_43 = tpu.memref_slice %arg6[%add3A_34, %dma_start3A_42] : memref<320000x256xf32, #tpu.memory_space<hbm>> -> memref<80x256xf32, #tpu.memory_space<hbm>>
          tpu.enqueue_dma source(%arg13 : memref<80x256xf32, #tpu.memory_space<vmem>>) target(%dma_start3A_43 : memref<80x256xf32, #tpu.memory_space<hbm>>) target_semaphore(%run_scoped3A : memref<!tpu.dma_semaphore, #tpu.memory_space<semaphore_mem>>)
          %dma_wait3A_44 = arith.constant 0 : i32
          %dma_wait3A_45 = tpu.memref_slice %arg6[%add3A_34, %dma_wait3A_44] : memref<320000x256xf32, #tpu.memory_space<hbm>> -> memref<80x256xf32, #tpu.memory_space<hbm>>
          %dma_wait3A_46 = arith.constant 0 : i32
          %dma_wait3A_47 = tpu.memref_slice %arg6[%add3A_34, %dma_wait3A_46] : memref<320000x256xf32, #tpu.memory_space<hbm>> -> memref<80x256xf32, #tpu.memory_space<hbm>>
          tpu.wait_dma2 semaphore(%run_scoped3A : memref<!tpu.dma_semaphore, #tpu.memory_space<semaphore_mem>>) src(%arg13 : memref<80x256xf32, #tpu.memory_space<vmem>>) dst(%dma_wait3A_47 : memref<80x256xf32, #tpu.memory_space<hbm>>)
          tpu.yield
        }) : () -> ()
        "tpu.region"() ({
          %run_scoped3A = tpu.sem_alloc : memref<!tpu.dma_semaphore, #tpu.memory_space<semaphore_mem>>
          %dma_start3A_40 = arith.constant 0 : i32
          %dma_start3A_41 = tpu.memref_slice %arg7[%add3A_34, %dma_start3A_40] : memref<320000x128xf32, #tpu.memory_space<hbm>> -> memref<80x128xf32, #tpu.memory_space<hbm>>
          %dma_start3A_42 = arith.constant 0 : i32
          %dma_start3A_43 = tpu.memref_slice %arg7[%add3A_34, %dma_start3A_42] : memref<320000x128xf32, #tpu.memory_space<hbm>> -> memref<80x128xf32, #tpu.memory_space<hbm>>
          tpu.enqueue_dma source(%arg15 : memref<80x128xf32, #tpu.memory_space<vmem>>) target(%dma_start3A_43 : memref<80x128xf32, #tpu.memory_space<hbm>>) target_semaphore(%run_scoped3A : memref<!tpu.dma_semaphore, #tpu.memory_space<semaphore_mem>>)
          %dma_wait3A_44 = arith.constant 0 : i32
          %dma_wait3A_45 = tpu.memref_slice %arg7[%add3A_34, %dma_wait3A_44] : memref<320000x128xf32, #tpu.memory_space<hbm>> -> memref<80x128xf32, #tpu.memory_space<hbm>>
          %dma_wait3A_46 = arith.constant 0 : i32
          %dma_wait3A_47 = tpu.memref_slice %arg7[%add3A_34, %dma_wait3A_46] : memref<320000x128xf32, #tpu.memory_space<hbm>> -> memref<80x128xf32, #tpu.memory_space<hbm>>
          tpu.wait_dma2 semaphore(%run_scoped3A : memref<!tpu.dma_semaphore, #tpu.memory_space<semaphore_mem>>) src(%arg15 : memref<80x128xf32, #tpu.memory_space<vmem>>) dst(%dma_wait3A_47 : memref<80x128xf32, #tpu.memory_space<hbm>>)
          tpu.yield
        }) : () -> ()
      } else {
      }
    }
    %scan3A_14 = arith.constant 125 : i32
    return
  }
}

#map = affine_map<(d0, d1) -> (0, 0)>
#map1 = affine_map<(d0, d1) -> (0)>
#map2 = affine_map<(d0, d1) -> (0, 0, 0)>
module attributes {stable_mosaic.version = 14 : i64} {
  func.func @k(%arg0: i32, %arg1: i32, %arg2: memref<10000x128xf32, #tpu.memory_space<hbm>>, %arg3: memref<320000xi32, #tpu.memory_space<hbm>>, %arg4: memref<320000xi32, #tpu.memory_space<hbm>>, %arg5: memref<320000xf32, #tpu.memory_space<hbm>>, %arg6: memref<10000x128xf32, #tpu.memory_space<hbm>>, %arg7: memref<2x10000x128xf32, #tpu.memory_space<hbm>>, %arg8: memref<80xi32, #tpu.memory_space<vmem>>, %arg9: memref<80xi32, #tpu.memory_space<vmem>>, %arg10: memref<80xi32, #tpu.memory_space<vmem>>, %arg11: memref<96xf32, #tpu.memory_space<vmem>>, %arg12: memref<80x128xf32, #tpu.memory_space<vmem>>, %arg13: memref<80x128xf32, #tpu.memory_space<vmem>>, %arg14: memref<10000x128xf32, #tpu.memory_space<vmem_shared>>, %arg15: memref<!tpu.dma_semaphore, #tpu.memory_space<semaphore_mem>>, %arg16: memref<!tpu.dma_semaphore, #tpu.memory_space<semaphore_mem>>) attributes {dimension_semantics = [#tpu.dimension_semantics<core_parallel>, #tpu.dimension_semantics<subcore_parallel>], iteration_bounds = array<i64: 2, 16>, scalar_prefetch = 0 : i64, scratch_operands = 9 : i64, tpu.core_type = #tpu.core_type<sc_vector_subcore>, window_params = [{transform_indices = #map}, {transform_indices = #map1}, {transform_indices = #map1}, {transform_indices = #map1}, {transform_indices = #map}, {transform_indices = #map2}]} {
    %eq3A = arith.constant 0 : i32
    %eq3A_0 = arith.cmpi eq, %arg1, %eq3A : i32
    %convert_element_type3A = arith.extui %eq3A_0 : i1 to i32
    %cond3A = arith.constant 0 : i32
    %cond3A_1 = arith.cmpi ne, %convert_element_type3A, %cond3A : i32
    scf.if %cond3A_1 {
      "tpu.region"() ({
        %run_scoped3A = tpu.sem_alloc : memref<!tpu.dma_semaphore, #tpu.memory_space<semaphore_mem>>
        tpu.enqueue_dma source(%arg6 : memref<10000x128xf32, #tpu.memory_space<hbm>>) target(%arg14 : memref<10000x128xf32, #tpu.memory_space<vmem_shared>>) target_semaphore(%run_scoped3A : memref<!tpu.dma_semaphore, #tpu.memory_space<semaphore_mem>>)
        tpu.wait_dma2 semaphore(%run_scoped3A : memref<!tpu.dma_semaphore, #tpu.memory_space<semaphore_mem>>) src(%arg6 : memref<10000x128xf32, #tpu.memory_space<hbm>>) dst(%arg14 : memref<10000x128xf32, #tpu.memory_space<vmem_shared>>)
        tpu.yield
      }) : () -> ()
    } else {
    }
    %mul3A = arith.constant 2 : i32
    %mul3A_2 = arith.muli %arg1, %mul3A : i32
    %add3A = arith.addi %mul3A_2, %arg0 : i32
    %mul3A_3 = arith.constant 10000 : i32
    %mul3A_4 = arith.muli %add3A, %mul3A_3 : i32
    %add3A_5 = arith.constant 0 : i32
    %add3A_6 = arith.addi %mul3A_4, %add3A_5 : i32
    "tpu.region"() ({
      %run_scoped3A = tpu.sem_alloc : memref<!tpu.dma_semaphore, #tpu.memory_space<semaphore_mem>>
      %dma_start3A_20 = tpu.memref_slice %arg3[%add3A_6] : memref<320000xi32, #tpu.memory_space<hbm>> -> memref<80xi32, #tpu.memory_space<hbm>>
      %dma_start3A_21 = tpu.memref_slice %arg3[%add3A_6] : memref<320000xi32, #tpu.memory_space<hbm>> -> memref<80xi32, #tpu.memory_space<hbm>>
      tpu.enqueue_dma source(%dma_start3A_21 : memref<80xi32, #tpu.memory_space<hbm>>) target(%arg8 : memref<80xi32, #tpu.memory_space<vmem>>) target_semaphore(%run_scoped3A : memref<!tpu.dma_semaphore, #tpu.memory_space<semaphore_mem>>)
      %dma_wait3A = tpu.memref_slice %arg3[%add3A_6] : memref<320000xi32, #tpu.memory_space<hbm>> -> memref<80xi32, #tpu.memory_space<hbm>>
      %dma_wait3A_22 = tpu.memref_slice %arg3[%add3A_6] : memref<320000xi32, #tpu.memory_space<hbm>> -> memref<80xi32, #tpu.memory_space<hbm>>
      tpu.wait_dma2 semaphore(%run_scoped3A : memref<!tpu.dma_semaphore, #tpu.memory_space<semaphore_mem>>) src(%dma_wait3A_22 : memref<80xi32, #tpu.memory_space<hbm>>) dst(%arg8 : memref<80xi32, #tpu.memory_space<vmem>>)
      tpu.yield
    }) : () -> ()
    %dma_start3A = arith.constant 0 : i32
    %dma_start3A_7 = arith.constant 0 : i32
    %dma_start3A_8 = tpu.memref_slice %arg2[%dma_start3A, %dma_start3A_7] : memref<10000x128xf32, #tpu.memory_space<hbm>> -> memref<10000x128xf32, #tpu.memory_space<hbm>>
    tpu.enqueue_indirect_dma source(%dma_start3A_8 : memref<10000x128xf32, #tpu.memory_space<hbm>>) target(%arg12 : memref<80x128xf32, #tpu.memory_space<vmem>>) offsets(%arg8 : memref<80xi32, #tpu.memory_space<vmem>>) semaphore(%arg15 : memref<!tpu.dma_semaphore, #tpu.memory_space<semaphore_mem>>)
    %barrier3A = arith.constant 0 : index
    tpu.barrier barrier_id(%barrier3A)
    %scan3A = arith.constant 0 : i32
    %scan3A_9 = arith.constant 0 : i32
    %scan3A_10 = arith.constant 125 : i32
    %scan3A_11 = arith.addi %scan3A_9, %scan3A_10 : i32
    %scan3A_12 = arith.constant 1 : i32
    scf.for %scan3A_20 = %scan3A_9 to %scan3A_11 step %scan3A_12  : i32 {
      %rem3A = arith.constant 2 : i32
      %rem3A_21 = arith.remsi %scan3A_20, %rem3A : i32
      %eq3A_22 = arith.constant 0 : i32
      %eq3A_23 = arith.cmpi eq, %rem3A_21, %eq3A_22 : i32
      %convert_element_type3A_24 = arith.extui %eq3A_23 : i1 to i32
      %cond3A_25 = arith.constant 0 : i32
      %cond3A_26 = arith.cmpi ne, %convert_element_type3A_24, %cond3A_25 : i32
      scf.if %cond3A_26 {
        %add3A_34 = arith.constant 1 : i32
        %add3A_35 = arith.addi %scan3A_20, %add3A_34 : i32
        %lt3A = arith.constant 125 : i32
        %lt3A_36 = arith.cmpi slt, %add3A_35, %lt3A : i32
        %convert_element_type3A_37 = arith.extui %lt3A_36 : i1 to i32
        %cond3A_38 = arith.constant 0 : i32
        %cond3A_39 = arith.cmpi ne, %convert_element_type3A_37, %cond3A_38 : i32
        scf.if %cond3A_39 {
          %add3A_51 = arith.constant 1 : i32
          %add3A_52 = arith.addi %scan3A_20, %add3A_51 : i32
          %mul3A_53 = arith.constant 80 : i32
          %mul3A_54 = arith.muli %add3A_52, %mul3A_53 : i32
          %add3A_55 = arith.addi %mul3A_4, %mul3A_54 : i32
          "tpu.region"() ({
            %run_scoped3A = tpu.sem_alloc : memref<!tpu.dma_semaphore, #tpu.memory_space<semaphore_mem>>
            %dma_start3A_59 = tpu.memref_slice %arg3[%add3A_55] : memref<320000xi32, #tpu.memory_space<hbm>> -> memref<80xi32, #tpu.memory_space<hbm>>
            %dma_start3A_60 = tpu.memref_slice %arg3[%add3A_55] : memref<320000xi32, #tpu.memory_space<hbm>> -> memref<80xi32, #tpu.memory_space<hbm>>
            tpu.enqueue_dma source(%dma_start3A_60 : memref<80xi32, #tpu.memory_space<hbm>>) target(%arg9 : memref<80xi32, #tpu.memory_space<vmem>>) target_semaphore(%run_scoped3A : memref<!tpu.dma_semaphore, #tpu.memory_space<semaphore_mem>>)
            %dma_wait3A_61 = tpu.memref_slice %arg3[%add3A_55] : memref<320000xi32, #tpu.memory_space<hbm>> -> memref<80xi32, #tpu.memory_space<hbm>>
            %dma_wait3A_62 = tpu.memref_slice %arg3[%add3A_55] : memref<320000xi32, #tpu.memory_space<hbm>> -> memref<80xi32, #tpu.memory_space<hbm>>
            tpu.wait_dma2 semaphore(%run_scoped3A : memref<!tpu.dma_semaphore, #tpu.memory_space<semaphore_mem>>) src(%dma_wait3A_62 : memref<80xi32, #tpu.memory_space<hbm>>) dst(%arg9 : memref<80xi32, #tpu.memory_space<vmem>>)
            tpu.yield
          }) : () -> ()
          %dma_start3A_56 = arith.constant 0 : i32
          %dma_start3A_57 = arith.constant 0 : i32
          %dma_start3A_58 = tpu.memref_slice %arg2[%dma_start3A_56, %dma_start3A_57] : memref<10000x128xf32, #tpu.memory_space<hbm>> -> memref<10000x128xf32, #tpu.memory_space<hbm>>
          tpu.enqueue_indirect_dma source(%dma_start3A_58 : memref<10000x128xf32, #tpu.memory_space<hbm>>) target(%arg13 : memref<80x128xf32, #tpu.memory_space<vmem>>) offsets(%arg9 : memref<80xi32, #tpu.memory_space<vmem>>) semaphore(%arg16 : memref<!tpu.dma_semaphore, #tpu.memory_space<semaphore_mem>>)
        } else {
        }
        %mul3A_40 = arith.constant 80 : i32
        %mul3A_41 = arith.muli %scan3A_20, %mul3A_40 : i32
        %add3A_42 = arith.addi %mul3A_4, %mul3A_41 : i32
        "tpu.region"() ({
          %run_scoped3A = tpu.sem_alloc : memref<!tpu.dma_semaphore, #tpu.memory_space<semaphore_mem>>
          %dma_start3A_51 = tpu.memref_slice %arg4[%add3A_42] : memref<320000xi32, #tpu.memory_space<hbm>> -> memref<80xi32, #tpu.memory_space<hbm>>
          %dma_start3A_52 = tpu.memref_slice %arg4[%add3A_42] : memref<320000xi32, #tpu.memory_space<hbm>> -> memref<80xi32, #tpu.memory_space<hbm>>
          tpu.enqueue_dma source(%dma_start3A_52 : memref<80xi32, #tpu.memory_space<hbm>>) target(%arg10 : memref<80xi32, #tpu.memory_space<vmem>>) target_semaphore(%run_scoped3A : memref<!tpu.dma_semaphore, #tpu.memory_space<semaphore_mem>>)
          %dma_wait3A_53 = tpu.memref_slice %arg4[%add3A_42] : memref<320000xi32, #tpu.memory_space<hbm>> -> memref<80xi32, #tpu.memory_space<hbm>>
          %dma_wait3A_54 = tpu.memref_slice %arg4[%add3A_42] : memref<320000xi32, #tpu.memory_space<hbm>> -> memref<80xi32, #tpu.memory_space<hbm>>
          tpu.wait_dma2 semaphore(%run_scoped3A : memref<!tpu.dma_semaphore, #tpu.memory_space<semaphore_mem>>) src(%dma_wait3A_54 : memref<80xi32, #tpu.memory_space<hbm>>) dst(%arg10 : memref<80xi32, #tpu.memory_space<vmem>>)
          tpu.yield
        }) : () -> ()
        "tpu.region"() ({
          %run_scoped3A = tpu.sem_alloc : memref<!tpu.dma_semaphore, #tpu.memory_space<semaphore_mem>>
          %dma_start3A_51 = arith.constant 0 : i32
          %dma_start3A_52 = tpu.memref_slice %arg11[%dma_start3A_51] : memref<96xf32, #tpu.memory_space<vmem>> -> memref<80xf32, #tpu.memory_space<vmem>>
          %dma_start3A_53 = tpu.memref_slice %arg5[%add3A_42] : memref<320000xf32, #tpu.memory_space<hbm>> -> memref<80xf32, #tpu.memory_space<hbm>>
          %dma_start3A_54 = arith.constant 0 : i32
          %dma_start3A_55 = tpu.memref_slice %arg11[%dma_start3A_54] : memref<96xf32, #tpu.memory_space<vmem>> -> memref<80xf32, #tpu.memory_space<vmem>>
          %dma_start3A_56 = tpu.memref_slice %arg5[%add3A_42] : memref<320000xf32, #tpu.memory_space<hbm>> -> memref<80xf32, #tpu.memory_space<hbm>>
          tpu.enqueue_dma source(%dma_start3A_56 : memref<80xf32, #tpu.memory_space<hbm>>) target(%dma_start3A_55 : memref<80xf32, #tpu.memory_space<vmem>>) target_semaphore(%run_scoped3A : memref<!tpu.dma_semaphore, #tpu.memory_space<semaphore_mem>>)
          %dma_wait3A_57 = arith.constant 0 : i32
          %dma_wait3A_58 = tpu.memref_slice %arg11[%dma_wait3A_57] : memref<96xf32, #tpu.memory_space<vmem>> -> memref<80xf32, #tpu.memory_space<vmem>>
          %dma_wait3A_59 = tpu.memref_slice %arg5[%add3A_42] : memref<320000xf32, #tpu.memory_space<hbm>> -> memref<80xf32, #tpu.memory_space<hbm>>
          %dma_wait3A_60 = arith.constant 0 : i32
          %dma_wait3A_61 = tpu.memref_slice %arg11[%dma_wait3A_60] : memref<96xf32, #tpu.memory_space<vmem>> -> memref<80xf32, #tpu.memory_space<vmem>>
          %dma_wait3A_62 = tpu.memref_slice %arg5[%add3A_42] : memref<320000xf32, #tpu.memory_space<hbm>> -> memref<80xf32, #tpu.memory_space<hbm>>
          tpu.wait_dma2 semaphore(%run_scoped3A : memref<!tpu.dma_semaphore, #tpu.memory_space<semaphore_mem>>) src(%dma_wait3A_62 : memref<80xf32, #tpu.memory_space<hbm>>) dst(%dma_wait3A_61 : memref<80xf32, #tpu.memory_space<vmem>>)
          tpu.yield
        }) : () -> ()
        %dma_wait3A = arith.constant 0 : i32
        %dma_wait3A_43 = arith.constant 0 : i32
        %dma_wait3A_44 = tpu.memref_slice %arg2[%dma_wait3A, %dma_wait3A_43] : memref<10000x128xf32, #tpu.memory_space<hbm>> -> memref<10000x128xf32, #tpu.memory_space<hbm>>
        tpu.wait_indirect_dma semaphore(%arg15 : memref<!tpu.dma_semaphore, #tpu.memory_space<semaphore_mem>>) src(%dma_wait3A_44 : memref<10000x128xf32, #tpu.memory_space<hbm>>) dst(%arg12 : memref<80x128xf32, #tpu.memory_space<vmem>>)
        %scan3A_45 = arith.constant 0 : i32
        %scan3A_46 = arith.constant 0 : i32
        %scan3A_47 = arith.constant 80 : i32
        %scan3A_48 = arith.addi %scan3A_46, %scan3A_47 : i32
        %scan3A_49 = arith.constant 1 : i32
        scf.for %scan3A_51 = %scan3A_46 to %scan3A_48 step %scan3A_49  : i32 {
          %get3A = arith.index_cast %scan3A_51 : i32 to index
          %get3A_52 = tpu.vector_load %arg11[%get3A] {strides = array<i32>} : memref<96xf32, #tpu.memory_space<vmem>>, vector<16xf32>,
          %get3A_53 = vector.shape_cast %get3A_52 : vector<16xf32> to vector<16xf32>
          %slice3A = vector.extract_strided_slice %get3A_53 {offsets = [0], sizes = [1], strides = [1]} : vector<16xf32> to vector<1xf32>
          %squeeze3A = vector.extract %slice3A[0] : f32 from vector<1xf32>
          %get3A_54 = arith.index_cast %scan3A_51 : i32 to index
          %get3A_55 = arith.constant 0 : index
          %get3A_56 = tpu.vector_load %arg12[%get3A_54, %get3A_55] {strides = array<i32>} : memref<80x128xf32, #tpu.memory_space<vmem>>, vector<1x16xf32>,
          %get3A_57 = vector.shape_cast %get3A_56 : vector<1x16xf32> to vector<16xf32>
          %mul3A_58 = vector.broadcast %squeeze3A : f32 to vector<16xf32>
          %mul3A_59 = arith.mulf %get3A_57, %mul3A_58 : vector<16xf32>
          %swap3A = arith.index_cast %scan3A_51 : i32 to index
          %swap3A_60 = arith.constant 0 : index
          %swap3A_61 = tpu.vector_load %arg12[%swap3A, %swap3A_60] {strides = array<i32>} : memref<80x128xf32, #tpu.memory_space<vmem>>, vector<1x16xf32>,
          %swap3A_62 = vector.shape_cast %swap3A_61 : vector<1x16xf32> to vector<16xf32>
          %swap3A_63 = vector.shape_cast %mul3A_59 : vector<16xf32> to vector<1x16xf32>
          tpu.vector_store %arg12[%swap3A, %swap3A_60], %swap3A_63 {strides = array<i32>} : memref<80x128xf32, #tpu.memory_space<vmem>>, vector<1x16xf32>,
          %get3A_64 = arith.index_cast %scan3A_51 : i32 to index
          %get3A_65 = arith.constant 16 : index
          %get3A_66 = tpu.vector_load %arg12[%get3A_64, %get3A_65] {strides = array<i32>} : memref<80x128xf32, #tpu.memory_space<vmem>>, vector<1x16xf32>,
          %get3A_67 = vector.shape_cast %get3A_66 : vector<1x16xf32> to vector<16xf32>
          %mul3A_68 = vector.broadcast %squeeze3A : f32 to vector<16xf32>
          %mul3A_69 = arith.mulf %get3A_67, %mul3A_68 : vector<16xf32>
          %swap3A_70 = arith.index_cast %scan3A_51 : i32 to index
          %swap3A_71 = arith.constant 16 : index
          %swap3A_72 = tpu.vector_load %arg12[%swap3A_70, %swap3A_71] {strides = array<i32>} : memref<80x128xf32, #tpu.memory_space<vmem>>, vector<1x16xf32>,
          %swap3A_73 = vector.shape_cast %swap3A_72 : vector<1x16xf32> to vector<16xf32>
          %swap3A_74 = vector.shape_cast %mul3A_69 : vector<16xf32> to vector<1x16xf32>
          tpu.vector_store %arg12[%swap3A_70, %swap3A_71], %swap3A_74 {strides = array<i32>} : memref<80x128xf32, #tpu.memory_space<vmem>>, vector<1x16xf32>,
          %get3A_75 = arith.index_cast %scan3A_51 : i32 to index
          %get3A_76 = arith.constant 32 : index
          %get3A_77 = tpu.vector_load %arg12[%get3A_75, %get3A_76] {strides = array<i32>} : memref<80x128xf32, #tpu.memory_space<vmem>>, vector<1x16xf32>,
          %get3A_78 = vector.shape_cast %get3A_77 : vector<1x16xf32> to vector<16xf32>
          %mul3A_79 = vector.broadcast %squeeze3A : f32 to vector<16xf32>
          %mul3A_80 = arith.mulf %get3A_78, %mul3A_79 : vector<16xf32>
          %swap3A_81 = arith.index_cast %scan3A_51 : i32 to index
          %swap3A_82 = arith.constant 32 : index
          %swap3A_83 = tpu.vector_load %arg12[%swap3A_81, %swap3A_82] {strides = array<i32>} : memref<80x128xf32, #tpu.memory_space<vmem>>, vector<1x16xf32>,
          %swap3A_84 = vector.shape_cast %swap3A_83 : vector<1x16xf32> to vector<16xf32>
          %swap3A_85 = vector.shape_cast %mul3A_80 : vector<16xf32> to vector<1x16xf32>
          tpu.vector_store %arg12[%swap3A_81, %swap3A_82], %swap3A_85 {strides = array<i32>} : memref<80x128xf32, #tpu.memory_space<vmem>>, vector<1x16xf32>,
          %get3A_86 = arith.index_cast %scan3A_51 : i32 to index
          %get3A_87 = arith.constant 48 : index
          %get3A_88 = tpu.vector_load %arg12[%get3A_86, %get3A_87] {strides = array<i32>} : memref<80x128xf32, #tpu.memory_space<vmem>>, vector<1x16xf32>,
          %get3A_89 = vector.shape_cast %get3A_88 : vector<1x16xf32> to vector<16xf32>
          %mul3A_90 = vector.broadcast %squeeze3A : f32 to vector<16xf32>
          %mul3A_91 = arith.mulf %get3A_89, %mul3A_90 : vector<16xf32>
          %swap3A_92 = arith.index_cast %scan3A_51 : i32 to index
          %swap3A_93 = arith.constant 48 : index
          %swap3A_94 = tpu.vector_load %arg12[%swap3A_92, %swap3A_93] {strides = array<i32>} : memref<80x128xf32, #tpu.memory_space<vmem>>, vector<1x16xf32>,
          %swap3A_95 = vector.shape_cast %swap3A_94 : vector<1x16xf32> to vector<16xf32>
          %swap3A_96 = vector.shape_cast %mul3A_91 : vector<16xf32> to vector<1x16xf32>
          tpu.vector_store %arg12[%swap3A_92, %swap3A_93], %swap3A_96 {strides = array<i32>} : memref<80x128xf32, #tpu.memory_space<vmem>>, vector<1x16xf32>,
          %get3A_97 = arith.index_cast %scan3A_51 : i32 to index
          %get3A_98 = arith.constant 64 : index
          %get3A_99 = tpu.vector_load %arg12[%get3A_97, %get3A_98] {strides = array<i32>} : memref<80x128xf32, #tpu.memory_space<vmem>>, vector<1x16xf32>,
          %get3A_100 = vector.shape_cast %get3A_99 : vector<1x16xf32> to vector<16xf32>
          %mul3A_101 = vector.broadcast %squeeze3A : f32 to vector<16xf32>
          %mul3A_102 = arith.mulf %get3A_100, %mul3A_101 : vector<16xf32>
          %swap3A_103 = arith.index_cast %scan3A_51 : i32 to index
          %swap3A_104 = arith.constant 64 : index
          %swap3A_105 = tpu.vector_load %arg12[%swap3A_103, %swap3A_104] {strides = array<i32>} : memref<80x128xf32, #tpu.memory_space<vmem>>, vector<1x16xf32>,
          %swap3A_106 = vector.shape_cast %swap3A_105 : vector<1x16xf32> to vector<16xf32>
          %swap3A_107 = vector.shape_cast %mul3A_102 : vector<16xf32> to vector<1x16xf32>
          tpu.vector_store %arg12[%swap3A_103, %swap3A_104], %swap3A_107 {strides = array<i32>} : memref<80x128xf32, #tpu.memory_space<vmem>>, vector<1x16xf32>,
          %get3A_108 = arith.index_cast %scan3A_51 : i32 to index
          %get3A_109 = arith.constant 80 : index
          %get3A_110 = tpu.vector_load %arg12[%get3A_108, %get3A_109] {strides = array<i32>} : memref<80x128xf32, #tpu.memory_space<vmem>>, vector<1x16xf32>,
          %get3A_111 = vector.shape_cast %get3A_110 : vector<1x16xf32> to vector<16xf32>
          %mul3A_112 = vector.broadcast %squeeze3A : f32 to vector<16xf32>
          %mul3A_113 = arith.mulf %get3A_111, %mul3A_112 : vector<16xf32>
          %swap3A_114 = arith.index_cast %scan3A_51 : i32 to index
          %swap3A_115 = arith.constant 80 : index
          %swap3A_116 = tpu.vector_load %arg12[%swap3A_114, %swap3A_115] {strides = array<i32>} : memref<80x128xf32, #tpu.memory_space<vmem>>, vector<1x16xf32>,
          %swap3A_117 = vector.shape_cast %swap3A_116 : vector<1x16xf32> to vector<16xf32>
          %swap3A_118 = vector.shape_cast %mul3A_113 : vector<16xf32> to vector<1x16xf32>
          tpu.vector_store %arg12[%swap3A_114, %swap3A_115], %swap3A_118 {strides = array<i32>} : memref<80x128xf32, #tpu.memory_space<vmem>>, vector<1x16xf32>,
          %get3A_119 = arith.index_cast %scan3A_51 : i32 to index
          %get3A_120 = arith.constant 96 : index
          %get3A_121 = tpu.vector_load %arg12[%get3A_119, %get3A_120] {strides = array<i32>} : memref<80x128xf32, #tpu.memory_space<vmem>>, vector<1x16xf32>,
          %get3A_122 = vector.shape_cast %get3A_121 : vector<1x16xf32> to vector<16xf32>
          %mul3A_123 = vector.broadcast %squeeze3A : f32 to vector<16xf32>
          %mul3A_124 = arith.mulf %get3A_122, %mul3A_123 : vector<16xf32>
          %swap3A_125 = arith.index_cast %scan3A_51 : i32 to index
          %swap3A_126 = arith.constant 96 : index
          %swap3A_127 = tpu.vector_load %arg12[%swap3A_125, %swap3A_126] {strides = array<i32>} : memref<80x128xf32, #tpu.memory_space<vmem>>, vector<1x16xf32>,
          %swap3A_128 = vector.shape_cast %swap3A_127 : vector<1x16xf32> to vector<16xf32>
          %swap3A_129 = vector.shape_cast %mul3A_124 : vector<16xf32> to vector<1x16xf32>
          tpu.vector_store %arg12[%swap3A_125, %swap3A_126], %swap3A_129 {strides = array<i32>} : memref<80x128xf32, #tpu.memory_space<vmem>>, vector<1x16xf32>,
          %get3A_130 = arith.index_cast %scan3A_51 : i32 to index
          %get3A_131 = arith.constant 112 : index
          %get3A_132 = tpu.vector_load %arg12[%get3A_130, %get3A_131] {strides = array<i32>} : memref<80x128xf32, #tpu.memory_space<vmem>>, vector<1x16xf32>,
          %get3A_133 = vector.shape_cast %get3A_132 : vector<1x16xf32> to vector<16xf32>
          %mul3A_134 = vector.broadcast %squeeze3A : f32 to vector<16xf32>
          %mul3A_135 = arith.mulf %get3A_133, %mul3A_134 : vector<16xf32>
          %swap3A_136 = arith.index_cast %scan3A_51 : i32 to index
          %swap3A_137 = arith.constant 112 : index
          %swap3A_138 = tpu.vector_load %arg12[%swap3A_136, %swap3A_137] {strides = array<i32>} : memref<80x128xf32, #tpu.memory_space<vmem>>, vector<1x16xf32>,
          %swap3A_139 = vector.shape_cast %swap3A_138 : vector<1x16xf32> to vector<16xf32>
          %swap3A_140 = vector.shape_cast %mul3A_135 : vector<16xf32> to vector<1x16xf32>
          tpu.vector_store %arg12[%swap3A_136, %swap3A_137], %swap3A_140 {strides = array<i32>} : memref<80x128xf32, #tpu.memory_space<vmem>>, vector<1x16xf32>,
        }
        %scan3A_50 = arith.constant 80 : i32
        "tpu.region"() ({
          %run_scoped3A = tpu.sem_alloc : memref<!tpu.dma_semaphore, #tpu.memory_space<semaphore_mem>>
          %dma_start3A_51 = arith.constant 0 : i32
          %dma_start3A_52 = arith.constant 0 : i32
          %dma_start3A_53 = tpu.memref_slice %arg14[%dma_start3A_51, %dma_start3A_52] : memref<10000x128xf32, #tpu.memory_space<vmem_shared>> -> memref<10000x128xf32, #tpu.memory_space<vmem_shared>>
          tpu.enqueue_indirect_dma source(%arg12 : memref<80x128xf32, #tpu.memory_space<vmem>>) target(%dma_start3A_53 : memref<10000x128xf32, #tpu.memory_space<vmem_shared>>) offsets(%arg10 : memref<80xi32, #tpu.memory_space<vmem>>) semaphore(%run_scoped3A : memref<!tpu.dma_semaphore, #tpu.memory_space<semaphore_mem>>) {add = true}
          %dma_wait3A_54 = arith.constant 0 : i32
          %dma_wait3A_55 = arith.constant 0 : i32
          %dma_wait3A_56 = tpu.memref_slice %arg14[%dma_wait3A_54, %dma_wait3A_55] : memref<10000x128xf32, #tpu.memory_space<vmem_shared>> -> memref<10000x128xf32, #tpu.memory_space<vmem_shared>>
          tpu.wait_indirect_dma semaphore(%run_scoped3A : memref<!tpu.dma_semaphore, #tpu.memory_space<semaphore_mem>>) src(%arg12 : memref<80x128xf32, #tpu.memory_space<vmem>>) dst(%dma_wait3A_56 : memref<10000x128xf32, #tpu.memory_space<vmem_shared>>)
          tpu.yield
        }) : () -> ()
      } else {
      }
      %rem3A_27 = arith.constant 2 : i32
      %rem3A_28 = arith.remsi %scan3A_20, %rem3A_27 : i32
      %eq3A_29 = arith.constant 1 : i32
      %eq3A_30 = arith.cmpi eq, %rem3A_28, %eq3A_29 : i32
      %convert_element_type3A_31 = arith.extui %eq3A_30 : i1 to i32
      %cond3A_32 = arith.constant 0 : i32
      %cond3A_33 = arith.cmpi ne, %convert_element_type3A_31, %cond3A_32 : i32
      scf.if %cond3A_33 {
        %add3A_34 = arith.constant 1 : i32
        %add3A_35 = arith.addi %scan3A_20, %add3A_34 : i32
        %lt3A = arith.constant 125 : i32
        %lt3A_36 = arith.cmpi slt, %add3A_35, %lt3A : i32
        %convert_element_type3A_37 = arith.extui %lt3A_36 : i1 to i32
        %cond3A_38 = arith.constant 0 : i32
        %cond3A_39 = arith.cmpi ne, %convert_element_type3A_37, %cond3A_38 : i32
        scf.if %cond3A_39 {
          %add3A_51 = arith.constant 1 : i32
          %add3A_52 = arith.addi %scan3A_20, %add3A_51 : i32
          %mul3A_53 = arith.constant 80 : i32
          %mul3A_54 = arith.muli %add3A_52, %mul3A_53 : i32
          %add3A_55 = arith.addi %mul3A_4, %mul3A_54 : i32
          "tpu.region"() ({
            %run_scoped3A = tpu.sem_alloc : memref<!tpu.dma_semaphore, #tpu.memory_space<semaphore_mem>>
            %dma_start3A_59 = tpu.memref_slice %arg3[%add3A_55] : memref<320000xi32, #tpu.memory_space<hbm>> -> memref<80xi32, #tpu.memory_space<hbm>>
            %dma_start3A_60 = tpu.memref_slice %arg3[%add3A_55] : memref<320000xi32, #tpu.memory_space<hbm>> -> memref<80xi32, #tpu.memory_space<hbm>>
            tpu.enqueue_dma source(%dma_start3A_60 : memref<80xi32, #tpu.memory_space<hbm>>) target(%arg8 : memref<80xi32, #tpu.memory_space<vmem>>) target_semaphore(%run_scoped3A : memref<!tpu.dma_semaphore, #tpu.memory_space<semaphore_mem>>)
            %dma_wait3A_61 = tpu.memref_slice %arg3[%add3A_55] : memref<320000xi32, #tpu.memory_space<hbm>> -> memref<80xi32, #tpu.memory_space<hbm>>
            %dma_wait3A_62 = tpu.memref_slice %arg3[%add3A_55] : memref<320000xi32, #tpu.memory_space<hbm>> -> memref<80xi32, #tpu.memory_space<hbm>>
            tpu.wait_dma2 semaphore(%run_scoped3A : memref<!tpu.dma_semaphore, #tpu.memory_space<semaphore_mem>>) src(%dma_wait3A_62 : memref<80xi32, #tpu.memory_space<hbm>>) dst(%arg8 : memref<80xi32, #tpu.memory_space<vmem>>)
            tpu.yield
          }) : () -> ()
          %dma_start3A_56 = arith.constant 0 : i32
          %dma_start3A_57 = arith.constant 0 : i32
          %dma_start3A_58 = tpu.memref_slice %arg2[%dma_start3A_56, %dma_start3A_57] : memref<10000x128xf32, #tpu.memory_space<hbm>> -> memref<10000x128xf32, #tpu.memory_space<hbm>>
          tpu.enqueue_indirect_dma source(%dma_start3A_58 : memref<10000x128xf32, #tpu.memory_space<hbm>>) target(%arg12 : memref<80x128xf32, #tpu.memory_space<vmem>>) offsets(%arg8 : memref<80xi32, #tpu.memory_space<vmem>>) semaphore(%arg15 : memref<!tpu.dma_semaphore, #tpu.memory_space<semaphore_mem>>)
        } else {
        }
        %mul3A_40 = arith.constant 80 : i32
        %mul3A_41 = arith.muli %scan3A_20, %mul3A_40 : i32
        %add3A_42 = arith.addi %mul3A_4, %mul3A_41 : i32
        "tpu.region"() ({
          %run_scoped3A = tpu.sem_alloc : memref<!tpu.dma_semaphore, #tpu.memory_space<semaphore_mem>>
          %dma_start3A_51 = tpu.memref_slice %arg4[%add3A_42] : memref<320000xi32, #tpu.memory_space<hbm>> -> memref<80xi32, #tpu.memory_space<hbm>>
          %dma_start3A_52 = tpu.memref_slice %arg4[%add3A_42] : memref<320000xi32, #tpu.memory_space<hbm>> -> memref<80xi32, #tpu.memory_space<hbm>>
          tpu.enqueue_dma source(%dma_start3A_52 : memref<80xi32, #tpu.memory_space<hbm>>) target(%arg10 : memref<80xi32, #tpu.memory_space<vmem>>) target_semaphore(%run_scoped3A : memref<!tpu.dma_semaphore, #tpu.memory_space<semaphore_mem>>)
          %dma_wait3A_53 = tpu.memref_slice %arg4[%add3A_42] : memref<320000xi32, #tpu.memory_space<hbm>> -> memref<80xi32, #tpu.memory_space<hbm>>
          %dma_wait3A_54 = tpu.memref_slice %arg4[%add3A_42] : memref<320000xi32, #tpu.memory_space<hbm>> -> memref<80xi32, #tpu.memory_space<hbm>>
          tpu.wait_dma2 semaphore(%run_scoped3A : memref<!tpu.dma_semaphore, #tpu.memory_space<semaphore_mem>>) src(%dma_wait3A_54 : memref<80xi32, #tpu.memory_space<hbm>>) dst(%arg10 : memref<80xi32, #tpu.memory_space<vmem>>)
          tpu.yield
        }) : () -> ()
        "tpu.region"() ({
          %run_scoped3A = tpu.sem_alloc : memref<!tpu.dma_semaphore, #tpu.memory_space<semaphore_mem>>
          %dma_start3A_51 = arith.constant 0 : i32
          %dma_start3A_52 = tpu.memref_slice %arg11[%dma_start3A_51] : memref<96xf32, #tpu.memory_space<vmem>> -> memref<80xf32, #tpu.memory_space<vmem>>
          %dma_start3A_53 = tpu.memref_slice %arg5[%add3A_42] : memref<320000xf32, #tpu.memory_space<hbm>> -> memref<80xf32, #tpu.memory_space<hbm>>
          %dma_start3A_54 = arith.constant 0 : i32
          %dma_start3A_55 = tpu.memref_slice %arg11[%dma_start3A_54] : memref<96xf32, #tpu.memory_space<vmem>> -> memref<80xf32, #tpu.memory_space<vmem>>
          %dma_start3A_56 = tpu.memref_slice %arg5[%add3A_42] : memref<320000xf32, #tpu.memory_space<hbm>> -> memref<80xf32, #tpu.memory_space<hbm>>
          tpu.enqueue_dma source(%dma_start3A_56 : memref<80xf32, #tpu.memory_space<hbm>>) target(%dma_start3A_55 : memref<80xf32, #tpu.memory_space<vmem>>) target_semaphore(%run_scoped3A : memref<!tpu.dma_semaphore, #tpu.memory_space<semaphore_mem>>)
          %dma_wait3A_57 = arith.constant 0 : i32
          %dma_wait3A_58 = tpu.memref_slice %arg11[%dma_wait3A_57] : memref<96xf32, #tpu.memory_space<vmem>> -> memref<80xf32, #tpu.memory_space<vmem>>
          %dma_wait3A_59 = tpu.memref_slice %arg5[%add3A_42] : memref<320000xf32, #tpu.memory_space<hbm>> -> memref<80xf32, #tpu.memory_space<hbm>>
          %dma_wait3A_60 = arith.constant 0 : i32
          %dma_wait3A_61 = tpu.memref_slice %arg11[%dma_wait3A_60] : memref<96xf32, #tpu.memory_space<vmem>> -> memref<80xf32, #tpu.memory_space<vmem>>
          %dma_wait3A_62 = tpu.memref_slice %arg5[%add3A_42] : memref<320000xf32, #tpu.memory_space<hbm>> -> memref<80xf32, #tpu.memory_space<hbm>>
          tpu.wait_dma2 semaphore(%run_scoped3A : memref<!tpu.dma_semaphore, #tpu.memory_space<semaphore_mem>>) src(%dma_wait3A_62 : memref<80xf32, #tpu.memory_space<hbm>>) dst(%dma_wait3A_61 : memref<80xf32, #tpu.memory_space<vmem>>)
          tpu.yield
        }) : () -> ()
        %dma_wait3A = arith.constant 0 : i32
        %dma_wait3A_43 = arith.constant 0 : i32
        %dma_wait3A_44 = tpu.memref_slice %arg2[%dma_wait3A, %dma_wait3A_43] : memref<10000x128xf32, #tpu.memory_space<hbm>> -> memref<10000x128xf32, #tpu.memory_space<hbm>>
        tpu.wait_indirect_dma semaphore(%arg16 : memref<!tpu.dma_semaphore, #tpu.memory_space<semaphore_mem>>) src(%dma_wait3A_44 : memref<10000x128xf32, #tpu.memory_space<hbm>>) dst(%arg13 : memref<80x128xf32, #tpu.memory_space<vmem>>)
        %scan3A_45 = arith.constant 0 : i32
        %scan3A_46 = arith.constant 0 : i32
        %scan3A_47 = arith.constant 80 : i32
        %scan3A_48 = arith.addi %scan3A_46, %scan3A_47 : i32
        %scan3A_49 = arith.constant 1 : i32
        scf.for %scan3A_51 = %scan3A_46 to %scan3A_48 step %scan3A_49  : i32 {
          %get3A = arith.index_cast %scan3A_51 : i32 to index
          %get3A_52 = tpu.vector_load %arg11[%get3A] {strides = array<i32>} : memref<96xf32, #tpu.memory_space<vmem>>, vector<16xf32>,
          %get3A_53 = vector.shape_cast %get3A_52 : vector<16xf32> to vector<16xf32>
          %slice3A = vector.extract_strided_slice %get3A_53 {offsets = [0], sizes = [1], strides = [1]} : vector<16xf32> to vector<1xf32>
          %squeeze3A = vector.extract %slice3A[0] : f32 from vector<1xf32>
          %get3A_54 = arith.index_cast %scan3A_51 : i32 to index
          %get3A_55 = arith.constant 0 : index
          %get3A_56 = tpu.vector_load %arg13[%get3A_54, %get3A_55] {strides = array<i32>} : memref<80x128xf32, #tpu.memory_space<vmem>>, vector<1x16xf32>,
          %get3A_57 = vector.shape_cast %get3A_56 : vector<1x16xf32> to vector<16xf32>
          %mul3A_58 = vector.broadcast %squeeze3A : f32 to vector<16xf32>
          %mul3A_59 = arith.mulf %get3A_57, %mul3A_58 : vector<16xf32>
          %swap3A = arith.index_cast %scan3A_51 : i32 to index
          %swap3A_60 = arith.constant 0 : index
          %swap3A_61 = tpu.vector_load %arg13[%swap3A, %swap3A_60] {strides = array<i32>} : memref<80x128xf32, #tpu.memory_space<vmem>>, vector<1x16xf32>,
          %swap3A_62 = vector.shape_cast %swap3A_61 : vector<1x16xf32> to vector<16xf32>
          %swap3A_63 = vector.shape_cast %mul3A_59 : vector<16xf32> to vector<1x16xf32>
          tpu.vector_store %arg13[%swap3A, %swap3A_60], %swap3A_63 {strides = array<i32>} : memref<80x128xf32, #tpu.memory_space<vmem>>, vector<1x16xf32>,
          %get3A_64 = arith.index_cast %scan3A_51 : i32 to index
          %get3A_65 = arith.constant 16 : index
          %get3A_66 = tpu.vector_load %arg13[%get3A_64, %get3A_65] {strides = array<i32>} : memref<80x128xf32, #tpu.memory_space<vmem>>, vector<1x16xf32>,
          %get3A_67 = vector.shape_cast %get3A_66 : vector<1x16xf32> to vector<16xf32>
          %mul3A_68 = vector.broadcast %squeeze3A : f32 to vector<16xf32>
          %mul3A_69 = arith.mulf %get3A_67, %mul3A_68 : vector<16xf32>
          %swap3A_70 = arith.index_cast %scan3A_51 : i32 to index
          %swap3A_71 = arith.constant 16 : index
          %swap3A_72 = tpu.vector_load %arg13[%swap3A_70, %swap3A_71] {strides = array<i32>} : memref<80x128xf32, #tpu.memory_space<vmem>>, vector<1x16xf32>,
          %swap3A_73 = vector.shape_cast %swap3A_72 : vector<1x16xf32> to vector<16xf32>
          %swap3A_74 = vector.shape_cast %mul3A_69 : vector<16xf32> to vector<1x16xf32>
          tpu.vector_store %arg13[%swap3A_70, %swap3A_71], %swap3A_74 {strides = array<i32>} : memref<80x128xf32, #tpu.memory_space<vmem>>, vector<1x16xf32>,
          %get3A_75 = arith.index_cast %scan3A_51 : i32 to index
          %get3A_76 = arith.constant 32 : index
          %get3A_77 = tpu.vector_load %arg13[%get3A_75, %get3A_76] {strides = array<i32>} : memref<80x128xf32, #tpu.memory_space<vmem>>, vector<1x16xf32>,
          %get3A_78 = vector.shape_cast %get3A_77 : vector<1x16xf32> to vector<16xf32>
          %mul3A_79 = vector.broadcast %squeeze3A : f32 to vector<16xf32>
          %mul3A_80 = arith.mulf %get3A_78, %mul3A_79 : vector<16xf32>
          %swap3A_81 = arith.index_cast %scan3A_51 : i32 to index
          %swap3A_82 = arith.constant 32 : index
          %swap3A_83 = tpu.vector_load %arg13[%swap3A_81, %swap3A_82] {strides = array<i32>} : memref<80x128xf32, #tpu.memory_space<vmem>>, vector<1x16xf32>,
          %swap3A_84 = vector.shape_cast %swap3A_83 : vector<1x16xf32> to vector<16xf32>
          %swap3A_85 = vector.shape_cast %mul3A_80 : vector<16xf32> to vector<1x16xf32>
          tpu.vector_store %arg13[%swap3A_81, %swap3A_82], %swap3A_85 {strides = array<i32>} : memref<80x128xf32, #tpu.memory_space<vmem>>, vector<1x16xf32>,
          %get3A_86 = arith.index_cast %scan3A_51 : i32 to index
          %get3A_87 = arith.constant 48 : index
          %get3A_88 = tpu.vector_load %arg13[%get3A_86, %get3A_87] {strides = array<i32>} : memref<80x128xf32, #tpu.memory_space<vmem>>, vector<1x16xf32>,
          %get3A_89 = vector.shape_cast %get3A_88 : vector<1x16xf32> to vector<16xf32>
          %mul3A_90 = vector.broadcast %squeeze3A : f32 to vector<16xf32>
          %mul3A_91 = arith.mulf %get3A_89, %mul3A_90 : vector<16xf32>
          %swap3A_92 = arith.index_cast %scan3A_51 : i32 to index
          %swap3A_93 = arith.constant 48 : index
          %swap3A_94 = tpu.vector_load %arg13[%swap3A_92, %swap3A_93] {strides = array<i32>} : memref<80x128xf32, #tpu.memory_space<vmem>>, vector<1x16xf32>,
          %swap3A_95 = vector.shape_cast %swap3A_94 : vector<1x16xf32> to vector<16xf32>
          %swap3A_96 = vector.shape_cast %mul3A_91 : vector<16xf32> to vector<1x16xf32>
          tpu.vector_store %arg13[%swap3A_92, %swap3A_93], %swap3A_96 {strides = array<i32>} : memref<80x128xf32, #tpu.memory_space<vmem>>, vector<1x16xf32>,
          %get3A_97 = arith.index_cast %scan3A_51 : i32 to index
          %get3A_98 = arith.constant 64 : index
          %get3A_99 = tpu.vector_load %arg13[%get3A_97, %get3A_98] {strides = array<i32>} : memref<80x128xf32, #tpu.memory_space<vmem>>, vector<1x16xf32>,
          %get3A_100 = vector.shape_cast %get3A_99 : vector<1x16xf32> to vector<16xf32>
          %mul3A_101 = vector.broadcast %squeeze3A : f32 to vector<16xf32>
          %mul3A_102 = arith.mulf %get3A_100, %mul3A_101 : vector<16xf32>
          %swap3A_103 = arith.index_cast %scan3A_51 : i32 to index
          %swap3A_104 = arith.constant 64 : index
          %swap3A_105 = tpu.vector_load %arg13[%swap3A_103, %swap3A_104] {strides = array<i32>} : memref<80x128xf32, #tpu.memory_space<vmem>>, vector<1x16xf32>,
          %swap3A_106 = vector.shape_cast %swap3A_105 : vector<1x16xf32> to vector<16xf32>
          %swap3A_107 = vector.shape_cast %mul3A_102 : vector<16xf32> to vector<1x16xf32>
          tpu.vector_store %arg13[%swap3A_103, %swap3A_104], %swap3A_107 {strides = array<i32>} : memref<80x128xf32, #tpu.memory_space<vmem>>, vector<1x16xf32>,
          %get3A_108 = arith.index_cast %scan3A_51 : i32 to index
          %get3A_109 = arith.constant 80 : index
          %get3A_110 = tpu.vector_load %arg13[%get3A_108, %get3A_109] {strides = array<i32>} : memref<80x128xf32, #tpu.memory_space<vmem>>, vector<1x16xf32>,
          %get3A_111 = vector.shape_cast %get3A_110 : vector<1x16xf32> to vector<16xf32>
          %mul3A_112 = vector.broadcast %squeeze3A : f32 to vector<16xf32>
          %mul3A_113 = arith.mulf %get3A_111, %mul3A_112 : vector<16xf32>
          %swap3A_114 = arith.index_cast %scan3A_51 : i32 to index
          %swap3A_115 = arith.constant 80 : index
          %swap3A_116 = tpu.vector_load %arg13[%swap3A_114, %swap3A_115] {strides = array<i32>} : memref<80x128xf32, #tpu.memory_space<vmem>>, vector<1x16xf32>,
          %swap3A_117 = vector.shape_cast %swap3A_116 : vector<1x16xf32> to vector<16xf32>
          %swap3A_118 = vector.shape_cast %mul3A_113 : vector<16xf32> to vector<1x16xf32>
          tpu.vector_store %arg13[%swap3A_114, %swap3A_115], %swap3A_118 {strides = array<i32>} : memref<80x128xf32, #tpu.memory_space<vmem>>, vector<1x16xf32>,
          %get3A_119 = arith.index_cast %scan3A_51 : i32 to index
          %get3A_120 = arith.constant 96 : index
          %get3A_121 = tpu.vector_load %arg13[%get3A_119, %get3A_120] {strides = array<i32>} : memref<80x128xf32, #tpu.memory_space<vmem>>, vector<1x16xf32>,
          %get3A_122 = vector.shape_cast %get3A_121 : vector<1x16xf32> to vector<16xf32>
          %mul3A_123 = vector.broadcast %squeeze3A : f32 to vector<16xf32>
          %mul3A_124 = arith.mulf %get3A_122, %mul3A_123 : vector<16xf32>
          %swap3A_125 = arith.index_cast %scan3A_51 : i32 to index
          %swap3A_126 = arith.constant 96 : index
          %swap3A_127 = tpu.vector_load %arg13[%swap3A_125, %swap3A_126] {strides = array<i32>} : memref<80x128xf32, #tpu.memory_space<vmem>>, vector<1x16xf32>,
          %swap3A_128 = vector.shape_cast %swap3A_127 : vector<1x16xf32> to vector<16xf32>
          %swap3A_129 = vector.shape_cast %mul3A_124 : vector<16xf32> to vector<1x16xf32>
          tpu.vector_store %arg13[%swap3A_125, %swap3A_126], %swap3A_129 {strides = array<i32>} : memref<80x128xf32, #tpu.memory_space<vmem>>, vector<1x16xf32>,
          %get3A_130 = arith.index_cast %scan3A_51 : i32 to index
          %get3A_131 = arith.constant 112 : index
          %get3A_132 = tpu.vector_load %arg13[%get3A_130, %get3A_131] {strides = array<i32>} : memref<80x128xf32, #tpu.memory_space<vmem>>, vector<1x16xf32>,
          %get3A_133 = vector.shape_cast %get3A_132 : vector<1x16xf32> to vector<16xf32>
          %mul3A_134 = vector.broadcast %squeeze3A : f32 to vector<16xf32>
          %mul3A_135 = arith.mulf %get3A_133, %mul3A_134 : vector<16xf32>
          %swap3A_136 = arith.index_cast %scan3A_51 : i32 to index
          %swap3A_137 = arith.constant 112 : index
          %swap3A_138 = tpu.vector_load %arg13[%swap3A_136, %swap3A_137] {strides = array<i32>} : memref<80x128xf32, #tpu.memory_space<vmem>>, vector<1x16xf32>,
          %swap3A_139 = vector.shape_cast %swap3A_138 : vector<1x16xf32> to vector<16xf32>
          %swap3A_140 = vector.shape_cast %mul3A_135 : vector<16xf32> to vector<1x16xf32>
          tpu.vector_store %arg13[%swap3A_136, %swap3A_137], %swap3A_140 {strides = array<i32>} : memref<80x128xf32, #tpu.memory_space<vmem>>, vector<1x16xf32>,
        }
        %scan3A_50 = arith.constant 80 : i32
        "tpu.region"() ({
          %run_scoped3A = tpu.sem_alloc : memref<!tpu.dma_semaphore, #tpu.memory_space<semaphore_mem>>
          %dma_start3A_51 = arith.constant 0 : i32
          %dma_start3A_52 = arith.constant 0 : i32
          %dma_start3A_53 = tpu.memref_slice %arg14[%dma_start3A_51, %dma_start3A_52] : memref<10000x128xf32, #tpu.memory_space<vmem_shared>> -> memref<10000x128xf32, #tpu.memory_space<vmem_shared>>
          tpu.enqueue_indirect_dma source(%arg13 : memref<80x128xf32, #tpu.memory_space<vmem>>) target(%dma_start3A_53 : memref<10000x128xf32, #tpu.memory_space<vmem_shared>>) offsets(%arg10 : memref<80xi32, #tpu.memory_space<vmem>>) semaphore(%run_scoped3A : memref<!tpu.dma_semaphore, #tpu.memory_space<semaphore_mem>>) {add = true}
          %dma_wait3A_54 = arith.constant 0 : i32
          %dma_wait3A_55 = arith.constant 0 : i32
          %dma_wait3A_56 = tpu.memref_slice %arg14[%dma_wait3A_54, %dma_wait3A_55] : memref<10000x128xf32, #tpu.memory_space<vmem_shared>> -> memref<10000x128xf32, #tpu.memory_space<vmem_shared>>
          tpu.wait_indirect_dma semaphore(%run_scoped3A : memref<!tpu.dma_semaphore, #tpu.memory_space<semaphore_mem>>) src(%arg13 : memref<80x128xf32, #tpu.memory_space<vmem>>) dst(%dma_wait3A_56 : memref<10000x128xf32, #tpu.memory_space<vmem_shared>>)
          tpu.yield
        }) : () -> ()
      } else {
      }
    }
    %scan3A_13 = arith.constant 125 : i32
    %barrier3A_14 = arith.constant 0 : index
    tpu.barrier barrier_id(%barrier3A_14)
    %eq3A_15 = arith.constant 0 : i32
    %eq3A_16 = arith.cmpi eq, %arg1, %eq3A_15 : i32
    %convert_element_type3A_17 = arith.extui %eq3A_16 : i1 to i32
    %cond3A_18 = arith.constant 0 : i32
    %cond3A_19 = arith.cmpi ne, %convert_element_type3A_17, %cond3A_18 : i32
    scf.if %cond3A_19 {
      "tpu.region"() ({
        %run_scoped3A = tpu.sem_alloc : memref<!tpu.dma_semaphore, #tpu.memory_space<semaphore_mem>>
        %dma_start3A_20 = arith.constant 0 : i32
        %dma_start3A_21 = arith.constant 0 : i32
        %dma_start3A_22 = tpu.memref_slice %arg7[%arg0, %dma_start3A_20, %dma_start3A_21] : memref<2x10000x128xf32, #tpu.memory_space<hbm>> -> memref<1x10000x128xf32, #tpu.memory_space<hbm>>
        %dma_start3A_23 = tpu.memref_squeeze %dma_start3A_22 : memref<1x10000x128xf32, #tpu.memory_space<hbm>> -> memref<10000x128xf32, #tpu.memory_space<hbm>>
        tpu.enqueue_dma source(%arg14 : memref<10000x128xf32, #tpu.memory_space<vmem_shared>>) target(%dma_start3A_23 : memref<10000x128xf32, #tpu.memory_space<hbm>>) target_semaphore(%run_scoped3A : memref<!tpu.dma_semaphore, #tpu.memory_space<semaphore_mem>>)
        %dma_wait3A = arith.constant 0 : i32
        %dma_wait3A_24 = arith.constant 0 : i32
        %dma_wait3A_25 = tpu.memref_slice %arg7[%arg0, %dma_wait3A, %dma_wait3A_24] : memref<2x10000x128xf32, #tpu.memory_space<hbm>> -> memref<1x10000x128xf32, #tpu.memory_space<hbm>>
        %dma_wait3A_26 = tpu.memref_squeeze %dma_wait3A_25 : memref<1x10000x128xf32, #tpu.memory_space<hbm>> -> memref<10000x128xf32, #tpu.memory_space<hbm>>
        tpu.wait_dma2 semaphore(%run_scoped3A : memref<!tpu.dma_semaphore, #tpu.memory_space<semaphore_mem>>) src(%arg14 : memref<10000x128xf32, #tpu.memory_space<vmem_shared>>) dst(%dma_wait3A_26 : memref<10000x128xf32, #tpu.memory_space<hbm>>)
        tpu.yield
      }) : () -> ()
    } else {
    }
    return
  }
}

#map = affine_map<(d0, d1) -> (0, 0)>
#map1 = affine_map<(d0, d1) -> (0)>
#map2 = affine_map<(d0, d1) -> (0, 0, 0)>
module attributes {stable_mosaic.version = 14 : i64} {
  func.func @k(%arg0: i32, %arg1: i32, %arg2: memref<10000x128xf32, #tpu.memory_space<hbm>>, %arg3: memref<320000xi32, #tpu.memory_space<hbm>>, %arg4: memref<320000xi32, #tpu.memory_space<hbm>>, %arg5: memref<320000xf32, #tpu.memory_space<hbm>>, %arg6: memref<10000x128xf32, #tpu.memory_space<hbm>>, %arg7: memref<2x10000x128xf32, #tpu.memory_space<hbm>>, %arg8: memref<80xi32, #tpu.memory_space<vmem>>, %arg9: memref<80xi32, #tpu.memory_space<vmem>>, %arg10: memref<80xi32, #tpu.memory_space<vmem>>, %arg11: memref<96xf32, #tpu.memory_space<vmem>>, %arg12: memref<80x128xf32, #tpu.memory_space<vmem>>, %arg13: memref<80x128xf32, #tpu.memory_space<vmem>>, %arg14: memref<10000x128xf32, #tpu.memory_space<vmem_shared>>, %arg15: memref<!tpu.dma_semaphore, #tpu.memory_space<semaphore_mem>>, %arg16: memref<!tpu.dma_semaphore, #tpu.memory_space<semaphore_mem>>) attributes {dimension_semantics = [#tpu.dimension_semantics<core_parallel>, #tpu.dimension_semantics<subcore_parallel>], iteration_bounds = array<i64: 2, 16>, scalar_prefetch = 0 : i64, scratch_operands = 9 : i64, tpu.core_type = #tpu.core_type<sc_vector_subcore>, window_params = [{transform_indices = #map}, {transform_indices = #map1}, {transform_indices = #map1}, {transform_indices = #map1}, {transform_indices = #map}, {transform_indices = #map2}]} {
    %eq3A = arith.constant 0 : i32
    %eq3A_0 = arith.cmpi eq, %arg1, %eq3A : i32
    %convert_element_type3A = arith.extui %eq3A_0 : i1 to i32
    %cond3A = arith.constant 0 : i32
    %cond3A_1 = arith.cmpi ne, %convert_element_type3A, %cond3A : i32
    scf.if %cond3A_1 {
      "tpu.region"() ({
        %run_scoped3A = tpu.sem_alloc : memref<!tpu.dma_semaphore, #tpu.memory_space<semaphore_mem>>
        tpu.enqueue_dma source(%arg6 : memref<10000x128xf32, #tpu.memory_space<hbm>>) target(%arg14 : memref<10000x128xf32, #tpu.memory_space<vmem_shared>>) target_semaphore(%run_scoped3A : memref<!tpu.dma_semaphore, #tpu.memory_space<semaphore_mem>>)
        tpu.wait_dma2 semaphore(%run_scoped3A : memref<!tpu.dma_semaphore, #tpu.memory_space<semaphore_mem>>) src(%arg6 : memref<10000x128xf32, #tpu.memory_space<hbm>>) dst(%arg14 : memref<10000x128xf32, #tpu.memory_space<vmem_shared>>)
        tpu.yield
      }) : () -> ()
    } else {
    }
    %mul3A = arith.constant 2 : i32
    %mul3A_2 = arith.muli %arg1, %mul3A : i32
    %add3A = arith.addi %mul3A_2, %arg0 : i32
    %mul3A_3 = arith.constant 10000 : i32
    %mul3A_4 = arith.muli %add3A, %mul3A_3 : i32
    %add3A_5 = arith.constant 0 : i32
    %add3A_6 = arith.addi %mul3A_4, %add3A_5 : i32
    "tpu.region"() ({
      %run_scoped3A = tpu.sem_alloc : memref<!tpu.dma_semaphore, #tpu.memory_space<semaphore_mem>>
      %dma_start3A_20 = tpu.memref_slice %arg3[%add3A_6] : memref<320000xi32, #tpu.memory_space<hbm>> -> memref<80xi32, #tpu.memory_space<hbm>>
      %dma_start3A_21 = tpu.memref_slice %arg3[%add3A_6] : memref<320000xi32, #tpu.memory_space<hbm>> -> memref<80xi32, #tpu.memory_space<hbm>>
      tpu.enqueue_dma source(%dma_start3A_21 : memref<80xi32, #tpu.memory_space<hbm>>) target(%arg8 : memref<80xi32, #tpu.memory_space<vmem>>) target_semaphore(%run_scoped3A : memref<!tpu.dma_semaphore, #tpu.memory_space<semaphore_mem>>)
      %dma_wait3A = tpu.memref_slice %arg3[%add3A_6] : memref<320000xi32, #tpu.memory_space<hbm>> -> memref<80xi32, #tpu.memory_space<hbm>>
      %dma_wait3A_22 = tpu.memref_slice %arg3[%add3A_6] : memref<320000xi32, #tpu.memory_space<hbm>> -> memref<80xi32, #tpu.memory_space<hbm>>
      tpu.wait_dma2 semaphore(%run_scoped3A : memref<!tpu.dma_semaphore, #tpu.memory_space<semaphore_mem>>) src(%dma_wait3A_22 : memref<80xi32, #tpu.memory_space<hbm>>) dst(%arg8 : memref<80xi32, #tpu.memory_space<vmem>>)
      tpu.yield
    }) : () -> ()
    %dma_start3A = arith.constant 0 : i32
    %dma_start3A_7 = arith.constant 0 : i32
    %dma_start3A_8 = tpu.memref_slice %arg2[%dma_start3A, %dma_start3A_7] : memref<10000x128xf32, #tpu.memory_space<hbm>> -> memref<10000x128xf32, #tpu.memory_space<hbm>>
    tpu.enqueue_indirect_dma source(%dma_start3A_8 : memref<10000x128xf32, #tpu.memory_space<hbm>>) target(%arg12 : memref<80x128xf32, #tpu.memory_space<vmem>>) offsets(%arg8 : memref<80xi32, #tpu.memory_space<vmem>>) semaphore(%arg15 : memref<!tpu.dma_semaphore, #tpu.memory_space<semaphore_mem>>)
    %barrier3A = arith.constant 0 : index
    tpu.barrier barrier_id(%barrier3A)
    %scan3A = arith.constant 0 : i32
    %scan3A_9 = arith.constant 0 : i32
    %scan3A_10 = arith.constant 125 : i32
    %scan3A_11 = arith.addi %scan3A_9, %scan3A_10 : i32
    %scan3A_12 = arith.constant 1 : i32
    scf.for %scan3A_20 = %scan3A_9 to %scan3A_11 step %scan3A_12  : i32 {
      %rem3A = arith.constant 2 : i32
      %rem3A_21 = arith.remsi %scan3A_20, %rem3A : i32
      %eq3A_22 = arith.constant 0 : i32
      %eq3A_23 = arith.cmpi eq, %rem3A_21, %eq3A_22 : i32
      %convert_element_type3A_24 = arith.extui %eq3A_23 : i1 to i32
      %cond3A_25 = arith.constant 0 : i32
      %cond3A_26 = arith.cmpi ne, %convert_element_type3A_24, %cond3A_25 : i32
      scf.if %cond3A_26 {
        %add3A_34 = arith.constant 1 : i32
        %add3A_35 = arith.addi %scan3A_20, %add3A_34 : i32
        %lt3A = arith.constant 125 : i32
        %lt3A_36 = arith.cmpi slt, %add3A_35, %lt3A : i32
        %convert_element_type3A_37 = arith.extui %lt3A_36 : i1 to i32
        %cond3A_38 = arith.constant 0 : i32
        %cond3A_39 = arith.cmpi ne, %convert_element_type3A_37, %cond3A_38 : i32
        scf.if %cond3A_39 {
          %add3A_51 = arith.constant 1 : i32
          %add3A_52 = arith.addi %scan3A_20, %add3A_51 : i32
          %mul3A_53 = arith.constant 80 : i32
          %mul3A_54 = arith.muli %add3A_52, %mul3A_53 : i32
          %add3A_55 = arith.addi %mul3A_4, %mul3A_54 : i32
          "tpu.region"() ({
            %run_scoped3A = tpu.sem_alloc : memref<!tpu.dma_semaphore, #tpu.memory_space<semaphore_mem>>
            %dma_start3A_59 = tpu.memref_slice %arg3[%add3A_55] : memref<320000xi32, #tpu.memory_space<hbm>> -> memref<80xi32, #tpu.memory_space<hbm>>
            %dma_start3A_60 = tpu.memref_slice %arg3[%add3A_55] : memref<320000xi32, #tpu.memory_space<hbm>> -> memref<80xi32, #tpu.memory_space<hbm>>
            tpu.enqueue_dma source(%dma_start3A_60 : memref<80xi32, #tpu.memory_space<hbm>>) target(%arg9 : memref<80xi32, #tpu.memory_space<vmem>>) target_semaphore(%run_scoped3A : memref<!tpu.dma_semaphore, #tpu.memory_space<semaphore_mem>>)
            %dma_wait3A_61 = tpu.memref_slice %arg3[%add3A_55] : memref<320000xi32, #tpu.memory_space<hbm>> -> memref<80xi32, #tpu.memory_space<hbm>>
            %dma_wait3A_62 = tpu.memref_slice %arg3[%add3A_55] : memref<320000xi32, #tpu.memory_space<hbm>> -> memref<80xi32, #tpu.memory_space<hbm>>
            tpu.wait_dma2 semaphore(%run_scoped3A : memref<!tpu.dma_semaphore, #tpu.memory_space<semaphore_mem>>) src(%dma_wait3A_62 : memref<80xi32, #tpu.memory_space<hbm>>) dst(%arg9 : memref<80xi32, #tpu.memory_space<vmem>>)
            tpu.yield
          }) : () -> ()
          %dma_start3A_56 = arith.constant 0 : i32
          %dma_start3A_57 = arith.constant 0 : i32
          %dma_start3A_58 = tpu.memref_slice %arg2[%dma_start3A_56, %dma_start3A_57] : memref<10000x128xf32, #tpu.memory_space<hbm>> -> memref<10000x128xf32, #tpu.memory_space<hbm>>
          tpu.enqueue_indirect_dma source(%dma_start3A_58 : memref<10000x128xf32, #tpu.memory_space<hbm>>) target(%arg13 : memref<80x128xf32, #tpu.memory_space<vmem>>) offsets(%arg9 : memref<80xi32, #tpu.memory_space<vmem>>) semaphore(%arg16 : memref<!tpu.dma_semaphore, #tpu.memory_space<semaphore_mem>>)
        } else {
        }
        %mul3A_40 = arith.constant 80 : i32
        %mul3A_41 = arith.muli %scan3A_20, %mul3A_40 : i32
        %add3A_42 = arith.addi %mul3A_4, %mul3A_41 : i32
        "tpu.region"() ({
          %run_scoped3A = tpu.sem_alloc : memref<!tpu.dma_semaphore, #tpu.memory_space<semaphore_mem>>
          %dma_start3A_51 = tpu.memref_slice %arg4[%add3A_42] : memref<320000xi32, #tpu.memory_space<hbm>> -> memref<80xi32, #tpu.memory_space<hbm>>
          %dma_start3A_52 = tpu.memref_slice %arg4[%add3A_42] : memref<320000xi32, #tpu.memory_space<hbm>> -> memref<80xi32, #tpu.memory_space<hbm>>
          tpu.enqueue_dma source(%dma_start3A_52 : memref<80xi32, #tpu.memory_space<hbm>>) target(%arg10 : memref<80xi32, #tpu.memory_space<vmem>>) target_semaphore(%run_scoped3A : memref<!tpu.dma_semaphore, #tpu.memory_space<semaphore_mem>>)
          %dma_wait3A_53 = tpu.memref_slice %arg4[%add3A_42] : memref<320000xi32, #tpu.memory_space<hbm>> -> memref<80xi32, #tpu.memory_space<hbm>>
          %dma_wait3A_54 = tpu.memref_slice %arg4[%add3A_42] : memref<320000xi32, #tpu.memory_space<hbm>> -> memref<80xi32, #tpu.memory_space<hbm>>
          tpu.wait_dma2 semaphore(%run_scoped3A : memref<!tpu.dma_semaphore, #tpu.memory_space<semaphore_mem>>) src(%dma_wait3A_54 : memref<80xi32, #tpu.memory_space<hbm>>) dst(%arg10 : memref<80xi32, #tpu.memory_space<vmem>>)
          tpu.yield
        }) : () -> ()
        "tpu.region"() ({
          %run_scoped3A = tpu.sem_alloc : memref<!tpu.dma_semaphore, #tpu.memory_space<semaphore_mem>>
          %dma_start3A_51 = arith.constant 0 : i32
          %dma_start3A_52 = tpu.memref_slice %arg11[%dma_start3A_51] : memref<96xf32, #tpu.memory_space<vmem>> -> memref<80xf32, #tpu.memory_space<vmem>>
          %dma_start3A_53 = tpu.memref_slice %arg5[%add3A_42] : memref<320000xf32, #tpu.memory_space<hbm>> -> memref<80xf32, #tpu.memory_space<hbm>>
          %dma_start3A_54 = arith.constant 0 : i32
          %dma_start3A_55 = tpu.memref_slice %arg11[%dma_start3A_54] : memref<96xf32, #tpu.memory_space<vmem>> -> memref<80xf32, #tpu.memory_space<vmem>>
          %dma_start3A_56 = tpu.memref_slice %arg5[%add3A_42] : memref<320000xf32, #tpu.memory_space<hbm>> -> memref<80xf32, #tpu.memory_space<hbm>>
          tpu.enqueue_dma source(%dma_start3A_56 : memref<80xf32, #tpu.memory_space<hbm>>) target(%dma_start3A_55 : memref<80xf32, #tpu.memory_space<vmem>>) target_semaphore(%run_scoped3A : memref<!tpu.dma_semaphore, #tpu.memory_space<semaphore_mem>>)
          %dma_wait3A_57 = arith.constant 0 : i32
          %dma_wait3A_58 = tpu.memref_slice %arg11[%dma_wait3A_57] : memref<96xf32, #tpu.memory_space<vmem>> -> memref<80xf32, #tpu.memory_space<vmem>>
          %dma_wait3A_59 = tpu.memref_slice %arg5[%add3A_42] : memref<320000xf32, #tpu.memory_space<hbm>> -> memref<80xf32, #tpu.memory_space<hbm>>
          %dma_wait3A_60 = arith.constant 0 : i32
          %dma_wait3A_61 = tpu.memref_slice %arg11[%dma_wait3A_60] : memref<96xf32, #tpu.memory_space<vmem>> -> memref<80xf32, #tpu.memory_space<vmem>>
          %dma_wait3A_62 = tpu.memref_slice %arg5[%add3A_42] : memref<320000xf32, #tpu.memory_space<hbm>> -> memref<80xf32, #tpu.memory_space<hbm>>
          tpu.wait_dma2 semaphore(%run_scoped3A : memref<!tpu.dma_semaphore, #tpu.memory_space<semaphore_mem>>) src(%dma_wait3A_62 : memref<80xf32, #tpu.memory_space<hbm>>) dst(%dma_wait3A_61 : memref<80xf32, #tpu.memory_space<vmem>>)
          tpu.yield
        }) : () -> ()
        %dma_wait3A = arith.constant 0 : i32
        %dma_wait3A_43 = arith.constant 0 : i32
        %dma_wait3A_44 = tpu.memref_slice %arg2[%dma_wait3A, %dma_wait3A_43] : memref<10000x128xf32, #tpu.memory_space<hbm>> -> memref<10000x128xf32, #tpu.memory_space<hbm>>
        tpu.wait_indirect_dma semaphore(%arg15 : memref<!tpu.dma_semaphore, #tpu.memory_space<semaphore_mem>>) src(%dma_wait3A_44 : memref<10000x128xf32, #tpu.memory_space<hbm>>) dst(%arg12 : memref<80x128xf32, #tpu.memory_space<vmem>>)
        %scan3A_45 = arith.constant 0 : i32
        %scan3A_46 = arith.constant 0 : i32
        %scan3A_47 = arith.constant 80 : i32
        %scan3A_48 = arith.addi %scan3A_46, %scan3A_47 : i32
        %scan3A_49 = arith.constant 1 : i32
        scf.for %scan3A_51 = %scan3A_46 to %scan3A_48 step %scan3A_49  : i32 {
          %get3A = arith.index_cast %scan3A_51 : i32 to index
          %get3A_52 = tpu.vector_load %arg11[%get3A] {strides = array<i32>} : memref<96xf32, #tpu.memory_space<vmem>>, vector<16xf32>,
          %get3A_53 = vector.shape_cast %get3A_52 : vector<16xf32> to vector<16xf32>
          %slice3A = vector.extract_strided_slice %get3A_53 {offsets = [0], sizes = [1], strides = [1]} : vector<16xf32> to vector<1xf32>
          %squeeze3A = vector.extract %slice3A[0] : f32 from vector<1xf32>
          %get3A_54 = arith.index_cast %scan3A_51 : i32 to index
          %get3A_55 = arith.constant 0 : index
          %get3A_56 = tpu.vector_load %arg12[%get3A_54, %get3A_55] {strides = array<i32>} : memref<80x128xf32, #tpu.memory_space<vmem>>, vector<1x16xf32>,
          %get3A_57 = vector.shape_cast %get3A_56 : vector<1x16xf32> to vector<16xf32>
          %mul3A_58 = vector.broadcast %squeeze3A : f32 to vector<16xf32>
          %mul3A_59 = arith.mulf %get3A_57, %mul3A_58 : vector<16xf32>
          %swap3A = arith.index_cast %scan3A_51 : i32 to index
          %swap3A_60 = arith.constant 0 : index
          %swap3A_61 = tpu.vector_load %arg12[%swap3A, %swap3A_60] {strides = array<i32>} : memref<80x128xf32, #tpu.memory_space<vmem>>, vector<1x16xf32>,
          %swap3A_62 = vector.shape_cast %swap3A_61 : vector<1x16xf32> to vector<16xf32>
          %swap3A_63 = vector.shape_cast %mul3A_59 : vector<16xf32> to vector<1x16xf32>
          tpu.vector_store %arg12[%swap3A, %swap3A_60], %swap3A_63 {strides = array<i32>} : memref<80x128xf32, #tpu.memory_space<vmem>>, vector<1x16xf32>,
          %get3A_64 = arith.index_cast %scan3A_51 : i32 to index
          %get3A_65 = arith.constant 16 : index
          %get3A_66 = tpu.vector_load %arg12[%get3A_64, %get3A_65] {strides = array<i32>} : memref<80x128xf32, #tpu.memory_space<vmem>>, vector<1x16xf32>,
          %get3A_67 = vector.shape_cast %get3A_66 : vector<1x16xf32> to vector<16xf32>
          %mul3A_68 = vector.broadcast %squeeze3A : f32 to vector<16xf32>
          %mul3A_69 = arith.mulf %get3A_67, %mul3A_68 : vector<16xf32>
          %swap3A_70 = arith.index_cast %scan3A_51 : i32 to index
          %swap3A_71 = arith.constant 16 : index
          %swap3A_72 = tpu.vector_load %arg12[%swap3A_70, %swap3A_71] {strides = array<i32>} : memref<80x128xf32, #tpu.memory_space<vmem>>, vector<1x16xf32>,
          %swap3A_73 = vector.shape_cast %swap3A_72 : vector<1x16xf32> to vector<16xf32>
          %swap3A_74 = vector.shape_cast %mul3A_69 : vector<16xf32> to vector<1x16xf32>
          tpu.vector_store %arg12[%swap3A_70, %swap3A_71], %swap3A_74 {strides = array<i32>} : memref<80x128xf32, #tpu.memory_space<vmem>>, vector<1x16xf32>,
          %get3A_75 = arith.index_cast %scan3A_51 : i32 to index
          %get3A_76 = arith.constant 32 : index
          %get3A_77 = tpu.vector_load %arg12[%get3A_75, %get3A_76] {strides = array<i32>} : memref<80x128xf32, #tpu.memory_space<vmem>>, vector<1x16xf32>,
          %get3A_78 = vector.shape_cast %get3A_77 : vector<1x16xf32> to vector<16xf32>
          %mul3A_79 = vector.broadcast %squeeze3A : f32 to vector<16xf32>
          %mul3A_80 = arith.mulf %get3A_78, %mul3A_79 : vector<16xf32>
          %swap3A_81 = arith.index_cast %scan3A_51 : i32 to index
          %swap3A_82 = arith.constant 32 : index
          %swap3A_83 = tpu.vector_load %arg12[%swap3A_81, %swap3A_82] {strides = array<i32>} : memref<80x128xf32, #tpu.memory_space<vmem>>, vector<1x16xf32>,
          %swap3A_84 = vector.shape_cast %swap3A_83 : vector<1x16xf32> to vector<16xf32>
          %swap3A_85 = vector.shape_cast %mul3A_80 : vector<16xf32> to vector<1x16xf32>
          tpu.vector_store %arg12[%swap3A_81, %swap3A_82], %swap3A_85 {strides = array<i32>} : memref<80x128xf32, #tpu.memory_space<vmem>>, vector<1x16xf32>,
          %get3A_86 = arith.index_cast %scan3A_51 : i32 to index
          %get3A_87 = arith.constant 48 : index
          %get3A_88 = tpu.vector_load %arg12[%get3A_86, %get3A_87] {strides = array<i32>} : memref<80x128xf32, #tpu.memory_space<vmem>>, vector<1x16xf32>,
          %get3A_89 = vector.shape_cast %get3A_88 : vector<1x16xf32> to vector<16xf32>
          %mul3A_90 = vector.broadcast %squeeze3A : f32 to vector<16xf32>
          %mul3A_91 = arith.mulf %get3A_89, %mul3A_90 : vector<16xf32>
          %swap3A_92 = arith.index_cast %scan3A_51 : i32 to index
          %swap3A_93 = arith.constant 48 : index
          %swap3A_94 = tpu.vector_load %arg12[%swap3A_92, %swap3A_93] {strides = array<i32>} : memref<80x128xf32, #tpu.memory_space<vmem>>, vector<1x16xf32>,
          %swap3A_95 = vector.shape_cast %swap3A_94 : vector<1x16xf32> to vector<16xf32>
          %swap3A_96 = vector.shape_cast %mul3A_91 : vector<16xf32> to vector<1x16xf32>
          tpu.vector_store %arg12[%swap3A_92, %swap3A_93], %swap3A_96 {strides = array<i32>} : memref<80x128xf32, #tpu.memory_space<vmem>>, vector<1x16xf32>,
          %get3A_97 = arith.index_cast %scan3A_51 : i32 to index
          %get3A_98 = arith.constant 64 : index
          %get3A_99 = tpu.vector_load %arg12[%get3A_97, %get3A_98] {strides = array<i32>} : memref<80x128xf32, #tpu.memory_space<vmem>>, vector<1x16xf32>,
          %get3A_100 = vector.shape_cast %get3A_99 : vector<1x16xf32> to vector<16xf32>
          %mul3A_101 = vector.broadcast %squeeze3A : f32 to vector<16xf32>
          %mul3A_102 = arith.mulf %get3A_100, %mul3A_101 : vector<16xf32>
          %swap3A_103 = arith.index_cast %scan3A_51 : i32 to index
          %swap3A_104 = arith.constant 64 : index
          %swap3A_105 = tpu.vector_load %arg12[%swap3A_103, %swap3A_104] {strides = array<i32>} : memref<80x128xf32, #tpu.memory_space<vmem>>, vector<1x16xf32>,
          %swap3A_106 = vector.shape_cast %swap3A_105 : vector<1x16xf32> to vector<16xf32>
          %swap3A_107 = vector.shape_cast %mul3A_102 : vector<16xf32> to vector<1x16xf32>
          tpu.vector_store %arg12[%swap3A_103, %swap3A_104], %swap3A_107 {strides = array<i32>} : memref<80x128xf32, #tpu.memory_space<vmem>>, vector<1x16xf32>,
          %get3A_108 = arith.index_cast %scan3A_51 : i32 to index
          %get3A_109 = arith.constant 80 : index
          %get3A_110 = tpu.vector_load %arg12[%get3A_108, %get3A_109] {strides = array<i32>} : memref<80x128xf32, #tpu.memory_space<vmem>>, vector<1x16xf32>,
          %get3A_111 = vector.shape_cast %get3A_110 : vector<1x16xf32> to vector<16xf32>
          %mul3A_112 = vector.broadcast %squeeze3A : f32 to vector<16xf32>
          %mul3A_113 = arith.mulf %get3A_111, %mul3A_112 : vector<16xf32>
          %swap3A_114 = arith.index_cast %scan3A_51 : i32 to index
          %swap3A_115 = arith.constant 80 : index
          %swap3A_116 = tpu.vector_load %arg12[%swap3A_114, %swap3A_115] {strides = array<i32>} : memref<80x128xf32, #tpu.memory_space<vmem>>, vector<1x16xf32>,
          %swap3A_117 = vector.shape_cast %swap3A_116 : vector<1x16xf32> to vector<16xf32>
          %swap3A_118 = vector.shape_cast %mul3A_113 : vector<16xf32> to vector<1x16xf32>
          tpu.vector_store %arg12[%swap3A_114, %swap3A_115], %swap3A_118 {strides = array<i32>} : memref<80x128xf32, #tpu.memory_space<vmem>>, vector<1x16xf32>,
          %get3A_119 = arith.index_cast %scan3A_51 : i32 to index
          %get3A_120 = arith.constant 96 : index
          %get3A_121 = tpu.vector_load %arg12[%get3A_119, %get3A_120] {strides = array<i32>} : memref<80x128xf32, #tpu.memory_space<vmem>>, vector<1x16xf32>,
          %get3A_122 = vector.shape_cast %get3A_121 : vector<1x16xf32> to vector<16xf32>
          %mul3A_123 = vector.broadcast %squeeze3A : f32 to vector<16xf32>
          %mul3A_124 = arith.mulf %get3A_122, %mul3A_123 : vector<16xf32>
          %swap3A_125 = arith.index_cast %scan3A_51 : i32 to index
          %swap3A_126 = arith.constant 96 : index
          %swap3A_127 = tpu.vector_load %arg12[%swap3A_125, %swap3A_126] {strides = array<i32>} : memref<80x128xf32, #tpu.memory_space<vmem>>, vector<1x16xf32>,
          %swap3A_128 = vector.shape_cast %swap3A_127 : vector<1x16xf32> to vector<16xf32>
          %swap3A_129 = vector.shape_cast %mul3A_124 : vector<16xf32> to vector<1x16xf32>
          tpu.vector_store %arg12[%swap3A_125, %swap3A_126], %swap3A_129 {strides = array<i32>} : memref<80x128xf32, #tpu.memory_space<vmem>>, vector<1x16xf32>,
          %get3A_130 = arith.index_cast %scan3A_51 : i32 to index
          %get3A_131 = arith.constant 112 : index
          %get3A_132 = tpu.vector_load %arg12[%get3A_130, %get3A_131] {strides = array<i32>} : memref<80x128xf32, #tpu.memory_space<vmem>>, vector<1x16xf32>,
          %get3A_133 = vector.shape_cast %get3A_132 : vector<1x16xf32> to vector<16xf32>
          %mul3A_134 = vector.broadcast %squeeze3A : f32 to vector<16xf32>
          %mul3A_135 = arith.mulf %get3A_133, %mul3A_134 : vector<16xf32>
          %swap3A_136 = arith.index_cast %scan3A_51 : i32 to index
          %swap3A_137 = arith.constant 112 : index
          %swap3A_138 = tpu.vector_load %arg12[%swap3A_136, %swap3A_137] {strides = array<i32>} : memref<80x128xf32, #tpu.memory_space<vmem>>, vector<1x16xf32>,
          %swap3A_139 = vector.shape_cast %swap3A_138 : vector<1x16xf32> to vector<16xf32>
          %swap3A_140 = vector.shape_cast %mul3A_135 : vector<16xf32> to vector<1x16xf32>
          tpu.vector_store %arg12[%swap3A_136, %swap3A_137], %swap3A_140 {strides = array<i32>} : memref<80x128xf32, #tpu.memory_space<vmem>>, vector<1x16xf32>,
        }
        %scan3A_50 = arith.constant 80 : i32
        "tpu.region"() ({
          %run_scoped3A = tpu.sem_alloc : memref<!tpu.dma_semaphore, #tpu.memory_space<semaphore_mem>>
          %dma_start3A_51 = arith.constant 0 : i32
          %dma_start3A_52 = arith.constant 0 : i32
          %dma_start3A_53 = tpu.memref_slice %arg14[%dma_start3A_51, %dma_start3A_52] : memref<10000x128xf32, #tpu.memory_space<vmem_shared>> -> memref<10000x128xf32, #tpu.memory_space<vmem_shared>>
          tpu.enqueue_indirect_dma source(%arg12 : memref<80x128xf32, #tpu.memory_space<vmem>>) target(%dma_start3A_53 : memref<10000x128xf32, #tpu.memory_space<vmem_shared>>) offsets(%arg10 : memref<80xi32, #tpu.memory_space<vmem>>) semaphore(%run_scoped3A : memref<!tpu.dma_semaphore, #tpu.memory_space<semaphore_mem>>) {add = true}
          %dma_wait3A_54 = arith.constant 0 : i32
          %dma_wait3A_55 = arith.constant 0 : i32
          %dma_wait3A_56 = tpu.memref_slice %arg14[%dma_wait3A_54, %dma_wait3A_55] : memref<10000x128xf32, #tpu.memory_space<vmem_shared>> -> memref<10000x128xf32, #tpu.memory_space<vmem_shared>>
          tpu.wait_indirect_dma semaphore(%run_scoped3A : memref<!tpu.dma_semaphore, #tpu.memory_space<semaphore_mem>>) src(%arg12 : memref<80x128xf32, #tpu.memory_space<vmem>>) dst(%dma_wait3A_56 : memref<10000x128xf32, #tpu.memory_space<vmem_shared>>)
          tpu.yield
        }) : () -> ()
      } else {
      }
      %rem3A_27 = arith.constant 2 : i32
      %rem3A_28 = arith.remsi %scan3A_20, %rem3A_27 : i32
      %eq3A_29 = arith.constant 1 : i32
      %eq3A_30 = arith.cmpi eq, %rem3A_28, %eq3A_29 : i32
      %convert_element_type3A_31 = arith.extui %eq3A_30 : i1 to i32
      %cond3A_32 = arith.constant 0 : i32
      %cond3A_33 = arith.cmpi ne, %convert_element_type3A_31, %cond3A_32 : i32
      scf.if %cond3A_33 {
        %add3A_34 = arith.constant 1 : i32
        %add3A_35 = arith.addi %scan3A_20, %add3A_34 : i32
        %lt3A = arith.constant 125 : i32
        %lt3A_36 = arith.cmpi slt, %add3A_35, %lt3A : i32
        %convert_element_type3A_37 = arith.extui %lt3A_36 : i1 to i32
        %cond3A_38 = arith.constant 0 : i32
        %cond3A_39 = arith.cmpi ne, %convert_element_type3A_37, %cond3A_38 : i32
        scf.if %cond3A_39 {
          %add3A_51 = arith.constant 1 : i32
          %add3A_52 = arith.addi %scan3A_20, %add3A_51 : i32
          %mul3A_53 = arith.constant 80 : i32
          %mul3A_54 = arith.muli %add3A_52, %mul3A_53 : i32
          %add3A_55 = arith.addi %mul3A_4, %mul3A_54 : i32
          "tpu.region"() ({
            %run_scoped3A = tpu.sem_alloc : memref<!tpu.dma_semaphore, #tpu.memory_space<semaphore_mem>>
            %dma_start3A_59 = tpu.memref_slice %arg3[%add3A_55] : memref<320000xi32, #tpu.memory_space<hbm>> -> memref<80xi32, #tpu.memory_space<hbm>>
            %dma_start3A_60 = tpu.memref_slice %arg3[%add3A_55] : memref<320000xi32, #tpu.memory_space<hbm>> -> memref<80xi32, #tpu.memory_space<hbm>>
            tpu.enqueue_dma source(%dma_start3A_60 : memref<80xi32, #tpu.memory_space<hbm>>) target(%arg8 : memref<80xi32, #tpu.memory_space<vmem>>) target_semaphore(%run_scoped3A : memref<!tpu.dma_semaphore, #tpu.memory_space<semaphore_mem>>)
            %dma_wait3A_61 = tpu.memref_slice %arg3[%add3A_55] : memref<320000xi32, #tpu.memory_space<hbm>> -> memref<80xi32, #tpu.memory_space<hbm>>
            %dma_wait3A_62 = tpu.memref_slice %arg3[%add3A_55] : memref<320000xi32, #tpu.memory_space<hbm>> -> memref<80xi32, #tpu.memory_space<hbm>>
            tpu.wait_dma2 semaphore(%run_scoped3A : memref<!tpu.dma_semaphore, #tpu.memory_space<semaphore_mem>>) src(%dma_wait3A_62 : memref<80xi32, #tpu.memory_space<hbm>>) dst(%arg8 : memref<80xi32, #tpu.memory_space<vmem>>)
            tpu.yield
          }) : () -> ()
          %dma_start3A_56 = arith.constant 0 : i32
          %dma_start3A_57 = arith.constant 0 : i32
          %dma_start3A_58 = tpu.memref_slice %arg2[%dma_start3A_56, %dma_start3A_57] : memref<10000x128xf32, #tpu.memory_space<hbm>> -> memref<10000x128xf32, #tpu.memory_space<hbm>>
          tpu.enqueue_indirect_dma source(%dma_start3A_58 : memref<10000x128xf32, #tpu.memory_space<hbm>>) target(%arg12 : memref<80x128xf32, #tpu.memory_space<vmem>>) offsets(%arg8 : memref<80xi32, #tpu.memory_space<vmem>>) semaphore(%arg15 : memref<!tpu.dma_semaphore, #tpu.memory_space<semaphore_mem>>)
        } else {
        }
        %mul3A_40 = arith.constant 80 : i32
        %mul3A_41 = arith.muli %scan3A_20, %mul3A_40 : i32
        %add3A_42 = arith.addi %mul3A_4, %mul3A_41 : i32
        "tpu.region"() ({
          %run_scoped3A = tpu.sem_alloc : memref<!tpu.dma_semaphore, #tpu.memory_space<semaphore_mem>>
          %dma_start3A_51 = tpu.memref_slice %arg4[%add3A_42] : memref<320000xi32, #tpu.memory_space<hbm>> -> memref<80xi32, #tpu.memory_space<hbm>>
          %dma_start3A_52 = tpu.memref_slice %arg4[%add3A_42] : memref<320000xi32, #tpu.memory_space<hbm>> -> memref<80xi32, #tpu.memory_space<hbm>>
          tpu.enqueue_dma source(%dma_start3A_52 : memref<80xi32, #tpu.memory_space<hbm>>) target(%arg10 : memref<80xi32, #tpu.memory_space<vmem>>) target_semaphore(%run_scoped3A : memref<!tpu.dma_semaphore, #tpu.memory_space<semaphore_mem>>)
          %dma_wait3A_53 = tpu.memref_slice %arg4[%add3A_42] : memref<320000xi32, #tpu.memory_space<hbm>> -> memref<80xi32, #tpu.memory_space<hbm>>
          %dma_wait3A_54 = tpu.memref_slice %arg4[%add3A_42] : memref<320000xi32, #tpu.memory_space<hbm>> -> memref<80xi32, #tpu.memory_space<hbm>>
          tpu.wait_dma2 semaphore(%run_scoped3A : memref<!tpu.dma_semaphore, #tpu.memory_space<semaphore_mem>>) src(%dma_wait3A_54 : memref<80xi32, #tpu.memory_space<hbm>>) dst(%arg10 : memref<80xi32, #tpu.memory_space<vmem>>)
          tpu.yield
        }) : () -> ()
        "tpu.region"() ({
          %run_scoped3A = tpu.sem_alloc : memref<!tpu.dma_semaphore, #tpu.memory_space<semaphore_mem>>
          %dma_start3A_51 = arith.constant 0 : i32
          %dma_start3A_52 = tpu.memref_slice %arg11[%dma_start3A_51] : memref<96xf32, #tpu.memory_space<vmem>> -> memref<80xf32, #tpu.memory_space<vmem>>
          %dma_start3A_53 = tpu.memref_slice %arg5[%add3A_42] : memref<320000xf32, #tpu.memory_space<hbm>> -> memref<80xf32, #tpu.memory_space<hbm>>
          %dma_start3A_54 = arith.constant 0 : i32
          %dma_start3A_55 = tpu.memref_slice %arg11[%dma_start3A_54] : memref<96xf32, #tpu.memory_space<vmem>> -> memref<80xf32, #tpu.memory_space<vmem>>
          %dma_start3A_56 = tpu.memref_slice %arg5[%add3A_42] : memref<320000xf32, #tpu.memory_space<hbm>> -> memref<80xf32, #tpu.memory_space<hbm>>
          tpu.enqueue_dma source(%dma_start3A_56 : memref<80xf32, #tpu.memory_space<hbm>>) target(%dma_start3A_55 : memref<80xf32, #tpu.memory_space<vmem>>) target_semaphore(%run_scoped3A : memref<!tpu.dma_semaphore, #tpu.memory_space<semaphore_mem>>)
          %dma_wait3A_57 = arith.constant 0 : i32
          %dma_wait3A_58 = tpu.memref_slice %arg11[%dma_wait3A_57] : memref<96xf32, #tpu.memory_space<vmem>> -> memref<80xf32, #tpu.memory_space<vmem>>
          %dma_wait3A_59 = tpu.memref_slice %arg5[%add3A_42] : memref<320000xf32, #tpu.memory_space<hbm>> -> memref<80xf32, #tpu.memory_space<hbm>>
          %dma_wait3A_60 = arith.constant 0 : i32
          %dma_wait3A_61 = tpu.memref_slice %arg11[%dma_wait3A_60] : memref<96xf32, #tpu.memory_space<vmem>> -> memref<80xf32, #tpu.memory_space<vmem>>
          %dma_wait3A_62 = tpu.memref_slice %arg5[%add3A_42] : memref<320000xf32, #tpu.memory_space<hbm>> -> memref<80xf32, #tpu.memory_space<hbm>>
          tpu.wait_dma2 semaphore(%run_scoped3A : memref<!tpu.dma_semaphore, #tpu.memory_space<semaphore_mem>>) src(%dma_wait3A_62 : memref<80xf32, #tpu.memory_space<hbm>>) dst(%dma_wait3A_61 : memref<80xf32, #tpu.memory_space<vmem>>)
          tpu.yield
        }) : () -> ()
        %dma_wait3A = arith.constant 0 : i32
        %dma_wait3A_43 = arith.constant 0 : i32
        %dma_wait3A_44 = tpu.memref_slice %arg2[%dma_wait3A, %dma_wait3A_43] : memref<10000x128xf32, #tpu.memory_space<hbm>> -> memref<10000x128xf32, #tpu.memory_space<hbm>>
        tpu.wait_indirect_dma semaphore(%arg16 : memref<!tpu.dma_semaphore, #tpu.memory_space<semaphore_mem>>) src(%dma_wait3A_44 : memref<10000x128xf32, #tpu.memory_space<hbm>>) dst(%arg13 : memref<80x128xf32, #tpu.memory_space<vmem>>)
        %scan3A_45 = arith.constant 0 : i32
        %scan3A_46 = arith.constant 0 : i32
        %scan3A_47 = arith.constant 80 : i32
        %scan3A_48 = arith.addi %scan3A_46, %scan3A_47 : i32
        %scan3A_49 = arith.constant 1 : i32
        scf.for %scan3A_51 = %scan3A_46 to %scan3A_48 step %scan3A_49  : i32 {
          %get3A = arith.index_cast %scan3A_51 : i32 to index
          %get3A_52 = tpu.vector_load %arg11[%get3A] {strides = array<i32>} : memref<96xf32, #tpu.memory_space<vmem>>, vector<16xf32>,
          %get3A_53 = vector.shape_cast %get3A_52 : vector<16xf32> to vector<16xf32>
          %slice3A = vector.extract_strided_slice %get3A_53 {offsets = [0], sizes = [1], strides = [1]} : vector<16xf32> to vector<1xf32>
          %squeeze3A = vector.extract %slice3A[0] : f32 from vector<1xf32>
          %get3A_54 = arith.index_cast %scan3A_51 : i32 to index
          %get3A_55 = arith.constant 0 : index
          %get3A_56 = tpu.vector_load %arg13[%get3A_54, %get3A_55] {strides = array<i32>} : memref<80x128xf32, #tpu.memory_space<vmem>>, vector<1x16xf32>,
          %get3A_57 = vector.shape_cast %get3A_56 : vector<1x16xf32> to vector<16xf32>
          %mul3A_58 = vector.broadcast %squeeze3A : f32 to vector<16xf32>
          %mul3A_59 = arith.mulf %get3A_57, %mul3A_58 : vector<16xf32>
          %swap3A = arith.index_cast %scan3A_51 : i32 to index
          %swap3A_60 = arith.constant 0 : index
          %swap3A_61 = tpu.vector_load %arg13[%swap3A, %swap3A_60] {strides = array<i32>} : memref<80x128xf32, #tpu.memory_space<vmem>>, vector<1x16xf32>,
          %swap3A_62 = vector.shape_cast %swap3A_61 : vector<1x16xf32> to vector<16xf32>
          %swap3A_63 = vector.shape_cast %mul3A_59 : vector<16xf32> to vector<1x16xf32>
          tpu.vector_store %arg13[%swap3A, %swap3A_60], %swap3A_63 {strides = array<i32>} : memref<80x128xf32, #tpu.memory_space<vmem>>, vector<1x16xf32>,
          %get3A_64 = arith.index_cast %scan3A_51 : i32 to index
          %get3A_65 = arith.constant 16 : index
          %get3A_66 = tpu.vector_load %arg13[%get3A_64, %get3A_65] {strides = array<i32>} : memref<80x128xf32, #tpu.memory_space<vmem>>, vector<1x16xf32>,
          %get3A_67 = vector.shape_cast %get3A_66 : vector<1x16xf32> to vector<16xf32>
          %mul3A_68 = vector.broadcast %squeeze3A : f32 to vector<16xf32>
          %mul3A_69 = arith.mulf %get3A_67, %mul3A_68 : vector<16xf32>
          %swap3A_70 = arith.index_cast %scan3A_51 : i32 to index
          %swap3A_71 = arith.constant 16 : index
          %swap3A_72 = tpu.vector_load %arg13[%swap3A_70, %swap3A_71] {strides = array<i32>} : memref<80x128xf32, #tpu.memory_space<vmem>>, vector<1x16xf32>,
          %swap3A_73 = vector.shape_cast %swap3A_72 : vector<1x16xf32> to vector<16xf32>
          %swap3A_74 = vector.shape_cast %mul3A_69 : vector<16xf32> to vector<1x16xf32>
          tpu.vector_store %arg13[%swap3A_70, %swap3A_71], %swap3A_74 {strides = array<i32>} : memref<80x128xf32, #tpu.memory_space<vmem>>, vector<1x16xf32>,
          %get3A_75 = arith.index_cast %scan3A_51 : i32 to index
          %get3A_76 = arith.constant 32 : index
          %get3A_77 = tpu.vector_load %arg13[%get3A_75, %get3A_76] {strides = array<i32>} : memref<80x128xf32, #tpu.memory_space<vmem>>, vector<1x16xf32>,
          %get3A_78 = vector.shape_cast %get3A_77 : vector<1x16xf32> to vector<16xf32>
          %mul3A_79 = vector.broadcast %squeeze3A : f32 to vector<16xf32>
          %mul3A_80 = arith.mulf %get3A_78, %mul3A_79 : vector<16xf32>
          %swap3A_81 = arith.index_cast %scan3A_51 : i32 to index
          %swap3A_82 = arith.constant 32 : index
          %swap3A_83 = tpu.vector_load %arg13[%swap3A_81, %swap3A_82] {strides = array<i32>} : memref<80x128xf32, #tpu.memory_space<vmem>>, vector<1x16xf32>,
          %swap3A_84 = vector.shape_cast %swap3A_83 : vector<1x16xf32> to vector<16xf32>
          %swap3A_85 = vector.shape_cast %mul3A_80 : vector<16xf32> to vector<1x16xf32>
          tpu.vector_store %arg13[%swap3A_81, %swap3A_82], %swap3A_85 {strides = array<i32>} : memref<80x128xf32, #tpu.memory_space<vmem>>, vector<1x16xf32>,
          %get3A_86 = arith.index_cast %scan3A_51 : i32 to index
          %get3A_87 = arith.constant 48 : index
          %get3A_88 = tpu.vector_load %arg13[%get3A_86, %get3A_87] {strides = array<i32>} : memref<80x128xf32, #tpu.memory_space<vmem>>, vector<1x16xf32>,
          %get3A_89 = vector.shape_cast %get3A_88 : vector<1x16xf32> to vector<16xf32>
          %mul3A_90 = vector.broadcast %squeeze3A : f32 to vector<16xf32>
          %mul3A_91 = arith.mulf %get3A_89, %mul3A_90 : vector<16xf32>
          %swap3A_92 = arith.index_cast %scan3A_51 : i32 to index
          %swap3A_93 = arith.constant 48 : index
          %swap3A_94 = tpu.vector_load %arg13[%swap3A_92, %swap3A_93] {strides = array<i32>} : memref<80x128xf32, #tpu.memory_space<vmem>>, vector<1x16xf32>,
          %swap3A_95 = vector.shape_cast %swap3A_94 : vector<1x16xf32> to vector<16xf32>
          %swap3A_96 = vector.shape_cast %mul3A_91 : vector<16xf32> to vector<1x16xf32>
          tpu.vector_store %arg13[%swap3A_92, %swap3A_93], %swap3A_96 {strides = array<i32>} : memref<80x128xf32, #tpu.memory_space<vmem>>, vector<1x16xf32>,
          %get3A_97 = arith.index_cast %scan3A_51 : i32 to index
          %get3A_98 = arith.constant 64 : index
          %get3A_99 = tpu.vector_load %arg13[%get3A_97, %get3A_98] {strides = array<i32>} : memref<80x128xf32, #tpu.memory_space<vmem>>, vector<1x16xf32>,
          %get3A_100 = vector.shape_cast %get3A_99 : vector<1x16xf32> to vector<16xf32>
          %mul3A_101 = vector.broadcast %squeeze3A : f32 to vector<16xf32>
          %mul3A_102 = arith.mulf %get3A_100, %mul3A_101 : vector<16xf32>
          %swap3A_103 = arith.index_cast %scan3A_51 : i32 to index
          %swap3A_104 = arith.constant 64 : index
          %swap3A_105 = tpu.vector_load %arg13[%swap3A_103, %swap3A_104] {strides = array<i32>} : memref<80x128xf32, #tpu.memory_space<vmem>>, vector<1x16xf32>,
          %swap3A_106 = vector.shape_cast %swap3A_105 : vector<1x16xf32> to vector<16xf32>
          %swap3A_107 = vector.shape_cast %mul3A_102 : vector<16xf32> to vector<1x16xf32>
          tpu.vector_store %arg13[%swap3A_103, %swap3A_104], %swap3A_107 {strides = array<i32>} : memref<80x128xf32, #tpu.memory_space<vmem>>, vector<1x16xf32>,
          %get3A_108 = arith.index_cast %scan3A_51 : i32 to index
          %get3A_109 = arith.constant 80 : index
          %get3A_110 = tpu.vector_load %arg13[%get3A_108, %get3A_109] {strides = array<i32>} : memref<80x128xf32, #tpu.memory_space<vmem>>, vector<1x16xf32>,
          %get3A_111 = vector.shape_cast %get3A_110 : vector<1x16xf32> to vector<16xf32>
          %mul3A_112 = vector.broadcast %squeeze3A : f32 to vector<16xf32>
          %mul3A_113 = arith.mulf %get3A_111, %mul3A_112 : vector<16xf32>
          %swap3A_114 = arith.index_cast %scan3A_51 : i32 to index
          %swap3A_115 = arith.constant 80 : index
          %swap3A_116 = tpu.vector_load %arg13[%swap3A_114, %swap3A_115] {strides = array<i32>} : memref<80x128xf32, #tpu.memory_space<vmem>>, vector<1x16xf32>,
          %swap3A_117 = vector.shape_cast %swap3A_116 : vector<1x16xf32> to vector<16xf32>
          %swap3A_118 = vector.shape_cast %mul3A_113 : vector<16xf32> to vector<1x16xf32>
          tpu.vector_store %arg13[%swap3A_114, %swap3A_115], %swap3A_118 {strides = array<i32>} : memref<80x128xf32, #tpu.memory_space<vmem>>, vector<1x16xf32>,
          %get3A_119 = arith.index_cast %scan3A_51 : i32 to index
          %get3A_120 = arith.constant 96 : index
          %get3A_121 = tpu.vector_load %arg13[%get3A_119, %get3A_120] {strides = array<i32>} : memref<80x128xf32, #tpu.memory_space<vmem>>, vector<1x16xf32>,
          %get3A_122 = vector.shape_cast %get3A_121 : vector<1x16xf32> to vector<16xf32>
          %mul3A_123 = vector.broadcast %squeeze3A : f32 to vector<16xf32>
          %mul3A_124 = arith.mulf %get3A_122, %mul3A_123 : vector<16xf32>
          %swap3A_125 = arith.index_cast %scan3A_51 : i32 to index
          %swap3A_126 = arith.constant 96 : index
          %swap3A_127 = tpu.vector_load %arg13[%swap3A_125, %swap3A_126] {strides = array<i32>} : memref<80x128xf32, #tpu.memory_space<vmem>>, vector<1x16xf32>,
          %swap3A_128 = vector.shape_cast %swap3A_127 : vector<1x16xf32> to vector<16xf32>
          %swap3A_129 = vector.shape_cast %mul3A_124 : vector<16xf32> to vector<1x16xf32>
          tpu.vector_store %arg13[%swap3A_125, %swap3A_126], %swap3A_129 {strides = array<i32>} : memref<80x128xf32, #tpu.memory_space<vmem>>, vector<1x16xf32>,
          %get3A_130 = arith.index_cast %scan3A_51 : i32 to index
          %get3A_131 = arith.constant 112 : index
          %get3A_132 = tpu.vector_load %arg13[%get3A_130, %get3A_131] {strides = array<i32>} : memref<80x128xf32, #tpu.memory_space<vmem>>, vector<1x16xf32>,
          %get3A_133 = vector.shape_cast %get3A_132 : vector<1x16xf32> to vector<16xf32>
          %mul3A_134 = vector.broadcast %squeeze3A : f32 to vector<16xf32>
          %mul3A_135 = arith.mulf %get3A_133, %mul3A_134 : vector<16xf32>
          %swap3A_136 = arith.index_cast %scan3A_51 : i32 to index
          %swap3A_137 = arith.constant 112 : index
          %swap3A_138 = tpu.vector_load %arg13[%swap3A_136, %swap3A_137] {strides = array<i32>} : memref<80x128xf32, #tpu.memory_space<vmem>>, vector<1x16xf32>,
          %swap3A_139 = vector.shape_cast %swap3A_138 : vector<1x16xf32> to vector<16xf32>
          %swap3A_140 = vector.shape_cast %mul3A_135 : vector<16xf32> to vector<1x16xf32>
          tpu.vector_store %arg13[%swap3A_136, %swap3A_137], %swap3A_140 {strides = array<i32>} : memref<80x128xf32, #tpu.memory_space<vmem>>, vector<1x16xf32>,
        }
        %scan3A_50 = arith.constant 80 : i32
        "tpu.region"() ({
          %run_scoped3A = tpu.sem_alloc : memref<!tpu.dma_semaphore, #tpu.memory_space<semaphore_mem>>
          %dma_start3A_51 = arith.constant 0 : i32
          %dma_start3A_52 = arith.constant 0 : i32
          %dma_start3A_53 = tpu.memref_slice %arg14[%dma_start3A_51, %dma_start3A_52] : memref<10000x128xf32, #tpu.memory_space<vmem_shared>> -> memref<10000x128xf32, #tpu.memory_space<vmem_shared>>
          tpu.enqueue_indirect_dma source(%arg13 : memref<80x128xf32, #tpu.memory_space<vmem>>) target(%dma_start3A_53 : memref<10000x128xf32, #tpu.memory_space<vmem_shared>>) offsets(%arg10 : memref<80xi32, #tpu.memory_space<vmem>>) semaphore(%run_scoped3A : memref<!tpu.dma_semaphore, #tpu.memory_space<semaphore_mem>>) {add = true}
          %dma_wait3A_54 = arith.constant 0 : i32
          %dma_wait3A_55 = arith.constant 0 : i32
          %dma_wait3A_56 = tpu.memref_slice %arg14[%dma_wait3A_54, %dma_wait3A_55] : memref<10000x128xf32, #tpu.memory_space<vmem_shared>> -> memref<10000x128xf32, #tpu.memory_space<vmem_shared>>
          tpu.wait_indirect_dma semaphore(%run_scoped3A : memref<!tpu.dma_semaphore, #tpu.memory_space<semaphore_mem>>) src(%arg13 : memref<80x128xf32, #tpu.memory_space<vmem>>) dst(%dma_wait3A_56 : memref<10000x128xf32, #tpu.memory_space<vmem_shared>>)
          tpu.yield
        }) : () -> ()
      } else {
      }
    }
    %scan3A_13 = arith.constant 125 : i32
    %barrier3A_14 = arith.constant 0 : index
    tpu.barrier barrier_id(%barrier3A_14)
    %eq3A_15 = arith.constant 0 : i32
    %eq3A_16 = arith.cmpi eq, %arg1, %eq3A_15 : i32
    %convert_element_type3A_17 = arith.extui %eq3A_16 : i1 to i32
    %cond3A_18 = arith.constant 0 : i32
    %cond3A_19 = arith.cmpi ne, %convert_element_type3A_17, %cond3A_18 : i32
    scf.if %cond3A_19 {
      "tpu.region"() ({
        %run_scoped3A = tpu.sem_alloc : memref<!tpu.dma_semaphore, #tpu.memory_space<semaphore_mem>>
        %dma_start3A_20 = arith.constant 0 : i32
        %dma_start3A_21 = arith.constant 0 : i32
        %dma_start3A_22 = tpu.memref_slice %arg7[%arg0, %dma_start3A_20, %dma_start3A_21] : memref<2x10000x128xf32, #tpu.memory_space<hbm>> -> memref<1x10000x128xf32, #tpu.memory_space<hbm>>
        %dma_start3A_23 = tpu.memref_squeeze %dma_start3A_22 : memref<1x10000x128xf32, #tpu.memory_space<hbm>> -> memref<10000x128xf32, #tpu.memory_space<hbm>>
        tpu.enqueue_dma source(%arg14 : memref<10000x128xf32, #tpu.memory_space<vmem_shared>>) target(%dma_start3A_23 : memref<10000x128xf32, #tpu.memory_space<hbm>>) target_semaphore(%run_scoped3A : memref<!tpu.dma_semaphore, #tpu.memory_space<semaphore_mem>>)
        %dma_wait3A = arith.constant 0 : i32
        %dma_wait3A_24 = arith.constant 0 : i32
        %dma_wait3A_25 = tpu.memref_slice %arg7[%arg0, %dma_wait3A, %dma_wait3A_24] : memref<2x10000x128xf32, #tpu.memory_space<hbm>> -> memref<1x10000x128xf32, #tpu.memory_space<hbm>>
        %dma_wait3A_26 = tpu.memref_squeeze %dma_wait3A_25 : memref<1x10000x128xf32, #tpu.memory_space<hbm>> -> memref<10000x128xf32, #tpu.memory_space<hbm>>
        tpu.wait_dma2 semaphore(%run_scoped3A : memref<!tpu.dma_semaphore, #tpu.memory_space<semaphore_mem>>) src(%arg14 : memref<10000x128xf32, #tpu.memory_space<vmem_shared>>) dst(%dma_wait3A_26 : memref<10000x128xf32, #tpu.memory_space<hbm>>)
        tpu.yield
      }) : () -> ()
    } else {
    }
    return
  }
}

#map = affine_map<(d0, d1) -> (0, 0)>
#map1 = affine_map<(d0, d1) -> (0)>
#map2 = affine_map<(d0, d1) -> (0, 0, 0)>
module attributes {stable_mosaic.version = 14 : i64} {
  func.func @k(%arg0: i32, %arg1: i32, %arg2: memref<10000x128xf32, #tpu.memory_space<hbm>>, %arg3: memref<320000xi32, #tpu.memory_space<hbm>>, %arg4: memref<320000xi32, #tpu.memory_space<hbm>>, %arg5: memref<320000xf32, #tpu.memory_space<hbm>>, %arg6: memref<10000x128xf32, #tpu.memory_space<hbm>>, %arg7: memref<2x10000x128xf32, #tpu.memory_space<hbm>>, %arg8: memref<80xi32, #tpu.memory_space<vmem>>, %arg9: memref<80xi32, #tpu.memory_space<vmem>>, %arg10: memref<80xi32, #tpu.memory_space<vmem>>, %arg11: memref<96xf32, #tpu.memory_space<vmem>>, %arg12: memref<80x128xf32, #tpu.memory_space<vmem>>, %arg13: memref<80x128xf32, #tpu.memory_space<vmem>>, %arg14: memref<10000x128xf32, #tpu.memory_space<vmem_shared>>, %arg15: memref<!tpu.dma_semaphore, #tpu.memory_space<semaphore_mem>>, %arg16: memref<!tpu.dma_semaphore, #tpu.memory_space<semaphore_mem>>) attributes {dimension_semantics = [#tpu.dimension_semantics<core_parallel>, #tpu.dimension_semantics<subcore_parallel>], iteration_bounds = array<i64: 2, 16>, scalar_prefetch = 0 : i64, scratch_operands = 9 : i64, tpu.core_type = #tpu.core_type<sc_vector_subcore>, window_params = [{transform_indices = #map}, {transform_indices = #map1}, {transform_indices = #map1}, {transform_indices = #map1}, {transform_indices = #map}, {transform_indices = #map2}]} {
    %eq3A = arith.constant 0 : i32
    %eq3A_0 = arith.cmpi eq, %arg1, %eq3A : i32
    %convert_element_type3A = arith.extui %eq3A_0 : i1 to i32
    %cond3A = arith.constant 0 : i32
    %cond3A_1 = arith.cmpi ne, %convert_element_type3A, %cond3A : i32
    scf.if %cond3A_1 {
      "tpu.region"() ({
        %run_scoped3A = tpu.sem_alloc : memref<!tpu.dma_semaphore, #tpu.memory_space<semaphore_mem>>
        tpu.enqueue_dma source(%arg6 : memref<10000x128xf32, #tpu.memory_space<hbm>>) target(%arg14 : memref<10000x128xf32, #tpu.memory_space<vmem_shared>>) target_semaphore(%run_scoped3A : memref<!tpu.dma_semaphore, #tpu.memory_space<semaphore_mem>>)
        tpu.wait_dma2 semaphore(%run_scoped3A : memref<!tpu.dma_semaphore, #tpu.memory_space<semaphore_mem>>) src(%arg6 : memref<10000x128xf32, #tpu.memory_space<hbm>>) dst(%arg14 : memref<10000x128xf32, #tpu.memory_space<vmem_shared>>)
        tpu.yield
      }) : () -> ()
    } else {
    }
    %mul3A = arith.constant 2 : i32
    %mul3A_2 = arith.muli %arg1, %mul3A : i32
    %add3A = arith.addi %mul3A_2, %arg0 : i32
    %mul3A_3 = arith.constant 10000 : i32
    %mul3A_4 = arith.muli %add3A, %mul3A_3 : i32
    %add3A_5 = arith.constant 0 : i32
    %add3A_6 = arith.addi %mul3A_4, %add3A_5 : i32
    "tpu.region"() ({
      %run_scoped3A = tpu.sem_alloc : memref<!tpu.dma_semaphore, #tpu.memory_space<semaphore_mem>>
      %dma_start3A_20 = tpu.memref_slice %arg3[%add3A_6] : memref<320000xi32, #tpu.memory_space<hbm>> -> memref<80xi32, #tpu.memory_space<hbm>>
      %dma_start3A_21 = tpu.memref_slice %arg3[%add3A_6] : memref<320000xi32, #tpu.memory_space<hbm>> -> memref<80xi32, #tpu.memory_space<hbm>>
      tpu.enqueue_dma source(%dma_start3A_21 : memref<80xi32, #tpu.memory_space<hbm>>) target(%arg8 : memref<80xi32, #tpu.memory_space<vmem>>) target_semaphore(%run_scoped3A : memref<!tpu.dma_semaphore, #tpu.memory_space<semaphore_mem>>)
      %dma_wait3A = tpu.memref_slice %arg3[%add3A_6] : memref<320000xi32, #tpu.memory_space<hbm>> -> memref<80xi32, #tpu.memory_space<hbm>>
      %dma_wait3A_22 = tpu.memref_slice %arg3[%add3A_6] : memref<320000xi32, #tpu.memory_space<hbm>> -> memref<80xi32, #tpu.memory_space<hbm>>
      tpu.wait_dma2 semaphore(%run_scoped3A : memref<!tpu.dma_semaphore, #tpu.memory_space<semaphore_mem>>) src(%dma_wait3A_22 : memref<80xi32, #tpu.memory_space<hbm>>) dst(%arg8 : memref<80xi32, #tpu.memory_space<vmem>>)
      tpu.yield
    }) : () -> ()
    %dma_start3A = arith.constant 0 : i32
    %dma_start3A_7 = arith.constant 0 : i32
    %dma_start3A_8 = tpu.memref_slice %arg2[%dma_start3A, %dma_start3A_7] : memref<10000x128xf32, #tpu.memory_space<hbm>> -> memref<10000x128xf32, #tpu.memory_space<hbm>>
    tpu.enqueue_indirect_dma source(%dma_start3A_8 : memref<10000x128xf32, #tpu.memory_space<hbm>>) target(%arg12 : memref<80x128xf32, #tpu.memory_space<vmem>>) offsets(%arg8 : memref<80xi32, #tpu.memory_space<vmem>>) semaphore(%arg15 : memref<!tpu.dma_semaphore, #tpu.memory_space<semaphore_mem>>)
    %barrier3A = arith.constant 0 : index
    tpu.barrier barrier_id(%barrier3A)
    %scan3A = arith.constant 0 : i32
    %scan3A_9 = arith.constant 0 : i32
    %scan3A_10 = arith.constant 125 : i32
    %scan3A_11 = arith.addi %scan3A_9, %scan3A_10 : i32
    %scan3A_12 = arith.constant 1 : i32
    scf.for %scan3A_20 = %scan3A_9 to %scan3A_11 step %scan3A_12  : i32 {
      %rem3A = arith.constant 2 : i32
      %rem3A_21 = arith.remsi %scan3A_20, %rem3A : i32
      %eq3A_22 = arith.constant 0 : i32
      %eq3A_23 = arith.cmpi eq, %rem3A_21, %eq3A_22 : i32
      %convert_element_type3A_24 = arith.extui %eq3A_23 : i1 to i32
      %cond3A_25 = arith.constant 0 : i32
      %cond3A_26 = arith.cmpi ne, %convert_element_type3A_24, %cond3A_25 : i32
      scf.if %cond3A_26 {
        %add3A_34 = arith.constant 1 : i32
        %add3A_35 = arith.addi %scan3A_20, %add3A_34 : i32
        %lt3A = arith.constant 125 : i32
        %lt3A_36 = arith.cmpi slt, %add3A_35, %lt3A : i32
        %convert_element_type3A_37 = arith.extui %lt3A_36 : i1 to i32
        %cond3A_38 = arith.constant 0 : i32
        %cond3A_39 = arith.cmpi ne, %convert_element_type3A_37, %cond3A_38 : i32
        scf.if %cond3A_39 {
          %add3A_51 = arith.constant 1 : i32
          %add3A_52 = arith.addi %scan3A_20, %add3A_51 : i32
          %mul3A_53 = arith.constant 80 : i32
          %mul3A_54 = arith.muli %add3A_52, %mul3A_53 : i32
          %add3A_55 = arith.addi %mul3A_4, %mul3A_54 : i32
          "tpu.region"() ({
            %run_scoped3A = tpu.sem_alloc : memref<!tpu.dma_semaphore, #tpu.memory_space<semaphore_mem>>
            %dma_start3A_59 = tpu.memref_slice %arg3[%add3A_55] : memref<320000xi32, #tpu.memory_space<hbm>> -> memref<80xi32, #tpu.memory_space<hbm>>
            %dma_start3A_60 = tpu.memref_slice %arg3[%add3A_55] : memref<320000xi32, #tpu.memory_space<hbm>> -> memref<80xi32, #tpu.memory_space<hbm>>
            tpu.enqueue_dma source(%dma_start3A_60 : memref<80xi32, #tpu.memory_space<hbm>>) target(%arg9 : memref<80xi32, #tpu.memory_space<vmem>>) target_semaphore(%run_scoped3A : memref<!tpu.dma_semaphore, #tpu.memory_space<semaphore_mem>>)
            %dma_wait3A_61 = tpu.memref_slice %arg3[%add3A_55] : memref<320000xi32, #tpu.memory_space<hbm>> -> memref<80xi32, #tpu.memory_space<hbm>>
            %dma_wait3A_62 = tpu.memref_slice %arg3[%add3A_55] : memref<320000xi32, #tpu.memory_space<hbm>> -> memref<80xi32, #tpu.memory_space<hbm>>
            tpu.wait_dma2 semaphore(%run_scoped3A : memref<!tpu.dma_semaphore, #tpu.memory_space<semaphore_mem>>) src(%dma_wait3A_62 : memref<80xi32, #tpu.memory_space<hbm>>) dst(%arg9 : memref<80xi32, #tpu.memory_space<vmem>>)
            tpu.yield
          }) : () -> ()
          %dma_start3A_56 = arith.constant 0 : i32
          %dma_start3A_57 = arith.constant 0 : i32
          %dma_start3A_58 = tpu.memref_slice %arg2[%dma_start3A_56, %dma_start3A_57] : memref<10000x128xf32, #tpu.memory_space<hbm>> -> memref<10000x128xf32, #tpu.memory_space<hbm>>
          tpu.enqueue_indirect_dma source(%dma_start3A_58 : memref<10000x128xf32, #tpu.memory_space<hbm>>) target(%arg13 : memref<80x128xf32, #tpu.memory_space<vmem>>) offsets(%arg9 : memref<80xi32, #tpu.memory_space<vmem>>) semaphore(%arg16 : memref<!tpu.dma_semaphore, #tpu.memory_space<semaphore_mem>>)
        } else {
        }
        %mul3A_40 = arith.constant 80 : i32
        %mul3A_41 = arith.muli %scan3A_20, %mul3A_40 : i32
        %add3A_42 = arith.addi %mul3A_4, %mul3A_41 : i32
        "tpu.region"() ({
          %run_scoped3A = tpu.sem_alloc : memref<!tpu.dma_semaphore, #tpu.memory_space<semaphore_mem>>
          %dma_start3A_51 = tpu.memref_slice %arg4[%add3A_42] : memref<320000xi32, #tpu.memory_space<hbm>> -> memref<80xi32, #tpu.memory_space<hbm>>
          %dma_start3A_52 = tpu.memref_slice %arg4[%add3A_42] : memref<320000xi32, #tpu.memory_space<hbm>> -> memref<80xi32, #tpu.memory_space<hbm>>
          tpu.enqueue_dma source(%dma_start3A_52 : memref<80xi32, #tpu.memory_space<hbm>>) target(%arg10 : memref<80xi32, #tpu.memory_space<vmem>>) target_semaphore(%run_scoped3A : memref<!tpu.dma_semaphore, #tpu.memory_space<semaphore_mem>>)
          %dma_wait3A_53 = tpu.memref_slice %arg4[%add3A_42] : memref<320000xi32, #tpu.memory_space<hbm>> -> memref<80xi32, #tpu.memory_space<hbm>>
          %dma_wait3A_54 = tpu.memref_slice %arg4[%add3A_42] : memref<320000xi32, #tpu.memory_space<hbm>> -> memref<80xi32, #tpu.memory_space<hbm>>
          tpu.wait_dma2 semaphore(%run_scoped3A : memref<!tpu.dma_semaphore, #tpu.memory_space<semaphore_mem>>) src(%dma_wait3A_54 : memref<80xi32, #tpu.memory_space<hbm>>) dst(%arg10 : memref<80xi32, #tpu.memory_space<vmem>>)
          tpu.yield
        }) : () -> ()
        "tpu.region"() ({
          %run_scoped3A = tpu.sem_alloc : memref<!tpu.dma_semaphore, #tpu.memory_space<semaphore_mem>>
          %dma_start3A_51 = arith.constant 0 : i32
          %dma_start3A_52 = tpu.memref_slice %arg11[%dma_start3A_51] : memref<96xf32, #tpu.memory_space<vmem>> -> memref<80xf32, #tpu.memory_space<vmem>>
          %dma_start3A_53 = tpu.memref_slice %arg5[%add3A_42] : memref<320000xf32, #tpu.memory_space<hbm>> -> memref<80xf32, #tpu.memory_space<hbm>>
          %dma_start3A_54 = arith.constant 0 : i32
          %dma_start3A_55 = tpu.memref_slice %arg11[%dma_start3A_54] : memref<96xf32, #tpu.memory_space<vmem>> -> memref<80xf32, #tpu.memory_space<vmem>>
          %dma_start3A_56 = tpu.memref_slice %arg5[%add3A_42] : memref<320000xf32, #tpu.memory_space<hbm>> -> memref<80xf32, #tpu.memory_space<hbm>>
          tpu.enqueue_dma source(%dma_start3A_56 : memref<80xf32, #tpu.memory_space<hbm>>) target(%dma_start3A_55 : memref<80xf32, #tpu.memory_space<vmem>>) target_semaphore(%run_scoped3A : memref<!tpu.dma_semaphore, #tpu.memory_space<semaphore_mem>>)
          %dma_wait3A_57 = arith.constant 0 : i32
          %dma_wait3A_58 = tpu.memref_slice %arg11[%dma_wait3A_57] : memref<96xf32, #tpu.memory_space<vmem>> -> memref<80xf32, #tpu.memory_space<vmem>>
          %dma_wait3A_59 = tpu.memref_slice %arg5[%add3A_42] : memref<320000xf32, #tpu.memory_space<hbm>> -> memref<80xf32, #tpu.memory_space<hbm>>
          %dma_wait3A_60 = arith.constant 0 : i32
          %dma_wait3A_61 = tpu.memref_slice %arg11[%dma_wait3A_60] : memref<96xf32, #tpu.memory_space<vmem>> -> memref<80xf32, #tpu.memory_space<vmem>>
          %dma_wait3A_62 = tpu.memref_slice %arg5[%add3A_42] : memref<320000xf32, #tpu.memory_space<hbm>> -> memref<80xf32, #tpu.memory_space<hbm>>
          tpu.wait_dma2 semaphore(%run_scoped3A : memref<!tpu.dma_semaphore, #tpu.memory_space<semaphore_mem>>) src(%dma_wait3A_62 : memref<80xf32, #tpu.memory_space<hbm>>) dst(%dma_wait3A_61 : memref<80xf32, #tpu.memory_space<vmem>>)
          tpu.yield
        }) : () -> ()
        %dma_wait3A = arith.constant 0 : i32
        %dma_wait3A_43 = arith.constant 0 : i32
        %dma_wait3A_44 = tpu.memref_slice %arg2[%dma_wait3A, %dma_wait3A_43] : memref<10000x128xf32, #tpu.memory_space<hbm>> -> memref<10000x128xf32, #tpu.memory_space<hbm>>
        tpu.wait_indirect_dma semaphore(%arg15 : memref<!tpu.dma_semaphore, #tpu.memory_space<semaphore_mem>>) src(%dma_wait3A_44 : memref<10000x128xf32, #tpu.memory_space<hbm>>) dst(%arg12 : memref<80x128xf32, #tpu.memory_space<vmem>>)
        %scan3A_45 = arith.constant 0 : i32
        %scan3A_46 = arith.constant 0 : i32
        %scan3A_47 = arith.constant 80 : i32
        %scan3A_48 = arith.addi %scan3A_46, %scan3A_47 : i32
        %scan3A_49 = arith.constant 1 : i32
        scf.for %scan3A_51 = %scan3A_46 to %scan3A_48 step %scan3A_49  : i32 {
          %get3A = arith.index_cast %scan3A_51 : i32 to index
          %get3A_52 = tpu.vector_load %arg11[%get3A] {strides = array<i32>} : memref<96xf32, #tpu.memory_space<vmem>>, vector<16xf32>,
          %get3A_53 = vector.shape_cast %get3A_52 : vector<16xf32> to vector<16xf32>
          %slice3A = vector.extract_strided_slice %get3A_53 {offsets = [0], sizes = [1], strides = [1]} : vector<16xf32> to vector<1xf32>
          %squeeze3A = vector.extract %slice3A[0] : f32 from vector<1xf32>
          %get3A_54 = arith.index_cast %scan3A_51 : i32 to index
          %get3A_55 = arith.constant 0 : index
          %get3A_56 = tpu.vector_load %arg12[%get3A_54, %get3A_55] {strides = array<i32>} : memref<80x128xf32, #tpu.memory_space<vmem>>, vector<1x16xf32>,
          %get3A_57 = vector.shape_cast %get3A_56 : vector<1x16xf32> to vector<16xf32>
          %mul3A_58 = vector.broadcast %squeeze3A : f32 to vector<16xf32>
          %mul3A_59 = arith.mulf %get3A_57, %mul3A_58 : vector<16xf32>
          %swap3A = arith.index_cast %scan3A_51 : i32 to index
          %swap3A_60 = arith.constant 0 : index
          %swap3A_61 = tpu.vector_load %arg12[%swap3A, %swap3A_60] {strides = array<i32>} : memref<80x128xf32, #tpu.memory_space<vmem>>, vector<1x16xf32>,
          %swap3A_62 = vector.shape_cast %swap3A_61 : vector<1x16xf32> to vector<16xf32>
          %swap3A_63 = vector.shape_cast %mul3A_59 : vector<16xf32> to vector<1x16xf32>
          tpu.vector_store %arg12[%swap3A, %swap3A_60], %swap3A_63 {strides = array<i32>} : memref<80x128xf32, #tpu.memory_space<vmem>>, vector<1x16xf32>,
          %get3A_64 = arith.index_cast %scan3A_51 : i32 to index
          %get3A_65 = arith.constant 16 : index
          %get3A_66 = tpu.vector_load %arg12[%get3A_64, %get3A_65] {strides = array<i32>} : memref<80x128xf32, #tpu.memory_space<vmem>>, vector<1x16xf32>,
          %get3A_67 = vector.shape_cast %get3A_66 : vector<1x16xf32> to vector<16xf32>
          %mul3A_68 = vector.broadcast %squeeze3A : f32 to vector<16xf32>
          %mul3A_69 = arith.mulf %get3A_67, %mul3A_68 : vector<16xf32>
          %swap3A_70 = arith.index_cast %scan3A_51 : i32 to index
          %swap3A_71 = arith.constant 16 : index
          %swap3A_72 = tpu.vector_load %arg12[%swap3A_70, %swap3A_71] {strides = array<i32>} : memref<80x128xf32, #tpu.memory_space<vmem>>, vector<1x16xf32>,
          %swap3A_73 = vector.shape_cast %swap3A_72 : vector<1x16xf32> to vector<16xf32>
          %swap3A_74 = vector.shape_cast %mul3A_69 : vector<16xf32> to vector<1x16xf32>
          tpu.vector_store %arg12[%swap3A_70, %swap3A_71], %swap3A_74 {strides = array<i32>} : memref<80x128xf32, #tpu.memory_space<vmem>>, vector<1x16xf32>,
          %get3A_75 = arith.index_cast %scan3A_51 : i32 to index
          %get3A_76 = arith.constant 32 : index
          %get3A_77 = tpu.vector_load %arg12[%get3A_75, %get3A_76] {strides = array<i32>} : memref<80x128xf32, #tpu.memory_space<vmem>>, vector<1x16xf32>,
          %get3A_78 = vector.shape_cast %get3A_77 : vector<1x16xf32> to vector<16xf32>
          %mul3A_79 = vector.broadcast %squeeze3A : f32 to vector<16xf32>
          %mul3A_80 = arith.mulf %get3A_78, %mul3A_79 : vector<16xf32>
          %swap3A_81 = arith.index_cast %scan3A_51 : i32 to index
          %swap3A_82 = arith.constant 32 : index
          %swap3A_83 = tpu.vector_load %arg12[%swap3A_81, %swap3A_82] {strides = array<i32>} : memref<80x128xf32, #tpu.memory_space<vmem>>, vector<1x16xf32>,
          %swap3A_84 = vector.shape_cast %swap3A_83 : vector<1x16xf32> to vector<16xf32>
          %swap3A_85 = vector.shape_cast %mul3A_80 : vector<16xf32> to vector<1x16xf32>
          tpu.vector_store %arg12[%swap3A_81, %swap3A_82], %swap3A_85 {strides = array<i32>} : memref<80x128xf32, #tpu.memory_space<vmem>>, vector<1x16xf32>,
          %get3A_86 = arith.index_cast %scan3A_51 : i32 to index
          %get3A_87 = arith.constant 48 : index
          %get3A_88 = tpu.vector_load %arg12[%get3A_86, %get3A_87] {strides = array<i32>} : memref<80x128xf32, #tpu.memory_space<vmem>>, vector<1x16xf32>,
          %get3A_89 = vector.shape_cast %get3A_88 : vector<1x16xf32> to vector<16xf32>
          %mul3A_90 = vector.broadcast %squeeze3A : f32 to vector<16xf32>
          %mul3A_91 = arith.mulf %get3A_89, %mul3A_90 : vector<16xf32>
          %swap3A_92 = arith.index_cast %scan3A_51 : i32 to index
          %swap3A_93 = arith.constant 48 : index
          %swap3A_94 = tpu.vector_load %arg12[%swap3A_92, %swap3A_93] {strides = array<i32>} : memref<80x128xf32, #tpu.memory_space<vmem>>, vector<1x16xf32>,
          %swap3A_95 = vector.shape_cast %swap3A_94 : vector<1x16xf32> to vector<16xf32>
          %swap3A_96 = vector.shape_cast %mul3A_91 : vector<16xf32> to vector<1x16xf32>
          tpu.vector_store %arg12[%swap3A_92, %swap3A_93], %swap3A_96 {strides = array<i32>} : memref<80x128xf32, #tpu.memory_space<vmem>>, vector<1x16xf32>,
          %get3A_97 = arith.index_cast %scan3A_51 : i32 to index
          %get3A_98 = arith.constant 64 : index
          %get3A_99 = tpu.vector_load %arg12[%get3A_97, %get3A_98] {strides = array<i32>} : memref<80x128xf32, #tpu.memory_space<vmem>>, vector<1x16xf32>,
          %get3A_100 = vector.shape_cast %get3A_99 : vector<1x16xf32> to vector<16xf32>
          %mul3A_101 = vector.broadcast %squeeze3A : f32 to vector<16xf32>
          %mul3A_102 = arith.mulf %get3A_100, %mul3A_101 : vector<16xf32>
          %swap3A_103 = arith.index_cast %scan3A_51 : i32 to index
          %swap3A_104 = arith.constant 64 : index
          %swap3A_105 = tpu.vector_load %arg12[%swap3A_103, %swap3A_104] {strides = array<i32>} : memref<80x128xf32, #tpu.memory_space<vmem>>, vector<1x16xf32>,
          %swap3A_106 = vector.shape_cast %swap3A_105 : vector<1x16xf32> to vector<16xf32>
          %swap3A_107 = vector.shape_cast %mul3A_102 : vector<16xf32> to vector<1x16xf32>
          tpu.vector_store %arg12[%swap3A_103, %swap3A_104], %swap3A_107 {strides = array<i32>} : memref<80x128xf32, #tpu.memory_space<vmem>>, vector<1x16xf32>,
          %get3A_108 = arith.index_cast %scan3A_51 : i32 to index
          %get3A_109 = arith.constant 80 : index
          %get3A_110 = tpu.vector_load %arg12[%get3A_108, %get3A_109] {strides = array<i32>} : memref<80x128xf32, #tpu.memory_space<vmem>>, vector<1x16xf32>,
          %get3A_111 = vector.shape_cast %get3A_110 : vector<1x16xf32> to vector<16xf32>
          %mul3A_112 = vector.broadcast %squeeze3A : f32 to vector<16xf32>
          %mul3A_113 = arith.mulf %get3A_111, %mul3A_112 : vector<16xf32>
          %swap3A_114 = arith.index_cast %scan3A_51 : i32 to index
          %swap3A_115 = arith.constant 80 : index
          %swap3A_116 = tpu.vector_load %arg12[%swap3A_114, %swap3A_115] {strides = array<i32>} : memref<80x128xf32, #tpu.memory_space<vmem>>, vector<1x16xf32>,
          %swap3A_117 = vector.shape_cast %swap3A_116 : vector<1x16xf32> to vector<16xf32>
          %swap3A_118 = vector.shape_cast %mul3A_113 : vector<16xf32> to vector<1x16xf32>
          tpu.vector_store %arg12[%swap3A_114, %swap3A_115], %swap3A_118 {strides = array<i32>} : memref<80x128xf32, #tpu.memory_space<vmem>>, vector<1x16xf32>,
          %get3A_119 = arith.index_cast %scan3A_51 : i32 to index
          %get3A_120 = arith.constant 96 : index
          %get3A_121 = tpu.vector_load %arg12[%get3A_119, %get3A_120] {strides = array<i32>} : memref<80x128xf32, #tpu.memory_space<vmem>>, vector<1x16xf32>,
          %get3A_122 = vector.shape_cast %get3A_121 : vector<1x16xf32> to vector<16xf32>
          %mul3A_123 = vector.broadcast %squeeze3A : f32 to vector<16xf32>
          %mul3A_124 = arith.mulf %get3A_122, %mul3A_123 : vector<16xf32>
          %swap3A_125 = arith.index_cast %scan3A_51 : i32 to index
          %swap3A_126 = arith.constant 96 : index
          %swap3A_127 = tpu.vector_load %arg12[%swap3A_125, %swap3A_126] {strides = array<i32>} : memref<80x128xf32, #tpu.memory_space<vmem>>, vector<1x16xf32>,
          %swap3A_128 = vector.shape_cast %swap3A_127 : vector<1x16xf32> to vector<16xf32>
          %swap3A_129 = vector.shape_cast %mul3A_124 : vector<16xf32> to vector<1x16xf32>
          tpu.vector_store %arg12[%swap3A_125, %swap3A_126], %swap3A_129 {strides = array<i32>} : memref<80x128xf32, #tpu.memory_space<vmem>>, vector<1x16xf32>,
          %get3A_130 = arith.index_cast %scan3A_51 : i32 to index
          %get3A_131 = arith.constant 112 : index
          %get3A_132 = tpu.vector_load %arg12[%get3A_130, %get3A_131] {strides = array<i32>} : memref<80x128xf32, #tpu.memory_space<vmem>>, vector<1x16xf32>,
          %get3A_133 = vector.shape_cast %get3A_132 : vector<1x16xf32> to vector<16xf32>
          %mul3A_134 = vector.broadcast %squeeze3A : f32 to vector<16xf32>
          %mul3A_135 = arith.mulf %get3A_133, %mul3A_134 : vector<16xf32>
          %swap3A_136 = arith.index_cast %scan3A_51 : i32 to index
          %swap3A_137 = arith.constant 112 : index
          %swap3A_138 = tpu.vector_load %arg12[%swap3A_136, %swap3A_137] {strides = array<i32>} : memref<80x128xf32, #tpu.memory_space<vmem>>, vector<1x16xf32>,
          %swap3A_139 = vector.shape_cast %swap3A_138 : vector<1x16xf32> to vector<16xf32>
          %swap3A_140 = vector.shape_cast %mul3A_135 : vector<16xf32> to vector<1x16xf32>
          tpu.vector_store %arg12[%swap3A_136, %swap3A_137], %swap3A_140 {strides = array<i32>} : memref<80x128xf32, #tpu.memory_space<vmem>>, vector<1x16xf32>,
        }
        %scan3A_50 = arith.constant 80 : i32
        "tpu.region"() ({
          %run_scoped3A = tpu.sem_alloc : memref<!tpu.dma_semaphore, #tpu.memory_space<semaphore_mem>>
          %dma_start3A_51 = arith.constant 0 : i32
          %dma_start3A_52 = arith.constant 0 : i32
          %dma_start3A_53 = tpu.memref_slice %arg14[%dma_start3A_51, %dma_start3A_52] : memref<10000x128xf32, #tpu.memory_space<vmem_shared>> -> memref<10000x128xf32, #tpu.memory_space<vmem_shared>>
          tpu.enqueue_indirect_dma source(%arg12 : memref<80x128xf32, #tpu.memory_space<vmem>>) target(%dma_start3A_53 : memref<10000x128xf32, #tpu.memory_space<vmem_shared>>) offsets(%arg10 : memref<80xi32, #tpu.memory_space<vmem>>) semaphore(%run_scoped3A : memref<!tpu.dma_semaphore, #tpu.memory_space<semaphore_mem>>) {add = true}
          %dma_wait3A_54 = arith.constant 0 : i32
          %dma_wait3A_55 = arith.constant 0 : i32
          %dma_wait3A_56 = tpu.memref_slice %arg14[%dma_wait3A_54, %dma_wait3A_55] : memref<10000x128xf32, #tpu.memory_space<vmem_shared>> -> memref<10000x128xf32, #tpu.memory_space<vmem_shared>>
          tpu.wait_indirect_dma semaphore(%run_scoped3A : memref<!tpu.dma_semaphore, #tpu.memory_space<semaphore_mem>>) src(%arg12 : memref<80x128xf32, #tpu.memory_space<vmem>>) dst(%dma_wait3A_56 : memref<10000x128xf32, #tpu.memory_space<vmem_shared>>)
          tpu.yield
        }) : () -> ()
      } else {
      }
      %rem3A_27 = arith.constant 2 : i32
      %rem3A_28 = arith.remsi %scan3A_20, %rem3A_27 : i32
      %eq3A_29 = arith.constant 1 : i32
      %eq3A_30 = arith.cmpi eq, %rem3A_28, %eq3A_29 : i32
      %convert_element_type3A_31 = arith.extui %eq3A_30 : i1 to i32
      %cond3A_32 = arith.constant 0 : i32
      %cond3A_33 = arith.cmpi ne, %convert_element_type3A_31, %cond3A_32 : i32
      scf.if %cond3A_33 {
        %add3A_34 = arith.constant 1 : i32
        %add3A_35 = arith.addi %scan3A_20, %add3A_34 : i32
        %lt3A = arith.constant 125 : i32
        %lt3A_36 = arith.cmpi slt, %add3A_35, %lt3A : i32
        %convert_element_type3A_37 = arith.extui %lt3A_36 : i1 to i32
        %cond3A_38 = arith.constant 0 : i32
        %cond3A_39 = arith.cmpi ne, %convert_element_type3A_37, %cond3A_38 : i32
        scf.if %cond3A_39 {
          %add3A_51 = arith.constant 1 : i32
          %add3A_52 = arith.addi %scan3A_20, %add3A_51 : i32
          %mul3A_53 = arith.constant 80 : i32
          %mul3A_54 = arith.muli %add3A_52, %mul3A_53 : i32
          %add3A_55 = arith.addi %mul3A_4, %mul3A_54 : i32
          "tpu.region"() ({
            %run_scoped3A = tpu.sem_alloc : memref<!tpu.dma_semaphore, #tpu.memory_space<semaphore_mem>>
            %dma_start3A_59 = tpu.memref_slice %arg3[%add3A_55] : memref<320000xi32, #tpu.memory_space<hbm>> -> memref<80xi32, #tpu.memory_space<hbm>>
            %dma_start3A_60 = tpu.memref_slice %arg3[%add3A_55] : memref<320000xi32, #tpu.memory_space<hbm>> -> memref<80xi32, #tpu.memory_space<hbm>>
            tpu.enqueue_dma source(%dma_start3A_60 : memref<80xi32, #tpu.memory_space<hbm>>) target(%arg8 : memref<80xi32, #tpu.memory_space<vmem>>) target_semaphore(%run_scoped3A : memref<!tpu.dma_semaphore, #tpu.memory_space<semaphore_mem>>)
            %dma_wait3A_61 = tpu.memref_slice %arg3[%add3A_55] : memref<320000xi32, #tpu.memory_space<hbm>> -> memref<80xi32, #tpu.memory_space<hbm>>
            %dma_wait3A_62 = tpu.memref_slice %arg3[%add3A_55] : memref<320000xi32, #tpu.memory_space<hbm>> -> memref<80xi32, #tpu.memory_space<hbm>>
            tpu.wait_dma2 semaphore(%run_scoped3A : memref<!tpu.dma_semaphore, #tpu.memory_space<semaphore_mem>>) src(%dma_wait3A_62 : memref<80xi32, #tpu.memory_space<hbm>>) dst(%arg8 : memref<80xi32, #tpu.memory_space<vmem>>)
            tpu.yield
          }) : () -> ()
          %dma_start3A_56 = arith.constant 0 : i32
          %dma_start3A_57 = arith.constant 0 : i32
          %dma_start3A_58 = tpu.memref_slice %arg2[%dma_start3A_56, %dma_start3A_57] : memref<10000x128xf32, #tpu.memory_space<hbm>> -> memref<10000x128xf32, #tpu.memory_space<hbm>>
          tpu.enqueue_indirect_dma source(%dma_start3A_58 : memref<10000x128xf32, #tpu.memory_space<hbm>>) target(%arg12 : memref<80x128xf32, #tpu.memory_space<vmem>>) offsets(%arg8 : memref<80xi32, #tpu.memory_space<vmem>>) semaphore(%arg15 : memref<!tpu.dma_semaphore, #tpu.memory_space<semaphore_mem>>)
        } else {
        }
        %mul3A_40 = arith.constant 80 : i32
        %mul3A_41 = arith.muli %scan3A_20, %mul3A_40 : i32
        %add3A_42 = arith.addi %mul3A_4, %mul3A_41 : i32
        "tpu.region"() ({
          %run_scoped3A = tpu.sem_alloc : memref<!tpu.dma_semaphore, #tpu.memory_space<semaphore_mem>>
          %dma_start3A_51 = tpu.memref_slice %arg4[%add3A_42] : memref<320000xi32, #tpu.memory_space<hbm>> -> memref<80xi32, #tpu.memory_space<hbm>>
          %dma_start3A_52 = tpu.memref_slice %arg4[%add3A_42] : memref<320000xi32, #tpu.memory_space<hbm>> -> memref<80xi32, #tpu.memory_space<hbm>>
          tpu.enqueue_dma source(%dma_start3A_52 : memref<80xi32, #tpu.memory_space<hbm>>) target(%arg10 : memref<80xi32, #tpu.memory_space<vmem>>) target_semaphore(%run_scoped3A : memref<!tpu.dma_semaphore, #tpu.memory_space<semaphore_mem>>)
          %dma_wait3A_53 = tpu.memref_slice %arg4[%add3A_42] : memref<320000xi32, #tpu.memory_space<hbm>> -> memref<80xi32, #tpu.memory_space<hbm>>
          %dma_wait3A_54 = tpu.memref_slice %arg4[%add3A_42] : memref<320000xi32, #tpu.memory_space<hbm>> -> memref<80xi32, #tpu.memory_space<hbm>>
          tpu.wait_dma2 semaphore(%run_scoped3A : memref<!tpu.dma_semaphore, #tpu.memory_space<semaphore_mem>>) src(%dma_wait3A_54 : memref<80xi32, #tpu.memory_space<hbm>>) dst(%arg10 : memref<80xi32, #tpu.memory_space<vmem>>)
          tpu.yield
        }) : () -> ()
        "tpu.region"() ({
          %run_scoped3A = tpu.sem_alloc : memref<!tpu.dma_semaphore, #tpu.memory_space<semaphore_mem>>
          %dma_start3A_51 = arith.constant 0 : i32
          %dma_start3A_52 = tpu.memref_slice %arg11[%dma_start3A_51] : memref<96xf32, #tpu.memory_space<vmem>> -> memref<80xf32, #tpu.memory_space<vmem>>
          %dma_start3A_53 = tpu.memref_slice %arg5[%add3A_42] : memref<320000xf32, #tpu.memory_space<hbm>> -> memref<80xf32, #tpu.memory_space<hbm>>
          %dma_start3A_54 = arith.constant 0 : i32
          %dma_start3A_55 = tpu.memref_slice %arg11[%dma_start3A_54] : memref<96xf32, #tpu.memory_space<vmem>> -> memref<80xf32, #tpu.memory_space<vmem>>
          %dma_start3A_56 = tpu.memref_slice %arg5[%add3A_42] : memref<320000xf32, #tpu.memory_space<hbm>> -> memref<80xf32, #tpu.memory_space<hbm>>
          tpu.enqueue_dma source(%dma_start3A_56 : memref<80xf32, #tpu.memory_space<hbm>>) target(%dma_start3A_55 : memref<80xf32, #tpu.memory_space<vmem>>) target_semaphore(%run_scoped3A : memref<!tpu.dma_semaphore, #tpu.memory_space<semaphore_mem>>)
          %dma_wait3A_57 = arith.constant 0 : i32
          %dma_wait3A_58 = tpu.memref_slice %arg11[%dma_wait3A_57] : memref<96xf32, #tpu.memory_space<vmem>> -> memref<80xf32, #tpu.memory_space<vmem>>
          %dma_wait3A_59 = tpu.memref_slice %arg5[%add3A_42] : memref<320000xf32, #tpu.memory_space<hbm>> -> memref<80xf32, #tpu.memory_space<hbm>>
          %dma_wait3A_60 = arith.constant 0 : i32
          %dma_wait3A_61 = tpu.memref_slice %arg11[%dma_wait3A_60] : memref<96xf32, #tpu.memory_space<vmem>> -> memref<80xf32, #tpu.memory_space<vmem>>
          %dma_wait3A_62 = tpu.memref_slice %arg5[%add3A_42] : memref<320000xf32, #tpu.memory_space<hbm>> -> memref<80xf32, #tpu.memory_space<hbm>>
          tpu.wait_dma2 semaphore(%run_scoped3A : memref<!tpu.dma_semaphore, #tpu.memory_space<semaphore_mem>>) src(%dma_wait3A_62 : memref<80xf32, #tpu.memory_space<hbm>>) dst(%dma_wait3A_61 : memref<80xf32, #tpu.memory_space<vmem>>)
          tpu.yield
        }) : () -> ()
        %dma_wait3A = arith.constant 0 : i32
        %dma_wait3A_43 = arith.constant 0 : i32
        %dma_wait3A_44 = tpu.memref_slice %arg2[%dma_wait3A, %dma_wait3A_43] : memref<10000x128xf32, #tpu.memory_space<hbm>> -> memref<10000x128xf32, #tpu.memory_space<hbm>>
        tpu.wait_indirect_dma semaphore(%arg16 : memref<!tpu.dma_semaphore, #tpu.memory_space<semaphore_mem>>) src(%dma_wait3A_44 : memref<10000x128xf32, #tpu.memory_space<hbm>>) dst(%arg13 : memref<80x128xf32, #tpu.memory_space<vmem>>)
        %scan3A_45 = arith.constant 0 : i32
        %scan3A_46 = arith.constant 0 : i32
        %scan3A_47 = arith.constant 80 : i32
        %scan3A_48 = arith.addi %scan3A_46, %scan3A_47 : i32
        %scan3A_49 = arith.constant 1 : i32
        scf.for %scan3A_51 = %scan3A_46 to %scan3A_48 step %scan3A_49  : i32 {
          %get3A = arith.index_cast %scan3A_51 : i32 to index
          %get3A_52 = tpu.vector_load %arg11[%get3A] {strides = array<i32>} : memref<96xf32, #tpu.memory_space<vmem>>, vector<16xf32>,
          %get3A_53 = vector.shape_cast %get3A_52 : vector<16xf32> to vector<16xf32>
          %slice3A = vector.extract_strided_slice %get3A_53 {offsets = [0], sizes = [1], strides = [1]} : vector<16xf32> to vector<1xf32>
          %squeeze3A = vector.extract %slice3A[0] : f32 from vector<1xf32>
          %get3A_54 = arith.index_cast %scan3A_51 : i32 to index
          %get3A_55 = arith.constant 0 : index
          %get3A_56 = tpu.vector_load %arg13[%get3A_54, %get3A_55] {strides = array<i32>} : memref<80x128xf32, #tpu.memory_space<vmem>>, vector<1x16xf32>,
          %get3A_57 = vector.shape_cast %get3A_56 : vector<1x16xf32> to vector<16xf32>
          %mul3A_58 = vector.broadcast %squeeze3A : f32 to vector<16xf32>
          %mul3A_59 = arith.mulf %get3A_57, %mul3A_58 : vector<16xf32>
          %swap3A = arith.index_cast %scan3A_51 : i32 to index
          %swap3A_60 = arith.constant 0 : index
          %swap3A_61 = tpu.vector_load %arg13[%swap3A, %swap3A_60] {strides = array<i32>} : memref<80x128xf32, #tpu.memory_space<vmem>>, vector<1x16xf32>,
          %swap3A_62 = vector.shape_cast %swap3A_61 : vector<1x16xf32> to vector<16xf32>
          %swap3A_63 = vector.shape_cast %mul3A_59 : vector<16xf32> to vector<1x16xf32>
          tpu.vector_store %arg13[%swap3A, %swap3A_60], %swap3A_63 {strides = array<i32>} : memref<80x128xf32, #tpu.memory_space<vmem>>, vector<1x16xf32>,
          %get3A_64 = arith.index_cast %scan3A_51 : i32 to index
          %get3A_65 = arith.constant 16 : index
          %get3A_66 = tpu.vector_load %arg13[%get3A_64, %get3A_65] {strides = array<i32>} : memref<80x128xf32, #tpu.memory_space<vmem>>, vector<1x16xf32>,
          %get3A_67 = vector.shape_cast %get3A_66 : vector<1x16xf32> to vector<16xf32>
          %mul3A_68 = vector.broadcast %squeeze3A : f32 to vector<16xf32>
          %mul3A_69 = arith.mulf %get3A_67, %mul3A_68 : vector<16xf32>
          %swap3A_70 = arith.index_cast %scan3A_51 : i32 to index
          %swap3A_71 = arith.constant 16 : index
          %swap3A_72 = tpu.vector_load %arg13[%swap3A_70, %swap3A_71] {strides = array<i32>} : memref<80x128xf32, #tpu.memory_space<vmem>>, vector<1x16xf32>,
          %swap3A_73 = vector.shape_cast %swap3A_72 : vector<1x16xf32> to vector<16xf32>
          %swap3A_74 = vector.shape_cast %mul3A_69 : vector<16xf32> to vector<1x16xf32>
          tpu.vector_store %arg13[%swap3A_70, %swap3A_71], %swap3A_74 {strides = array<i32>} : memref<80x128xf32, #tpu.memory_space<vmem>>, vector<1x16xf32>,
          %get3A_75 = arith.index_cast %scan3A_51 : i32 to index
          %get3A_76 = arith.constant 32 : index
          %get3A_77 = tpu.vector_load %arg13[%get3A_75, %get3A_76] {strides = array<i32>} : memref<80x128xf32, #tpu.memory_space<vmem>>, vector<1x16xf32>,
          %get3A_78 = vector.shape_cast %get3A_77 : vector<1x16xf32> to vector<16xf32>
          %mul3A_79 = vector.broadcast %squeeze3A : f32 to vector<16xf32>
          %mul3A_80 = arith.mulf %get3A_78, %mul3A_79 : vector<16xf32>
          %swap3A_81 = arith.index_cast %scan3A_51 : i32 to index
          %swap3A_82 = arith.constant 32 : index
          %swap3A_83 = tpu.vector_load %arg13[%swap3A_81, %swap3A_82] {strides = array<i32>} : memref<80x128xf32, #tpu.memory_space<vmem>>, vector<1x16xf32>,
          %swap3A_84 = vector.shape_cast %swap3A_83 : vector<1x16xf32> to vector<16xf32>
          %swap3A_85 = vector.shape_cast %mul3A_80 : vector<16xf32> to vector<1x16xf32>
          tpu.vector_store %arg13[%swap3A_81, %swap3A_82], %swap3A_85 {strides = array<i32>} : memref<80x128xf32, #tpu.memory_space<vmem>>, vector<1x16xf32>,
          %get3A_86 = arith.index_cast %scan3A_51 : i32 to index
          %get3A_87 = arith.constant 48 : index
          %get3A_88 = tpu.vector_load %arg13[%get3A_86, %get3A_87] {strides = array<i32>} : memref<80x128xf32, #tpu.memory_space<vmem>>, vector<1x16xf32>,
          %get3A_89 = vector.shape_cast %get3A_88 : vector<1x16xf32> to vector<16xf32>
          %mul3A_90 = vector.broadcast %squeeze3A : f32 to vector<16xf32>
          %mul3A_91 = arith.mulf %get3A_89, %mul3A_90 : vector<16xf32>
          %swap3A_92 = arith.index_cast %scan3A_51 : i32 to index
          %swap3A_93 = arith.constant 48 : index
          %swap3A_94 = tpu.vector_load %arg13[%swap3A_92, %swap3A_93] {strides = array<i32>} : memref<80x128xf32, #tpu.memory_space<vmem>>, vector<1x16xf32>,
          %swap3A_95 = vector.shape_cast %swap3A_94 : vector<1x16xf32> to vector<16xf32>
          %swap3A_96 = vector.shape_cast %mul3A_91 : vector<16xf32> to vector<1x16xf32>
          tpu.vector_store %arg13[%swap3A_92, %swap3A_93], %swap3A_96 {strides = array<i32>} : memref<80x128xf32, #tpu.memory_space<vmem>>, vector<1x16xf32>,
          %get3A_97 = arith.index_cast %scan3A_51 : i32 to index
          %get3A_98 = arith.constant 64 : index
          %get3A_99 = tpu.vector_load %arg13[%get3A_97, %get3A_98] {strides = array<i32>} : memref<80x128xf32, #tpu.memory_space<vmem>>, vector<1x16xf32>,
          %get3A_100 = vector.shape_cast %get3A_99 : vector<1x16xf32> to vector<16xf32>
          %mul3A_101 = vector.broadcast %squeeze3A : f32 to vector<16xf32>
          %mul3A_102 = arith.mulf %get3A_100, %mul3A_101 : vector<16xf32>
          %swap3A_103 = arith.index_cast %scan3A_51 : i32 to index
          %swap3A_104 = arith.constant 64 : index
          %swap3A_105 = tpu.vector_load %arg13[%swap3A_103, %swap3A_104] {strides = array<i32>} : memref<80x128xf32, #tpu.memory_space<vmem>>, vector<1x16xf32>,
          %swap3A_106 = vector.shape_cast %swap3A_105 : vector<1x16xf32> to vector<16xf32>
          %swap3A_107 = vector.shape_cast %mul3A_102 : vector<16xf32> to vector<1x16xf32>
          tpu.vector_store %arg13[%swap3A_103, %swap3A_104], %swap3A_107 {strides = array<i32>} : memref<80x128xf32, #tpu.memory_space<vmem>>, vector<1x16xf32>,
          %get3A_108 = arith.index_cast %scan3A_51 : i32 to index
          %get3A_109 = arith.constant 80 : index
          %get3A_110 = tpu.vector_load %arg13[%get3A_108, %get3A_109] {strides = array<i32>} : memref<80x128xf32, #tpu.memory_space<vmem>>, vector<1x16xf32>,
          %get3A_111 = vector.shape_cast %get3A_110 : vector<1x16xf32> to vector<16xf32>
          %mul3A_112 = vector.broadcast %squeeze3A : f32 to vector<16xf32>
          %mul3A_113 = arith.mulf %get3A_111, %mul3A_112 : vector<16xf32>
          %swap3A_114 = arith.index_cast %scan3A_51 : i32 to index
          %swap3A_115 = arith.constant 80 : index
          %swap3A_116 = tpu.vector_load %arg13[%swap3A_114, %swap3A_115] {strides = array<i32>} : memref<80x128xf32, #tpu.memory_space<vmem>>, vector<1x16xf32>,
          %swap3A_117 = vector.shape_cast %swap3A_116 : vector<1x16xf32> to vector<16xf32>
          %swap3A_118 = vector.shape_cast %mul3A_113 : vector<16xf32> to vector<1x16xf32>
          tpu.vector_store %arg13[%swap3A_114, %swap3A_115], %swap3A_118 {strides = array<i32>} : memref<80x128xf32, #tpu.memory_space<vmem>>, vector<1x16xf32>,
          %get3A_119 = arith.index_cast %scan3A_51 : i32 to index
          %get3A_120 = arith.constant 96 : index
          %get3A_121 = tpu.vector_load %arg13[%get3A_119, %get3A_120] {strides = array<i32>} : memref<80x128xf32, #tpu.memory_space<vmem>>, vector<1x16xf32>,
          %get3A_122 = vector.shape_cast %get3A_121 : vector<1x16xf32> to vector<16xf32>
          %mul3A_123 = vector.broadcast %squeeze3A : f32 to vector<16xf32>
          %mul3A_124 = arith.mulf %get3A_122, %mul3A_123 : vector<16xf32>
          %swap3A_125 = arith.index_cast %scan3A_51 : i32 to index
          %swap3A_126 = arith.constant 96 : index
          %swap3A_127 = tpu.vector_load %arg13[%swap3A_125, %swap3A_126] {strides = array<i32>} : memref<80x128xf32, #tpu.memory_space<vmem>>, vector<1x16xf32>,
          %swap3A_128 = vector.shape_cast %swap3A_127 : vector<1x16xf32> to vector<16xf32>
          %swap3A_129 = vector.shape_cast %mul3A_124 : vector<16xf32> to vector<1x16xf32>
          tpu.vector_store %arg13[%swap3A_125, %swap3A_126], %swap3A_129 {strides = array<i32>} : memref<80x128xf32, #tpu.memory_space<vmem>>, vector<1x16xf32>,
          %get3A_130 = arith.index_cast %scan3A_51 : i32 to index
          %get3A_131 = arith.constant 112 : index
          %get3A_132 = tpu.vector_load %arg13[%get3A_130, %get3A_131] {strides = array<i32>} : memref<80x128xf32, #tpu.memory_space<vmem>>, vector<1x16xf32>,
          %get3A_133 = vector.shape_cast %get3A_132 : vector<1x16xf32> to vector<16xf32>
          %mul3A_134 = vector.broadcast %squeeze3A : f32 to vector<16xf32>
          %mul3A_135 = arith.mulf %get3A_133, %mul3A_134 : vector<16xf32>
          %swap3A_136 = arith.index_cast %scan3A_51 : i32 to index
          %swap3A_137 = arith.constant 112 : index
          %swap3A_138 = tpu.vector_load %arg13[%swap3A_136, %swap3A_137] {strides = array<i32>} : memref<80x128xf32, #tpu.memory_space<vmem>>, vector<1x16xf32>,
          %swap3A_139 = vector.shape_cast %swap3A_138 : vector<1x16xf32> to vector<16xf32>
          %swap3A_140 = vector.shape_cast %mul3A_135 : vector<16xf32> to vector<1x16xf32>
          tpu.vector_store %arg13[%swap3A_136, %swap3A_137], %swap3A_140 {strides = array<i32>} : memref<80x128xf32, #tpu.memory_space<vmem>>, vector<1x16xf32>,
        }
        %scan3A_50 = arith.constant 80 : i32
        "tpu.region"() ({
          %run_scoped3A = tpu.sem_alloc : memref<!tpu.dma_semaphore, #tpu.memory_space<semaphore_mem>>
          %dma_start3A_51 = arith.constant 0 : i32
          %dma_start3A_52 = arith.constant 0 : i32
          %dma_start3A_53 = tpu.memref_slice %arg14[%dma_start3A_51, %dma_start3A_52] : memref<10000x128xf32, #tpu.memory_space<vmem_shared>> -> memref<10000x128xf32, #tpu.memory_space<vmem_shared>>
          tpu.enqueue_indirect_dma source(%arg13 : memref<80x128xf32, #tpu.memory_space<vmem>>) target(%dma_start3A_53 : memref<10000x128xf32, #tpu.memory_space<vmem_shared>>) offsets(%arg10 : memref<80xi32, #tpu.memory_space<vmem>>) semaphore(%run_scoped3A : memref<!tpu.dma_semaphore, #tpu.memory_space<semaphore_mem>>) {add = true}
          %dma_wait3A_54 = arith.constant 0 : i32
          %dma_wait3A_55 = arith.constant 0 : i32
          %dma_wait3A_56 = tpu.memref_slice %arg14[%dma_wait3A_54, %dma_wait3A_55] : memref<10000x128xf32, #tpu.memory_space<vmem_shared>> -> memref<10000x128xf32, #tpu.memory_space<vmem_shared>>
          tpu.wait_indirect_dma semaphore(%run_scoped3A : memref<!tpu.dma_semaphore, #tpu.memory_space<semaphore_mem>>) src(%arg13 : memref<80x128xf32, #tpu.memory_space<vmem>>) dst(%dma_wait3A_56 : memref<10000x128xf32, #tpu.memory_space<vmem_shared>>)
          tpu.yield
        }) : () -> ()
      } else {
      }
    }
    %scan3A_13 = arith.constant 125 : i32
    %barrier3A_14 = arith.constant 0 : index
    tpu.barrier barrier_id(%barrier3A_14)
    %eq3A_15 = arith.constant 0 : i32
    %eq3A_16 = arith.cmpi eq, %arg1, %eq3A_15 : i32
    %convert_element_type3A_17 = arith.extui %eq3A_16 : i1 to i32
    %cond3A_18 = arith.constant 0 : i32
    %cond3A_19 = arith.cmpi ne, %convert_element_type3A_17, %cond3A_18 : i32
    scf.if %cond3A_19 {
      "tpu.region"() ({
        %run_scoped3A = tpu.sem_alloc : memref<!tpu.dma_semaphore, #tpu.memory_space<semaphore_mem>>
        %dma_start3A_20 = arith.constant 0 : i32
        %dma_start3A_21 = arith.constant 0 : i32
        %dma_start3A_22 = tpu.memref_slice %arg7[%arg0, %dma_start3A_20, %dma_start3A_21] : memref<2x10000x128xf32, #tpu.memory_space<hbm>> -> memref<1x10000x128xf32, #tpu.memory_space<hbm>>
        %dma_start3A_23 = tpu.memref_squeeze %dma_start3A_22 : memref<1x10000x128xf32, #tpu.memory_space<hbm>> -> memref<10000x128xf32, #tpu.memory_space<hbm>>
        tpu.enqueue_dma source(%arg14 : memref<10000x128xf32, #tpu.memory_space<vmem_shared>>) target(%dma_start3A_23 : memref<10000x128xf32, #tpu.memory_space<hbm>>) target_semaphore(%run_scoped3A : memref<!tpu.dma_semaphore, #tpu.memory_space<semaphore_mem>>)
        %dma_wait3A = arith.constant 0 : i32
        %dma_wait3A_24 = arith.constant 0 : i32
        %dma_wait3A_25 = tpu.memref_slice %arg7[%arg0, %dma_wait3A, %dma_wait3A_24] : memref<2x10000x128xf32, #tpu.memory_space<hbm>> -> memref<1x10000x128xf32, #tpu.memory_space<hbm>>
        %dma_wait3A_26 = tpu.memref_squeeze %dma_wait3A_25 : memref<1x10000x128xf32, #tpu.memory_space<hbm>> -> memref<10000x128xf32, #tpu.memory_space<hbm>>
        tpu.wait_dma2 semaphore(%run_scoped3A : memref<!tpu.dma_semaphore, #tpu.memory_space<semaphore_mem>>) src(%arg14 : memref<10000x128xf32, #tpu.memory_space<vmem_shared>>) dst(%dma_wait3A_26 : memref<10000x128xf32, #tpu.memory_space<hbm>>)
        tpu.yield
      }) : () -> ()
    } else {
    }
    return
  }
}

module attributes {stable_mosaic.version = 14 : i64} {
  func.func @_proj_body(%arg0: i32, %arg1: memref<1000x128xf32, #tpu.memory_space<vmem>>, %arg2: memref<128x128xf32, #tpu.memory_space<vmem>>, %arg3: memref<128x128xf32, #tpu.memory_space<vmem>>, %arg4: memref<1000x128xf32, #tpu.memory_space<vmem>>, %arg5: memref<1000x128xf32, #tpu.memory_space<vmem>>) attributes {dimension_semantics = [#tpu.dimension_semantics<arbitrary>], iteration_bounds = array<i64: 10>, scalar_prefetch = 0 : i64, scratch_operands = 0 : i64, tpu.core_type = #tpu.core_type<tc>, window_params = [{transform_indices = @transform_0, window_bounds = array<i64: 1000, 128>}, {pipeline_mode = #tpu.pipeline_mode<synchronous>, transform_indices = @transform_1, window_bounds = array<i64: 128, 128>}, {pipeline_mode = #tpu.pipeline_mode<synchronous>, transform_indices = @transform_2, window_bounds = array<i64: 128, 128>}, {transform_indices = @transform_3, window_bounds = array<i64: 1000, 128>}, {transform_indices = @transform_4, window_bounds = array<i64: 1000, 128>}]} {
    %get3A = arith.constant 0 : index
    %get3A_0 = arith.constant 0 : index
    %get3A_1 = vector.load %arg1[%get3A, %get3A_0] : memref<1000x128xf32, #tpu.memory_space<vmem>>, vector<1000x128xf32>
    %get3A_2 = arith.constant 0 : index
    %get3A_3 = arith.constant 0 : index
    %get3A_4 = vector.load %arg2[%get3A_2, %get3A_3] : memref<128x128xf32, #tpu.memory_space<vmem>>, vector<128x128xf32>
    %dot_general3A = arith.constant dense<0.000000e+00> : vector<1000x128xf32>
    %dot_general3A_5 = tpu.matmul %get3A_1, %get3A_4, %dot_general3A {dimension_numbers = #tpu.dot_dimension_numbers<[1], [0], [0], [1], [0, 0, 1, 1], [], []>, transpose_lhs_hint = false} : vector<1000x128xf32>, vector<128x128xf32>, vector<1000x128xf32> -> vector<1000x128xf32>
    %swap3A = arith.constant 0 : index
    %swap3A_6 = arith.constant 0 : index
    %swap3A_7 = vector.load %arg4[%swap3A, %swap3A_6] : memref<1000x128xf32, #tpu.memory_space<vmem>>, vector<1000x128xf32>
    tpu.vector_store %arg4[%swap3A, %swap3A_6], %dot_general3A_5 {strides = array<i32>} : memref<1000x128xf32, #tpu.memory_space<vmem>>, vector<1000x128xf32>,
    %get3A_8 = arith.constant 0 : index
    %get3A_9 = arith.constant 0 : index
    %get3A_10 = vector.load %arg3[%get3A_8, %get3A_9] : memref<128x128xf32, #tpu.memory_space<vmem>>, vector<128x128xf32>
    %dot_general3A_11 = arith.constant dense<0.000000e+00> : vector<1000x128xf32>
    %dot_general3A_12 = tpu.matmul %get3A_1, %get3A_10, %dot_general3A_11 {dimension_numbers = #tpu.dot_dimension_numbers<[1], [0], [0], [1], [0, 0, 1, 1], [], []>, transpose_lhs_hint = false} : vector<1000x128xf32>, vector<128x128xf32>, vector<1000x128xf32> -> vector<1000x128xf32>
    %swap3A_13 = arith.constant 0 : index
    %swap3A_14 = arith.constant 0 : index
    %swap3A_15 = vector.load %arg5[%swap3A_13, %swap3A_14] : memref<1000x128xf32, #tpu.memory_space<vmem>>, vector<1000x128xf32>
    tpu.vector_store %arg5[%swap3A_13, %swap3A_14], %dot_general3A_12 {strides = array<i32>} : memref<1000x128xf32, #tpu.memory_space<vmem>>, vector<1000x128xf32>,
    return
  }
  func.func @transform_0(%arg0: i32) -> (i32, i32) {
    %c0_i32 = arith.constant 0 : i32
    %c0_i32_0 = arith.constant 0 : i32
    return %arg0, %c0_i32 : i32, i32
  }
  func.func @transform_1(%arg0: i32) -> (i32, i32) {
    %c0_i32 = arith.constant 0 : i32
    %c0_i32_0 = arith.constant 0 : i32
    %c0_i32_1 = arith.constant 0 : i32
    return %c0_i32, %c0_i32_0 : i32, i32
  }
  func.func @transform_2(%arg0: i32) -> (i32, i32) {
    %c0_i32 = arith.constant 0 : i32
    %c0_i32_0 = arith.constant 0 : i32
    %c0_i32_1 = arith.constant 0 : i32
    return %c0_i32, %c0_i32_0 : i32, i32
  }
  func.func @transform_3(%arg0: i32) -> (i32, i32) {
    %c0_i32 = arith.constant 0 : i32
    %c0_i32_0 = arith.constant 0 : i32
    return %arg0, %c0_i32 : i32, i32
  }
  func.func @transform_4(%arg0: i32) -> (i32, i32) {
    %c0_i32 = arith.constant 0 : i32
    %c0_i32_0 = arith.constant 0 : i32
    return %arg0, %c0_i32 : i32, i32
  }
}

module attributes {stable_mosaic.version = 14 : i64} {
  func.func @_stats_body(%arg0: i32, %arg1: i32, %arg2: memref<1000x128xf32, #tpu.memory_space<vmem>>, %arg3: memref<1000x128xf32, #tpu.memory_space<vmem>>, %arg4: memref<1000x1xf32, #tpu.memory_space<vmem>>, %arg5: memref<1000x1xf32, #tpu.memory_space<vmem>>) attributes {dimension_semantics = [#tpu.dimension_semantics<arbitrary>, #tpu.dimension_semantics<arbitrary>], iteration_bounds = array<i64: 10, 10>, scalar_prefetch = 0 : i64, scratch_operands = 0 : i64, tpu.core_type = #tpu.core_type<tc>, window_params = [{transform_indices = @transform_0, window_bounds = array<i64: 1000, 128>}, {transform_indices = @transform_1, window_bounds = array<i64: 1000, 128>}, {transform_indices = @transform_2, window_bounds = array<i64: 1000, 1>}, {transform_indices = @transform_3, window_bounds = array<i64: 1000, 1>}]} {
    %get3A = arith.constant 0 : index
    %get3A_0 = arith.constant 0 : index
    %get3A_1 = vector.load %arg2[%get3A, %get3A_0] : memref<1000x128xf32, #tpu.memory_space<vmem>>, vector<1000x128xf32>
    %get3A_2 = arith.constant 0 : index
    %get3A_3 = arith.constant 0 : index
    %get3A_4 = vector.load %arg3[%get3A_2, %get3A_3] : memref<1000x128xf32, #tpu.memory_space<vmem>>, vector<1000x128xf32>
    %dot_general3A = arith.constant dense<0.000000e+00> : vector<1000x1000xf32>
    %dot_general3A_5 = tpu.matmul %get3A_1, %get3A_4, %dot_general3A {dimension_numbers = #tpu.dot_dimension_numbers<[1], [1], [0], [0], [0, 0, 1, 0], [], []>, transpose_lhs_hint = false} : vector<1000x128xf32>, vector<1000x128xf32>, vector<1000x1000xf32> -> vector<1000x1000xf32>
    %ge3A = arith.constant 0.000000e+00 : f32
    %ge3A_6 = vector.broadcast %ge3A : f32 to vector<1000x1000xf32>
    %ge3A_7 = arith.cmpf oge, %dot_general3A_5, %ge3A_6 : vector<1000x1000xf32>
    %mul3A = arith.constant 2.000000e-01 : f32
    %mul3A_8 = vector.broadcast %mul3A : f32 to vector<1000x1000xf32>
    %mul3A_9 = arith.mulf %mul3A_8, %dot_general3A_5 : vector<1000x1000xf32>
    %select_n3A = arith.select %ge3A_7, %dot_general3A_5, %mul3A_9 : vector<1000x1000xi1>, vector<1000x1000xf32>
    %reduce_max3A = arith.constant dense<0xFF800000> : vector<1000xf32>
    %reduce_max3A_10 = vector.multi_reduction <maximumf>, %select_n3A, %reduce_max3A [1] : vector<1000x1000xf32> to vector<1000xf32>
    %broadcast_in_dim3A = vector.shape_cast %reduce_max3A_10 : vector<1000xf32> to vector<1000x1xf32>
    %eq3A = arith.constant 0 : i32
    %eq3A_11 = arith.cmpi eq, %arg1, %eq3A : i32
    %convert_element_type3A = arith.extui %eq3A_11 : i1 to i32
    %cond3A = arith.constant 0 : i32
    %cond3A_12 = arith.cmpi ne, %convert_element_type3A, %cond3A : i32
    scf.if %cond3A_12 {
      %swap3A = arith.constant 0 : index
      %swap3A_17 = arith.constant 0 : index
      %swap3A_18 = vector.load %arg4[%swap3A, %swap3A_17] : memref<1000x1xf32, #tpu.memory_space<vmem>>, vector<1000x1xf32>
      tpu.vector_store %arg4[%swap3A, %swap3A_17], %broadcast_in_dim3A {strides = array<i32>} : memref<1000x1xf32, #tpu.memory_space<vmem>>, vector<1000x1xf32>,
      %sub3A = vector.broadcast %broadcast_in_dim3A : vector<1000x1xf32> to vector<1000x1000xf32>
      %sub3A_19 = arith.subf %select_n3A, %sub3A : vector<1000x1000xf32>
      %exp3A = math.exp %sub3A_19 : vector<1000x1000xf32>
      %reduce_sum3A = arith.constant dense<0.000000e+00> : vector<1000xf32>
      %reduce_sum3A_20 = vector.multi_reduction <add>, %exp3A, %reduce_sum3A [1] : vector<1000x1000xf32> to vector<1000xf32>
      %broadcast_in_dim3A_21 = vector.shape_cast %reduce_sum3A_20 : vector<1000xf32> to vector<1000x1xf32>
      %swap3A_22 = arith.constant 0 : index
      %swap3A_23 = arith.constant 0 : index
      %swap3A_24 = vector.load %arg5[%swap3A_22, %swap3A_23] : memref<1000x1xf32, #tpu.memory_space<vmem>>, vector<1000x1xf32>
      tpu.vector_store %arg5[%swap3A_22, %swap3A_23], %broadcast_in_dim3A_21 {strides = array<i32>} : memref<1000x1xf32, #tpu.memory_space<vmem>>, vector<1000x1xf32>,
    } else {
    }
    %gt3A = arith.constant 0 : i32
    %gt3A_13 = arith.cmpi sgt, %arg1, %gt3A : i32
    %convert_element_type3A_14 = arith.extui %gt3A_13 : i1 to i32
    %cond3A_15 = arith.constant 0 : i32
    %cond3A_16 = arith.cmpi ne, %convert_element_type3A_14, %cond3A_15 : i32
    scf.if %cond3A_16 {
      %get3A_17 = arith.constant 0 : index
      %get3A_18 = arith.constant 0 : index
      %get3A_19 = vector.load %arg4[%get3A_17, %get3A_18] : memref<1000x1xf32, #tpu.memory_space<vmem>>, vector<1000x1xf32>
      %get3A_20 = arith.constant 0 : index
      %get3A_21 = arith.constant 0 : index
      %get3A_22 = vector.load %arg5[%get3A_20, %get3A_21] : memref<1000x1xf32, #tpu.memory_space<vmem>>, vector<1000x1xf32>
      %max3A = arith.maximumf %get3A_19, %broadcast_in_dim3A : vector<1000x1xf32>
      %sub3A = arith.subf %get3A_19, %max3A : vector<1000x1xf32>
      %exp3A = math.exp %sub3A : vector<1000x1xf32>
      %mul3A_23 = arith.mulf %get3A_22, %exp3A : vector<1000x1xf32>
      %sub3A_24 = vector.broadcast %max3A : vector<1000x1xf32> to vector<1000x1000xf32>
      %sub3A_25 = arith.subf %select_n3A, %sub3A_24 : vector<1000x1000xf32>
      %exp3A_26 = math.exp %sub3A_25 : vector<1000x1000xf32>
      %reduce_sum3A = arith.constant dense<0.000000e+00> : vector<1000xf32>
      %reduce_sum3A_27 = vector.multi_reduction <add>, %exp3A_26, %reduce_sum3A [1] : vector<1000x1000xf32> to vector<1000xf32>
      %broadcast_in_dim3A_28 = vector.shape_cast %reduce_sum3A_27 : vector<1000xf32> to vector<1000x1xf32>
      %add3A = arith.addf %mul3A_23, %broadcast_in_dim3A_28 : vector<1000x1xf32>
      %swap3A = arith.constant 0 : index
      %swap3A_29 = arith.constant 0 : index
      %swap3A_30 = vector.load %arg5[%swap3A, %swap3A_29] : memref<1000x1xf32, #tpu.memory_space<vmem>>, vector<1000x1xf32>
      tpu.vector_store %arg5[%swap3A, %swap3A_29], %add3A {strides = array<i32>} : memref<1000x1xf32, #tpu.memory_space<vmem>>, vector<1000x1xf32>,
      %swap3A_31 = arith.constant 0 : index
      %swap3A_32 = arith.constant 0 : index
      %swap3A_33 = vector.load %arg4[%swap3A_31, %swap3A_32] : memref<1000x1xf32, #tpu.memory_space<vmem>>, vector<1000x1xf32>
      tpu.vector_store %arg4[%swap3A_31, %swap3A_32], %max3A {strides = array<i32>} : memref<1000x1xf32, #tpu.memory_space<vmem>>, vector<1000x1xf32>,
    } else {
    }
    return
  }
  func.func @transform_0(%arg0: i32, %arg1: i32) -> (i32, i32) {
    %c0_i32 = arith.constant 0 : i32
    %c0_i32_0 = arith.constant 0 : i32
    return %arg0, %c0_i32 : i32, i32
  }
  func.func @transform_1(%arg0: i32, %arg1: i32) -> (i32, i32) {
    %c0_i32 = arith.constant 0 : i32
    %c0_i32_0 = arith.constant 0 : i32
    return %arg1, %c0_i32 : i32, i32
  }
  func.func @transform_2(%arg0: i32, %arg1: i32) -> (i32, i32) {
    %c0_i32 = arith.constant 0 : i32
    %c0_i32_0 = arith.constant 0 : i32
    return %arg0, %c0_i32 : i32, i32
  }
  func.func @transform_3(%arg0: i32, %arg1: i32) -> (i32, i32) {
    %c0_i32 = arith.constant 0 : i32
    %c0_i32_0 = arith.constant 0 : i32
    return %arg0, %c0_i32 : i32, i32
  }
}

module attributes {stable_mosaic.version = 14 : i64} {
  func.func @_vals_body(%arg0: i32, %arg1: memref<4000x256xf32, #tpu.memory_space<vmem>>, %arg2: memref<4000x128xf32, #tpu.memory_space<vmem>>, %arg3: memref<4000x1xf32, #tpu.memory_space<vmem>>, %arg4: memref<4000x1xf32, #tpu.memory_space<vmem>>) attributes {dimension_semantics = [#tpu.dimension_semantics<arbitrary>], iteration_bounds = array<i64: 80>, scalar_prefetch = 0 : i64, scratch_operands = 0 : i64, tpu.core_type = #tpu.core_type<tc>, window_params = [{transform_indices = @transform_0, window_bounds = array<i64: 4000, 256>}, {transform_indices = @transform_1, window_bounds = array<i64: 4000, 128>}, {transform_indices = @transform_2, window_bounds = array<i64: 4000, 1>}, {transform_indices = @transform_3, window_bounds = array<i64: 4000, 1>}]} {
    %get3A = arith.constant 0 : index
    %get3A_0 = arith.constant 0 : index
    %get3A_1 = vector.load %arg1[%get3A, %get3A_0] : memref<4000x256xf32, #tpu.memory_space<vmem>>, vector<4000x128xf32>
    %get3A_2 = arith.constant 0 : index
    %get3A_3 = arith.constant 0 : index
    %get3A_4 = vector.load %arg2[%get3A_2, %get3A_3] : memref<4000x128xf32, #tpu.memory_space<vmem>>, vector<4000x128xf32>
    %mul3A = arith.mulf %get3A_1, %get3A_4 : vector<4000x128xf32>
    %reduce_sum3A = arith.constant dense<0.000000e+00> : vector<4000xf32>
    %reduce_sum3A_5 = vector.multi_reduction <add>, %mul3A, %reduce_sum3A [1] : vector<4000x128xf32> to vector<4000xf32>
    %broadcast_in_dim3A = vector.shape_cast %reduce_sum3A_5 : vector<4000xf32> to vector<4000x1xf32>
    %ge3A = arith.constant 0.000000e+00 : f32
    %ge3A_6 = vector.broadcast %ge3A : f32 to vector<4000x1xf32>
    %ge3A_7 = arith.cmpf oge, %broadcast_in_dim3A, %ge3A_6 : vector<4000x1xf32>
    %mul3A_8 = arith.constant 2.000000e-01 : f32
    %mul3A_9 = vector.broadcast %mul3A_8 : f32 to vector<4000x1xf32>
    %mul3A_10 = arith.mulf %mul3A_9, %broadcast_in_dim3A : vector<4000x1xf32>
    %select_n3A = arith.select %ge3A_7, %broadcast_in_dim3A, %mul3A_10 : vector<4000x1xi1>, vector<4000x1xf32>
    %get3A_11 = arith.constant 0 : index
    %get3A_12 = arith.constant 128 : index
    %get3A_13 = vector.load %arg1[%get3A_11, %get3A_12] : memref<4000x256xf32, #tpu.memory_space<vmem>>, vector<4000x1xf32>
    %get3A_14 = arith.constant 0 : index
    %get3A_15 = arith.constant 129 : index
    %get3A_16 = vector.load %arg1[%get3A_14, %get3A_15] : memref<4000x256xf32, #tpu.memory_space<vmem>>, vector<4000x1xf32>
    %get3A_17 = arith.constant 0 : index
    %get3A_18 = arith.constant 0 : index
    %get3A_19 = vector.load %arg3[%get3A_17, %get3A_18] : memref<4000x1xf32, #tpu.memory_space<vmem>>, vector<4000x1xf32>
    %sub3A = arith.subf %select_n3A, %get3A_13 : vector<4000x1xf32>
    %exp3A = math.exp %sub3A : vector<4000x1xf32>
    %mul3A_20 = arith.mulf %get3A_19, %exp3A : vector<4000x1xf32>
    %div3A = arith.divf %mul3A_20, %get3A_16 : vector<4000x1xf32>
    %swap3A = arith.constant 0 : index
    %swap3A_21 = arith.constant 0 : index
    %swap3A_22 = vector.load %arg4[%swap3A, %swap3A_21] : memref<4000x1xf32, #tpu.memory_space<vmem>>, vector<4000x1xf32>
    tpu.vector_store %arg4[%swap3A, %swap3A_21], %div3A {strides = array<i32>} : memref<4000x1xf32, #tpu.memory_space<vmem>>, vector<4000x1xf32>,
    return
  }
  func.func @transform_0(%arg0: i32) -> (i32, i32) {
    %c0_i32 = arith.constant 0 : i32
    %c0_i32_0 = arith.constant 0 : i32
    return %arg0, %c0_i32 : i32, i32
  }
  func.func @transform_1(%arg0: i32) -> (i32, i32) {
    %c0_i32 = arith.constant 0 : i32
    %c0_i32_0 = arith.constant 0 : i32
    return %arg0, %c0_i32 : i32, i32
  }
  func.func @transform_2(%arg0: i32) -> (i32, i32) {
    %c0_i32 = arith.constant 0 : i32
    %c0_i32_0 = arith.constant 0 : i32
    return %arg0, %c0_i32 : i32, i32
  }
  func.func @transform_3(%arg0: i32) -> (i32, i32) {
    %c0_i32 = arith.constant 0 : i32
    %c0_i32_0 = arith.constant 0 : i32
    return %arg0, %c0_i32 : i32, i32
  }
}

module attributes {stable_mosaic.version = 14 : i64} {
  func.func @_upd_body(%arg0: i32, %arg1: memref<1000x128xf32, #tpu.memory_space<vmem>>, %arg2: memref<1000x128xf32, #tpu.memory_space<vmem>>, %arg3: memref<1000x128xf32, #tpu.memory_space<vmem>>, %arg4: memref<1000x128xf32, #tpu.memory_space<vmem>>, %arg5: memref<1000x128xf32, #tpu.memory_space<vmem>>, %arg6: memref<1000x128xf32, #tpu.memory_space<vmem>>, %arg7: memref<1xf32, #tpu.memory_space<smem>>, %arg8: memref<1xf32, #tpu.memory_space<smem>>, %arg9: memref<1000x128xf32, #tpu.memory_space<vmem>>) attributes {dimension_semantics = [#tpu.dimension_semantics<arbitrary>], iteration_bounds = array<i64: 10>, scalar_prefetch = 0 : i64, scratch_operands = 0 : i64, tpu.core_type = #tpu.core_type<tc>, window_params = [{transform_indices = @transform_0, window_bounds = array<i64: 1000, 128>}, {transform_indices = @transform_1, window_bounds = array<i64: 1000, 128>}, {transform_indices = @transform_2, window_bounds = array<i64: 1000, 128>}, {transform_indices = @transform_3, window_bounds = array<i64: 1000, 128>}, {transform_indices = @transform_4, window_bounds = array<i64: 1000, 128>}, {transform_indices = @transform_5, window_bounds = array<i64: 1000, 128>}, {transform_indices = @transform_6, window_bounds = array<i64: 1>}, {transform_indices = @transform_7, window_bounds = array<i64: 1>}, {transform_indices = @transform_8, window_bounds = array<i64: 1000, 128>}]} {
    %get3A = arith.constant 0 : index
    %get3A_0 = memref.load %arg7[%get3A] : memref<1xf32, #tpu.memory_space<smem>>
    %exp3A = math.exp %get3A_0 : f32
    %get3A_1 = arith.constant 0 : index
    %get3A_2 = memref.load %arg8[%get3A_1] : memref<1xf32, #tpu.memory_space<smem>>
    %exp3A_3 = math.exp %get3A_2 : f32
    %get3A_4 = arith.constant 0 : index
    %get3A_5 = arith.constant 0 : index
    %get3A_6 = vector.load %arg5[%get3A_4, %get3A_5] : memref<1000x128xf32, #tpu.memory_space<vmem>>, vector<1000x128xf32>
    %get3A_7 = arith.constant 0 : index
    %get3A_8 = arith.constant 0 : index
    %get3A_9 = vector.load %arg6[%get3A_7, %get3A_8] : memref<1000x128xf32, #tpu.memory_space<vmem>>, vector<1000x128xf32>
    %add3A = arith.addf %get3A_6, %get3A_9 : vector<1000x128xf32>
    %get3A_10 = arith.constant 0 : index
    %get3A_11 = arith.constant 0 : index
    %get3A_12 = vector.load %arg3[%get3A_10, %get3A_11] : memref<1000x128xf32, #tpu.memory_space<vmem>>, vector<1000x128xf32>
    %get3A_13 = arith.constant 0 : index
    %get3A_14 = arith.constant 0 : index
    %get3A_15 = vector.load %arg4[%get3A_13, %get3A_14] : memref<1000x128xf32, #tpu.memory_space<vmem>>, vector<1000x128xf32>
    %add3A_16 = arith.addf %get3A_12, %get3A_15 : vector<1000x128xf32>
    %get3A_17 = arith.constant 0 : index
    %get3A_18 = arith.constant 0 : index
    %get3A_19 = vector.load %arg1[%get3A_17, %get3A_18] : memref<1000x128xf32, #tpu.memory_space<vmem>>, vector<1000x128xf32>
    %mul3A = vector.broadcast %exp3A_3 : f32 to vector<1000x128xf32>
    %mul3A_20 = arith.mulf %get3A_19, %mul3A : vector<1000x128xf32>
    %get3A_21 = arith.constant 0 : index
    %get3A_22 = arith.constant 0 : index
    %get3A_23 = vector.load %arg2[%get3A_21, %get3A_22] : memref<1000x128xf32, #tpu.memory_space<vmem>>, vector<1000x128xf32>
    %add3A_24 = arith.addf %add3A_16, %get3A_23 : vector<1000x128xf32>
    %mul3A_25 = vector.broadcast %exp3A : f32 to vector<1000x128xf32>
    %mul3A_26 = arith.mulf %add3A_24, %mul3A_25 : vector<1000x128xf32>
    %add3A_27 = arith.addf %mul3A_20, %mul3A_26 : vector<1000x128xf32>
    %mul3A_28 = vector.broadcast %exp3A : f32 to vector<1000x128xf32>
    %mul3A_29 = arith.mulf %add3A, %mul3A_28 : vector<1000x128xf32>
    %add3A_30 = vector.broadcast %exp3A_3 : f32 to vector<1000x128xf32>
    %add3A_31 = arith.addf %add3A_30, %mul3A_29 : vector<1000x128xf32>
    %add3A_32 = vector.broadcast %exp3A : f32 to vector<1000x128xf32>
    %add3A_33 = arith.addf %add3A_31, %add3A_32 : vector<1000x128xf32>
    %div3A = arith.divf %add3A_27, %add3A_33 : vector<1000x128xf32>
    %swap3A = arith.constant 0 : index
    %swap3A_34 = arith.constant 0 : index
    %swap3A_35 = vector.load %arg9[%swap3A, %swap3A_34] : memref<1000x128xf32, #tpu.memory_space<vmem>>, vector<1000x128xf32>
    tpu.vector_store %arg9[%swap3A, %swap3A_34], %div3A {strides = array<i32>} : memref<1000x128xf32, #tpu.memory_space<vmem>>, vector<1000x128xf32>,
    return
  }
  func.func @transform_0(%arg0: i32) -> (i32, i32) {
    %c0_i32 = arith.constant 0 : i32
    %c0_i32_0 = arith.constant 0 : i32
    return %arg0, %c0_i32 : i32, i32
  }
  func.func @transform_1(%arg0: i32) -> (i32, i32) {
    %c0_i32 = arith.constant 0 : i32
    %c0_i32_0 = arith.constant 0 : i32
    return %arg0, %c0_i32 : i32, i32
  }
  func.func @transform_2(%arg0: i32) -> (i32, i32) {
    %c0_i32 = arith.constant 0 : i32
    %c0_i32_0 = arith.constant 0 : i32
    return %arg0, %c0_i32 : i32, i32
  }
  func.func @transform_3(%arg0: i32) -> (i32, i32) {
    %c0_i32 = arith.constant 0 : i32
    %c0_i32_0 = arith.constant 0 : i32
    return %arg0, %c0_i32 : i32, i32
  }
  func.func @transform_4(%arg0: i32) -> (i32, i32) {
    %c0_i32 = arith.constant 0 : i32
    %c0_i32_0 = arith.constant 0 : i32
    return %arg0, %c0_i32 : i32, i32
  }
  func.func @transform_5(%arg0: i32) -> (i32, i32) {
    %c0_i32 = arith.constant 0 : i32
    %c0_i32_0 = arith.constant 0 : i32
    return %arg0, %c0_i32 : i32, i32
  }
  func.func @transform_6(%arg0: i32) -> i32 {
    %c0_i32 = arith.constant 0 : i32
    %c0_i32_0 = arith.constant 0 : i32
    return %c0_i32 : i32
  }
  func.func @transform_7(%arg0: i32) -> i32 {
    %c0_i32 = arith.constant 0 : i32
    %c0_i32_0 = arith.constant 0 : i32
    return %c0_i32 : i32
  }
  func.func @transform_8(%arg0: i32) -> (i32, i32) {
    %c0_i32 = arith.constant 0 : i32
    %c0_i32_0 = arith.constant 0 : i32
    return %arg0, %c0_i32 : i32, i32
  }
}

module attributes {stable_mosaic.version = 14 : i64} {
  func.func @_upd_body(%arg0: i32, %arg1: memref<1000x128xf32, #tpu.memory_space<vmem>>, %arg2: memref<1000x128xf32, #tpu.memory_space<vmem>>, %arg3: memref<1000x128xf32, #tpu.memory_space<vmem>>, %arg4: memref<1000x128xf32, #tpu.memory_space<vmem>>, %arg5: memref<1000x128xf32, #tpu.memory_space<vmem>>, %arg6: memref<1000x128xf32, #tpu.memory_space<vmem>>, %arg7: memref<1xf32, #tpu.memory_space<smem>>, %arg8: memref<1xf32, #tpu.memory_space<smem>>, %arg9: memref<1000x128xf32, #tpu.memory_space<vmem>>) attributes {dimension_semantics = [#tpu.dimension_semantics<arbitrary>], iteration_bounds = array<i64: 10>, scalar_prefetch = 0 : i64, scratch_operands = 0 : i64, tpu.core_type = #tpu.core_type<tc>, window_params = [{transform_indices = @transform_0, window_bounds = array<i64: 1000, 128>}, {transform_indices = @transform_1, window_bounds = array<i64: 1000, 128>}, {transform_indices = @transform_2, window_bounds = array<i64: 1000, 128>}, {transform_indices = @transform_3, window_bounds = array<i64: 1000, 128>}, {transform_indices = @transform_4, window_bounds = array<i64: 1000, 128>}, {transform_indices = @transform_5, window_bounds = array<i64: 1000, 128>}, {transform_indices = @transform_6, window_bounds = array<i64: 1>}, {transform_indices = @transform_7, window_bounds = array<i64: 1>}, {transform_indices = @transform_8, window_bounds = array<i64: 1000, 128>}]} {
    %get3A = arith.constant 0 : index
    %get3A_0 = memref.load %arg7[%get3A] : memref<1xf32, #tpu.memory_space<smem>>
    %exp3A = math.exp %get3A_0 : f32
    %get3A_1 = arith.constant 0 : index
    %get3A_2 = memref.load %arg8[%get3A_1] : memref<1xf32, #tpu.memory_space<smem>>
    %exp3A_3 = math.exp %get3A_2 : f32
    %get3A_4 = arith.constant 0 : index
    %get3A_5 = arith.constant 0 : index
    %get3A_6 = vector.load %arg5[%get3A_4, %get3A_5] : memref<1000x128xf32, #tpu.memory_space<vmem>>, vector<1000x128xf32>
    %get3A_7 = arith.constant 0 : index
    %get3A_8 = arith.constant 0 : index
    %get3A_9 = vector.load %arg6[%get3A_7, %get3A_8] : memref<1000x128xf32, #tpu.memory_space<vmem>>, vector<1000x128xf32>
    %add3A = arith.addf %get3A_6, %get3A_9 : vector<1000x128xf32>
    %get3A_10 = arith.constant 0 : index
    %get3A_11 = arith.constant 0 : index
    %get3A_12 = vector.load %arg3[%get3A_10, %get3A_11] : memref<1000x128xf32, #tpu.memory_space<vmem>>, vector<1000x128xf32>
    %get3A_13 = arith.constant 0 : index
    %get3A_14 = arith.constant 0 : index
    %get3A_15 = vector.load %arg4[%get3A_13, %get3A_14] : memref<1000x128xf32, #tpu.memory_space<vmem>>, vector<1000x128xf32>
    %add3A_16 = arith.addf %get3A_12, %get3A_15 : vector<1000x128xf32>
    %get3A_17 = arith.constant 0 : index
    %get3A_18 = arith.constant 0 : index
    %get3A_19 = vector.load %arg1[%get3A_17, %get3A_18] : memref<1000x128xf32, #tpu.memory_space<vmem>>, vector<1000x128xf32>
    %mul3A = vector.broadcast %exp3A_3 : f32 to vector<1000x128xf32>
    %mul3A_20 = arith.mulf %get3A_19, %mul3A : vector<1000x128xf32>
    %get3A_21 = arith.constant 0 : index
    %get3A_22 = arith.constant 0 : index
    %get3A_23 = vector.load %arg2[%get3A_21, %get3A_22] : memref<1000x128xf32, #tpu.memory_space<vmem>>, vector<1000x128xf32>
    %add3A_24 = arith.addf %add3A_16, %get3A_23 : vector<1000x128xf32>
    %mul3A_25 = vector.broadcast %exp3A : f32 to vector<1000x128xf32>
    %mul3A_26 = arith.mulf %add3A_24, %mul3A_25 : vector<1000x128xf32>
    %add3A_27 = arith.addf %mul3A_20, %mul3A_26 : vector<1000x128xf32>
    %mul3A_28 = vector.broadcast %exp3A : f32 to vector<1000x128xf32>
    %mul3A_29 = arith.mulf %add3A, %mul3A_28 : vector<1000x128xf32>
    %add3A_30 = vector.broadcast %exp3A_3 : f32 to vector<1000x128xf32>
    %add3A_31 = arith.addf %add3A_30, %mul3A_29 : vector<1000x128xf32>
    %add3A_32 = vector.broadcast %exp3A : f32 to vector<1000x128xf32>
    %add3A_33 = arith.addf %add3A_31, %add3A_32 : vector<1000x128xf32>
    %div3A = arith.divf %add3A_27, %add3A_33 : vector<1000x128xf32>
    %swap3A = arith.constant 0 : index
    %swap3A_34 = arith.constant 0 : index
    %swap3A_35 = vector.load %arg9[%swap3A, %swap3A_34] : memref<1000x128xf32, #tpu.memory_space<vmem>>, vector<1000x128xf32>
    tpu.vector_store %arg9[%swap3A, %swap3A_34], %div3A {strides = array<i32>} : memref<1000x128xf32, #tpu.memory_space<vmem>>, vector<1000x128xf32>,
    return
  }
  func.func @transform_0(%arg0: i32) -> (i32, i32) {
    %c0_i32 = arith.constant 0 : i32
    %c0_i32_0 = arith.constant 0 : i32
    return %arg0, %c0_i32 : i32, i32
  }
  func.func @transform_1(%arg0: i32) -> (i32, i32) {
    %c0_i32 = arith.constant 0 : i32
    %c0_i32_0 = arith.constant 0 : i32
    return %arg0, %c0_i32 : i32, i32
  }
  func.func @transform_2(%arg0: i32) -> (i32, i32) {
    %c0_i32 = arith.constant 0 : i32
    %c0_i32_0 = arith.constant 0 : i32
    return %arg0, %c0_i32 : i32, i32
  }
  func.func @transform_3(%arg0: i32) -> (i32, i32) {
    %c0_i32 = arith.constant 0 : i32
    %c0_i32_0 = arith.constant 0 : i32
    return %arg0, %c0_i32 : i32, i32
  }
  func.func @transform_4(%arg0: i32) -> (i32, i32) {
    %c0_i32 = arith.constant 0 : i32
    %c0_i32_0 = arith.constant 0 : i32
    return %arg0, %c0_i32 : i32, i32
  }
  func.func @transform_5(%arg0: i32) -> (i32, i32) {
    %c0_i32 = arith.constant 0 : i32
    %c0_i32_0 = arith.constant 0 : i32
    return %arg0, %c0_i32 : i32, i32
  }
  func.func @transform_6(%arg0: i32) -> i32 {
    %c0_i32 = arith.constant 0 : i32
    %c0_i32_0 = arith.constant 0 : i32
    return %c0_i32 : i32
  }
  func.func @transform_7(%arg0: i32) -> i32 {
    %c0_i32 = arith.constant 0 : i32
    %c0_i32_0 = arith.constant 0 : i32
    return %c0_i32 : i32
  }
  func.func @transform_8(%arg0: i32) -> (i32, i32) {
    %c0_i32 = arith.constant 0 : i32
    %c0_i32_0 = arith.constant 0 : i32
    return %arg0, %c0_i32 : i32, i32
  }
}

module attributes {stable_mosaic.version = 14 : i64} {
  func.func @_upd_body(%arg0: i32, %arg1: memref<1000x128xf32, #tpu.memory_space<vmem>>, %arg2: memref<1000x128xf32, #tpu.memory_space<vmem>>, %arg3: memref<1000x128xf32, #tpu.memory_space<vmem>>, %arg4: memref<1000x128xf32, #tpu.memory_space<vmem>>, %arg5: memref<1000x128xf32, #tpu.memory_space<vmem>>, %arg6: memref<1000x128xf32, #tpu.memory_space<vmem>>, %arg7: memref<1xf32, #tpu.memory_space<smem>>, %arg8: memref<1xf32, #tpu.memory_space<smem>>, %arg9: memref<1000x128xf32, #tpu.memory_space<vmem>>) attributes {dimension_semantics = [#tpu.dimension_semantics<arbitrary>], iteration_bounds = array<i64: 10>, scalar_prefetch = 0 : i64, scratch_operands = 0 : i64, tpu.core_type = #tpu.core_type<tc>, window_params = [{transform_indices = @transform_0, window_bounds = array<i64: 1000, 128>}, {transform_indices = @transform_1, window_bounds = array<i64: 1000, 128>}, {transform_indices = @transform_2, window_bounds = array<i64: 1000, 128>}, {transform_indices = @transform_3, window_bounds = array<i64: 1000, 128>}, {transform_indices = @transform_4, window_bounds = array<i64: 1000, 128>}, {transform_indices = @transform_5, window_bounds = array<i64: 1000, 128>}, {transform_indices = @transform_6, window_bounds = array<i64: 1>}, {transform_indices = @transform_7, window_bounds = array<i64: 1>}, {transform_indices = @transform_8, window_bounds = array<i64: 1000, 128>}]} {
    %get3A = arith.constant 0 : index
    %get3A_0 = memref.load %arg7[%get3A] : memref<1xf32, #tpu.memory_space<smem>>
    %exp3A = math.exp %get3A_0 : f32
    %get3A_1 = arith.constant 0 : index
    %get3A_2 = memref.load %arg8[%get3A_1] : memref<1xf32, #tpu.memory_space<smem>>
    %exp3A_3 = math.exp %get3A_2 : f32
    %get3A_4 = arith.constant 0 : index
    %get3A_5 = arith.constant 0 : index
    %get3A_6 = vector.load %arg5[%get3A_4, %get3A_5] : memref<1000x128xf32, #tpu.memory_space<vmem>>, vector<1000x128xf32>
    %get3A_7 = arith.constant 0 : index
    %get3A_8 = arith.constant 0 : index
    %get3A_9 = vector.load %arg6[%get3A_7, %get3A_8] : memref<1000x128xf32, #tpu.memory_space<vmem>>, vector<1000x128xf32>
    %add3A = arith.addf %get3A_6, %get3A_9 : vector<1000x128xf32>
    %get3A_10 = arith.constant 0 : index
    %get3A_11 = arith.constant 0 : index
    %get3A_12 = vector.load %arg3[%get3A_10, %get3A_11] : memref<1000x128xf32, #tpu.memory_space<vmem>>, vector<1000x128xf32>
    %get3A_13 = arith.constant 0 : index
    %get3A_14 = arith.constant 0 : index
    %get3A_15 = vector.load %arg4[%get3A_13, %get3A_14] : memref<1000x128xf32, #tpu.memory_space<vmem>>, vector<1000x128xf32>
    %add3A_16 = arith.addf %get3A_12, %get3A_15 : vector<1000x128xf32>
    %get3A_17 = arith.constant 0 : index
    %get3A_18 = arith.constant 0 : index
    %get3A_19 = vector.load %arg1[%get3A_17, %get3A_18] : memref<1000x128xf32, #tpu.memory_space<vmem>>, vector<1000x128xf32>
    %mul3A = vector.broadcast %exp3A_3 : f32 to vector<1000x128xf32>
    %mul3A_20 = arith.mulf %get3A_19, %mul3A : vector<1000x128xf32>
    %get3A_21 = arith.constant 0 : index
    %get3A_22 = arith.constant 0 : index
    %get3A_23 = vector.load %arg2[%get3A_21, %get3A_22] : memref<1000x128xf32, #tpu.memory_space<vmem>>, vector<1000x128xf32>
    %add3A_24 = arith.addf %add3A_16, %get3A_23 : vector<1000x128xf32>
    %mul3A_25 = vector.broadcast %exp3A : f32 to vector<1000x128xf32>
    %mul3A_26 = arith.mulf %add3A_24, %mul3A_25 : vector<1000x128xf32>
    %add3A_27 = arith.addf %mul3A_20, %mul3A_26 : vector<1000x128xf32>
    %mul3A_28 = vector.broadcast %exp3A : f32 to vector<1000x128xf32>
    %mul3A_29 = arith.mulf %add3A, %mul3A_28 : vector<1000x128xf32>
    %add3A_30 = vector.broadcast %exp3A_3 : f32 to vector<1000x128xf32>
    %add3A_31 = arith.addf %add3A_30, %mul3A_29 : vector<1000x128xf32>
    %add3A_32 = vector.broadcast %exp3A : f32 to vector<1000x128xf32>
    %add3A_33 = arith.addf %add3A_31, %add3A_32 : vector<1000x128xf32>
    %div3A = arith.divf %add3A_27, %add3A_33 : vector<1000x128xf32>
    %swap3A = arith.constant 0 : index
    %swap3A_34 = arith.constant 0 : index
    %swap3A_35 = vector.load %arg9[%swap3A, %swap3A_34] : memref<1000x128xf32, #tpu.memory_space<vmem>>, vector<1000x128xf32>
    tpu.vector_store %arg9[%swap3A, %swap3A_34], %div3A {strides = array<i32>} : memref<1000x128xf32, #tpu.memory_space<vmem>>, vector<1000x128xf32>,
    return
  }
  func.func @transform_0(%arg0: i32) -> (i32, i32) {
    %c0_i32 = arith.constant 0 : i32
    %c0_i32_0 = arith.constant 0 : i32
    return %arg0, %c0_i32 : i32, i32
  }
  func.func @transform_1(%arg0: i32) -> (i32, i32) {
    %c0_i32 = arith.constant 0 : i32
    %c0_i32_0 = arith.constant 0 : i32
    return %arg0, %c0_i32 : i32, i32
  }
  func.func @transform_2(%arg0: i32) -> (i32, i32) {
    %c0_i32 = arith.constant 0 : i32
    %c0_i32_0 = arith.constant 0 : i32
    return %arg0, %c0_i32 : i32, i32
  }
  func.func @transform_3(%arg0: i32) -> (i32, i32) {
    %c0_i32 = arith.constant 0 : i32
    %c0_i32_0 = arith.constant 0 : i32
    return %arg0, %c0_i32 : i32, i32
  }
  func.func @transform_4(%arg0: i32) -> (i32, i32) {
    %c0_i32 = arith.constant 0 : i32
    %c0_i32_0 = arith.constant 0 : i32
    return %arg0, %c0_i32 : i32, i32
  }
  func.func @transform_5(%arg0: i32) -> (i32, i32) {
    %c0_i32 = arith.constant 0 : i32
    %c0_i32_0 = arith.constant 0 : i32
    return %arg0, %c0_i32 : i32, i32
  }
  func.func @transform_6(%arg0: i32) -> i32 {
    %c0_i32 = arith.constant 0 : i32
    %c0_i32_0 = arith.constant 0 : i32
    return %c0_i32 : i32
  }
  func.func @transform_7(%arg0: i32) -> i32 {
    %c0_i32 = arith.constant 0 : i32
    %c0_i32_0 = arith.constant 0 : i32
    return %c0_i32 : i32
  }
  func.func @transform_8(%arg0: i32) -> (i32, i32) {
    %c0_i32 = arith.constant 0 : i32
    %c0_i32_0 = arith.constant 0 : i32
    return %arg0, %c0_i32 : i32, i32
  }
}

</mosaic_0001>

<sc_bundles>
// kernel: kernel.13.cloned.1.call-start
scs
__scs_entry_jumppad:
0x0: {  	(pc) =	sbr.rel $0x88, $3  }
0x1: {  	(tag) =	ssettag $0x0;
	lr =	simm.s32 $0x1  }
0x2: {  	[smem:$0x3F9A] =	sst lr;
	_ =	strace $0xD0000000  }
0x3: {  	_ = 	snop  }
0x4: {  	_ = 	snop  }
0x5: {  	_ = 	snop  }
0x6: {  	_ = 	snop  }
0x7: {  	_ = 	snop  }
__scs_overlays_trampoline_lowered:
0x8: {  	[smem:$0x3FA9] =	sst s0  }
0x9: {  	[smem:$0x3FAA] =	sst s1  }
0xa: {  	[smem:$0x3FAB] =	sst s2  }
0xb: {  	[smem:$0x3FAC] =	sst s3  }
0xc: {  	[smem:$0x3FAD] =	sst s4  }
0xd: {  	[smem:$0x3FAE] =	sst s5  }
0xe: {  	[smem:$0x3FAF] =	sst s6  }
0xf: {  	[smem:$0x3FB0] =	sst s7  }
0x10: {  	[smem:$0x3FB1] =	sst s8  }
0x11: {  	[smem:$0x3FB2] =	sst s9;
	s0 =	simm.s32 @!p0 $0x0  }
0x12: {  	s1 =	sld [smem:$0x3F98];
	s0 =	simm.s32 @p0 $0x1  }
0x13: {  	[smem:$0x3FB3] =	sst s0;
	s0 =	simm.s32 @!p1 $0x0  }
0x14: {  	s2 =	sld [smem:$0x3F97];
	s0 =	simm.s32 @p1 $0x1  }
0x15: {  	[smem:$0x3FB4] =	sst s0;
	s0 =	simm.s32 @!p2 $0x0  }
0x16: {  	s3 =	sld [smem:$0x3FDB];
	s0 =	simm.s32 @p2 $0x1  }
0x17: {  	s4 =	simm.s32 $0x1BF5;
	[smem:$0x3FB6] =	sst s0  }
0x18: {  	s0 =	sld [smem:$0x3F99];
	_ =	swait.ge [sflag:s4], $0x0  }
0x19: {  	s7 =	sld [smem:$0x3F9A]  }
0x1a: {  	s8 =	sadd.s32 $0xFFFFE003, lr  }
0x1b: {  	s9 =	sadd.s32 $0xFFFFFEF7, lr;
	s5 =	simm.s32 $0xFFFFFFFF;
	p2 =	slt.u32 s8, $0xFFFFF086  }
0x1c: {  	p1 =	slt.u32 s9, $0xF7A;
	s5 =	simm.s32 @!p2 $0x0  }
0x1d: {  	s5 =	simm.s32 @p1 $0x1;
	p0 =	seq.s32 s7, s2  }
0x1e: {  	s7 =	smul.u32 @!p0 $0xF7A, s2;
	p2 =	seq.s32 @!p0 s5, $0x0  }
0x1f: {  	s9 =	smul.u32 $0xF7A, s1;
	s8 =	simm.s32 @!p0 $0x1BF5;
	p2 =	por !p2, p0  }
0x20: {  	[sflag:s8] =	ssyncset.s32 @!p0 $0xFFFFF086;
	s6 =	sadd.s32 @!p0 s3, s7;
	s7 =	simm.s32 @!p0 $0x108  }
0x21: {  	s3 =	sadd.s32 s3, s9;
	s6 =	sadd.s32 @!p0 $0x88, s6;
	s7 =	simm.s32 @p2 $0x1082  }
0x22: {  	[simem:s7], [sflag:s8] =	dma.local @!p0 [hbm:s6], $0xF7A  }
0x23: {  	s9 =	sor.u32 $0xD0000000, s2;
	s6 =	simm.s32 $0x108;
	_ =	swait.ge @!p0 [sflag:s8], $0x0  }
0x24: {  	s3 =	sadd.s32 $0x88, s3;
	s6 =	simm.s32 @!p1 $0x1082;
	[sflag:s4] =	ssyncset.s32 $0xFFFFF086  }
0x25: {  	[simem:s6], [sflag:s4] =	dma.local [hbm:s3], $0xF7A  }
0x26: {  	[smem:$0x3F9A] =	sst s1;
	(tag) =	ssettag s2;
	_ =	strace s9  }
0x27: {  	s1 =	sld [smem:$0x3FAA]  }
0x28: {  	s2 =	sld [smem:$0x3FAB]  }
0x29: {  	s4 =	sld [smem:$0x3FAD]  }
0x2a: {  	p0 =	seq.s32 s5, $0x0;
	s5 =	sld [smem:$0x3FAE]  }
0x2b: {  	s6 =	sld [smem:$0x3FAF]  }
0x2c: {  	s7 =	sld [smem:$0x3FB0]  }
0x2d: {  	s3 =	simm.s32 $0x108;
	s8 =	sld [smem:$0x3FB1]  }
0x2e: {  	s3 =	simm.s32 @!p0 $0x1082;
	s9 =	sld [smem:$0x3FB2]  }
0x2f: {  	lr =	sadd.s32 s0, s3;
	s0 =	sld [smem:$0x3FA9]  }
0x30: {  	s3 =	sld [smem:$0x3FAC]  }
0x31: {  	[smem:$0x3FB5] =	sst s10  }
0x32: {  	s10 =	sld [smem:$0x3FB3];
	_ =	sdelay $0x3  }
0x33: {  	p0 =	seq.s32 s10, $0x1;
	s10 =	sld [smem:$0x3FB5];
	_ =	sdelay $0x3  }
0x34: {  	[smem:$0x3FB5] =	sst s10  }
0x35: {  	s10 =	sld [smem:$0x3FB4];
	_ =	sdelay $0x3  }
0x36: {  	p1 =	seq.s32 s10, $0x1;
	s10 =	sld [smem:$0x3FB5];
	_ =	sdelay $0x3  }
0x37: {  	[smem:$0x3FB5] =	sst s10  }
0x38: {  	s10 =	sld [smem:$0x3FB6]  }
0x39: {  	_ = 	snop;
	(pc) =	sbr.ind lr, $3  }
0x3a: {  	_ = 	snop  }
0x3b: {  	_ = 	snop  }
0x3c: {  	p2 =	seq.s32 s10, $0x1;
	s10 =	sld [smem:$0x3FB5]  }
0x3d: {  	_ =	shalt  }
0x3e: {  	_ =	shalt  }
0x3f: {  	_ =	shalt  }
0x40: {  	_ =	shalt  }
0x41: {  	_ =	shalt  }
0x42: {  	_ =	shalt  }
0x43: {  	_ =	shalt  }
0x44: {  	_ =	shalt  }
0x45: {  	_ =	shalt  }
0x46: {  	_ =	shalt  }
0x47: {  	_ =	shalt  }
0x48: {  	_ =	shalt  }
0x49: {  	_ =	shalt  }
0x4a: {  	_ =	shalt  }
0x4b: {  	_ =	shalt  }
0x4c: {  	_ =	shalt  }
0x4d: {  	_ =	shalt  }
0x4e: {  	_ =	shalt  }
0x4f: {  	_ =	shalt  }
0x50: {  	_ =	shalt  }
0x51: {  	_ =	shalt  }
0x52: {  	_ =	shalt  }
0x53: {  	_ =	shalt  }
0x54: {  	_ =	shalt  }
0x55: {  	_ =	shalt  }
0x56: {  	_ =	shalt  }
0x57: {  	_ =	shalt  }
0x58: {  	_ =	shalt  }
0x59: {  	_ =	shalt  }
0x5a: {  	_ =	shalt  }
0x5b: {  	_ =	shalt  }
0x5c: {  	_ =	shalt  }
0x5d: {  	_ =	shalt  }
0x5e: {  	_ =	shalt  }
0x5f: {  	_ =	shalt  }
0x60: {  	_ =	shalt  }
0x61: {  	_ =	shalt  }
0x62: {  	_ =	shalt  }
0x63: {  	_ =	shalt  }
0x64: {  	_ =	shalt  }
0x65: {  	_ =	shalt  }
0x66: {  	_ =	shalt  }
0x67: {  	_ =	shalt  }
0x68: {  	_ =	shalt  }
0x69: {  	_ =	shalt  }
0x6a: {  	_ =	shalt  }
0x6b: {  	_ =	shalt  }
0x6c: {  	_ =	shalt  }
0x6d: {  	_ =	shalt  }
0x6e: {  	_ =	shalt  }
0x6f: {  	_ =	shalt  }
0x70: {  	_ =	shalt  }
0x71: {  	_ =	shalt  }
0x72: {  	_ =	shalt  }
0x73: {  	_ =	shalt  }
0x74: {  	_ =	shalt  }
0x75: {  	_ =	shalt  }
0x76: {  	_ =	shalt  }
0x77: {  	_ =	shalt  }
0x78: {  	_ =	shalt  }
0x79: {  	_ =	shalt  }
0x7a: {  	_ =	shalt  }
0x7b: {  	_ =	shalt  }
0x7c: {  	_ =	shalt  }
0x7d: {  	_ =	shalt  }
0x7e: {  	_ =	shalt  }
0x7f: {  	_ =	shalt  }
0x80: {  	_ =	shalt  }
0x81: {  	_ =	shalt  }
0x82: {  	_ =	shalt  }
0x83: {  	_ =	shalt  }
0x84: {  	_ =	shalt  }
0x85: {  	_ =	shalt  }
0x86: {  	_ =	shalt  }
0x87: {  	_ =	shalt  }
.Lfunc_end0:
.L_simem_size_0:
called_computation_lowered:
.L_overlay_start_0:
0x88: {  	s2 =	sld [smem:$0x3FD9]  }
0x89: {  	s3 =	sld [smem:$0x3FFE];
	_ =	sdelay $0x1  }
0x8a: {  	s1 =	srdreg.scid  }
0x8b: {  	s0 =	sand.u32 $0x1, s1  }
0x8c: {  	s17 =	sshll.u32 s0, $0xA;
	s2 =	sadd.s32 s3, s2  }
0x8d: {  	s2 =	sadd.s32 s2, s17  }
0x8e: {  	[smem:$0x3FC1] =	sst s2  }
0x8f: {  	_ = 	snop  }
0x90: {  	s2 =	sld [smem:$0x3FD0];
	(tm) =	ssettm $0x1  }
0x91: {  	s18 =	sld [smem:$0x3FFB];
	_ =	sdelay $0x3  }
0x92: {  	_ =	strace s18  }
0x93: {  	s3 =	sld [smem:$0x3FFC];
	_ =	sdelay $0x3  }
0x94: {  	_ =	strace s3  }
0x95: {  	s3 =	sld [smem:$0x3FFD];
	_ =	sdelay $0x3  }
0x96: {  	_ =	strace s3  }
0x97: {  	_ =	strace $0x8FFFFFFF  }
0x98: {  	s19 =	sld [smem:$0x3FDB];
	_ =	sdelay $0x1  }
0x99: {  	s4 =	simm.s32 $_scs_section_size  }
0x9a: {  	s5 =	simm.s32 $_size__tile_overlayer_lowered;
	s6 =	simm.s32 $_tile_overlayer_lowered  }
0x9b: {  	s22 =	simm.s32 $0x1BFF;
	s21 =	sshll.u32 s6, $0x1;
	s3 =	sadd.s32 s4, s19  }
0x9c: {  	s7 =	simm.s32 $0x0;
	s20 =	sshll.u32 s5, $0x1;
	s5 =	sadd.s32 s21, s3  }
0x9d: {  	[timem:s7], [sflag:s22] =	dma.local [hbm:s5], s20  }
0x9e: {  	_ =	swait.ge [sflag:s22], s20  }
0x9f: {  	s4 =	ssub.s32 $0x0, s20;
	[sflag:s22] =	ssyncset.done $0x0  }
0xa0: {  	[sflag:s22] =	ssyncadd.s32 s4;
	_ =	sdelay $0x1  }
0xa1: {  	s23 =	simm.s32 $0x1B8B  }
0xa2: {  	_ =	swait.ge [sflag:s23], $0x1  }
0xa3: {  	[sflag:s23] =	ssyncset.done $0x0  }
0xa4: {  	s25 =	simm.s32 $0x1B8E;
	s24 =	sld [smem:$0x3FFE];
	[sflag:s23] =	ssyncadd.s32 $0xFFFFFFFF  }
0xa5: {  	s26 =	simm.s32 $execute0_lowered;
	[smem:$0x3FD2] =	sst s25  }
0xa6: {  	s5 =	sshll.u32 s26, $0x1;
	_ =	strace $0x80000046;
	[dreg:$0x1] =	wrdreg $0xFFFFFFFF  }
0xa7: {  	s28 =	simm.s32 $_size_execute0_lowered;
	s3 =	sadd.s32 s3, s5;
	[dreg:$0x0] =	wrdreg $0x0  }
0xa8: {  	s5 =	sshll.u32 s28, $0x1;
	[dreg:$0x2] =	wrdreg s3  }
0xa9: {  	[dreg:$0x3] =	wrdreg s5  }
0xaa: {  	[dreg:$0x4] =	wrdreg $0xC0  }
0xab: {  	_ =	task [dreg:s7], $0x5FFFF  }
0xac: {  	[dreg:$0x1] =	wrdreg $0xFFFFFFFF  }
0xad: {  	[dreg:$0x0] =	wrdreg $0x60  }
0xae: {  	[dreg:$0x2] =	wrdreg s24  }
0xaf: {  	[dreg:$0x3] =	wrdreg s2  }
0xb0: {  	[dreg:$0x4] =	wrdreg $0x9  }
0xb1: {  	_ =	task.clear_ibuf [dreg:s7], $0x5FFFF;
	_ =	strace $0x90000046  }
0xb2: {  	s29 =	simm.s32 $0x9;
	_ =	strace $0x80000048  }
0xb3: {  	_ =	swait.ge [sflag:s29], $0x1  }
0xb4: {  	[sflag:s29] =	ssyncadd.s32 $0xFFFFFFFF  }
0xb5: {  	_ =	strace $0x90000048  }
0xb6: {  	_ =	sfence  }
0xb7: {  	s30 =	sld [smem:$0x0];
	_ =	sdelay $0x2  }
0xb8: {  	s31 =	sshll.u32 s1, $0xD;
	s1 =	sshrl.u32 s1, $0x2  }
0xb9: {  	s3 =	sand.u32 $0x4000, s31;
	s1 =	sadd.s32 s1, s30  }
0xba: {  	s0 =	sor.u32 s3, s0;
	s1 =	sshll.u32 s1, $0x11  }
0xbb: {  	s0 =	sor.u32 s1, s0  }
0xbc: {  	s0 =	sadd.s32 $0x8F2B, s0  }
0xbd: {  	[sflag:s0] =	ssyncadd.remote.s32 $0x1  }
0xbe: {  	_ =	sfence.sel $0xFFFF  }
0xbf: {  	[dreg:$0x0] =	wrdreg $0xFFFFFFFF;
	(pc) =	sbr.abs _section_cstart, $3  }
0xc0: {  	[dreg:$0x1] =	wrdreg $0xFFFFFFFF  }
0xc1: {  	_ =	task.clear_ibuf [dreg:s7], $0x2FFFF;
	_ =	strace $0x9FFFFFFF  }
0xc2: {  	(tm) =	ssettm $0x7FFFFFFF  }
0xc3: {  	_ =	shalt  }
tec
execute0_lowered:
.L_overlay_start_1:
0x0: {  	(tag) =	ssettag $0x1  }
0x1: {  	s0 =	rddreg [dreg:$0x0]  }
0x2: {  	s2 =	rddreg [dreg:$0x1];
	s3 =	simm.s32 $0x0  }
0x3: {  	s13 =	stileid.u32;
	s1 =	srdreg.scid;
	s14 =	simm.s32 $0x100  }
0x4: {  	s15 =	simm.s32 $0x200;
	s16 =	simm.s32 $0xA00;
	s17 =	simm.s32 $0x1200  }
0x5: {  	s18 =	simm.s32 $0x1A00;
	s19 =	simm.s32 $0x2200;
	s20 =	simm.s32 $0x2A00  }
0x6: {  	s21 =	simm.s32 $0x3200;
	s22 =	simm.s32 $0x3A00;
	s7 =	smul.u32 $0x9C400, s13  }
0x7: {  	s23 =	simm.s32 $0x4200;
	s29 =	simm.s32 $0x6;
	s8 =	smul.u32 $0x4E200, s13  }
0x8: {  	s1 =	sand.u32 $0x1, s1;
	s4 =	sshll.u32 s13, $0x1;
	s13 =	smul.u32 $0x4E20, s13  }
0x9: {  	s31 =	simm.s32 $0x5200;
	s28 =	simm.s32 $0xCA00;
	s10 =	smul.u32 $0x27100, s1  }
0xa: {  	[smem:$0x7FF] =	sst s3;
	s6 =	sadd.s32 $0xD200, s0;
	s12 =	smul.u32 $0x4E200, s1  }
0xb: {  	s5 =	sor.u32 s1, s4;
	s11 =	ssub.s32 $0x2, s1;
	s1 =	smul.u32 $0x2710, s1  }
0xc: {  	s4 =	sadd.s32 $0x17000, s0;
	s9 =	smul.u32 $0x2710, s5;
	s5 =	sadd.s32 $0x3400, s0  }
0xd: {  	s7 =	sadd.s32 s7, s0;
	s0 =	sadd.s32 s8, s0;
	s24 =	sshrl.u32 s11, $0x1  }
0xe: {  	_ =	strace $0x80000047;
	s8 =	ssub.s32 s11, s24;
	s0 =	sadd.s32 s10, s0  }
0xf: {  	s7 =	sadd.s32 s12, s7;
	s1 =	sadd.s32 s1, s13;
	s24 =	simm.s32 $0x4A00  }
0x10: {  	s10 =	simm.s32 $0x0;
	s9 =	sshrl.u32 s9, $0x3;
	s8 =	smax.u32 s8, $0x1  }
0x11: {  	s0 =	sadd.s32 $0xA29200, s0;
	s26 =	sadd.s32 $0x65200, s7;
	[dreg:$0x5] =	wrdreg s8  }
.Ltmp0:
0x12: {  	s30 =	sadd.s32 $0x50, s1;
	[dreg:$0x6] =	wrdreg s0;
	(pc) =	sbr.rel .LBB2_1-.Ltmp0, $4  }
0x13: {  	s1 =	simm.s32 $0x3;
	s7 =	simm.s32 $0x2;
	[dreg:$0x7] =	wrdreg s26  }
0x14: {  	v2 =	vlaneseq.u32;
	s25 =	sadd.s32 s5, s9;
	s9 =	sadd.s32 s6, s9;
	[dreg:$0x8] =	wrdreg s30  }
0x15: {  	vm0 =	vmmov $0xffff;
	v1 =	vshrl.u32 v2, $0x3;
	s26 =	simm.s32 $0xA200;
	s0 =	simm.s32 $0x1;
	[dreg:$0x3] =	wrdreg s25  }
0x16: {  	v0 =	vand.u32 $0x7, v2;
	v2 =	vor.u32 $0x8, v2;
	v1 =	vmul.u32 $0x8, v1;
	s8 =	simm.s32 $0x4;
	[dreg:$0x4] =	wrdreg s9;
	s25 =	simm.s32 $0x50  }
.LBB2_8:
0x17: {  	s10 =	rddreg [dreg:$0x9]  }
0x18: {  	s9 =	rddreg [dreg:$0x5];
	s10 =	sadd.s32 $0x1, s10  }
0x19: {  	p0 =	sne.s32 s10, s9  }
.Ltmp1:
0x1a: {  	_ = 	snop;
	(pc) =	sbr.rel @!p0 .LBB2_9-.Ltmp1, $1  }
0x1b: {  	_ =	sdelay $0x3  }
.LBB2_1:
0x1c: {  	[dreg:$0x9] =	wrdreg s10  }
0x1d: {  	s9 =	rddreg [dreg:$0x3];
	s13 =	simm.s32 $0x5  }
0x1e: {  	[tilespmem:s3], [sflag:$0x5] =	stream.linear.gather [hbm4b:s9+s3], $0x50, $0x38;
	[tilespmem:$0xF200] =	vst v63  }
0x1f: {  	_ =	swait.ge [sflag:s13], $0x50  }
0x20: {  	[sflag:s13] =	ssyncset.done $0x0  }
0x21: {  	s30 =	rddreg [dreg:$0x4];
	[sflag:s13] =	ssyncadd.s32 $0xFFFFFFB0  }
0x22: {  	[tilespmem:s14], [sflag:$0x5] =	stream.linear.gather [hbm4b:s30+s3], $0x50, $0x38;
	[tilespmem:$0xF200] =	vst v63  }
0x23: {  	_ =	swait.ge [sflag:s13], $0x50  }
0x24: {  	[sflag:s13] =	ssyncset.done $0x0  }
0x25: {  	[sflag:s13] =	ssyncadd.s32 $0xFFFFFFB0  }
0x26: {  	v3 =	vld [tilespmem:$0x0];
	_ =	sdelay $0x4  }
0x27: {  	v4 =	vshll.u32 v3, $0x1  }
0x28: {  	v3 =	vand.u32 $0x7, v3;
	v4 =	vand.u32 $0xFFFFFFF0, v4  }
0x29: {  	v3 =	vor.u32 v3, v4  }
0x2a: {  	v4 =	vperm.xlane v3, v0;
	_ =	sdelay $0x1  }
0x2b: {  	v3 =	vperm.xlane v3, v2;
	v4 =	vadd.s32 v1, v4;
	_ =	sdelay $0x1  }
0x2c: {  	v3 =	vadd.s32 v1, v3;
	_ =	sdelay $0x2  }
0x2d: {  	[tilespmem:s15], [sflag:$0x1] =	stream.indirect_vreg.gather [hbm4b:s4+s3], $0x80, v4, vm0, $0xb8;
	[tilespmem:$0xF200] =	vst v63  }
0x2e: {  	_ = 	snop  }
0x2f: {  	[tilespmem:s16], [sflag:$0x1] =	stream.indirect_vreg.gather [hbm4b:s4+s3], $0x80, v3, vm0, $0xb8;
	[tilespmem:$0xF200] =	vst v63  }
0x30: {  	v3 =	vld [tilespmem:$0x10];
	_ =	sdelay $0x4  }
0x31: {  	v60 =	vshll.u32 v3, $0x1  }
0x32: {  	v3 =	vand.u32 $0x7, v3;
	v4 =	vand.u32 $0xFFFFFFF0, v60  }
0x33: {  	v3 =	vor.u32 v3, v4  }
0x34: {  	v4 =	vperm.xlane v3, v0;
	_ =	sdelay $0x1  }
0x35: {  	v3 =	vperm.xlane v3, v2;
	v4 =	vadd.s32 v1, v4;
	_ =	sdelay $0x1  }
0x36: {  	v3 =	vadd.s32 v1, v3;
	_ =	sdelay $0x2  }
0x37: {  	[tilespmem:s17], [sflag:$0x1] =	stream.indirect_vreg.gather [hbm4b:s4+s3], $0x80, v4, vm0, $0xb8;
	[tilespmem:$0xF200] =	vst v63  }
0x38: {  	_ = 	snop  }
0x39: {  	[tilespmem:s18], [sflag:$0x1] =	stream.indirect_vreg.gather [hbm4b:s4+s3], $0x80, v3, vm0, $0xb8;
	[tilespmem:$0xF200] =	vst v63  }
0x3a: {  	v3 =	vld [tilespmem:$0x20];
	_ =	sdelay $0x4  }
0x3b: {  	v61 =	vshll.u32 v3, $0x1  }
0x3c: {  	v3 =	vand.u32 $0x7, v3;
	v4 =	vand.u32 $0xFFFFFFF0, v61  }
0x3d: {  	v3 =	vor.u32 v3, v4  }
0x3e: {  	v4 =	vperm.xlane v3, v0;
	_ =	sdelay $0x1  }
0x3f: {  	v3 =	vperm.xlane v3, v2;
	v4 =	vadd.s32 v1, v4;
	_ =	sdelay $0x1  }
0x40: {  	v3 =	vadd.s32 v1, v3;
	_ =	sdelay $0x2  }
0x41: {  	[tilespmem:s19], [sflag:$0x1] =	stream.indirect_vreg.gather [hbm4b:s4+s3], $0x80, v4, vm0, $0xb8;
	[tilespmem:$0xF200] =	vst v63  }
0x42: {  	_ = 	snop  }
0x43: {  	[tilespmem:s20], [sflag:$0x1] =	stream.indirect_vreg.gather [hbm4b:s4+s3], $0x80, v3, vm0, $0xb8;
	[tilespmem:$0xF200] =	vst v63  }
0x44: {  	v3 =	vld [tilespmem:$0x30];
	_ =	sdelay $0x4  }
0x45: {  	v62 =	vshll.u32 v3, $0x1  }
0x46: {  	v3 =	vand.u32 $0x7, v3;
	v4 =	vand.u32 $0xFFFFFFF0, v62  }
0x47: {  	v3 =	vor.u32 v3, v4  }
0x48: {  	v4 =	vperm.xlane v3, v0;
	_ =	sdelay $0x1  }
0x49: {  	v3 =	vperm.xlane v3, v2;
	v4 =	vadd.s32 v1, v4;
	_ =	sdelay $0x1  }
0x4a: {  	v3 =	vadd.s32 v1, v3;
	_ =	sdelay $0x2  }
0x4b: {  	[tilespmem:s21], [sflag:$0x1] =	stream.indirect_vreg.gather [hbm4b:s4+s3], $0x80, v4, vm0, $0xb8;
	[tilespmem:$0xF200] =	vst v63  }
0x4c: {  	_ = 	snop  }
0x4d: {  	[tilespmem:s22], [sflag:$0x1] =	stream.indirect_vreg.gather [hbm4b:s4+s3], $0x80, v3, vm0, $0xb8;
	[tilespmem:$0xF200] =	vst v63  }
0x4e: {  	v3 =	vld [tilespmem:$0x40];
	_ =	sdelay $0x4  }
0x4f: {  	v63 =	vshll.u32 v3, $0x1  }
0x50: {  	v3 =	vand.u32 $0x7, v3;
	v4 =	vand.u32 $0xFFFFFFF0, v63  }
0x51: {  	v3 =	vor.u32 v3, v4  }
0x52: {  	v4 =	vperm.xlane v3, v0;
	_ =	sdelay $0x1  }
0x53: {  	v4 =	vadd.s32 v1, v4  }
0x54: {  	v3 =	vperm.xlane v3, v2;
	_ =	sdelay $0x1  }
0x55: {  	v3 =	vadd.s32 v1, v3;
	_ =	sdelay $0x1  }
0x56: {  	[tilespmem:s23], [sflag:$0x1] =	stream.indirect_vreg.gather [hbm4b:s4+s3], $0x80, v4, vm0, $0xb8;
	[tilespmem:$0xF200] =	vst v63  }
.Ltmp2:
0x57: {  	s10 =	rddreg [dreg:$0x8];
	(pc) =	sbr.rel .LBB2_2-.Ltmp2, $4  }
0x58: {  	s11 =	rddreg [dreg:$0x7]  }
0x59: {  	[tilespmem:s24], [sflag:$0x1] =	stream.indirect_vreg.gather [hbm4b:s4+s3], $0x80, v3, vm0, $0xb8;
	[tilespmem:$0xF200] =	vst v63  }
0x5a: {  	s12 =	rddreg [dreg:$0x6];
	s13 =	simm.s32 $0x1  }
0x5b: {  	[tilespmem:s26], [sflag:$0x3] =	stream.indirect.gather [hbm4b:s2+s25], $0x80, s14, s25, $0xb8;
	[tilespmem:$0xF200] =	vst v63  }
.LBB2_6:
0x5c: {  	s9 =	sshrl.u32 s10, $0x3  }
0x5d: {  	s30 =	sadd.s32 s5, s9  }
0x5e: {  	[tilespmem:s3], [sflag:$0x6] =	stream.linear.gather [hbm4b:s30+s3], $0x50, $0x38;
	[tilespmem:$0xF200] =	vst v63  }
0x5f: {  	_ =	swait.ge [sflag:s29], $0x50  }
0x60: {  	[sflag:s29] =	ssyncset.done $0x0  }
0x61: {  	s9 =	sadd.s32 s6, s9;
	[sflag:s29] =	ssyncadd.s32 $0xFFFFFFB0  }
0x62: {  	[tilespmem:s14], [sflag:$0x6] =	stream.linear.gather [hbm4b:s9+s3], $0x50, $0x38;
	[tilespmem:$0xF200] =	vst v63  }
0x63: {  	_ =	swait.ge [sflag:s29], $0x50  }
0x64: {  	[sflag:s29] =	ssyncset.done $0x0  }
0x65: {  	[sflag:s29] =	ssyncadd.s32 $0xFFFFFFB0  }
0x66: {  	v3 =	vld [tilespmem:$0x0];
	_ =	sdelay $0x4  }
0x67: {  	v4 =	vshll.u32 v3, $0x1  }
0x68: {  	v3 =	vand.u32 $0x7, v3;
	v4 =	vand.u32 $0xFFFFFFF0, v4  }
0x69: {  	v3 =	vor.u32 v3, v4  }
0x6a: {  	v4 =	vperm.xlane v3, v0;
	_ =	sdelay $0x1  }
0x6b: {  	v3 =	vperm.xlane v3, v2;
	v4 =	vadd.s32 v1, v4;
	_ =	sdelay $0x1  }
0x6c: {  	v3 =	vadd.s32 v1, v3;
	_ =	sdelay $0x2  }
0x6d: {  	[tilespmem:s15], [sflag:$0x1] =	stream.indirect_vreg.gather [hbm4b:s4+s3], $0x80, v4, vm0, $0xb8;
	[tilespmem:$0xF200] =	vst v63  }
0x6e: {  	_ = 	snop  }
0x6f: {  	[tilespmem:s16], [sflag:$0x1] =	stream.indirect_vreg.gather [hbm4b:s4+s3], $0x80, v3, vm0, $0xb8;
	[tilespmem:$0xF200] =	vst v63  }
0x70: {  	v3 =	vld [tilespmem:$0x10];
	_ =	sdelay $0x4  }
0x71: {  	v60 =	vshll.u32 v3, $0x1  }
0x72: {  	v3 =	vand.u32 $0x7, v3;
	v4 =	vand.u32 $0xFFFFFFF0, v60  }
0x73: {  	v3 =	vor.u32 v3, v4  }
0x74: {  	v4 =	vperm.xlane v3, v0;
	_ =	sdelay $0x1  }
0x75: {  	v3 =	vperm.xlane v3, v2;
	v4 =	vadd.s32 v1, v4;
	_ =	sdelay $0x1  }
0x76: {  	v3 =	vadd.s32 v1, v3;
	_ =	sdelay $0x2  }
0x77: {  	[tilespmem:s17], [sflag:$0x1] =	stream.indirect_vreg.gather [hbm4b:s4+s3], $0x80, v4, vm0, $0xb8;
	[tilespmem:$0xF200] =	vst v63  }
0x78: {  	_ = 	snop  }
0x79: {  	[tilespmem:s18], [sflag:$0x1] =	stream.indirect_vreg.gather [hbm4b:s4+s3], $0x80, v3, vm0, $0xb8;
	[tilespmem:$0xF200] =	vst v63  }
0x7a: {  	v3 =	vld [tilespmem:$0x20];
	_ =	sdelay $0x4  }
0x7b: {  	v61 =	vshll.u32 v3, $0x1  }
0x7c: {  	v3 =	vand.u32 $0x7, v3;
	v4 =	vand.u32 $0xFFFFFFF0, v61  }
0x7d: {  	v3 =	vor.u32 v3, v4  }
0x7e: {  	v4 =	vperm.xlane v3, v0;
	_ =	sdelay $0x1  }
0x7f: {  	v3 =	vperm.xlane v3, v2;
	v4 =	vadd.s32 v1, v4;
	_ =	sdelay $0x1  }
0x80: {  	v3 =	vadd.s32 v1, v3;
	_ =	sdelay $0x2  }
0x81: {  	[tilespmem:s19], [sflag:$0x1] =	stream.indirect_vreg.gather [hbm4b:s4+s3], $0x80, v4, vm0, $0xb8;
	[tilespmem:$0xF200] =	vst v63  }
0x82: {  	_ = 	snop  }
0x83: {  	[tilespmem:s20], [sflag:$0x1] =	stream.indirect_vreg.gather [hbm4b:s4+s3], $0x80, v3, vm0, $0xb8;
	[tilespmem:$0xF200] =	vst v63  }
0x84: {  	v3 =	vld [tilespmem:$0x30];
	_ =	sdelay $0x4  }
0x85: {  	v62 =	vshll.u32 v3, $0x1  }
0x86: {  	v3 =	vand.u32 $0x7, v3;
	v4 =	vand.u32 $0xFFFFFFF0, v62  }
0x87: {  	v3 =	vor.u32 v3, v4  }
0x88: {  	v4 =	vperm.xlane v3, v0;
	_ =	sdelay $0x1  }
0x89: {  	v3 =	vperm.xlane v3, v2;
	v4 =	vadd.s32 v1, v4;
	_ =	sdelay $0x1  }
0x8a: {  	v3 =	vadd.s32 v1, v3;
	_ =	sdelay $0x2  }
0x8b: {  	[tilespmem:s21], [sflag:$0x1] =	stream.indirect_vreg.gather [hbm4b:s4+s3], $0x80, v4, vm0, $0xb8;
	[tilespmem:$0xF200] =	vst v63  }
0x8c: {  	_ = 	snop  }
0x8d: {  	[tilespmem:s22], [sflag:$0x1] =	stream.indirect_vreg.gather [hbm4b:s4+s3], $0x80, v3, vm0, $0xb8;
	[tilespmem:$0xF200] =	vst v63  }
0x8e: {  	v3 =	vld [tilespmem:$0x40];
	_ =	sdelay $0x4  }
0x8f: {  	v63 =	vshll.u32 v3, $0x1  }
0x90: {  	v3 =	vand.u32 $0x7, v3;
	v4 =	vand.u32 $0xFFFFFFF0, v63  }
0x91: {  	v3 =	vor.u32 v3, v4  }
0x92: {  	v4 =	vperm.xlane v3, v0;
	_ =	sdelay $0x1  }
0x93: {  	v3 =	vperm.xlane v3, v2;
	v4 =	vadd.s32 v1, v4;
	_ =	sdelay $0x1  }
0x94: {  	v3 =	vadd.s32 v1, v3;
	_ =	sdelay $0x2  }
0x95: {  	[tilespmem:s23], [sflag:$0x1] =	stream.indirect_vreg.gather [hbm4b:s4+s3], $0x80, v4, vm0, $0xb8;
	[tilespmem:$0xF200] =	vst v63  }
0x96: {  	_ = 	snop  }
0x97: {  	[tilespmem:s24], [sflag:$0x1] =	stream.indirect_vreg.gather [hbm4b:s4+s3], $0x80, v3, vm0, $0xb8;
	[tilespmem:$0xF200] =	vst v63  }
0x98: {  	_ = 	snop  }
0x99: {  	[tilespmem:s26], [sflag:$0x3] =	stream.indirect.gather [hbm4b:s2+s25], $0x80, s14, s25, $0xb8;
	[tilespmem:$0xF200] =	vst v63  }
0x9a: {  	_ =	swait.ge [sflag:s7], $0x5000  }
0x9b: {  	[sflag:s7] =	ssyncset.done $0x0  }
0x9c: {  	[sflag:s7] =	ssyncadd.s32 $0xFFFFB000  }
0x9d: {  	_ =	swait.ge [sflag:s8], $0x2800  }
0x9e: {  	[sflag:s8] =	ssyncset.done $0x0  }
0x9f: {  	[sflag:s8] =	ssyncadd.s32 $0xFFFFD800  }
0xa0: {  	[hbm4b:s11+s3] =	stream.linear.scatter [tilespmem:s31], [sflag:$0x6], $0x5000, $0x38;
	[tilespmem:$0xF200] =	vst v63  }
0xa1: {  	_ =	swait.ge [sflag:s29], $0x5000  }
0xa2: {  	[sflag:s29] =	ssyncset.done $0x0  }
0xa3: {  	s9 =	simm.s32 $0x5;
	[sflag:s29] =	ssyncadd.s32 $0xFFFFB000  }
0xa4: {  	[hbm4b:s12+s3] =	stream.linear.scatter [tilespmem:s28], [sflag:$0x5], $0x2800, $0x38;
	[tilespmem:$0xF200] =	vst v63  }
.LBB2_7:
0xa5: {  	s13 =	sadd.s32 $0x1, s13  }
0xa6: {  	p0 =	sne.s32 s13, $0x7E  }
.Ltmp3:
0xa7: {  	_ = 	snop;
	(pc) =	sbr.rel @!p0 .LBB2_8-.Ltmp3, $4  }
0xa8: {  	_ = 	snop  }
0xa9: {  	_ =	swait.ge [sflag:s9], $0x2800  }
0xaa: {  	s12 =	sadd.s32 $0x500, s12;
	[sflag:s9] =	ssyncset.done $0x0  }
0xab: {  	s11 =	sadd.s32 $0xA00, s11;
	s10 =	sadd.s32 $0x50, s10;
	[sflag:s9] =	ssyncadd.s32 $0xFFFFD800  }
.LBB2_2:
0xac: {  	s9 =	sand.u32 $0x1, s13  }
0xad: {  	p0 =	seq.s32 s9, $0x0  }
.Ltmp4:
0xae: {  	_ = 	snop;
	(pc) =	sbr.rel @p0 .LBB2_6-.Ltmp4, $1  }
0xaf: {  	_ =	sdelay $0x3  }
0xb0: {  	p0 =	sgt.u32 s13, $0x7C  }
.Ltmp5:
0xb1: {  	_ = 	snop;
	(pc) =	sbr.rel @p0 .LBB2_5-.Ltmp5, $1  }
0xb2: {  	_ =	sdelay $0x3  }
0xb3: {  	s9 =	sshrl.u32 s10, $0x3  }
0xb4: {  	s16 =	simm.s32 $0x80;
	s30 =	sadd.s32 s5, s9  }
0xb5: {  	[tilespmem:s16], [sflag:$0x6] =	stream.linear.gather [hbm4b:s30+s3], $0x50, $0x38;
	[tilespmem:$0xF200] =	vst v63  }
0xb6: {  	_ =	swait.ge [sflag:s29], $0x50  }
0xb7: {  	[sflag:s29] =	ssyncset.done $0x0  }
0xb8: {  	s9 =	sadd.s32 s6, s9;
	s30 =	simm.s32 $0x180;
	[sflag:s29] =	ssyncadd.s32 $0xFFFFFFB0  }
0xb9: {  	[tilespmem:s30], [sflag:$0x6] =	stream.linear.gather [hbm4b:s9+s3], $0x50, $0x38;
	[tilespmem:$0xF200] =	vst v63  }
0xba: {  	_ =	swait.ge [sflag:s29], $0x50  }
0xbb: {  	[sflag:s29] =	ssyncset.done $0x0  }
0xbc: {  	[sflag:s29] =	ssyncadd.s32 $0xFFFFFFB0  }
0xbd: {  	v3 =	vld [tilespmem:$0x80];
	_ =	sdelay $0x4  }
0xbe: {  	v4 =	vshll.u32 v3, $0x1  }
0xbf: {  	v3 =	vand.u32 $0x7, v3;
	v4 =	vand.u32 $0xFFFFFFF0, v4  }
0xc0: {  	v3 =	vor.u32 v3, v4  }
0xc1: {  	v4 =	vperm.xlane v3, v0;
	_ =	sdelay $0x1  }
0xc2: {  	v3 =	vperm.xlane v3, v2;
	v4 =	vadd.s32 v1, v4;
	_ =	sdelay $0x1  }
0xc3: {  	v3 =	vadd.s32 v1, v3;
	_ =	sdelay $0x2  }
0xc4: {  	[tilespmem:s31], [sflag:$0x2] =	stream.indirect_vreg.gather [hbm4b:s4+s3], $0x80, v4, vm0, $0xb8;
	[tilespmem:$0xF200] =	vst v63  }
0xc5: {  	s9 =	simm.s32 $0x5A00  }
0xc6: {  	[tilespmem:s9], [sflag:$0x2] =	stream.indirect_vreg.gather [hbm4b:s4+s3], $0x80, v3, vm0, $0xb8;
	[tilespmem:$0xF200] =	vst v63  }
0xc7: {  	v3 =	vld [tilespmem:$0x90];
	_ =	sdelay $0x4  }
0xc8: {  	v60 =	vshll.u32 v3, $0x1  }
0xc9: {  	v3 =	vand.u32 $0x7, v3;
	v4 =	vand.u32 $0xFFFFFFF0, v60  }
0xca: {  	v3 =	vor.u32 v3, v4  }
0xcb: {  	v4 =	vperm.xlane v3, v0;
	_ =	sdelay $0x1  }
0xcc: {  	v3 =	vperm.xlane v3, v2;
	v4 =	vadd.s32 v1, v4;
	_ =	sdelay $0x1  }
0xcd: {  	v3 =	vadd.s32 v1, v3;
	_ =	sdelay $0x1  }
0xce: {  	s9 =	simm.s32 $0x6200  }
0xcf: {  	[tilespmem:s9], [sflag:$0x2] =	stream.indirect_vreg.gather [hbm4b:s4+s3], $0x80, v4, vm0, $0xb8;
	[tilespmem:$0xF200] =	vst v63  }
0xd0: {  	s9 =	simm.s32 $0x6A00  }
0xd1: {  	[tilespmem:s9], [sflag:$0x2] =	stream.indirect_vreg.gather [hbm4b:s4+s3], $0x80, v3, vm0, $0xb8;
	[tilespmem:$0xF200] =	vst v63  }
0xd2: {  	v3 =	vld [tilespmem:$0xA0];
	_ =	sdelay $0x4  }
0xd3: {  	v61 =	vshll.u32 v3, $0x1  }
0xd4: {  	v3 =	vand.u32 $0x7, v3;
	v4 =	vand.u32 $0xFFFFFFF0, v61  }
0xd5: {  	v3 =	vor.u32 v3, v4  }
0xd6: {  	v4 =	vperm.xlane v3, v0;
	_ =	sdelay $0x1  }
0xd7: {  	v3 =	vperm.xlane v3, v2;
	v4 =	vadd.s32 v1, v4;
	_ =	sdelay $0x1  }
0xd8: {  	v3 =	vadd.s32 v1, v3;
	_ =	sdelay $0x1  }
0xd9: {  	s9 =	simm.s32 $0x7200  }
0xda: {  	[tilespmem:s9], [sflag:$0x2] =	stream.indirect_vreg.gather [hbm4b:s4+s3], $0x80, v4, vm0, $0xb8;
	[tilespmem:$0xF200] =	vst v63  }
0xdb: {  	s9 =	simm.s32 $0x7A00  }
0xdc: {  	[tilespmem:s9], [sflag:$0x2] =	stream.indirect_vreg.gather [hbm4b:s4+s3], $0x80, v3, vm0, $0xb8;
	[tilespmem:$0xF200] =	vst v63  }
0xdd: {  	v3 =	vld [tilespmem:$0xB0];
	_ =	sdelay $0x4  }
0xde: {  	v62 =	vshll.u32 v3, $0x1  }
0xdf: {  	v3 =	vand.u32 $0x7, v3;
	v4 =	vand.u32 $0xFFFFFFF0, v62  }
0xe0: {  	v3 =	vor.u32 v3, v4  }
0xe1: {  	v4 =	vperm.xlane v3, v0;
	_ =	sdelay $0x1  }
0xe2: {  	v3 =	vperm.xlane v3, v2;
	v4 =	vadd.s32 v1, v4;
	_ =	sdelay $0x1  }
0xe3: {  	v3 =	vadd.s32 v1, v3;
	_ =	sdelay $0x1  }
0xe4: {  	s9 =	simm.s32 $0x8200  }
0xe5: {  	[tilespmem:s9], [sflag:$0x2] =	stream.indirect_vreg.gather [hbm4b:s4+s3], $0x80, v4, vm0, $0xb8;
	[tilespmem:$0xF200] =	vst v63  }
0xe6: {  	s9 =	simm.s32 $0x8A00  }
0xe7: {  	[tilespmem:s9], [sflag:$0x2] =	stream.indirect_vreg.gather [hbm4b:s4+s3], $0x80, v3, vm0, $0xb8;
	[tilespmem:$0xF200] =	vst v63  }
0xe8: {  	v3 =	vld [tilespmem:$0xC0];
	_ =	sdelay $0x4  }
0xe9: {  	v63 =	vshll.u32 v3, $0x1  }
0xea: {  	v3 =	vand.u32 $0x7, v3;
	v4 =	vand.u32 $0xFFFFFFF0, v63  }
0xeb: {  	v3 =	vor.u32 v3, v4  }
0xec: {  	v4 =	vperm.xlane v3, v0;
	_ =	sdelay $0x1  }
0xed: {  	v3 =	vperm.xlane v3, v2;
	v4 =	vadd.s32 v1, v4;
	_ =	sdelay $0x1  }
0xee: {  	v3 =	vadd.s32 v1, v3;
	_ =	sdelay $0x1  }
0xef: {  	s9 =	simm.s32 $0x9200  }
0xf0: {  	[tilespmem:s9], [sflag:$0x2] =	stream.indirect_vreg.gather [hbm4b:s4+s3], $0x80, v4, vm0, $0xb8;
	[tilespmem:$0xF200] =	vst v63  }
0xf1: {  	s9 =	simm.s32 $0x9A00  }
0xf2: {  	[tilespmem:s9], [sflag:$0x2] =	stream.indirect_vreg.gather [hbm4b:s4+s3], $0x80, v3, vm0, $0xb8;
	[tilespmem:$0xF200] =	vst v63  }
0xf3: {  	s16 =	simm.s32 $0xA00  }
0xf4: {  	[tilespmem:s28], [sflag:$0x4] =	stream.indirect.gather [hbm4b:s2+s25], $0x80, s30, s25, $0xb8;
	[tilespmem:$0xF200] =	vst v63  }
.LBB2_5:
0xf5: {  	_ =	swait.ge [sflag:s0], $0x5000  }
0xf6: {  	[sflag:s0] =	ssyncset.done $0x0  }
0xf7: {  	[sflag:s0] =	ssyncadd.s32 $0xFFFFB000  }
0xf8: {  	_ =	swait.ge [sflag:s1], $0x2800  }
0xf9: {  	[sflag:s1] =	ssyncset.done $0x0  }
0xfa: {  	[sflag:s1] =	ssyncadd.s32 $0xFFFFD800  }
0xfb: {  	[hbm4b:s11+s3] =	stream.linear.scatter [tilespmem:s15], [sflag:$0x6], $0x5000, $0x38;
	[tilespmem:$0xF200] =	vst v63  }
.Ltmp6:
0xfc: {  	s9 =	simm.s32 $0x6;
	(pc) =	sbr.rel .LBB2_7-.Ltmp6, $4  }
0xfd: {  	_ =	swait.ge [sflag:s9], $0x5000  }
0xfe: {  	[sflag:s9] =	ssyncset.done $0x0  }
0xff: {  	[sflag:s9] =	ssyncadd.s32 $0xFFFFB000  }
0x100: {  	[hbm4b:s12+s3] =	stream.linear.scatter [tilespmem:s26], [sflag:$0x6], $0x2800, $0x38;
	[tilespmem:$0xF200] =	vst v63  }
.LBB2_9:
0x101: {  	_ =	sfence.sel $0x180000  }
0x102: {  	[bflag:$0x0] =	sbarrier.arrive $0xFFFF  }
0x103: {  	_ =	strace $0x90000047  }
0x104: {  	s0 =	stileid.u32;
	[bflag:$0x2] =	sbarrier.arrive $0xFFFF  }
0x105: {  	p0 =	sne.s32 s0, $0x0;
	s0 =	rddreg [dreg:$0x2]  }
0x106: {  	s0 =	sadd.s32 @!p0 $0x100000, s0  }
0x107: {  	[sflag:s0] =	ssyncadd.tile.s32 @!p0 $0x1;
	_ =	shalt  }
.Lfunc_end2:
_tile_overlayer_lowered:
.L_overlay_start_2:
0x108: {  	(tag) =	ssettag $0x2  }
0x109: {  	s0 =	rddreg [dreg:$0x0];
	s2 =	stileid.u32  }
0x10a: {  	s1 =	rddreg [dreg:$0x1];
	p0 =	sne.s32 s2, $0x0  }
0x10b: {  	s3 =	rddreg [dreg:$0x2];
	[bflag:$0x3] =	sbarrier.arrive $0xFFFF;
	s2 =	simm.s32 @!p0 $0x1C05  }
0x10c: {  	[timem:s3], [sflag:s2] =	dma.local @!p0 [hbm:s0], s1  }
0x10d: {  	s0 =	simm.s32 @!p0 $0x5  }
0x10e: {  	_ =	swait.ge @!p0 [sflag:s0], s1  }
0x10f: {  	s1 =	ssub.s32 @!p0 $0x0, s1;
	[sflag:s0] =	ssyncset.done @!p0 $0x0  }
0x110: {  	[sflag:s0] =	ssyncadd.s32 @!p0 s1  }
0x111: {  	[bflag:$0x3] =	sbarrier.arrive $0xFFFF  }
0x112: {  	_ =	shalt  }

// kernel: kernel.16.cloned.1.call-start
scs
__scs_entry_jumppad:
0x0: {  	(pc) =	sbr.rel $0x88, $3  }
0x1: {  	(tag) =	ssettag $0x0;
	lr =	simm.s32 $0x1  }
0x2: {  	[smem:$0x3F9A] =	sst lr;
	_ =	strace $0xD0000000  }
0x3: {  	_ = 	snop  }
0x4: {  	_ = 	snop  }
0x5: {  	_ = 	snop  }
0x6: {  	_ = 	snop  }
0x7: {  	_ = 	snop  }
__scs_overlays_trampoline_lowered:
0x8: {  	[smem:$0x3FA9] =	sst s0  }
0x9: {  	[smem:$0x3FAA] =	sst s1  }
0xa: {  	[smem:$0x3FAB] =	sst s2  }
0xb: {  	[smem:$0x3FAC] =	sst s3  }
0xc: {  	[smem:$0x3FAD] =	sst s4  }
0xd: {  	[smem:$0x3FAE] =	sst s5  }
0xe: {  	[smem:$0x3FAF] =	sst s6  }
0xf: {  	[smem:$0x3FB0] =	sst s7  }
0x10: {  	[smem:$0x3FB1] =	sst s8  }
0x11: {  	[smem:$0x3FB2] =	sst s9;
	s0 =	simm.s32 @!p0 $0x0  }
0x12: {  	s1 =	sld [smem:$0x3F98];
	s0 =	simm.s32 @p0 $0x1  }
0x13: {  	[smem:$0x3FB3] =	sst s0;
	s0 =	simm.s32 @!p1 $0x0  }
0x14: {  	s2 =	sld [smem:$0x3F97];
	s0 =	simm.s32 @p1 $0x1  }
0x15: {  	[smem:$0x3FB4] =	sst s0;
	s0 =	simm.s32 @!p2 $0x0  }
0x16: {  	s3 =	sld [smem:$0x3FDB];
	s0 =	simm.s32 @p2 $0x1  }
0x17: {  	s4 =	simm.s32 $0x1BF5;
	[smem:$0x3FB6] =	sst s0  }
0x18: {  	s0 =	sld [smem:$0x3F99];
	_ =	swait.ge [sflag:s4], $0x0  }
0x19: {  	s7 =	sld [smem:$0x3F9A]  }
0x1a: {  	s8 =	sadd.s32 $0xFFFFE003, lr  }
0x1b: {  	s9 =	sadd.s32 $0xFFFFFEF7, lr;
	s5 =	simm.s32 $0xFFFFFFFF;
	p2 =	slt.u32 s8, $0xFFFFF086  }
0x1c: {  	p1 =	slt.u32 s9, $0xF7A;
	s5 =	simm.s32 @!p2 $0x0  }
0x1d: {  	s5 =	simm.s32 @p1 $0x1;
	p0 =	seq.s32 s7, s2  }
0x1e: {  	s7 =	smul.u32 @!p0 $0xF7A, s2;
	p2 =	seq.s32 @!p0 s5, $0x0  }
0x1f: {  	s9 =	smul.u32 $0xF7A, s1;
	s8 =	simm.s32 @!p0 $0x1BF5;
	p2 =	por !p2, p0  }
0x20: {  	[sflag:s8] =	ssyncset.s32 @!p0 $0xFFFFF086;
	s6 =	sadd.s32 @!p0 s3, s7;
	s7 =	simm.s32 @!p0 $0x108  }
0x21: {  	s3 =	sadd.s32 s3, s9;
	s6 =	sadd.s32 @!p0 $0x88, s6;
	s7 =	simm.s32 @p2 $0x1082  }
0x22: {  	[simem:s7], [sflag:s8] =	dma.local @!p0 [hbm:s6], $0xF7A  }
0x23: {  	s9 =	sor.u32 $0xD0000000, s2;
	s6 =	simm.s32 $0x108;
	_ =	swait.ge @!p0 [sflag:s8], $0x0  }
0x24: {  	s3 =	sadd.s32 $0x88, s3;
	s6 =	simm.s32 @!p1 $0x1082;
	[sflag:s4] =	ssyncset.s32 $0xFFFFF086  }
0x25: {  	[simem:s6], [sflag:s4] =	dma.local [hbm:s3], $0xF7A  }
0x26: {  	[smem:$0x3F9A] =	sst s1;
	(tag) =	ssettag s2;
	_ =	strace s9  }
0x27: {  	s1 =	sld [smem:$0x3FAA]  }
0x28: {  	s2 =	sld [smem:$0x3FAB]  }
0x29: {  	s4 =	sld [smem:$0x3FAD]  }
0x2a: {  	p0 =	seq.s32 s5, $0x0;
	s5 =	sld [smem:$0x3FAE]  }
0x2b: {  	s6 =	sld [smem:$0x3FAF]  }
0x2c: {  	s7 =	sld [smem:$0x3FB0]  }
0x2d: {  	s3 =	simm.s32 $0x108;
	s8 =	sld [smem:$0x3FB1]  }
0x2e: {  	s3 =	simm.s32 @!p0 $0x1082;
	s9 =	sld [smem:$0x3FB2]  }
0x2f: {  	lr =	sadd.s32 s0, s3;
	s0 =	sld [smem:$0x3FA9]  }
0x30: {  	s3 =	sld [smem:$0x3FAC]  }
0x31: {  	[smem:$0x3FB5] =	sst s10  }
0x32: {  	s10 =	sld [smem:$0x3FB3];
	_ =	sdelay $0x3  }
0x33: {  	p0 =	seq.s32 s10, $0x1;
	s10 =	sld [smem:$0x3FB5];
	_ =	sdelay $0x3  }
0x34: {  	[smem:$0x3FB5] =	sst s10  }
0x35: {  	s10 =	sld [smem:$0x3FB4];
	_ =	sdelay $0x3  }
0x36: {  	p1 =	seq.s32 s10, $0x1;
	s10 =	sld [smem:$0x3FB5];
	_ =	sdelay $0x3  }
0x37: {  	[smem:$0x3FB5] =	sst s10  }
0x38: {  	s10 =	sld [smem:$0x3FB6]  }
0x39: {  	_ = 	snop;
	(pc) =	sbr.ind lr, $3  }
0x3a: {  	_ = 	snop  }
0x3b: {  	_ = 	snop  }
0x3c: {  	p2 =	seq.s32 s10, $0x1;
	s10 =	sld [smem:$0x3FB5]  }
0x3d: {  	_ =	shalt  }
0x3e: {  	_ =	shalt  }
0x3f: {  	_ =	shalt  }
0x40: {  	_ =	shalt  }
0x41: {  	_ =	shalt  }
0x42: {  	_ =	shalt  }
0x43: {  	_ =	shalt  }
0x44: {  	_ =	shalt  }
0x45: {  	_ =	shalt  }
0x46: {  	_ =	shalt  }
0x47: {  	_ =	shalt  }
0x48: {  	_ =	shalt  }
0x49: {  	_ =	shalt  }
0x4a: {  	_ =	shalt  }
0x4b: {  	_ =	shalt  }
0x4c: {  	_ =	shalt  }
0x4d: {  	_ =	shalt  }
0x4e: {  	_ =	shalt  }
0x4f: {  	_ =	shalt  }
0x50: {  	_ =	shalt  }
0x51: {  	_ =	shalt  }
0x52: {  	_ =	shalt  }
0x53: {  	_ =	shalt  }
0x54: {  	_ =	shalt  }
0x55: {  	_ =	shalt  }
0x56: {  	_ =	shalt  }
0x57: {  	_ =	shalt  }
0x58: {  	_ =	shalt  }
0x59: {  	_ =	shalt  }
0x5a: {  	_ =	shalt  }
0x5b: {  	_ =	shalt  }
0x5c: {  	_ =	shalt  }
0x5d: {  	_ =	shalt  }
0x5e: {  	_ =	shalt  }
0x5f: {  	_ =	shalt  }
0x60: {  	_ =	shalt  }
0x61: {  	_ =	shalt  }
0x62: {  	_ =	shalt  }
0x63: {  	_ =	shalt  }
0x64: {  	_ =	shalt  }
0x65: {  	_ =	shalt  }
0x66: {  	_ =	shalt  }
0x67: {  	_ =	shalt  }
0x68: {  	_ =	shalt  }
0x69: {  	_ =	shalt  }
0x6a: {  	_ =	shalt  }
0x6b: {  	_ =	shalt  }
0x6c: {  	_ =	shalt  }
0x6d: {  	_ =	shalt  }
0x6e: {  	_ =	shalt  }
0x6f: {  	_ =	shalt  }
0x70: {  	_ =	shalt  }
0x71: {  	_ =	shalt  }
0x72: {  	_ =	shalt  }
0x73: {  	_ =	shalt  }
0x74: {  	_ =	shalt  }
0x75: {  	_ =	shalt  }
0x76: {  	_ =	shalt  }
0x77: {  	_ =	shalt  }
0x78: {  	_ =	shalt  }
0x79: {  	_ =	shalt  }
0x7a: {  	_ =	shalt  }
0x7b: {  	_ =	shalt  }
0x7c: {  	_ =	shalt  }
0x7d: {  	_ =	shalt  }
0x7e: {  	_ =	shalt  }
0x7f: {  	_ =	shalt  }
0x80: {  	_ =	shalt  }
0x81: {  	_ =	shalt  }
0x82: {  	_ =	shalt  }
0x83: {  	_ =	shalt  }
0x84: {  	_ =	shalt  }
0x85: {  	_ =	shalt  }
0x86: {  	_ =	shalt  }
0x87: {  	_ =	shalt  }
.Lfunc_end0:
.L_simem_size_0:
called_computation.1_lowered:
.L_overlay_start_0:
0x88: {  	s2 =	sld [smem:$0x3FD9]  }
0x89: {  	s3 =	sld [smem:$0x3FFE];
	_ =	sdelay $0x1  }
0x8a: {  	s1 =	srdreg.scid  }
0x8b: {  	s0 =	sand.u32 $0x1, s1  }
0x8c: {  	s17 =	sshll.u32 s0, $0xA;
	s2 =	sadd.s32 s3, s2  }
0x8d: {  	s2 =	sadd.s32 s2, s17  }
0x8e: {  	[smem:$0x3FC1] =	sst s2  }
0x8f: {  	_ = 	snop  }
0x90: {  	s18 =	sld [smem:$0x3FD0];
	(tm) =	ssettm $0x1  }
0x91: {  	s19 =	sld [smem:$0x3FFB];
	_ =	sdelay $0x3  }
0x92: {  	_ =	strace s19  }
0x93: {  	s2 =	sld [smem:$0x3FFC];
	_ =	sdelay $0x3  }
0x94: {  	_ =	strace s2  }
0x95: {  	s2 =	sld [smem:$0x3FFD];
	_ =	sdelay $0x3  }
0x96: {  	_ =	strace s2  }
0x97: {  	_ =	strace $0x8FFFFFFF  }
0x98: {  	s20 =	sld [smem:$0x3FDB];
	_ =	sdelay $0x1  }
0x99: {  	s4 =	simm.s32 $_scs_section_size  }
0x9a: {  	s5 =	simm.s32 $_size__tile_overlayer_lowered;
	s6 =	simm.s32 $_tile_overlayer_lowered  }
0x9b: {  	s7 =	simm.s32 $0x1BFF;
	s21 =	sshll.u32 s6, $0x1;
	s4 =	sadd.s32 s4, s20  }
0x9c: {  	s22 =	simm.s32 $0x0;
	s5 =	sshll.u32 s5, $0x1;
	s6 =	sadd.s32 s21, s4  }
0x9d: {  	[timem:s22], [sflag:s7] =	dma.local [hbm:s6], s5  }
0x9e: {  	_ =	swait.ge [sflag:s7], s5  }
0x9f: {  	s5 =	ssub.s32 $0x0, s5;
	[sflag:s7] =	ssyncset.done $0x0  }
0xa0: {  	[sflag:s7] =	ssyncadd.s32 s5;
	_ =	sdelay $0x1  }
0xa1: {  	s23 =	simm.s32 $0x1B8B  }
0xa2: {  	_ =	swait.ge [sflag:s23], $0x1  }
0xa3: {  	[sflag:s23] =	ssyncset.done $0x0  }
0xa4: {  	[sflag:s23] =	ssyncadd.s32 $0xFFFFFFFF  }
0xa5: {  	s5 =	sld [smem:$0x0]  }
0xa6: {  	s6 =	sand.u32 $0xFFFFFFFE, s1  }
0xa7: {  	p0 =	sne.s32 s1, s6  }
0xa8: {  	s6 =	sshll.u32 @p0 s6, $0xE  }
0xa9: {  	s6 =	sadd.s32 @p0 $0x11B8D, s6;
	s7 =	sshll.u32 @p0 s5, $0x11  }
0xaa: {  	s6 =	sor.u32 @p0 s7, s6  }
0xab: {  	[sflag:s6] =	ssyncadd.remote.s32 @p0 $0x1;
	_ =	sdelay $0x1  }
0xac: {  	s6 =	simm.s32 @p0 $0x1B8D  }
0xad: {  	_ =	swait.eq @p0 [sflag:s6], $0x1  }
0xae: {  	[sflag:s6] =	ssyncadd.s32 @p0 $0xFFFFFFFF  }
0xaf: {  	s7 =	sshll.u32 @!p0 s1, $0xE  }
0xb0: {  	s7 =	sor.u32 @!p0 $0x4000, s7;
	s6 =	simm.s32 @!p0 $0x1B8D  }
0xb1: {  	s5 =	sshll.u32 @!p0 s5, $0x11;
	s7 =	sadd.s32 @!p0 $0x11B8D, s7;
	_ =	swait.eq @!p0 [sflag:s6], $0x1  }
0xb2: {  	s5 =	sor.u32 @!p0 s5, s7;
	[sflag:s6] =	ssyncadd.s32 @!p0 $0xFFFFFFFF  }
0xb3: {  	s25 =	simm.s32 $0x1B8E;
	s24 =	sld [smem:$0x3FFE];
	[sflag:s5] =	ssyncadd.remote.s32 @!p0 $0x1  }
0xb4: {  	s26 =	simm.s32 $execute0_lowered;
	[smem:$0x3FD2] =	sst s25  }
0xb5: {  	s6 =	sshll.u32 s26, $0x1;
	_ =	strace $0x8000004C;
	[dreg:$0x1] =	wrdreg $0xFFFFFFFF  }
0xb6: {  	s28 =	simm.s32 $_size_execute0_lowered;
	s4 =	sadd.s32 s4, s6;
	[dreg:$0x0] =	wrdreg $0x0  }
0xb7: {  	s6 =	sshll.u32 s28, $0x1;
	[dreg:$0x2] =	wrdreg s4  }
0xb8: {  	[dreg:$0x3] =	wrdreg s6  }
0xb9: {  	[dreg:$0x4] =	wrdreg $0xC0  }
0xba: {  	_ =	task [dreg:s22], $0x5FFFF  }
0xbb: {  	[dreg:$0x1] =	wrdreg $0xFFFFFFFF  }
0xbc: {  	[dreg:$0x0] =	wrdreg $0x60  }
0xbd: {  	[dreg:$0x2] =	wrdreg s18  }
0xbe: {  	[dreg:$0x3] =	wrdreg s24  }
0xbf: {  	[dreg:$0x4] =	wrdreg $0x52000  }
0xc0: {  	[dreg:$0x5] =	wrdreg $0x9  }
0xc1: {  	_ =	task.clear_ibuf [dreg:s22], $0x6FFFF;
	_ =	strace $0x9000004C  }
0xc2: {  	s29 =	simm.s32 $0x9;
	_ =	strace $0x8000004E  }
0xc3: {  	_ =	swait.ge [sflag:s29], $0x1  }
0xc4: {  	[sflag:s29] =	ssyncadd.s32 $0xFFFFFFFF  }
0xc5: {  	_ =	strace $0x9000004E  }
0xc6: {  	_ =	sfence  }
0xc7: {  	s30 =	sld [smem:$0x0];
	_ =	sdelay $0x2  }
0xc8: {  	s31 =	sshll.u32 s1, $0xD;
	s1 =	sshrl.u32 s1, $0x2  }
0xc9: {  	s4 =	sand.u32 $0x4000, s31;
	s1 =	sadd.s32 s1, s30  }
0xca: {  	s0 =	sor.u32 s4, s0;
	s1 =	sshll.u32 s1, $0x11  }
0xcb: {  	s0 =	sor.u32 s1, s0  }
0xcc: {  	s0 =	sadd.s32 $0x8F2B, s0  }
0xcd: {  	[sflag:s0] =	ssyncadd.remote.s32 $0x1  }
0xce: {  	_ =	sfence.sel $0xFFFF  }
0xcf: {  	[dreg:$0x0] =	wrdreg $0xFFFFFFFF;
	(pc) =	sbr.abs _section_cstart, $3  }
0xd0: {  	[dreg:$0x1] =	wrdreg $0xFFFFFFFF  }
0xd1: {  	_ =	task.clear_ibuf [dreg:s22], $0x2FFFF;
	_ =	strace $0x9FFFFFFF  }
0xd2: {  	(tm) =	ssettm $0x7FFFFFFF  }
0xd3: {  	_ =	shalt  }
tec
execute0_lowered:
.L_overlay_start_1:
0x0: {  	(tag) =	ssettag $0x1  }
0x1: {  	s1 =	rddreg [dreg:$0x0]  }
0x2: {  	s9 =	rddreg [dreg:$0x1]  }
0x3: {  	s2 =	rddreg [dreg:$0x2]  }
0x4: {  	s0 =	rddreg [dreg:$0x3]  }
0x5: {  	s3 =	simm.s32 $0x0;
	s4 =	srdreg.scid;
	s12 =	stileid.u32  }
0x6: {  	s16 =	simm.s32 $0x200;
	s17 =	simm.s32 $0x100;
	s18 =	simm.s32 $0x4  }
0x7: {  	s19 =	simm.s32 $0x180;
	s20 =	simm.s32 $0x1;
	s21 =	simm.s32 $0x2  }
0x8: {  	s22 =	simm.s32 $0x2A00;
	s23 =	simm.s32 $0x0;
	[smem:$0x7FF] =	sst s3  }
0x9: {  	s8 =	sand.u32 $0x1, s4;
	s31 =	sshll.u32 s12, $0x1;
	s4 =	sadd.s32 $0xD200, s9  }
0xa: {  	s5 =	sadd.s32 $0x3400, s9;
	s6 =	sor.u32 s8, s31;
	s10 =	smul.u32 $0x27100, s8  }
0xb: {  	s7 =	sadd.s32 $0x17000, s9;
	p0 =	sne.s32 s12, $0x0;
	s6 =	smul.u32 $0x2710, s6  }
.Ltmp0:
0xc: {  	_ =	strace $0x8000004D;
	s11 =	ssub.s32 $0x2, s8;
	(pc) =	sbr.rel .LBB2_1-.Ltmp0, $4  }
0xd: {  	s8 =	sadd.s32 $0x20E00, s9;
	s13 =	sshrl.u32 s11, $0x1;
	s15 =	sadd.s32 s10, s9  }
0xe: {  	s13 =	ssub.s32 s11, s13;
	s14 =	sshrl.u32 s6, $0x3;
	s10 =	sadd.s32 $0x50, s6  }
0xf: {  	s11 =	sadd.s32 $0x96200, s15;
	s12 =	smax.u32 s13, $0x1;
	s13 =	sshrl.u32 @!p0 s2, $0x3  }
0x10: {  	s15 =	simm.s32 $0x50;
	s9 =	sadd.s32 s4, s14;
	s14 =	simm.s32 $0x3  }
.LBB2_10:
0x11: {  	[bflag:$0x0] =	sbarrier.arrive $0xFFFF;
	s24 =	simm.s32 @!p0 $0x1C03;
	s23 =	sadd.s32 $0x1, s23  }
0x12: {  	[hbm:s11], [sflag:s24] =	dma.local @!p0 [spmem:s13], $0x27100  }
0x13: {  	p1 =	sne.s32 s23, s12  }
.Ltmp1:
0x14: {  	_ = 	snop;
	(pc) =	sbr.rel @!p1 .LBB2_11-.Ltmp1, $4  }
0x15: {  	s24 =	simm.s32 @!p0 $0x3  }
0x16: {  	_ =	swait.ge @!p0 [sflag:s24], $0x27100  }
0x17: {  	[sflag:s24] =	ssyncset.done @!p0 $0x0  }
0x18: {  	[sflag:s24] =	ssyncadd.s32 @!p0 $0xFFFD8F00  }
.LBB2_1:
0x19: {  	s24 =	simm.s32 @!p0 $0x1C03  }
0x1a: {  	[spmem:s13], [sflag:s24] =	dma.local @!p0 [hbm:s8], $0x27100  }
0x1b: {  	s24 =	simm.s32 @!p0 $0x3  }
0x1c: {  	_ =	swait.ge @!p0 [sflag:s24], $0x27100  }
0x1d: {  	[sflag:s24] =	ssyncset.done @!p0 $0x0  }
0x1e: {  	[sflag:s24] =	ssyncadd.s32 @!p0 $0xFFFD8F00  }
0x1f: {  	[tilespmem:s3], [sflag:$0x3] =	stream.linear.gather [hbm4b:s9+s3], $0x50, $0x38;
	[tilespmem:$0x18A80] =	vst v63  }
0x20: {  	_ =	swait.ge [sflag:s14], $0x50  }
.Ltmp2:
0x21: {  	[sflag:s14] =	ssyncset.done $0x0;
	(pc) =	sbr.rel .LBB2_2-.Ltmp2, $4  }
0x22: {  	[sflag:s14] =	ssyncadd.s32 $0xFFFFFFB0  }
0x23: {  	[tilespmem:s16], [sflag:$0x1] =	stream.indirect.gather [hbm4b:s1+s15], $0x80, s3, s15, $0xb8;
	[tilespmem:$0x18A80] =	vst v63  }
0x24: {  	[bflag:$0x0] =	sbarrier.arrive $0xFFFF  }
0x25: {  	s24 =	simm.s32 $0x0  }
.LBB2_8:
0x26: {  	[tilespmem:s25+$0x30] =	vst v8  }
0x27: {  	[tilespmem:s25+$0xFFFFFFC0] =	vst v6  }
0x28: {  	v0 =	vmul.f32 v0, v1;
	[tilespmem:s25+$0x10] =	vst v7  }
0x29: {  	v4 =	vmul.f32 v4, v1;
	[tilespmem:s25+$0xFFFFFFE0] =	vst v5  }
0x2a: {  	v2 =	vmul.f32 v2, v1;
	[tilespmem:s25+$0xFFFFFFF0] =	vst v0  }
0x2b: {  	v63 =	vmul.f32 v3, v1;
	[tilespmem:s25+$0x0] =	vst v4  }
0x2c: {  	[tilespmem:s25+$0x20] =	vst v2  }
0x2d: {  	[tilespmem:s25+$0xFFFFFFD0] =	vst v63;
	s25 =	simm.s32 $0x3  }
0x2e: {  	[spmem:s2] =	stream.indirect.scatter.add.f32 [tilespmem:s22], [sflag:$0x3], $0x80, s17, s15, $0xb8;
	[tilespmem:$0x18A80] =	vst v63  }
.LBB2_9:
0x2f: {  	s24 =	sadd.s32 $0x1, s24  }
0x30: {  	p1 =	sne.s32 s24, $0x7D  }
.Ltmp3:
0x31: {  	_ = 	snop;
	(pc) =	sbr.rel @!p1 .LBB2_10-.Ltmp3, $4  }
0x32: {  	_ = 	snop  }
0x33: {  	_ =	swait.ge [sflag:s25], $0x2800  }
0x34: {  	[sflag:s25] =	ssyncset.done $0x0  }
0x35: {  	[sflag:s25] =	ssyncadd.s32 $0xFFFFD800  }
.LBB2_2:
0x36: {  	s25 =	sand.u32 $0x1, s24  }
0x37: {  	p1 =	seq.s32 s25, $0x1  }
.Ltmp4:
0x38: {  	_ = 	snop;
	(pc) =	sbr.rel @p1 .LBB2_6-.Ltmp4, $1  }
0x39: {  	_ =	sdelay $0x3  }
0x3a: {  	s25 =	sor.u32 $0x1, s24  }
0x3b: {  	p1 =	sgt.u32 s25, $0x7C  }
0x3c: {  	s25 =	smul.u32 @!p1 $0x50, s25;
	_ =	sdelay $0x1  }
0x3d: {  	s25 =	sadd.s32 @!p1 s6, s25  }
0x3e: {  	s25 =	sshrl.u32 @!p1 s25, $0x3  }
0x3f: {  	s26 =	simm.s32 @!p1 $0x0;
	s28 =	simm.s32 @!p1 $0x80;
	s25 =	sadd.s32 @!p1 s4, s25  }
0x40: {  	[tilespmem:s28], [sflag:$0x4] =	stream.linear.gather @!p1 [hbm4b:s25+s26], $0x50, $0x38;
	[tilespmem:$0x18A80] =	vst v63  }
0x41: {  	s29 =	smul.u32 $0x50, s24;
	s25 =	simm.s32 @!p1 $0x4  }
0x42: {  	_ =	swait.ge @!p1 [sflag:s25], $0x50  }
0x43: {  	s29 =	sadd.s32 s6, s29;
	[sflag:s25] =	ssyncset.done @!p1 $0x0  }
0x44: {  	s26 =	simm.s32 @!p1 $0x2A00;
	[sflag:s25] =	ssyncadd.s32 @!p1 $0xFFFFFFB0;
	s25 =	simm.s32 @!p1 $0x50  }
0x45: {  	[tilespmem:s26], [sflag:$0x2] =	stream.indirect.gather @!p1 [hbm4b:s1+s25], $0x80, s28, s25, $0xb8;
	[tilespmem:$0x18A80] =	vst v63  }
0x46: {  	s25 =	sshrl.u32 s29, $0x3  }
0x47: {  	s28 =	simm.s32 $0x0;
	s30 =	sadd.s32 s5, s25  }
0x48: {  	[tilespmem:s17], [sflag:$0x4] =	stream.linear.gather [hbm4b:s30+s28], $0x50, $0x38;
	[tilespmem:$0x18A80] =	vst v63  }
0x49: {  	_ =	swait.ge [sflag:s18], $0x50  }
0x4a: {  	[sflag:s18] =	ssyncset.done $0x0  }
0x4b: {  	s25 =	sadd.s32 s7, s25;
	[sflag:s18] =	ssyncadd.s32 $0xFFFFFFB0  }
0x4c: {  	[tilespmem:s19], [sflag:$0x4] =	stream.linear.gather [hbm4b:s25+s28], $0x50, $0x38;
	[tilespmem:$0x18A80] =	vst v63  }
0x4d: {  	_ =	swait.ge [sflag:s18], $0x50  }
0x4e: {  	[sflag:s18] =	ssyncset.done $0x0  }
0x4f: {  	[sflag:s18] =	ssyncadd.s32 $0xFFFFFFB0  }
0x50: {  	_ =	swait.ge [sflag:s20], $0x2800  }
0x51: {  	[sflag:s20] =	ssyncset.done $0x0  }
0x52: {  	s25 =	simm.s32 $0x240;
	[sflag:s20] =	ssyncadd.s32 $0xFFFFD800  }
0x53: {  	v4 =	vld [tilespmem:s25+$0x30]  }
0x54: {  	v7 =	vld [tilespmem:s25+$0x10]  }
0x55: {  	s31 =	simm.s32 $0x0;
	v5 =	vld [tilespmem:s25+$0xFFFFFFC0]  }
0x56: {  	v1 =	vld.msk [tilespmem:s31+$0x180 ss:$0x0], $0xffff  }
0x57: {  	v9 =	vld [tilespmem:s25+$0xFFFFFFE0]  }
0x58: {  	v0 =	vld [tilespmem:s25+$0xFFFFFFF0]  }
0x59: {  	v2 =	vld [tilespmem:s25+$0x20]  }
0x5a: {  	v3 =	vld [tilespmem:s25+$0xFFFFFFD0]  }
0x5b: {  	v8 =	vmul.f32 v4, v1;
	v4 =	vld [tilespmem:s25+$0x0]  }
0x5c: {  	v6 =	vmul.f32 v1, v5  }
0x5d: {  	s26 =	simm.s32 $0x4;
	s28 =	simm.s32 $0x240;
	v5 =	vmul.f32 v9, v1;
	v7 =	vmul.f32 v7, v1  }
.LBB2_4:
0x5e: {  	p1 =	sne.s32 s26, $0x13C  }
0x5f: {  	v3 =	vmul.f32 v3, v1;
	v2 =	vmul.f32 v2, v1;
	[tilespmem:s25+$0x30] =	vst v8;
	s28 =	sadd.s32 $0x80, s28;
	s29 =	smov.u32 s26;
	s26 =	sadd.s32 $0x4, s26  }
0x60: {  	[tilespmem:s25+$0xFFFFFFC0] =	vst v6;
	v6 =	vmul.f32 v0, v1;
	v1 =	vmul.f32 v4, v1  }
0x61: {  	[tilespmem:s25+$0x10] =	vst v7  }
0x62: {  	[tilespmem:s25+$0xFFFFFFE0] =	vst v5  }
0x63: {  	v0 =	vld [tilespmem:s28+$0xFFFFFFF0];
	[tilespmem:s25+$0xFFFFFFF0] =	vst v6  }
0x64: {  	v5 =	vld [tilespmem:s28+$0x30];
	[tilespmem:s25+$0x0] =	vst v1  }
0x65: {  	v7 =	vld [tilespmem:s28+$0x10];
	[tilespmem:s25+$0x20] =	vst v2  }
0x66: {  	s29 =	sshra.s32 s29, $0x2;
	v6 =	vld [tilespmem:s28+$0xFFFFFFC0];
	[tilespmem:s25+$0xFFFFFFD0] =	vst v3;
	s25 =	smov.u32 s28  }
0x67: {  	v1 =	vld.msk [tilespmem:s29+$0x180 ss:$0x0], $0xffff  }
0x68: {  	v9 =	vld [tilespmem:s28+$0xFFFFFFE0]  }
0x69: {  	v2 =	vld [tilespmem:s28+$0x20]  }
.Ltmp5:
0x6a: {  	v3 =	vld [tilespmem:s28+$0xFFFFFFD0];
	(pc) =	sbr.rel @p1 .LBB2_4-.Ltmp5, $3  }
0x6b: {  	v4 =	vld [tilespmem:s28+$0x0];
	_ =	sdelay $0x1  }
0x6c: {  	v6 =	vmul.f32 v1, v6;
	v8 =	vmul.f32 v5, v1  }
0x6d: {  	v7 =	vmul.f32 v7, v1;
	v5 =	vmul.f32 v9, v1  }
0x6e: {  	[tilespmem:s25+$0x30] =	vst v8  }
0x6f: {  	[tilespmem:s25+$0xFFFFFFC0] =	vst v6  }
0x70: {  	v0 =	vmul.f32 v0, v1;
	[tilespmem:s25+$0x10] =	vst v7  }
0x71: {  	v2 =	vmul.f32 v2, v1;
	[tilespmem:s25+$0xFFFFFFE0] =	vst v5  }
.Ltmp6:
0x72: {  	v63 =	vmul.f32 v3, v1;
	[tilespmem:s25+$0xFFFFFFF0] =	vst v0;
	(pc) =	sbr.rel .LBB2_9-.Ltmp6, $4  }
0x73: {  	v4 =	vmul.f32 v4, v1;
	[tilespmem:s25+$0x20] =	vst v2  }
0x74: {  	[tilespmem:s25+$0xFFFFFFD0] =	vst v63  }
0x75: {  	[tilespmem:s25+$0x0] =	vst v4;
	s25 =	simm.s32 $0x4  }
0x76: {  	[spmem:s2] =	stream.indirect.scatter.add.f32 [tilespmem:s16], [sflag:$0x4], $0x80, s17, s15, $0xb8;
	[tilespmem:$0x18A80] =	vst v63  }
.LBB2_6:
0x77: {  	s25 =	smul.u32 $0x50, s24;
	_ =	sdelay $0x1  }
0x78: {  	s26 =	sadd.s32 s25, s10  }
0x79: {  	s26 =	sshrl.u32 s26, $0x3  }
0x7a: {  	s28 =	simm.s32 $0x0;
	s26 =	sadd.s32 s4, s26  }
0x7b: {  	[tilespmem:s28], [sflag:$0x4] =	stream.linear.gather [hbm4b:s26+s28], $0x50, $0x38;
	[tilespmem:$0x18A80] =	vst v63  }
0x7c: {  	_ =	swait.ge [sflag:s18], $0x50  }
0x7d: {  	s25 =	sadd.s32 s6, s25;
	[sflag:s18] =	ssyncset.done $0x0  }
0x7e: {  	s25 =	sshrl.u32 s25, $0x3;
	[sflag:s18] =	ssyncadd.s32 $0xFFFFFFB0  }
0x7f: {  	[tilespmem:s16], [sflag:$0x1] =	stream.indirect.gather [hbm4b:s1+s15], $0x80, s28, s15, $0xb8;
	[tilespmem:$0x18A80] =	vst v63  }
0x80: {  	s30 =	sadd.s32 s5, s25  }
0x81: {  	[tilespmem:s17], [sflag:$0x4] =	stream.linear.gather [hbm4b:s30+s28], $0x50, $0x38;
	[tilespmem:$0x18A80] =	vst v63  }
0x82: {  	_ =	swait.ge [sflag:s18], $0x50  }
0x83: {  	[sflag:s18] =	ssyncset.done $0x0  }
0x84: {  	s25 =	sadd.s32 s7, s25;
	[sflag:s18] =	ssyncadd.s32 $0xFFFFFFB0  }
0x85: {  	[tilespmem:s19], [sflag:$0x4] =	stream.linear.gather [hbm4b:s25+s28], $0x50, $0x38;
	[tilespmem:$0x18A80] =	vst v63  }
0x86: {  	_ =	swait.ge [sflag:s18], $0x50  }
0x87: {  	[sflag:s18] =	ssyncset.done $0x0  }
0x88: {  	[sflag:s18] =	ssyncadd.s32 $0xFFFFFFB0  }
0x89: {  	_ =	swait.ge [sflag:s21], $0x2800  }
0x8a: {  	[sflag:s21] =	ssyncset.done $0x0  }
0x8b: {  	s25 =	simm.s32 $0x2A40;
	[sflag:s21] =	ssyncadd.s32 $0xFFFFD800  }
0x8c: {  	v4 =	vld [tilespmem:s25+$0x30]  }
0x8d: {  	v7 =	vld [tilespmem:s25+$0x10]  }
0x8e: {  	s31 =	simm.s32 $0x0;
	v5 =	vld [tilespmem:s25+$0xFFFFFFC0]  }
0x8f: {  	v1 =	vld.msk [tilespmem:s31+$0x180 ss:$0x0], $0xffff  }
0x90: {  	v9 =	vld [tilespmem:s25+$0xFFFFFFE0]  }
0x91: {  	v0 =	vld [tilespmem:s25+$0xFFFFFFF0]  }
0x92: {  	v2 =	vld [tilespmem:s25+$0x20]  }
0x93: {  	v3 =	vld [tilespmem:s25+$0xFFFFFFD0]  }
0x94: {  	v8 =	vmul.f32 v4, v1;
	v4 =	vld [tilespmem:s25+$0x0]  }
0x95: {  	v6 =	vmul.f32 v1, v5  }
0x96: {  	s26 =	simm.s32 $0x4;
	s28 =	simm.s32 $0x2A40;
	v5 =	vmul.f32 v9, v1;
	v7 =	vmul.f32 v7, v1  }
.LBB2_7:
0x97: {  	p1 =	sne.s32 s26, $0x13C  }
0x98: {  	v3 =	vmul.f32 v3, v1;
	v2 =	vmul.f32 v2, v1;
	[tilespmem:s25+$0x30] =	vst v8;
	s28 =	sadd.s32 $0x80, s28;
	s29 =	smov.u32 s26;
	s26 =	sadd.s32 $0x4, s26  }
0x99: {  	[tilespmem:s25+$0xFFFFFFC0] =	vst v6;
	v6 =	vmul.f32 v0, v1;
	v1 =	vmul.f32 v4, v1  }
0x9a: {  	[tilespmem:s25+$0x10] =	vst v7  }
0x9b: {  	[tilespmem:s25+$0xFFFFFFE0] =	vst v5  }
0x9c: {  	v0 =	vld [tilespmem:s28+$0xFFFFFFF0];
	[tilespmem:s25+$0xFFFFFFF0] =	vst v6  }
0x9d: {  	v5 =	vld [tilespmem:s28+$0x30];
	[tilespmem:s25+$0x0] =	vst v1  }
0x9e: {  	v7 =	vld [tilespmem:s28+$0x10];
	[tilespmem:s25+$0x20] =	vst v2  }
0x9f: {  	s29 =	sshra.s32 s29, $0x2;
	v6 =	vld [tilespmem:s28+$0xFFFFFFC0];
	[tilespmem:s25+$0xFFFFFFD0] =	vst v3;
	s25 =	smov.u32 s28  }
0xa0: {  	v1 =	vld.msk [tilespmem:s29+$0x180 ss:$0x0], $0xffff  }
0xa1: {  	v9 =	vld [tilespmem:s28+$0xFFFFFFE0]  }
0xa2: {  	v2 =	vld [tilespmem:s28+$0x20]  }
.Ltmp7:
0xa3: {  	v3 =	vld [tilespmem:s28+$0xFFFFFFD0];
	(pc) =	sbr.rel @p1 .LBB2_7-.Ltmp7, $3  }
0xa4: {  	v4 =	vld [tilespmem:s28+$0x0];
	_ =	sdelay $0x1  }
0xa5: {  	v6 =	vmul.f32 v1, v6;
	v8 =	vmul.f32 v5, v1  }
0xa6: {  	v7 =	vmul.f32 v7, v1;
	v5 =	vmul.f32 v9, v1  }
.Ltmp8:
0xa7: {  	_ = 	snop;
	(pc) =	sbr.rel .LBB2_8-.Ltmp8, $1  }
0xa8: {  	_ =	sdelay $0x3  }
.LBB2_11:
0xa9: {  	_ =	sfence.sel $0x180000  }
0xaa: {  	[bflag:$0x0] =	sbarrier.arrive $0xFFFF  }
0xab: {  	_ =	strace $0x9000004D  }
0xac: {  	s0 =	sadd.s32 @!p0 $0x100000, s0;
	[bflag:$0x2] =	sbarrier.arrive $0xFFFF  }
0xad: {  	[sflag:s0] =	ssyncadd.tile.s32 @!p0 $0x1;
	_ =	shalt  }
.Lfunc_end2:
_tile_overlayer_lowered:
.L_overlay_start_2:
0xae: {  	(tag) =	ssettag $0x2  }
0xaf: {  	s0 =	rddreg [dreg:$0x0];
	s2 =	stileid.u32  }
0xb0: {  	s1 =	rddreg [dreg:$0x1];
	p0 =	sne.s32 s2, $0x0  }
0xb1: {  	s3 =	rddreg [dreg:$0x2];
	[bflag:$0x3] =	sbarrier.arrive $0xFFFF;
	s2 =	simm.s32 @!p0 $0x1C03  }
0xb2: {  	[timem:s3], [sflag:s2] =	dma.local @!p0 [hbm:s0], s1  }
0xb3: {  	s0 =	simm.s32 @!p0 $0x3  }
0xb4: {  	_ =	swait.ge @!p0 [sflag:s0], s1  }
0xb5: {  	s1 =	ssub.s32 @!p0 $0x0, s1;
	[sflag:s0] =	ssyncset.done @!p0 $0x0  }
0xb6: {  	[sflag:s0] =	ssyncadd.s32 @!p0 s1  }
0xb7: {  	[bflag:$0x3] =	sbarrier.arrive $0xFFFF  }
0xb8: {  	_ =	shalt  }

// kernel: kernel.19.cloned.1.call-start
scs
__scs_entry_jumppad:
0x0: {  	(pc) =	sbr.rel $0x88, $3  }
0x1: {  	(tag) =	ssettag $0x0;
	lr =	simm.s32 $0x1  }
0x2: {  	[smem:$0x3F9A] =	sst lr;
	_ =	strace $0xD0000000  }
0x3: {  	_ = 	snop  }
0x4: {  	_ = 	snop  }
0x5: {  	_ = 	snop  }
0x6: {  	_ = 	snop  }
0x7: {  	_ = 	snop  }
__scs_overlays_trampoline_lowered:
0x8: {  	[smem:$0x3FA9] =	sst s0  }
0x9: {  	[smem:$0x3FAA] =	sst s1  }
0xa: {  	[smem:$0x3FAB] =	sst s2  }
0xb: {  	[smem:$0x3FAC] =	sst s3  }
0xc: {  	[smem:$0x3FAD] =	sst s4  }
0xd: {  	[smem:$0x3FAE] =	sst s5  }
0xe: {  	[smem:$0x3FAF] =	sst s6  }
0xf: {  	[smem:$0x3FB0] =	sst s7  }
0x10: {  	[smem:$0x3FB1] =	sst s8  }
0x11: {  	[smem:$0x3FB2] =	sst s9;
	s0 =	simm.s32 @!p0 $0x0  }
0x12: {  	s1 =	sld [smem:$0x3F98];
	s0 =	simm.s32 @p0 $0x1  }
0x13: {  	[smem:$0x3FB3] =	sst s0;
	s0 =	simm.s32 @!p1 $0x0  }
0x14: {  	s2 =	sld [smem:$0x3F97];
	s0 =	simm.s32 @p1 $0x1  }
0x15: {  	[smem:$0x3FB4] =	sst s0;
	s0 =	simm.s32 @!p2 $0x0  }
0x16: {  	s3 =	sld [smem:$0x3FDB];
	s0 =	simm.s32 @p2 $0x1  }
0x17: {  	s4 =	simm.s32 $0x1BF5;
	[smem:$0x3FB6] =	sst s0  }
0x18: {  	s0 =	sld [smem:$0x3F99];
	_ =	swait.ge [sflag:s4], $0x0  }
0x19: {  	s7 =	sld [smem:$0x3F9A]  }
0x1a: {  	s8 =	sadd.s32 $0xFFFFE003, lr  }
0x1b: {  	s9 =	sadd.s32 $0xFFFFFEF7, lr;
	s5 =	simm.s32 $0xFFFFFFFF;
	p2 =	slt.u32 s8, $0xFFFFF086  }
0x1c: {  	p1 =	slt.u32 s9, $0xF7A;
	s5 =	simm.s32 @!p2 $0x0  }
0x1d: {  	s5 =	simm.s32 @p1 $0x1;
	p0 =	seq.s32 s7, s2  }
0x1e: {  	s7 =	smul.u32 @!p0 $0xF7A, s2;
	p2 =	seq.s32 @!p0 s5, $0x0  }
0x1f: {  	s9 =	smul.u32 $0xF7A, s1;
	s8 =	simm.s32 @!p0 $0x1BF5;
	p2 =	por !p2, p0  }
0x20: {  	[sflag:s8] =	ssyncset.s32 @!p0 $0xFFFFF086;
	s6 =	sadd.s32 @!p0 s3, s7;
	s7 =	simm.s32 @!p0 $0x108  }
0x21: {  	s3 =	sadd.s32 s3, s9;
	s6 =	sadd.s32 @!p0 $0x88, s6;
	s7 =	simm.s32 @p2 $0x1082  }
0x22: {  	[simem:s7], [sflag:s8] =	dma.local @!p0 [hbm:s6], $0xF7A  }
0x23: {  	s9 =	sor.u32 $0xD0000000, s2;
	s6 =	simm.s32 $0x108;
	_ =	swait.ge @!p0 [sflag:s8], $0x0  }
0x24: {  	s3 =	sadd.s32 $0x88, s3;
	s6 =	simm.s32 @!p1 $0x1082;
	[sflag:s4] =	ssyncset.s32 $0xFFFFF086  }
0x25: {  	[simem:s6], [sflag:s4] =	dma.local [hbm:s3], $0xF7A  }
0x26: {  	[smem:$0x3F9A] =	sst s1;
	(tag) =	ssettag s2;
	_ =	strace s9  }
0x27: {  	s1 =	sld [smem:$0x3FAA]  }
0x28: {  	s2 =	sld [smem:$0x3FAB]  }
0x29: {  	s4 =	sld [smem:$0x3FAD]  }
0x2a: {  	p0 =	seq.s32 s5, $0x0;
	s5 =	sld [smem:$0x3FAE]  }
0x2b: {  	s6 =	sld [smem:$0x3FAF]  }
0x2c: {  	s7 =	sld [smem:$0x3FB0]  }
0x2d: {  	s3 =	simm.s32 $0x108;
	s8 =	sld [smem:$0x3FB1]  }
0x2e: {  	s3 =	simm.s32 @!p0 $0x1082;
	s9 =	sld [smem:$0x3FB2]  }
0x2f: {  	lr =	sadd.s32 s0, s3;
	s0 =	sld [smem:$0x3FA9]  }
0x30: {  	s3 =	sld [smem:$0x3FAC]  }
0x31: {  	[smem:$0x3FB5] =	sst s10  }
0x32: {  	s10 =	sld [smem:$0x3FB3];
	_ =	sdelay $0x3  }
0x33: {  	p0 =	seq.s32 s10, $0x1;
	s10 =	sld [smem:$0x3FB5];
	_ =	sdelay $0x3  }
0x34: {  	[smem:$0x3FB5] =	sst s10  }
0x35: {  	s10 =	sld [smem:$0x3FB4];
	_ =	sdelay $0x3  }
0x36: {  	p1 =	seq.s32 s10, $0x1;
	s10 =	sld [smem:$0x3FB5];
	_ =	sdelay $0x3  }
0x37: {  	[smem:$0x3FB5] =	sst s10  }
0x38: {  	s10 =	sld [smem:$0x3FB6]  }
0x39: {  	_ = 	snop;
	(pc) =	sbr.ind lr, $3  }
0x3a: {  	_ = 	snop  }
0x3b: {  	_ = 	snop  }
0x3c: {  	p2 =	seq.s32 s10, $0x1;
	s10 =	sld [smem:$0x3FB5]  }
0x3d: {  	_ =	shalt  }
0x3e: {  	_ =	shalt  }
0x3f: {  	_ =	shalt  }
0x40: {  	_ =	shalt  }
0x41: {  	_ =	shalt  }
0x42: {  	_ =	shalt  }
0x43: {  	_ =	shalt  }
0x44: {  	_ =	shalt  }
0x45: {  	_ =	shalt  }
0x46: {  	_ =	shalt  }
0x47: {  	_ =	shalt  }
0x48: {  	_ =	shalt  }
0x49: {  	_ =	shalt  }
0x4a: {  	_ =	shalt  }
0x4b: {  	_ =	shalt  }
0x4c: {  	_ =	shalt  }
0x4d: {  	_ =	shalt  }
0x4e: {  	_ =	shalt  }
0x4f: {  	_ =	shalt  }
0x50: {  	_ =	shalt  }
0x51: {  	_ =	shalt  }
0x52: {  	_ =	shalt  }
0x53: {  	_ =	shalt  }
0x54: {  	_ =	shalt  }
0x55: {  	_ =	shalt  }
0x56: {  	_ =	shalt  }
0x57: {  	_ =	shalt  }
0x58: {  	_ =	shalt  }
0x59: {  	_ =	shalt  }
0x5a: {  	_ =	shalt  }
0x5b: {  	_ =	shalt  }
0x5c: {  	_ =	shalt  }
0x5d: {  	_ =	shalt  }
0x5e: {  	_ =	shalt  }
0x5f: {  	_ =	shalt  }
0x60: {  	_ =	shalt  }
0x61: {  	_ =	shalt  }
0x62: {  	_ =	shalt  }
0x63: {  	_ =	shalt  }
0x64: {  	_ =	shalt  }
0x65: {  	_ =	shalt  }
0x66: {  	_ =	shalt  }
0x67: {  	_ =	shalt  }
0x68: {  	_ =	shalt  }
0x69: {  	_ =	shalt  }
0x6a: {  	_ =	shalt  }
0x6b: {  	_ =	shalt  }
0x6c: {  	_ =	shalt  }
0x6d: {  	_ =	shalt  }
0x6e: {  	_ =	shalt  }
0x6f: {  	_ =	shalt  }
0x70: {  	_ =	shalt  }
0x71: {  	_ =	shalt  }
0x72: {  	_ =	shalt  }
0x73: {  	_ =	shalt  }
0x74: {  	_ =	shalt  }
0x75: {  	_ =	shalt  }
0x76: {  	_ =	shalt  }
0x77: {  	_ =	shalt  }
0x78: {  	_ =	shalt  }
0x79: {  	_ =	shalt  }
0x7a: {  	_ =	shalt  }
0x7b: {  	_ =	shalt  }
0x7c: {  	_ =	shalt  }
0x7d: {  	_ =	shalt  }
0x7e: {  	_ =	shalt  }
0x7f: {  	_ =	shalt  }
0x80: {  	_ =	shalt  }
0x81: {  	_ =	shalt  }
0x82: {  	_ =	shalt  }
0x83: {  	_ =	shalt  }
0x84: {  	_ =	shalt  }
0x85: {  	_ =	shalt  }
0x86: {  	_ =	shalt  }
0x87: {  	_ =	shalt  }
.Lfunc_end0:
.L_simem_size_0:
called_computation.2_lowered:
.L_overlay_start_0:
0x88: {  	s2 =	sld [smem:$0x3FD9]  }
0x89: {  	s3 =	sld [smem:$0x3FFE];
	_ =	sdelay $0x1  }
0x8a: {  	s1 =	srdreg.scid  }
0x8b: {  	s0 =	sand.u32 $0x1, s1  }
0x8c: {  	s17 =	sshll.u32 s0, $0xA;
	s2 =	sadd.s32 s3, s2  }
0x8d: {  	s2 =	sadd.s32 s2, s17  }
0x8e: {  	[smem:$0x3FC1] =	sst s2  }
0x8f: {  	_ = 	snop  }
0x90: {  	s2 =	sld [smem:$0x3FC9];
	(tm) =	ssettm $0x1  }
0x91: {  	s18 =	sld [smem:$0x3FFB];
	_ =	sdelay $0x3  }
0x92: {  	_ =	strace s18  }
0x93: {  	s3 =	sld [smem:$0x3FFC];
	_ =	sdelay $0x3  }
0x94: {  	_ =	strace s3  }
0x95: {  	s3 =	sld [smem:$0x3FFD];
	_ =	sdelay $0x3  }
0x96: {  	_ =	strace s3  }
0x97: {  	_ =	strace $0x8FFFFFFF  }
0x98: {  	s19 =	sld [smem:$0x3FDB];
	_ =	sdelay $0x1  }
0x99: {  	s4 =	simm.s32 $_scs_section_size  }
0x9a: {  	s5 =	simm.s32 $_size__tile_overlayer_lowered;
	s6 =	simm.s32 $_tile_overlayer_lowered  }
0x9b: {  	s22 =	simm.s32 $0x1BFF;
	s21 =	sshll.u32 s6, $0x1;
	s3 =	sadd.s32 s4, s19  }
0x9c: {  	s7 =	simm.s32 $0x0;
	s20 =	sshll.u32 s5, $0x1;
	s5 =	sadd.s32 s21, s3  }
0x9d: {  	[timem:s7], [sflag:s22] =	dma.local [hbm:s5], s20  }
0x9e: {  	_ =	swait.ge [sflag:s22], s20  }
0x9f: {  	s4 =	ssub.s32 $0x0, s20;
	[sflag:s22] =	ssyncset.done $0x0  }
0xa0: {  	[sflag:s22] =	ssyncadd.s32 s4;
	_ =	sdelay $0x1  }
0xa1: {  	s23 =	simm.s32 $0x1B8B  }
0xa2: {  	_ =	swait.ge [sflag:s23], $0x1  }
0xa3: {  	[sflag:s23] =	ssyncset.done $0x0  }
0xa4: {  	s25 =	simm.s32 $0x1B8E;
	s24 =	sld [smem:$0x3FFE];
	[sflag:s23] =	ssyncadd.s32 $0xFFFFFFFF  }
0xa5: {  	s26 =	simm.s32 $execute0_lowered;
	[smem:$0x3FD2] =	sst s25  }
0xa6: {  	s5 =	sshll.u32 s26, $0x1;
	_ =	strace $0x80000049;
	[dreg:$0x1] =	wrdreg $0xFFFFFFFF  }
0xa7: {  	s28 =	simm.s32 $_size_execute0_lowered;
	s3 =	sadd.s32 s3, s5;
	[dreg:$0x0] =	wrdreg $0x0  }
0xa8: {  	s5 =	sshll.u32 s28, $0x1;
	[dreg:$0x2] =	wrdreg s3  }
0xa9: {  	[dreg:$0x3] =	wrdreg s5  }
0xaa: {  	[dreg:$0x4] =	wrdreg $0xC0  }
0xab: {  	_ =	task [dreg:s7], $0x5FFFF  }
0xac: {  	[dreg:$0x1] =	wrdreg $0xFFFFFFFF  }
0xad: {  	[dreg:$0x0] =	wrdreg $0x60  }
0xae: {  	[dreg:$0x2] =	wrdreg s2  }
0xaf: {  	[dreg:$0x3] =	wrdreg s24  }
0xb0: {  	[dreg:$0x4] =	wrdreg $0x52000  }
0xb1: {  	[dreg:$0x5] =	wrdreg $0xA  }
0xb2: {  	_ =	task.clear_ibuf [dreg:s7], $0x6FFFF;
	_ =	strace $0x90000049  }
0xb3: {  	s29 =	simm.s32 $0xA;
	_ =	strace $0x8000004B  }
0xb4: {  	_ =	swait.ge [sflag:s29], $0x1  }
0xb5: {  	[sflag:s29] =	ssyncadd.s32 $0xFFFFFFFF  }
0xb6: {  	_ =	strace $0x9000004B  }
0xb7: {  	_ =	sfence  }
0xb8: {  	s30 =	sld [smem:$0x0];
	_ =	sdelay $0x2  }
0xb9: {  	s31 =	sshll.u32 s1, $0xD;
	s1 =	sshrl.u32 s1, $0x2  }
0xba: {  	s3 =	sand.u32 $0x4000, s31;
	s1 =	sadd.s32 s1, s30  }
0xbb: {  	s0 =	sor.u32 s3, s0;
	s1 =	sshll.u32 s1, $0x11  }
0xbc: {  	s0 =	sor.u32 s1, s0  }
0xbd: {  	s0 =	sadd.s32 $0x8F2B, s0  }
0xbe: {  	[sflag:s0] =	ssyncadd.remote.s32 $0x1  }
0xbf: {  	_ =	sfence.sel $0xFFFF  }
0xc0: {  	[dreg:$0x0] =	wrdreg $0xFFFFFFFF;
	(pc) =	sbr.abs _section_cstart, $3  }
0xc1: {  	[dreg:$0x1] =	wrdreg $0xFFFFFFFF  }
0xc2: {  	_ =	task.clear_ibuf [dreg:s7], $0x2FFFF;
	_ =	strace $0x9FFFFFFF  }
0xc3: {  	(tm) =	ssettm $0x7FFFFFFF  }
tec
execute0_lowered:
.L_overlay_start_1:
0x0: {  	(tag) =	ssettag $0x1  }
0x1: {  	s1 =	rddreg [dreg:$0x0]  }
0x2: {  	s9 =	rddreg [dreg:$0x1]  }
0x3: {  	s2 =	rddreg [dreg:$0x2]  }
0x4: {  	s0 =	rddreg [dreg:$0x3]  }
0x5: {  	s3 =	simm.s32 $0x0;
	s4 =	srdreg.scid;
	s12 =	stileid.u32  }
0x6: {  	s16 =	simm.s32 $0x200;
	s17 =	simm.s32 $0x100;
	s18 =	simm.s32 $0x4  }
0x7: {  	s19 =	simm.s32 $0x180;
	s20 =	simm.s32 $0x1;
	s21 =	simm.s32 $0x2  }
0x8: {  	s22 =	simm.s32 $0x2A00;
	s23 =	simm.s32 $0x0;
	[smem:$0x7FF] =	sst s3  }
0x9: {  	s8 =	sand.u32 $0x1, s4;
	s31 =	sshll.u32 s12, $0x1;
	s4 =	sadd.s32 $0xD200, s9  }
0xa: {  	s5 =	sadd.s32 $0x3400, s9;
	s6 =	sor.u32 s8, s31;
	s10 =	smul.u32 $0x27100, s8  }
0xb: {  	s7 =	sadd.s32 $0x17000, s9;
	p0 =	sne.s32 s12, $0x0;
	s6 =	smul.u32 $0x2710, s6  }
.Ltmp0:
0xc: {  	_ =	strace $0x8000004A;
	s11 =	ssub.s32 $0x2, s8;
	(pc) =	sbr.rel .LBB2_1-.Ltmp0, $4  }
0xd: {  	s8 =	sadd.s32 $0x20E00, s9;
	s13 =	sshrl.u32 s11, $0x1;
	s15 =	sadd.s32 s10, s9  }
0xe: {  	s13 =	ssub.s32 s11, s13;
	s14 =	sshrl.u32 s6, $0x3;
	s10 =	sadd.s32 $0x50, s6  }
0xf: {  	s11 =	sadd.s32 $0x48000, s15;
	s12 =	smax.u32 s13, $0x1;
	s13 =	sshrl.u32 @!p0 s2, $0x3  }
0x10: {  	s15 =	simm.s32 $0x50;
	s9 =	sadd.s32 s4, s14;
	s14 =	simm.s32 $0x3  }
.LBB2_10:
0x11: {  	[bflag:$0x0] =	sbarrier.arrive $0xFFFF;
	s24 =	simm.s32 @!p0 $0x1C03;
	s23 =	sadd.s32 $0x1, s23  }
0x12: {  	[hbm:s11], [sflag:s24] =	dma.local @!p0 [spmem:s13], $0x27100  }
0x13: {  	p1 =	sne.s32 s23, s12  }
.Ltmp1:
0x14: {  	_ = 	snop;
	(pc) =	sbr.rel @!p1 .LBB2_11-.Ltmp1, $4  }
0x15: {  	s24 =	simm.s32 @!p0 $0x3  }
0x16: {  	_ =	swait.ge @!p0 [sflag:s24], $0x27100  }
0x17: {  	[sflag:s24] =	ssyncset.done @!p0 $0x0  }
0x18: {  	[sflag:s24] =	ssyncadd.s32 @!p0 $0xFFFD8F00  }
.LBB2_1:
0x19: {  	s24 =	simm.s32 @!p0 $0x1C03  }
0x1a: {  	[spmem:s13], [sflag:s24] =	dma.local @!p0 [hbm:s8], $0x27100  }
0x1b: {  	s24 =	simm.s32 @!p0 $0x3  }
0x1c: {  	_ =	swait.ge @!p0 [sflag:s24], $0x27100  }
0x1d: {  	[sflag:s24] =	ssyncset.done @!p0 $0x0  }
0x1e: {  	[sflag:s24] =	ssyncadd.s32 @!p0 $0xFFFD8F00  }
0x1f: {  	[tilespmem:s3], [sflag:$0x3] =	stream.linear.gather [hbm4b:s9+s3], $0x50, $0x38;
	[tilespmem:$0x18A80] =	vst v63  }
0x20: {  	_ =	swait.ge [sflag:s14], $0x50  }
.Ltmp2:
0x21: {  	[sflag:s14] =	ssyncset.done $0x0;
	(pc) =	sbr.rel .LBB2_2-.Ltmp2, $4  }
0x22: {  	[sflag:s14] =	ssyncadd.s32 $0xFFFFFFB0  }
0x23: {  	[tilespmem:s16], [sflag:$0x1] =	stream.indirect.gather [hbm4b:s1+s15], $0x80, s3, s15, $0xb8;
	[tilespmem:$0x18A80] =	vst v63  }
0x24: {  	[bflag:$0x0] =	sbarrier.arrive $0xFFFF  }
0x25: {  	s24 =	simm.s32 $0x0  }
.LBB2_8:
0x26: {  	[tilespmem:s25+$0x30] =	vst v8  }
0x27: {  	[tilespmem:s25+$0xFFFFFFC0] =	vst v6  }
0x28: {  	v0 =	vmul.f32 v0, v1;
	[tilespmem:s25+$0x10] =	vst v7  }
0x29: {  	v4 =	vmul.f32 v4, v1;
	[tilespmem:s25+$0xFFFFFFE0] =	vst v5  }
0x2a: {  	v2 =	vmul.f32 v2, v1;
	[tilespmem:s25+$0xFFFFFFF0] =	vst v0  }
0x2b: {  	v63 =	vmul.f32 v3, v1;
	[tilespmem:s25+$0x0] =	vst v4  }
0x2c: {  	[tilespmem:s25+$0x20] =	vst v2  }
0x2d: {  	[tilespmem:s25+$0xFFFFFFD0] =	vst v63;
	s25 =	simm.s32 $0x3  }
0x2e: {  	[spmem:s2] =	stream.indirect.scatter.add.f32 [tilespmem:s22], [sflag:$0x3], $0x80, s17, s15, $0xb8;
	[tilespmem:$0x18A80] =	vst v63  }
.LBB2_9:
0x2f: {  	s24 =	sadd.s32 $0x1, s24  }
0x30: {  	p1 =	sne.s32 s24, $0x7D  }
.Ltmp3:
0x31: {  	_ = 	snop;
	(pc) =	sbr.rel @!p1 .LBB2_10-.Ltmp3, $4  }
0x32: {  	_ = 	snop  }
0x33: {  	_ =	swait.ge [sflag:s25], $0x2800  }
0x34: {  	[sflag:s25] =	ssyncset.done $0x0  }
0x35: {  	[sflag:s25] =	ssyncadd.s32 $0xFFFFD800  }
.LBB2_2:
0x36: {  	s25 =	sand.u32 $0x1, s24  }
0x37: {  	p1 =	seq.s32 s25, $0x1  }
.Ltmp4:
0x38: {  	_ = 	snop;
	(pc) =	sbr.rel @p1 .LBB2_6-.Ltmp4, $1  }
0x39: {  	_ =	sdelay $0x3  }
0x3a: {  	s25 =	sor.u32 $0x1, s24  }
0x3b: {  	p1 =	sgt.u32 s25, $0x7C  }
0x3c: {  	s25 =	smul.u32 @!p1 $0x50, s25;
	_ =	sdelay $0x1  }
0x3d: {  	s25 =	sadd.s32 @!p1 s6, s25  }
0x3e: {  	s25 =	sshrl.u32 @!p1 s25, $0x3  }
0x3f: {  	s26 =	simm.s32 @!p1 $0x0;
	s28 =	simm.s32 @!p1 $0x80;
	s25 =	sadd.s32 @!p1 s4, s25  }
0x40: {  	[tilespmem:s28], [sflag:$0x4] =	stream.linear.gather @!p1 [hbm4b:s25+s26], $0x50, $0x38;
	[tilespmem:$0x18A80] =	vst v63  }
0x41: {  	s29 =	smul.u32 $0x50, s24;
	s25 =	simm.s32 @!p1 $0x4  }
0x42: {  	_ =	swait.ge @!p1 [sflag:s25], $0x50  }
0x43: {  	s29 =	sadd.s32 s6, s29;
	[sflag:s25] =	ssyncset.done @!p1 $0x0  }
0x44: {  	s26 =	simm.s32 @!p1 $0x2A00;
	[sflag:s25] =	ssyncadd.s32 @!p1 $0xFFFFFFB0;
	s25 =	simm.s32 @!p1 $0x50  }
0x45: {  	[tilespmem:s26], [sflag:$0x2] =	stream.indirect.gather @!p1 [hbm4b:s1+s25], $0x80, s28, s25, $0xb8;
	[tilespmem:$0x18A80] =	vst v63  }
0x46: {  	s25 =	sshrl.u32 s29, $0x3  }
0x47: {  	s28 =	simm.s32 $0x0;
	s30 =	sadd.s32 s5, s25  }
0x48: {  	[tilespmem:s17], [sflag:$0x4] =	stream.linear.gather [hbm4b:s30+s28], $0x50, $0x38;
	[tilespmem:$0x18A80] =	vst v63  }
0x49: {  	_ =	swait.ge [sflag:s18], $0x50  }
0x4a: {  	[sflag:s18] =	ssyncset.done $0x0  }
0x4b: {  	s25 =	sadd.s32 s7, s25;
	[sflag:s18] =	ssyncadd.s32 $0xFFFFFFB0  }
0x4c: {  	[tilespmem:s19], [sflag:$0x4] =	stream.linear.gather [hbm4b:s25+s28], $0x50, $0x38;
	[tilespmem:$0x18A80] =	vst v63  }
0x4d: {  	_ =	swait.ge [sflag:s18], $0x50  }
0x4e: {  	[sflag:s18] =	ssyncset.done $0x0  }
0x4f: {  	[sflag:s18] =	ssyncadd.s32 $0xFFFFFFB0  }
0x50: {  	_ =	swait.ge [sflag:s20], $0x2800  }
0x51: {  	[sflag:s20] =	ssyncset.done $0x0  }
0x52: {  	s25 =	simm.s32 $0x240;
	[sflag:s20] =	ssyncadd.s32 $0xFFFFD800  }
0x53: {  	v4 =	vld [tilespmem:s25+$0x30]  }
0x54: {  	v7 =	vld [tilespmem:s25+$0x10]  }
0x55: {  	s31 =	simm.s32 $0x0;
	v5 =	vld [tilespmem:s25+$0xFFFFFFC0]  }
0x56: {  	v1 =	vld.msk [tilespmem:s31+$0x180 ss:$0x0], $0xffff  }
0x57: {  	v9 =	vld [tilespmem:s25+$0xFFFFFFE0]  }
0x58: {  	v0 =	vld [tilespmem:s25+$0xFFFFFFF0]  }
0x59: {  	v2 =	vld [tilespmem:s25+$0x20]  }
0x5a: {  	v3 =	vld [tilespmem:s25+$0xFFFFFFD0]  }
0x5b: {  	v8 =	vmul.f32 v4, v1;
	v4 =	vld [tilespmem:s25+$0x0]  }
0x5c: {  	v6 =	vmul.f32 v1, v5  }
0x5d: {  	s26 =	simm.s32 $0x4;
	s28 =	simm.s32 $0x240;
	v5 =	vmul.f32 v9, v1;
	v7 =	vmul.f32 v7, v1  }
.LBB2_4:
0x5e: {  	p1 =	sne.s32 s26, $0x13C  }
0x5f: {  	v3 =	vmul.f32 v3, v1;
	v2 =	vmul.f32 v2, v1;
	[tilespmem:s25+$0x30] =	vst v8;
	s28 =	sadd.s32 $0x80, s28;
	s29 =	smov.u32 s26;
	s26 =	sadd.s32 $0x4, s26  }
0x60: {  	[tilespmem:s25+$0xFFFFFFC0] =	vst v6;
	v6 =	vmul.f32 v0, v1;
	v1 =	vmul.f32 v4, v1  }
0x61: {  	[tilespmem:s25+$0x10] =	vst v7  }
0x62: {  	[tilespmem:s25+$0xFFFFFFE0] =	vst v5  }
0x63: {  	v0 =	vld [tilespmem:s28+$0xFFFFFFF0];
	[tilespmem:s25+$0xFFFFFFF0] =	vst v6  }
0x64: {  	v5 =	vld [tilespmem:s28+$0x30];
	[tilespmem:s25+$0x0] =	vst v1  }
0x65: {  	v7 =	vld [tilespmem:s28+$0x10];
	[tilespmem:s25+$0x20] =	vst v2  }
0x66: {  	s29 =	sshra.s32 s29, $0x2;
	v6 =	vld [tilespmem:s28+$0xFFFFFFC0];
	[tilespmem:s25+$0xFFFFFFD0] =	vst v3;
	s25 =	smov.u32 s28  }
0x67: {  	v1 =	vld.msk [tilespmem:s29+$0x180 ss:$0x0], $0xffff  }
0x68: {  	v9 =	vld [tilespmem:s28+$0xFFFFFFE0]  }
0x69: {  	v2 =	vld [tilespmem:s28+$0x20]  }
.Ltmp5:
0x6a: {  	v3 =	vld [tilespmem:s28+$0xFFFFFFD0];
	(pc) =	sbr.rel @p1 .LBB2_4-.Ltmp5, $3  }
0x6b: {  	v4 =	vld [tilespmem:s28+$0x0];
	_ =	sdelay $0x1  }
0x6c: {  	v6 =	vmul.f32 v1, v6;
	v8 =	vmul.f32 v5, v1  }
0x6d: {  	v7 =	vmul.f32 v7, v1;
	v5 =	vmul.f32 v9, v1  }
0x6e: {  	[tilespmem:s25+$0x30] =	vst v8  }
0x6f: {  	[tilespmem:s25+$0xFFFFFFC0] =	vst v6  }
0x70: {  	v0 =	vmul.f32 v0, v1;
	[tilespmem:s25+$0x10] =	vst v7  }
0x71: {  	v2 =	vmul.f32 v2, v1;
	[tilespmem:s25+$0xFFFFFFE0] =	vst v5  }
.Ltmp6:
0x72: {  	v63 =	vmul.f32 v3, v1;
	[tilespmem:s25+$0xFFFFFFF0] =	vst v0;
	(pc) =	sbr.rel .LBB2_9-.Ltmp6, $4  }
0x73: {  	v4 =	vmul.f32 v4, v1;
	[tilespmem:s25+$0x20] =	vst v2  }
0x74: {  	[tilespmem:s25+$0xFFFFFFD0] =	vst v63  }
0x75: {  	[tilespmem:s25+$0x0] =	vst v4;
	s25 =	simm.s32 $0x4  }
0x76: {  	[spmem:s2] =	stream.indirect.scatter.add.f32 [tilespmem:s16], [sflag:$0x4], $0x80, s17, s15, $0xb8;
	[tilespmem:$0x18A80] =	vst v63  }
.LBB2_6:
0x77: {  	s25 =	smul.u32 $0x50, s24;
	_ =	sdelay $0x1  }
0x78: {  	s26 =	sadd.s32 s25, s10  }
0x79: {  	s26 =	sshrl.u32 s26, $0x3  }
0x7a: {  	s28 =	simm.s32 $0x0;
	s26 =	sadd.s32 s4, s26  }
0x7b: {  	[tilespmem:s28], [sflag:$0x4] =	stream.linear.gather [hbm4b:s26+s28], $0x50, $0x38;
	[tilespmem:$0x18A80] =	vst v63  }
0x7c: {  	_ =	swait.ge [sflag:s18], $0x50  }
0x7d: {  	s25 =	sadd.s32 s6, s25;
	[sflag:s18] =	ssyncset.done $0x0  }
0x7e: {  	s25 =	sshrl.u32 s25, $0x3;
	[sflag:s18] =	ssyncadd.s32 $0xFFFFFFB0  }
0x7f: {  	[tilespmem:s16], [sflag:$0x1] =	stream.indirect.gather [hbm4b:s1+s15], $0x80, s28, s15, $0xb8;
	[tilespmem:$0x18A80] =	vst v63  }
0x80: {  	s30 =	sadd.s32 s5, s25  }
0x81: {  	[tilespmem:s17], [sflag:$0x4] =	stream.linear.gather [hbm4b:s30+s28], $0x50, $0x38;
	[tilespmem:$0x18A80] =	vst v63  }
0x82: {  	_ =	swait.ge [sflag:s18], $0x50  }
0x83: {  	[sflag:s18] =	ssyncset.done $0x0  }
0x84: {  	s25 =	sadd.s32 s7, s25;
	[sflag:s18] =	ssyncadd.s32 $0xFFFFFFB0  }
0x85: {  	[tilespmem:s19], [sflag:$0x4] =	stream.linear.gather [hbm4b:s25+s28], $0x50, $0x38;
	[tilespmem:$0x18A80] =	vst v63  }
0x86: {  	_ =	swait.ge [sflag:s18], $0x50  }
0x87: {  	[sflag:s18] =	ssyncset.done $0x0  }
0x88: {  	[sflag:s18] =	ssyncadd.s32 $0xFFFFFFB0  }
0x89: {  	_ =	swait.ge [sflag:s21], $0x2800  }
0x8a: {  	[sflag:s21] =	ssyncset.done $0x0  }
0x8b: {  	s25 =	simm.s32 $0x2A40;
	[sflag:s21] =	ssyncadd.s32 $0xFFFFD800  }
0x8c: {  	v4 =	vld [tilespmem:s25+$0x30]  }
0x8d: {  	v7 =	vld [tilespmem:s25+$0x10]  }
0x8e: {  	s31 =	simm.s32 $0x0;
	v5 =	vld [tilespmem:s25+$0xFFFFFFC0]  }
0x8f: {  	v1 =	vld.msk [tilespmem:s31+$0x180 ss:$0x0], $0xffff  }
0x90: {  	v9 =	vld [tilespmem:s25+$0xFFFFFFE0]  }
0x91: {  	v0 =	vld [tilespmem:s25+$0xFFFFFFF0]  }
0x92: {  	v2 =	vld [tilespmem:s25+$0x20]  }
0x93: {  	v3 =	vld [tilespmem:s25+$0xFFFFFFD0]  }
0x94: {  	v8 =	vmul.f32 v4, v1;
	v4 =	vld [tilespmem:s25+$0x0]  }
0x95: {  	v6 =	vmul.f32 v1, v5  }
0x96: {  	s26 =	simm.s32 $0x4;
	s28 =	simm.s32 $0x2A40;
	v5 =	vmul.f32 v9, v1;
	v7 =	vmul.f32 v7, v1  }
.LBB2_7:
0x97: {  	p1 =	sne.s32 s26, $0x13C  }
0x98: {  	v3 =	vmul.f32 v3, v1;
	v2 =	vmul.f32 v2, v1;
	[tilespmem:s25+$0x30] =	vst v8;
	s28 =	sadd.s32 $0x80, s28;
	s29 =	smov.u32 s26;
	s26 =	sadd.s32 $0x4, s26  }
0x99: {  	[tilespmem:s25+$0xFFFFFFC0] =	vst v6;
	v6 =	vmul.f32 v0, v1;
	v1 =	vmul.f32 v4, v1  }
0x9a: {  	[tilespmem:s25+$0x10] =	vst v7  }
0x9b: {  	[tilespmem:s25+$0xFFFFFFE0] =	vst v5  }
0x9c: {  	v0 =	vld [tilespmem:s28+$0xFFFFFFF0];
	[tilespmem:s25+$0xFFFFFFF0] =	vst v6  }
0x9d: {  	v5 =	vld [tilespmem:s28+$0x30];
	[tilespmem:s25+$0x0] =	vst v1  }
0x9e: {  	v7 =	vld [tilespmem:s28+$0x10];
	[tilespmem:s25+$0x20] =	vst v2  }
0x9f: {  	s29 =	sshra.s32 s29, $0x2;
	v6 =	vld [tilespmem:s28+$0xFFFFFFC0];
	[tilespmem:s25+$0xFFFFFFD0] =	vst v3;
	s25 =	smov.u32 s28  }
0xa0: {  	v1 =	vld.msk [tilespmem:s29+$0x180 ss:$0x0], $0xffff  }
0xa1: {  	v9 =	vld [tilespmem:s28+$0xFFFFFFE0]  }
0xa2: {  	v2 =	vld [tilespmem:s28+$0x20]  }
.Ltmp7:
0xa3: {  	v3 =	vld [tilespmem:s28+$0xFFFFFFD0];
	(pc) =	sbr.rel @p1 .LBB2_7-.Ltmp7, $3  }
0xa4: {  	v4 =	vld [tilespmem:s28+$0x0];
	_ =	sdelay $0x1  }
0xa5: {  	v6 =	vmul.f32 v1, v6;
	v8 =	vmul.f32 v5, v1  }
0xa6: {  	v7 =	vmul.f32 v7, v1;
	v5 =	vmul.f32 v9, v1  }
.Ltmp8:
0xa7: {  	_ = 	snop;
	(pc) =	sbr.rel .LBB2_8-.Ltmp8, $1  }
0xa8: {  	_ =	sdelay $0x3  }
.LBB2_11:
0xa9: {  	_ =	sfence.sel $0x180000  }
0xaa: {  	[bflag:$0x0] =	sbarrier.arrive $0xFFFF  }
0xab: {  	_ =	strace $0x9000004A  }
0xac: {  	s0 =	sadd.s32 @!p0 $0x100000, s0;
	[bflag:$0x2] =	sbarrier.arrive $0xFFFF  }
0xad: {  	[sflag:s0] =	ssyncadd.tile.s32 @!p0 $0x1;
	_ =	shalt  }
.Lfunc_end2:
_tile_overlayer_lowered:
.L_overlay_start_2:
0xae: {  	(tag) =	ssettag $0x2  }
0xaf: {  	s0 =	rddreg [dreg:$0x0];
	s2 =	stileid.u32  }
0xb0: {  	s1 =	rddreg [dreg:$0x1];
	p0 =	sne.s32 s2, $0x0  }
0xb1: {  	s3 =	rddreg [dreg:$0x2];
	[bflag:$0x3] =	sbarrier.arrive $0xFFFF;
	s2 =	simm.s32 @!p0 $0x1C03  }
0xb2: {  	[timem:s3], [sflag:s2] =	dma.local @!p0 [hbm:s0], s1  }
0xb3: {  	s0 =	simm.s32 @!p0 $0x3  }
0xb4: {  	_ =	swait.ge @!p0 [sflag:s0], s1  }
0xb5: {  	s1 =	ssub.s32 @!p0 $0x0, s1;
	[sflag:s0] =	ssyncset.done @!p0 $0x0  }
0xb6: {  	[sflag:s0] =	ssyncadd.s32 @!p0 s1  }
0xb7: {  	[bflag:$0x3] =	sbarrier.arrive $0xFFFF  }
0xb8: {  	_ =	shalt  }

// kernel: kernel.22.cloned.1.call-start
scs
__scs_entry_jumppad:
0x0: {  	(pc) =	sbr.rel $0x88, $3  }
0x1: {  	(tag) =	ssettag $0x0;
	lr =	simm.s32 $0x1  }
0x2: {  	[smem:$0x3F9A] =	sst lr;
	_ =	strace $0xD0000000  }
0x3: {  	_ = 	snop  }
0x4: {  	_ = 	snop  }
0x5: {  	_ = 	snop  }
0x6: {  	_ = 	snop  }
0x7: {  	_ = 	snop  }
__scs_overlays_trampoline_lowered:
0x8: {  	[smem:$0x3FA9] =	sst s0  }
0x9: {  	[smem:$0x3FAA] =	sst s1  }
0xa: {  	[smem:$0x3FAB] =	sst s2  }
0xb: {  	[smem:$0x3FAC] =	sst s3  }
0xc: {  	[smem:$0x3FAD] =	sst s4  }
0xd: {  	[smem:$0x3FAE] =	sst s5  }
0xe: {  	[smem:$0x3FAF] =	sst s6  }
0xf: {  	[smem:$0x3FB0] =	sst s7  }
0x10: {  	[smem:$0x3FB1] =	sst s8  }
0x11: {  	[smem:$0x3FB2] =	sst s9;
	s0 =	simm.s32 @!p0 $0x0  }
0x12: {  	s1 =	sld [smem:$0x3F98];
	s0 =	simm.s32 @p0 $0x1  }
0x13: {  	[smem:$0x3FB3] =	sst s0;
	s0 =	simm.s32 @!p1 $0x0  }
0x14: {  	s2 =	sld [smem:$0x3F97];
	s0 =	simm.s32 @p1 $0x1  }
0x15: {  	[smem:$0x3FB4] =	sst s0;
	s0 =	simm.s32 @!p2 $0x0  }
0x16: {  	s3 =	sld [smem:$0x3FDB];
	s0 =	simm.s32 @p2 $0x1  }
0x17: {  	s4 =	simm.s32 $0x1BF5;
	[smem:$0x3FB6] =	sst s0  }
0x18: {  	s0 =	sld [smem:$0x3F99];
	_ =	swait.ge [sflag:s4], $0x0  }
0x19: {  	s7 =	sld [smem:$0x3F9A]  }
0x1a: {  	s8 =	sadd.s32 $0xFFFFE003, lr  }
0x1b: {  	s9 =	sadd.s32 $0xFFFFFEF7, lr;
	s5 =	simm.s32 $0xFFFFFFFF;
	p2 =	slt.u32 s8, $0xFFFFF086  }
0x1c: {  	p1 =	slt.u32 s9, $0xF7A;
	s5 =	simm.s32 @!p2 $0x0  }
0x1d: {  	s5 =	simm.s32 @p1 $0x1;
	p0 =	seq.s32 s7, s2  }
0x1e: {  	s7 =	smul.u32 @!p0 $0xF7A, s2;
	p2 =	seq.s32 @!p0 s5, $0x0  }
0x1f: {  	s9 =	smul.u32 $0xF7A, s1;
	s8 =	simm.s32 @!p0 $0x1BF5;
	p2 =	por !p2, p0  }
0x20: {  	[sflag:s8] =	ssyncset.s32 @!p0 $0xFFFFF086;
	s6 =	sadd.s32 @!p0 s3, s7;
	s7 =	simm.s32 @!p0 $0x108  }
0x21: {  	s3 =	sadd.s32 s3, s9;
	s6 =	sadd.s32 @!p0 $0x88, s6;
	s7 =	simm.s32 @p2 $0x1082  }
0x22: {  	[simem:s7], [sflag:s8] =	dma.local @!p0 [hbm:s6], $0xF7A  }
0x23: {  	s9 =	sor.u32 $0xD0000000, s2;
	s6 =	simm.s32 $0x108;
	_ =	swait.ge @!p0 [sflag:s8], $0x0  }
0x24: {  	s3 =	sadd.s32 $0x88, s3;
	s6 =	simm.s32 @!p1 $0x1082;
	[sflag:s4] =	ssyncset.s32 $0xFFFFF086  }
0x25: {  	[simem:s6], [sflag:s4] =	dma.local [hbm:s3], $0xF7A  }
0x26: {  	[smem:$0x3F9A] =	sst s1;
	(tag) =	ssettag s2;
	_ =	strace s9  }
0x27: {  	s1 =	sld [smem:$0x3FAA]  }
0x28: {  	s2 =	sld [smem:$0x3FAB]  }
0x29: {  	s4 =	sld [smem:$0x3FAD]  }
0x2a: {  	p0 =	seq.s32 s5, $0x0;
	s5 =	sld [smem:$0x3FAE]  }
0x2b: {  	s6 =	sld [smem:$0x3FAF]  }
0x2c: {  	s7 =	sld [smem:$0x3FB0]  }
0x2d: {  	s3 =	simm.s32 $0x108;
	s8 =	sld [smem:$0x3FB1]  }
0x2e: {  	s3 =	simm.s32 @!p0 $0x1082;
	s9 =	sld [smem:$0x3FB2]  }
0x2f: {  	lr =	sadd.s32 s0, s3;
	s0 =	sld [smem:$0x3FA9]  }
0x30: {  	s3 =	sld [smem:$0x3FAC]  }
0x31: {  	[smem:$0x3FB5] =	sst s10  }
0x32: {  	s10 =	sld [smem:$0x3FB3];
	_ =	sdelay $0x3  }
0x33: {  	p0 =	seq.s32 s10, $0x1;
	s10 =	sld [smem:$0x3FB5];
	_ =	sdelay $0x3  }
0x34: {  	[smem:$0x3FB5] =	sst s10  }
0x35: {  	s10 =	sld [smem:$0x3FB4];
	_ =	sdelay $0x3  }
0x36: {  	p1 =	seq.s32 s10, $0x1;
	s10 =	sld [smem:$0x3FB5];
	_ =	sdelay $0x3  }
0x37: {  	[smem:$0x3FB5] =	sst s10  }
0x38: {  	s10 =	sld [smem:$0x3FB6]  }
0x39: {  	_ = 	snop;
	(pc) =	sbr.ind lr, $3  }
0x3a: {  	_ = 	snop  }
0x3b: {  	_ = 	snop  }
0x3c: {  	p2 =	seq.s32 s10, $0x1;
	s10 =	sld [smem:$0x3FB5]  }
0x3d: {  	_ =	shalt  }
0x3e: {  	_ =	shalt  }
0x3f: {  	_ =	shalt  }
0x40: {  	_ =	shalt  }
0x41: {  	_ =	shalt  }
0x42: {  	_ =	shalt  }
0x43: {  	_ =	shalt  }
0x44: {  	_ =	shalt  }
0x45: {  	_ =	shalt  }
0x46: {  	_ =	shalt  }
0x47: {  	_ =	shalt  }
0x48: {  	_ =	shalt  }
0x49: {  	_ =	shalt  }
0x4a: {  	_ =	shalt  }
0x4b: {  	_ =	shalt  }
0x4c: {  	_ =	shalt  }
0x4d: {  	_ =	shalt  }
0x4e: {  	_ =	shalt  }
0x4f: {  	_ =	shalt  }
0x50: {  	_ =	shalt  }
0x51: {  	_ =	shalt  }
0x52: {  	_ =	shalt  }
0x53: {  	_ =	shalt  }
0x54: {  	_ =	shalt  }
0x55: {  	_ =	shalt  }
0x56: {  	_ =	shalt  }
0x57: {  	_ =	shalt  }
0x58: {  	_ =	shalt  }
0x59: {  	_ =	shalt  }
0x5a: {  	_ =	shalt  }
0x5b: {  	_ =	shalt  }
0x5c: {  	_ =	shalt  }
0x5d: {  	_ =	shalt  }
0x5e: {  	_ =	shalt  }
0x5f: {  	_ =	shalt  }
0x60: {  	_ =	shalt  }
0x61: {  	_ =	shalt  }
0x62: {  	_ =	shalt  }
0x63: {  	_ =	shalt  }
0x64: {  	_ =	shalt  }
0x65: {  	_ =	shalt  }
0x66: {  	_ =	shalt  }
0x67: {  	_ =	shalt  }
0x68: {  	_ =	shalt  }
0x69: {  	_ =	shalt  }
0x6a: {  	_ =	shalt  }
0x6b: {  	_ =	shalt  }
0x6c: {  	_ =	shalt  }
0x6d: {  	_ =	shalt  }
0x6e: {  	_ =	shalt  }
0x6f: {  	_ =	shalt  }
0x70: {  	_ =	shalt  }
0x71: {  	_ =	shalt  }
0x72: {  	_ =	shalt  }
0x73: {  	_ =	shalt  }
0x74: {  	_ =	shalt  }
0x75: {  	_ =	shalt  }
0x76: {  	_ =	shalt  }
0x77: {  	_ =	shalt  }
0x78: {  	_ =	shalt  }
0x79: {  	_ =	shalt  }
0x7a: {  	_ =	shalt  }
0x7b: {  	_ =	shalt  }
0x7c: {  	_ =	shalt  }
0x7d: {  	_ =	shalt  }
0x7e: {  	_ =	shalt  }
0x7f: {  	_ =	shalt  }
0x80: {  	_ =	shalt  }
0x81: {  	_ =	shalt  }
0x82: {  	_ =	shalt  }
0x83: {  	_ =	shalt  }
0x84: {  	_ =	shalt  }
0x85: {  	_ =	shalt  }
0x86: {  	_ =	shalt  }
0x87: {  	_ =	shalt  }
.Lfunc_end0:
.L_simem_size_0:
called_computation.3_lowered:
.L_overlay_start_0:
0x88: {  	s2 =	sld [smem:$0x3FD9]  }
0x89: {  	s3 =	sld [smem:$0x3FFE];
	_ =	sdelay $0x1  }
0x8a: {  	s1 =	srdreg.scid  }
0x8b: {  	s0 =	sand.u32 $0x1, s1  }
0x8c: {  	s17 =	sshll.u32 s0, $0xA;
	s2 =	sadd.s32 s3, s2  }
0x8d: {  	s2 =	sadd.s32 s2, s17  }
0x8e: {  	[smem:$0x3FC1] =	sst s2  }
0x8f: {  	_ = 	snop  }
0x90: {  	s2 =	sld [smem:$0x3FD0];
	(tm) =	ssettm $0x1  }
0x91: {  	s18 =	sld [smem:$0x3FFB];
	_ =	sdelay $0x3  }
0x92: {  	_ =	strace s18  }
0x93: {  	s3 =	sld [smem:$0x3FFC];
	_ =	sdelay $0x3  }
0x94: {  	_ =	strace s3  }
0x95: {  	s3 =	sld [smem:$0x3FFD];
	_ =	sdelay $0x3  }
0x96: {  	_ =	strace s3  }
0x97: {  	_ =	strace $0x8FFFFFFF  }
0x98: {  	s19 =	sld [smem:$0x3FDB];
	_ =	sdelay $0x1  }
0x99: {  	s4 =	simm.s32 $_scs_section_size  }
0x9a: {  	s5 =	simm.s32 $_size__tile_overlayer_lowered;
	s6 =	simm.s32 $_tile_overlayer_lowered  }
0x9b: {  	s22 =	simm.s32 $0x1BFF;
	s21 =	sshll.u32 s6, $0x1;
	s3 =	sadd.s32 s4, s19  }
0x9c: {  	s7 =	simm.s32 $0x0;
	s20 =	sshll.u32 s5, $0x1;
	s5 =	sadd.s32 s21, s3  }
0x9d: {  	[timem:s7], [sflag:s22] =	dma.local [hbm:s5], s20  }
0x9e: {  	_ =	swait.ge [sflag:s22], s20  }
0x9f: {  	s4 =	ssub.s32 $0x0, s20;
	[sflag:s22] =	ssyncset.done $0x0  }
0xa0: {  	[sflag:s22] =	ssyncadd.s32 s4;
	_ =	sdelay $0x1  }
0xa1: {  	s23 =	simm.s32 $0x1B8B  }
0xa2: {  	_ =	swait.ge [sflag:s23], $0x1  }
0xa3: {  	[sflag:s23] =	ssyncset.done $0x0  }
0xa4: {  	s25 =	simm.s32 $0x1B8E;
	s24 =	sld [smem:$0x3FFE];
	[sflag:s23] =	ssyncadd.s32 $0xFFFFFFFF  }
0xa5: {  	s26 =	simm.s32 $execute0_lowered;
	[smem:$0x3FD2] =	sst s25  }
0xa6: {  	s5 =	sshll.u32 s26, $0x1;
	_ =	strace $0x8000004F;
	[dreg:$0x1] =	wrdreg $0xFFFFFFFF  }
0xa7: {  	s28 =	simm.s32 $_size_execute0_lowered;
	s3 =	sadd.s32 s3, s5;
	[dreg:$0x0] =	wrdreg $0x0  }
0xa8: {  	s5 =	sshll.u32 s28, $0x1;
	[dreg:$0x2] =	wrdreg s3  }
0xa9: {  	[dreg:$0x3] =	wrdreg s5  }
0xaa: {  	[dreg:$0x4] =	wrdreg $0xC0  }
0xab: {  	_ =	task [dreg:s7], $0x5FFFF  }
0xac: {  	[dreg:$0x1] =	wrdreg $0xFFFFFFFF  }
0xad: {  	[dreg:$0x0] =	wrdreg $0x60  }
0xae: {  	[dreg:$0x2] =	wrdreg s2  }
0xaf: {  	[dreg:$0x3] =	wrdreg s24  }
0xb0: {  	[dreg:$0x4] =	wrdreg $0x52000  }
0xb1: {  	[dreg:$0x5] =	wrdreg $0x9  }
0xb2: {  	_ =	task.clear_ibuf [dreg:s7], $0x6FFFF;
	_ =	strace $0x9000004F  }
0xb3: {  	s29 =	simm.s32 $0x9;
	_ =	strace $0x80000051  }
0xb4: {  	_ =	swait.ge [sflag:s29], $0x1  }
0xb5: {  	[sflag:s29] =	ssyncadd.s32 $0xFFFFFFFF  }
0xb6: {  	_ =	strace $0x90000051  }
0xb7: {  	_ =	sfence  }
0xb8: {  	s30 =	sld [smem:$0x0];
	_ =	sdelay $0x2  }
0xb9: {  	s31 =	sshll.u32 s1, $0xD;
	s1 =	sshrl.u32 s1, $0x2  }
0xba: {  	s3 =	sand.u32 $0x4000, s31;
	s1 =	sadd.s32 s1, s30  }
0xbb: {  	s0 =	sor.u32 s3, s0;
	s1 =	sshll.u32 s1, $0x11  }
0xbc: {  	s0 =	sor.u32 s1, s0  }
0xbd: {  	s0 =	sadd.s32 $0x8F2B, s0  }
0xbe: {  	[sflag:s0] =	ssyncadd.remote.s32 $0x1  }
0xbf: {  	_ =	sfence.sel $0xFFFF  }
0xc0: {  	[dreg:$0x0] =	wrdreg $0xFFFFFFFF;
	(pc) =	sbr.abs _section_cstart, $3  }
0xc1: {  	[dreg:$0x1] =	wrdreg $0xFFFFFFFF  }
0xc2: {  	_ =	task.clear_ibuf [dreg:s7], $0x2FFFF;
	_ =	strace $0x9FFFFFFF  }
0xc3: {  	(tm) =	ssettm $0x7FFFFFFF  }
tec
execute0_lowered:
.L_overlay_start_1:
0x0: {  	(tag) =	ssettag $0x1  }
0x1: {  	s1 =	rddreg [dreg:$0x0]  }
0x2: {  	s9 =	rddreg [dreg:$0x1]  }
0x3: {  	s2 =	rddreg [dreg:$0x2]  }
0x4: {  	s0 =	rddreg [dreg:$0x3]  }
0x5: {  	s3 =	simm.s32 $0x0;
	s4 =	srdreg.scid;
	s12 =	stileid.u32  }
0x6: {  	s16 =	simm.s32 $0x200;
	s17 =	simm.s32 $0x100;
	s18 =	simm.s32 $0x4  }
0x7: {  	s19 =	simm.s32 $0x180;
	s20 =	simm.s32 $0x1;
	s21 =	simm.s32 $0x2  }
0x8: {  	s22 =	simm.s32 $0x2A00;
	s23 =	simm.s32 $0x0;
	[smem:$0x7FF] =	sst s3  }
0x9: {  	s8 =	sand.u32 $0x1, s4;
	s31 =	sshll.u32 s12, $0x1;
	s4 =	sadd.s32 $0xD200, s9  }
0xa: {  	s5 =	sadd.s32 $0x3400, s9;
	s6 =	sor.u32 s8, s31;
	s10 =	smul.u32 $0x27100, s8  }
0xb: {  	s7 =	sadd.s32 $0x17000, s9;
	p0 =	sne.s32 s12, $0x0;
	s6 =	smul.u32 $0x2710, s6  }
.Ltmp0:
0xc: {  	_ =	strace $0x80000050;
	s11 =	ssub.s32 $0x2, s8;
	(pc) =	sbr.rel .LBB2_1-.Ltmp0, $4  }
0xd: {  	s8 =	sadd.s32 $0x20E00, s9;
	s13 =	sshrl.u32 s11, $0x1;
	s15 =	sadd.s32 s10, s9  }
0xe: {  	s13 =	ssub.s32 s11, s13;
	s14 =	sshrl.u32 s6, $0x3;
	s10 =	sadd.s32 $0x50, s6  }
0xf: {  	s11 =	sadd.s32 $0x48000, s15;
	s12 =	smax.u32 s13, $0x1;
	s13 =	sshrl.u32 @!p0 s2, $0x3  }
0x10: {  	s15 =	simm.s32 $0x50;
	s9 =	sadd.s32 s4, s14;
	s14 =	simm.s32 $0x3  }
.LBB2_10:
0x11: {  	[bflag:$0x0] =	sbarrier.arrive $0xFFFF;
	s24 =	simm.s32 @!p0 $0x1C03;
	s23 =	sadd.s32 $0x1, s23  }
0x12: {  	[hbm:s11], [sflag:s24] =	dma.local @!p0 [spmem:s13], $0x27100  }
0x13: {  	p1 =	sne.s32 s23, s12  }
.Ltmp1:
0x14: {  	_ = 	snop;
	(pc) =	sbr.rel @!p1 .LBB2_11-.Ltmp1, $4  }
0x15: {  	s24 =	simm.s32 @!p0 $0x3  }
0x16: {  	_ =	swait.ge @!p0 [sflag:s24], $0x27100  }
0x17: {  	[sflag:s24] =	ssyncset.done @!p0 $0x0  }
0x18: {  	[sflag:s24] =	ssyncadd.s32 @!p0 $0xFFFD8F00  }
.LBB2_1:
0x19: {  	s24 =	simm.s32 @!p0 $0x1C03  }
0x1a: {  	[spmem:s13], [sflag:s24] =	dma.local @!p0 [hbm:s8], $0x27100  }
0x1b: {  	s24 =	simm.s32 @!p0 $0x3  }
0x1c: {  	_ =	swait.ge @!p0 [sflag:s24], $0x27100  }
0x1d: {  	[sflag:s24] =	ssyncset.done @!p0 $0x0  }
0x1e: {  	[sflag:s24] =	ssyncadd.s32 @!p0 $0xFFFD8F00  }
0x1f: {  	[tilespmem:s3], [sflag:$0x3] =	stream.linear.gather [hbm4b:s9+s3], $0x50, $0x38;
	[tilespmem:$0x18A80] =	vst v63  }
0x20: {  	_ =	swait.ge [sflag:s14], $0x50  }
.Ltmp2:
0x21: {  	[sflag:s14] =	ssyncset.done $0x0;
	(pc) =	sbr.rel .LBB2_2-.Ltmp2, $4  }
0x22: {  	[sflag:s14] =	ssyncadd.s32 $0xFFFFFFB0  }
0x23: {  	[tilespmem:s16], [sflag:$0x1] =	stream.indirect.gather [hbm4b:s1+s15], $0x80, s3, s15, $0xb8;
	[tilespmem:$0x18A80] =	vst v63  }
0x24: {  	[bflag:$0x0] =	sbarrier.arrive $0xFFFF  }
0x25: {  	s24 =	simm.s32 $0x0  }
.LBB2_8:
0x26: {  	[tilespmem:s25+$0x30] =	vst v8  }
0x27: {  	[tilespmem:s25+$0xFFFFFFC0] =	vst v6  }
0x28: {  	v0 =	vmul.f32 v0, v1;
	[tilespmem:s25+$0x10] =	vst v7  }
0x29: {  	v4 =	vmul.f32 v4, v1;
	[tilespmem:s25+$0xFFFFFFE0] =	vst v5  }
0x2a: {  	v2 =	vmul.f32 v2, v1;
	[tilespmem:s25+$0xFFFFFFF0] =	vst v0  }
0x2b: {  	v63 =	vmul.f32 v3, v1;
	[tilespmem:s25+$0x0] =	vst v4  }
0x2c: {  	[tilespmem:s25+$0x20] =	vst v2  }
0x2d: {  	[tilespmem:s25+$0xFFFFFFD0] =	vst v63;
	s25 =	simm.s32 $0x3  }
0x2e: {  	[spmem:s2] =	stream.indirect.scatter.add.f32 [tilespmem:s22], [sflag:$0x3], $0x80, s17, s15, $0xb8;
	[tilespmem:$0x18A80] =	vst v63  }
.LBB2_9:
0x2f: {  	s24 =	sadd.s32 $0x1, s24  }
0x30: {  	p1 =	sne.s32 s24, $0x7D  }
.Ltmp3:
0x31: {  	_ = 	snop;
	(pc) =	sbr.rel @!p1 .LBB2_10-.Ltmp3, $4  }
0x32: {  	_ = 	snop  }
0x33: {  	_ =	swait.ge [sflag:s25], $0x2800  }
0x34: {  	[sflag:s25] =	ssyncset.done $0x0  }
0x35: {  	[sflag:s25] =	ssyncadd.s32 $0xFFFFD800  }
.LBB2_2:
0x36: {  	s25 =	sand.u32 $0x1, s24  }
0x37: {  	p1 =	seq.s32 s25, $0x1  }
.Ltmp4:
0x38: {  	_ = 	snop;
	(pc) =	sbr.rel @p1 .LBB2_6-.Ltmp4, $1  }
0x39: {  	_ =	sdelay $0x3  }
0x3a: {  	s25 =	sor.u32 $0x1, s24  }
0x3b: {  	p1 =	sgt.u32 s25, $0x7C  }
0x3c: {  	s25 =	smul.u32 @!p1 $0x50, s25;
	_ =	sdelay $0x1  }
0x3d: {  	s25 =	sadd.s32 @!p1 s6, s25  }
0x3e: {  	s25 =	sshrl.u32 @!p1 s25, $0x3  }
0x3f: {  	s26 =	simm.s32 @!p1 $0x0;
	s28 =	simm.s32 @!p1 $0x80;
	s25 =	sadd.s32 @!p1 s4, s25  }
0x40: {  	[tilespmem:s28], [sflag:$0x4] =	stream.linear.gather @!p1 [hbm4b:s25+s26], $0x50, $0x38;
	[tilespmem:$0x18A80] =	vst v63  }
0x41: {  	s29 =	smul.u32 $0x50, s24;
	s25 =	simm.s32 @!p1 $0x4  }
0x42: {  	_ =	swait.ge @!p1 [sflag:s25], $0x50  }
0x43: {  	s29 =	sadd.s32 s6, s29;
	[sflag:s25] =	ssyncset.done @!p1 $0x0  }
0x44: {  	s26 =	simm.s32 @!p1 $0x2A00;
	[sflag:s25] =	ssyncadd.s32 @!p1 $0xFFFFFFB0;
	s25 =	simm.s32 @!p1 $0x50  }
0x45: {  	[tilespmem:s26], [sflag:$0x2] =	stream.indirect.gather @!p1 [hbm4b:s1+s25], $0x80, s28, s25, $0xb8;
	[tilespmem:$0x18A80] =	vst v63  }
0x46: {  	s25 =	sshrl.u32 s29, $0x3  }
0x47: {  	s28 =	simm.s32 $0x0;
	s30 =	sadd.s32 s5, s25  }
0x48: {  	[tilespmem:s17], [sflag:$0x4] =	stream.linear.gather [hbm4b:s30+s28], $0x50, $0x38;
	[tilespmem:$0x18A80] =	vst v63  }
0x49: {  	_ =	swait.ge [sflag:s18], $0x50  }
0x4a: {  	[sflag:s18] =	ssyncset.done $0x0  }
0x4b: {  	s25 =	sadd.s32 s7, s25;
	[sflag:s18] =	ssyncadd.s32 $0xFFFFFFB0  }
0x4c: {  	[tilespmem:s19], [sflag:$0x4] =	stream.linear.gather [hbm4b:s25+s28], $0x50, $0x38;
	[tilespmem:$0x18A80] =	vst v63  }
0x4d: {  	_ =	swait.ge [sflag:s18], $0x50  }
0x4e: {  	[sflag:s18] =	ssyncset.done $0x0  }
0x4f: {  	[sflag:s18] =	ssyncadd.s32 $0xFFFFFFB0  }
0x50: {  	_ =	swait.ge [sflag:s20], $0x2800  }
0x51: {  	[sflag:s20] =	ssyncset.done $0x0  }
0x52: {  	s25 =	simm.s32 $0x240;
	[sflag:s20] =	ssyncadd.s32 $0xFFFFD800  }
0x53: {  	v4 =	vld [tilespmem:s25+$0x30]  }
0x54: {  	v7 =	vld [tilespmem:s25+$0x10]  }
0x55: {  	s31 =	simm.s32 $0x0;
	v5 =	vld [tilespmem:s25+$0xFFFFFFC0]  }
0x56: {  	v1 =	vld.msk [tilespmem:s31+$0x180 ss:$0x0], $0xffff  }
0x57: {  	v9 =	vld [tilespmem:s25+$0xFFFFFFE0]  }
0x58: {  	v0 =	vld [tilespmem:s25+$0xFFFFFFF0]  }
0x59: {  	v2 =	vld [tilespmem:s25+$0x20]  }
0x5a: {  	v3 =	vld [tilespmem:s25+$0xFFFFFFD0]  }
0x5b: {  	v8 =	vmul.f32 v4, v1;
	v4 =	vld [tilespmem:s25+$0x0]  }
0x5c: {  	v6 =	vmul.f32 v1, v5  }
0x5d: {  	s26 =	simm.s32 $0x4;
	s28 =	simm.s32 $0x240;
	v5 =	vmul.f32 v9, v1;
	v7 =	vmul.f32 v7, v1  }
.LBB2_4:
0x5e: {  	p1 =	sne.s32 s26, $0x13C  }
0x5f: {  	v3 =	vmul.f32 v3, v1;
	v2 =	vmul.f32 v2, v1;
	[tilespmem:s25+$0x30] =	vst v8;
	s28 =	sadd.s32 $0x80, s28;
	s29 =	smov.u32 s26;
	s26 =	sadd.s32 $0x4, s26  }
0x60: {  	[tilespmem:s25+$0xFFFFFFC0] =	vst v6;
	v6 =	vmul.f32 v0, v1;
	v1 =	vmul.f32 v4, v1  }
0x61: {  	[tilespmem:s25+$0x10] =	vst v7  }
0x62: {  	[tilespmem:s25+$0xFFFFFFE0] =	vst v5  }
0x63: {  	v0 =	vld [tilespmem:s28+$0xFFFFFFF0];
	[tilespmem:s25+$0xFFFFFFF0] =	vst v6  }
0x64: {  	v5 =	vld [tilespmem:s28+$0x30];
	[tilespmem:s25+$0x0] =	vst v1  }
0x65: {  	v7 =	vld [tilespmem:s28+$0x10];
	[tilespmem:s25+$0x20] =	vst v2  }
0x66: {  	s29 =	sshra.s32 s29, $0x2;
	v6 =	vld [tilespmem:s28+$0xFFFFFFC0];
	[tilespmem:s25+$0xFFFFFFD0] =	vst v3;
	s25 =	smov.u32 s28  }
0x67: {  	v1 =	vld.msk [tilespmem:s29+$0x180 ss:$0x0], $0xffff  }
0x68: {  	v9 =	vld [tilespmem:s28+$0xFFFFFFE0]  }
0x69: {  	v2 =	vld [tilespmem:s28+$0x20]  }
.Ltmp5:
0x6a: {  	v3 =	vld [tilespmem:s28+$0xFFFFFFD0];
	(pc) =	sbr.rel @p1 .LBB2_4-.Ltmp5, $3  }
0x6b: {  	v4 =	vld [tilespmem:s28+$0x0];
	_ =	sdelay $0x1  }
0x6c: {  	v6 =	vmul.f32 v1, v6;
	v8 =	vmul.f32 v5, v1  }
0x6d: {  	v7 =	vmul.f32 v7, v1;
	v5 =	vmul.f32 v9, v1  }
0x6e: {  	[tilespmem:s25+$0x30] =	vst v8  }
0x6f: {  	[tilespmem:s25+$0xFFFFFFC0] =	vst v6  }
0x70: {  	v0 =	vmul.f32 v0, v1;
	[tilespmem:s25+$0x10] =	vst v7  }
0x71: {  	v2 =	vmul.f32 v2, v1;
	[tilespmem:s25+$0xFFFFFFE0] =	vst v5  }
.Ltmp6:
0x72: {  	v63 =	vmul.f32 v3, v1;
	[tilespmem:s25+$0xFFFFFFF0] =	vst v0;
	(pc) =	sbr.rel .LBB2_9-.Ltmp6, $4  }
0x73: {  	v4 =	vmul.f32 v4, v1;
	[tilespmem:s25+$0x20] =	vst v2  }
0x74: {  	[tilespmem:s25+$0xFFFFFFD0] =	vst v63  }
0x75: {  	[tilespmem:s25+$0x0] =	vst v4;
	s25 =	simm.s32 $0x4  }
0x76: {  	[spmem:s2] =	stream.indirect.scatter.add.f32 [tilespmem:s16], [sflag:$0x4], $0x80, s17, s15, $0xb8;
	[tilespmem:$0x18A80] =	vst v63  }
.LBB2_6:
0x77: {  	s25 =	smul.u32 $0x50, s24;
	_ =	sdelay $0x1  }
0x78: {  	s26 =	sadd.s32 s25, s10  }
0x79: {  	s26 =	sshrl.u32 s26, $0x3  }
0x7a: {  	s28 =	simm.s32 $0x0;
	s26 =	sadd.s32 s4, s26  }
0x7b: {  	[tilespmem:s28], [sflag:$0x4] =	stream.linear.gather [hbm4b:s26+s28], $0x50, $0x38;
	[tilespmem:$0x18A80] =	vst v63  }
0x7c: {  	_ =	swait.ge [sflag:s18], $0x50  }
0x7d: {  	s25 =	sadd.s32 s6, s25;
	[sflag:s18] =	ssyncset.done $0x0  }
0x7e: {  	s25 =	sshrl.u32 s25, $0x3;
	[sflag:s18] =	ssyncadd.s32 $0xFFFFFFB0  }
0x7f: {  	[tilespmem:s16], [sflag:$0x1] =	stream.indirect.gather [hbm4b:s1+s15], $0x80, s28, s15, $0xb8;
	[tilespmem:$0x18A80] =	vst v63  }
0x80: {  	s30 =	sadd.s32 s5, s25  }
0x81: {  	[tilespmem:s17], [sflag:$0x4] =	stream.linear.gather [hbm4b:s30+s28], $0x50, $0x38;
	[tilespmem:$0x18A80] =	vst v63  }
0x82: {  	_ =	swait.ge [sflag:s18], $0x50  }
0x83: {  	[sflag:s18] =	ssyncset.done $0x0  }
0x84: {  	s25 =	sadd.s32 s7, s25;
	[sflag:s18] =	ssyncadd.s32 $0xFFFFFFB0  }
0x85: {  	[tilespmem:s19], [sflag:$0x4] =	stream.linear.gather [hbm4b:s25+s28], $0x50, $0x38;
	[tilespmem:$0x18A80] =	vst v63  }
0x86: {  	_ =	swait.ge [sflag:s18], $0x50  }
0x87: {  	[sflag:s18] =	ssyncset.done $0x0  }
0x88: {  	[sflag:s18] =	ssyncadd.s32 $0xFFFFFFB0  }
0x89: {  	_ =	swait.ge [sflag:s21], $0x2800  }
0x8a: {  	[sflag:s21] =	ssyncset.done $0x0  }
0x8b: {  	s25 =	simm.s32 $0x2A40;
	[sflag:s21] =	ssyncadd.s32 $0xFFFFD800  }
0x8c: {  	v4 =	vld [tilespmem:s25+$0x30]  }
0x8d: {  	v7 =	vld [tilespmem:s25+$0x10]  }
0x8e: {  	s31 =	simm.s32 $0x0;
	v5 =	vld [tilespmem:s25+$0xFFFFFFC0]  }
0x8f: {  	v1 =	vld.msk [tilespmem:s31+$0x180 ss:$0x0], $0xffff  }
0x90: {  	v9 =	vld [tilespmem:s25+$0xFFFFFFE0]  }
0x91: {  	v0 =	vld [tilespmem:s25+$0xFFFFFFF0]  }
0x92: {  	v2 =	vld [tilespmem:s25+$0x20]  }
0x93: {  	v3 =	vld [tilespmem:s25+$0xFFFFFFD0]  }
0x94: {  	v8 =	vmul.f32 v4, v1;
	v4 =	vld [tilespmem:s25+$0x0]  }
0x95: {  	v6 =	vmul.f32 v1, v5  }
0x96: {  	s26 =	simm.s32 $0x4;
	s28 =	simm.s32 $0x2A40;
	v5 =	vmul.f32 v9, v1;
	v7 =	vmul.f32 v7, v1  }
.LBB2_7:
0x97: {  	p1 =	sne.s32 s26, $0x13C  }
0x98: {  	v3 =	vmul.f32 v3, v1;
	v2 =	vmul.f32 v2, v1;
	[tilespmem:s25+$0x30] =	vst v8;
	s28 =	sadd.s32 $0x80, s28;
	s29 =	smov.u32 s26;
	s26 =	sadd.s32 $0x4, s26  }
0x99: {  	[tilespmem:s25+$0xFFFFFFC0] =	vst v6;
	v6 =	vmul.f32 v0, v1;
	v1 =	vmul.f32 v4, v1  }
0x9a: {  	[tilespmem:s25+$0x10] =	vst v7  }
0x9b: {  	[tilespmem:s25+$0xFFFFFFE0] =	vst v5  }
0x9c: {  	v0 =	vld [tilespmem:s28+$0xFFFFFFF0];
	[tilespmem:s25+$0xFFFFFFF0] =	vst v6  }
0x9d: {  	v5 =	vld [tilespmem:s28+$0x30];
	[tilespmem:s25+$0x0] =	vst v1  }
0x9e: {  	v7 =	vld [tilespmem:s28+$0x10];
	[tilespmem:s25+$0x20] =	vst v2  }
0x9f: {  	s29 =	sshra.s32 s29, $0x2;
	v6 =	vld [tilespmem:s28+$0xFFFFFFC0];
	[tilespmem:s25+$0xFFFFFFD0] =	vst v3;
	s25 =	smov.u32 s28  }
0xa0: {  	v1 =	vld.msk [tilespmem:s29+$0x180 ss:$0x0], $0xffff  }
0xa1: {  	v9 =	vld [tilespmem:s28+$0xFFFFFFE0]  }
0xa2: {  	v2 =	vld [tilespmem:s28+$0x20]  }
.Ltmp7:
0xa3: {  	v3 =	vld [tilespmem:s28+$0xFFFFFFD0];
	(pc) =	sbr.rel @p1 .LBB2_7-.Ltmp7, $3  }
0xa4: {  	v4 =	vld [tilespmem:s28+$0x0];
	_ =	sdelay $0x1  }
0xa5: {  	v6 =	vmul.f32 v1, v6;
	v8 =	vmul.f32 v5, v1  }
0xa6: {  	v7 =	vmul.f32 v7, v1;
	v5 =	vmul.f32 v9, v1  }
.Ltmp8:
0xa7: {  	_ = 	snop;
	(pc) =	sbr.rel .LBB2_8-.Ltmp8, $1  }
0xa8: {  	_ =	sdelay $0x3  }
.LBB2_11:
0xa9: {  	_ =	sfence.sel $0x180000  }
0xaa: {  	[bflag:$0x0] =	sbarrier.arrive $0xFFFF  }
0xab: {  	_ =	strace $0x90000050  }
0xac: {  	s0 =	sadd.s32 @!p0 $0x100000, s0;
	[bflag:$0x2] =	sbarrier.arrive $0xFFFF  }
0xad: {  	[sflag:s0] =	ssyncadd.tile.s32 @!p0 $0x1;
	_ =	shalt  }
.Lfunc_end2:
_tile_overlayer_lowered:
.L_overlay_start_2:
0xae: {  	(tag) =	ssettag $0x2  }
0xaf: {  	s0 =	rddreg [dreg:$0x0];
	s2 =	stileid.u32  }
0xb0: {  	s1 =	rddreg [dreg:$0x1];
	p0 =	sne.s32 s2, $0x0  }
0xb1: {  	s3 =	rddreg [dreg:$0x2];
	[bflag:$0x3] =	sbarrier.arrive $0xFFFF;
	s2 =	simm.s32 @!p0 $0x1C03  }
0xb2: {  	[timem:s3], [sflag:s2] =	dma.local @!p0 [hbm:s0], s1  }
0xb3: {  	s0 =	simm.s32 @!p0 $0x3  }
0xb4: {  	_ =	swait.ge @!p0 [sflag:s0], s1  }
0xb5: {  	s1 =	ssub.s32 @!p0 $0x0, s1;
	[sflag:s0] =	ssyncset.done @!p0 $0x0  }
0xb6: {  	[sflag:s0] =	ssyncadd.s32 @!p0 s1  }
0xb7: {  	[bflag:$0x3] =	sbarrier.arrive $0xFFFF  }
0xb8: {  	_ =	shalt  }

// kernel: kernel.25.cloned.1.call-start
scs
__scs_entry_jumppad:
0x0: {  	(pc) =	sbr.rel $0x88, $3  }
0x1: {  	(tag) =	ssettag $0x0;
	lr =	simm.s32 $0x1  }
0x2: {  	[smem:$0x3F9A] =	sst lr;
	_ =	strace $0xD0000000  }
0x3: {  	_ = 	snop  }
0x4: {  	_ = 	snop  }
0x5: {  	_ = 	snop  }
0x6: {  	_ = 	snop  }
0x7: {  	_ = 	snop  }
__scs_overlays_trampoline_lowered:
0x8: {  	[smem:$0x3FA9] =	sst s0  }
0x9: {  	[smem:$0x3FAA] =	sst s1  }
0xa: {  	[smem:$0x3FAB] =	sst s2  }
0xb: {  	[smem:$0x3FAC] =	sst s3  }
0xc: {  	[smem:$0x3FAD] =	sst s4  }
0xd: {  	[smem:$0x3FAE] =	sst s5  }
0xe: {  	[smem:$0x3FAF] =	sst s6  }
0xf: {  	[smem:$0x3FB0] =	sst s7  }
0x10: {  	[smem:$0x3FB1] =	sst s8  }
0x11: {  	[smem:$0x3FB2] =	sst s9;
	s0 =	simm.s32 @!p0 $0x0  }
0x12: {  	s1 =	sld [smem:$0x3F98];
	s0 =	simm.s32 @p0 $0x1  }
0x13: {  	[smem:$0x3FB3] =	sst s0;
	s0 =	simm.s32 @!p1 $0x0  }
0x14: {  	s2 =	sld [smem:$0x3F97];
	s0 =	simm.s32 @p1 $0x1  }
0x15: {  	[smem:$0x3FB4] =	sst s0;
	s0 =	simm.s32 @!p2 $0x0  }
0x16: {  	s3 =	sld [smem:$0x3FDB];
	s0 =	simm.s32 @p2 $0x1  }
0x17: {  	s4 =	simm.s32 $0x1BF5;
	[smem:$0x3FB6] =	sst s0  }
0x18: {  	s0 =	sld [smem:$0x3F99];
	_ =	swait.ge [sflag:s4], $0x0  }
0x19: {  	s7 =	sld [smem:$0x3F9A]  }
0x1a: {  	s8 =	sadd.s32 $0xFFFFE003, lr  }
0x1b: {  	s9 =	sadd.s32 $0xFFFFFEF7, lr;
	s5 =	simm.s32 $0xFFFFFFFF;
	p2 =	slt.u32 s8, $0xFFFFF086  }
0x1c: {  	p1 =	slt.u32 s9, $0xF7A;
	s5 =	simm.s32 @!p2 $0x0  }
0x1d: {  	s5 =	simm.s32 @p1 $0x1;
	p0 =	seq.s32 s7, s2  }
0x1e: {  	s7 =	smul.u32 @!p0 $0xF7A, s2;
	p2 =	seq.s32 @!p0 s5, $0x0  }
0x1f: {  	s9 =	smul.u32 $0xF7A, s1;
	s8 =	simm.s32 @!p0 $0x1BF5;
	p2 =	por !p2, p0  }
0x20: {  	[sflag:s8] =	ssyncset.s32 @!p0 $0xFFFFF086;
	s6 =	sadd.s32 @!p0 s3, s7;
	s7 =	simm.s32 @!p0 $0x108  }
0x21: {  	s3 =	sadd.s32 s3, s9;
	s6 =	sadd.s32 @!p0 $0x88, s6;
	s7 =	simm.s32 @p2 $0x1082  }
0x22: {  	[simem:s7], [sflag:s8] =	dma.local @!p0 [hbm:s6], $0xF7A  }
0x23: {  	s9 =	sor.u32 $0xD0000000, s2;
	s6 =	simm.s32 $0x108;
	_ =	swait.ge @!p0 [sflag:s8], $0x0  }
0x24: {  	s3 =	sadd.s32 $0x88, s3;
	s6 =	simm.s32 @!p1 $0x1082;
	[sflag:s4] =	ssyncset.s32 $0xFFFFF086  }
0x25: {  	[simem:s6], [sflag:s4] =	dma.local [hbm:s3], $0xF7A  }
0x26: {  	[smem:$0x3F9A] =	sst s1;
	(tag) =	ssettag s2;
	_ =	strace s9  }
0x27: {  	s1 =	sld [smem:$0x3FAA]  }
0x28: {  	s2 =	sld [smem:$0x3FAB]  }
0x29: {  	s4 =	sld [smem:$0x3FAD]  }
0x2a: {  	p0 =	seq.s32 s5, $0x0;
	s5 =	sld [smem:$0x3FAE]  }
0x2b: {  	s6 =	sld [smem:$0x3FAF]  }
0x2c: {  	s7 =	sld [smem:$0x3FB0]  }
0x2d: {  	s3 =	simm.s32 $0x108;
	s8 =	sld [smem:$0x3FB1]  }
0x2e: {  	s3 =	simm.s32 @!p0 $0x1082;
	s9 =	sld [smem:$0x3FB2]  }
0x2f: {  	lr =	sadd.s32 s0, s3;
	s0 =	sld [smem:$0x3FA9]  }
0x30: {  	s3 =	sld [smem:$0x3FAC]  }
0x31: {  	[smem:$0x3FB5] =	sst s10  }
0x32: {  	s10 =	sld [smem:$0x3FB3];
	_ =	sdelay $0x3  }
0x33: {  	p0 =	seq.s32 s10, $0x1;
	s10 =	sld [smem:$0x3FB5];
	_ =	sdelay $0x3  }
0x34: {  	[smem:$0x3FB5] =	sst s10  }
0x35: {  	s10 =	sld [smem:$0x3FB4];
	_ =	sdelay $0x3  }
0x36: {  	p1 =	seq.s32 s10, $0x1;
	s10 =	sld [smem:$0x3FB5];
	_ =	sdelay $0x3  }
0x37: {  	[smem:$0x3FB5] =	sst s10  }
0x38: {  	s10 =	sld [smem:$0x3FB6]  }
0x39: {  	_ = 	snop;
	(pc) =	sbr.ind lr, $3  }
0x3a: {  	_ = 	snop  }
0x3b: {  	_ = 	snop  }
0x3c: {  	p2 =	seq.s32 s10, $0x1;
	s10 =	sld [smem:$0x3FB5]  }
0x3d: {  	_ =	shalt  }
0x3e: {  	_ =	shalt  }
0x3f: {  	_ =	shalt  }
0x40: {  	_ =	shalt  }
0x41: {  	_ =	shalt  }
0x42: {  	_ =	shalt  }
0x43: {  	_ =	shalt  }
0x44: {  	_ =	shalt  }
0x45: {  	_ =	shalt  }
0x46: {  	_ =	shalt  }
0x47: {  	_ =	shalt  }
0x48: {  	_ =	shalt  }
0x49: {  	_ =	shalt  }
0x4a: {  	_ =	shalt  }
0x4b: {  	_ =	shalt  }
0x4c: {  	_ =	shalt  }
0x4d: {  	_ =	shalt  }
0x4e: {  	_ =	shalt  }
0x4f: {  	_ =	shalt  }
0x50: {  	_ =	shalt  }
0x51: {  	_ =	shalt  }
0x52: {  	_ =	shalt  }
0x53: {  	_ =	shalt  }
0x54: {  	_ =	shalt  }
0x55: {  	_ =	shalt  }
0x56: {  	_ =	shalt  }
0x57: {  	_ =	shalt  }
0x58: {  	_ =	shalt  }
0x59: {  	_ =	shalt  }
0x5a: {  	_ =	shalt  }
0x5b: {  	_ =	shalt  }
0x5c: {  	_ =	shalt  }
0x5d: {  	_ =	shalt  }
0x5e: {  	_ =	shalt  }
0x5f: {  	_ =	shalt  }
0x60: {  	_ =	shalt  }
0x61: {  	_ =	shalt  }
0x62: {  	_ =	shalt  }
0x63: {  	_ =	shalt  }
0x64: {  	_ =	shalt  }
0x65: {  	_ =	shalt  }
0x66: {  	_ =	shalt  }
0x67: {  	_ =	shalt  }
0x68: {  	_ =	shalt  }
0x69: {  	_ =	shalt  }
0x6a: {  	_ =	shalt  }
0x6b: {  	_ =	shalt  }
0x6c: {  	_ =	shalt  }
0x6d: {  	_ =	shalt  }
0x6e: {  	_ =	shalt  }
0x6f: {  	_ =	shalt  }
0x70: {  	_ =	shalt  }
0x71: {  	_ =	shalt  }
0x72: {  	_ =	shalt  }
0x73: {  	_ =	shalt  }
0x74: {  	_ =	shalt  }
0x75: {  	_ =	shalt  }
0x76: {  	_ =	shalt  }
0x77: {  	_ =	shalt  }
0x78: {  	_ =	shalt  }
0x79: {  	_ =	shalt  }
0x7a: {  	_ =	shalt  }
0x7b: {  	_ =	shalt  }
0x7c: {  	_ =	shalt  }
0x7d: {  	_ =	shalt  }
0x7e: {  	_ =	shalt  }
0x7f: {  	_ =	shalt  }
0x80: {  	_ =	shalt  }
0x81: {  	_ =	shalt  }
0x82: {  	_ =	shalt  }
0x83: {  	_ =	shalt  }
0x84: {  	_ =	shalt  }
0x85: {  	_ =	shalt  }
0x86: {  	_ =	shalt  }
0x87: {  	_ =	shalt  }
.Lfunc_end0:
.L_simem_size_0:
called_computation.4_lowered:
.L_overlay_start_0:
0x88: {  	s2 =	sld [smem:$0x3FD9]  }
0x89: {  	s3 =	sld [smem:$0x3FFE];
	_ =	sdelay $0x1  }
0x8a: {  	s1 =	srdreg.scid  }
0x8b: {  	s0 =	sand.u32 $0x1, s1  }
0x8c: {  	s17 =	sshll.u32 s0, $0xA;
	s2 =	sadd.s32 s3, s2  }
0x8d: {  	s2 =	sadd.s32 s2, s17  }
0x8e: {  	[smem:$0x3FC1] =	sst s2  }
0x8f: {  	_ = 	snop  }
0x90: {  	s2 =	sld [smem:$0x3FD0];
	(tm) =	ssettm $0x1  }
0x91: {  	s18 =	sld [smem:$0x3FFB];
	_ =	sdelay $0x3  }
0x92: {  	_ =	strace s18  }
0x93: {  	s3 =	sld [smem:$0x3FFC];
	_ =	sdelay $0x3  }
0x94: {  	_ =	strace s3  }
0x95: {  	s3 =	sld [smem:$0x3FFD];
	_ =	sdelay $0x3  }
0x96: {  	_ =	strace s3  }
0x97: {  	_ =	strace $0x8FFFFFFF  }
0x98: {  	s19 =	sld [smem:$0x3FDB];
	_ =	sdelay $0x1  }
0x99: {  	s4 =	simm.s32 $_scs_section_size  }
0x9a: {  	s5 =	simm.s32 $_size__tile_overlayer_lowered;
	s6 =	simm.s32 $_tile_overlayer_lowered  }
0x9b: {  	s22 =	simm.s32 $0x1BFF;
	s21 =	sshll.u32 s6, $0x1;
	s3 =	sadd.s32 s4, s19  }
0x9c: {  	s7 =	simm.s32 $0x0;
	s20 =	sshll.u32 s5, $0x1;
	s5 =	sadd.s32 s21, s3  }
0x9d: {  	[timem:s7], [sflag:s22] =	dma.local [hbm:s5], s20  }
0x9e: {  	_ =	swait.ge [sflag:s22], s20  }
0x9f: {  	s4 =	ssub.s32 $0x0, s20;
	[sflag:s22] =	ssyncset.done $0x0  }
0xa0: {  	[sflag:s22] =	ssyncadd.s32 s4;
	_ =	sdelay $0x1  }
0xa1: {  	s23 =	simm.s32 $0x1B8B  }
0xa2: {  	_ =	swait.ge [sflag:s23], $0x1  }
0xa3: {  	[sflag:s23] =	ssyncset.done $0x0  }
0xa4: {  	s25 =	simm.s32 $0x1B8E;
	s24 =	sld [smem:$0x3FFE];
	[sflag:s23] =	ssyncadd.s32 $0xFFFFFFFF  }
0xa5: {  	s26 =	simm.s32 $execute0_lowered;
	[smem:$0x3FD2] =	sst s25  }
0xa6: {  	s5 =	sshll.u32 s26, $0x1;
	_ =	strace $0x80000052;
	[dreg:$0x1] =	wrdreg $0xFFFFFFFF  }
0xa7: {  	s28 =	simm.s32 $_size_execute0_lowered;
	s3 =	sadd.s32 s3, s5;
	[dreg:$0x0] =	wrdreg $0x0  }
0xa8: {  	s5 =	sshll.u32 s28, $0x1;
	[dreg:$0x2] =	wrdreg s3  }
0xa9: {  	[dreg:$0x3] =	wrdreg s5  }
0xaa: {  	[dreg:$0x4] =	wrdreg $0xC0  }
0xab: {  	_ =	task [dreg:s7], $0x5FFFF  }
0xac: {  	[dreg:$0x1] =	wrdreg $0xFFFFFFFF  }
0xad: {  	[dreg:$0x0] =	wrdreg $0x60  }
0xae: {  	[dreg:$0x2] =	wrdreg s2  }
0xaf: {  	[dreg:$0x3] =	wrdreg s24  }
0xb0: {  	[dreg:$0x4] =	wrdreg $0x52000  }
0xb1: {  	[dreg:$0x5] =	wrdreg $0x9  }
0xb2: {  	_ =	task.clear_ibuf [dreg:s7], $0x6FFFF;
	_ =	strace $0x90000052  }
0xb3: {  	s29 =	simm.s32 $0x9;
	_ =	strace $0x80000054  }
0xb4: {  	_ =	swait.ge [sflag:s29], $0x1  }
0xb5: {  	[sflag:s29] =	ssyncadd.s32 $0xFFFFFFFF  }
0xb6: {  	_ =	strace $0x90000054  }
0xb7: {  	_ =	sfence  }
0xb8: {  	s30 =	sld [smem:$0x0];
	_ =	sdelay $0x2  }
0xb9: {  	s31 =	sshll.u32 s1, $0xD;
	s1 =	sshrl.u32 s1, $0x2  }
0xba: {  	s3 =	sand.u32 $0x4000, s31;
	s1 =	sadd.s32 s1, s30  }
0xbb: {  	s0 =	sor.u32 s3, s0;
	s1 =	sshll.u32 s1, $0x11  }
0xbc: {  	s0 =	sor.u32 s1, s0  }
0xbd: {  	s0 =	sadd.s32 $0x8F2B, s0  }
0xbe: {  	[sflag:s0] =	ssyncadd.remote.s32 $0x1  }
0xbf: {  	_ =	sfence.sel $0xFFFF  }
0xc0: {  	[dreg:$0x0] =	wrdreg $0xFFFFFFFF;
	(pc) =	sbr.abs _section_cstart, $3  }
0xc1: {  	[dreg:$0x1] =	wrdreg $0xFFFFFFFF  }
0xc2: {  	_ =	task.clear_ibuf [dreg:s7], $0x2FFFF;
	_ =	strace $0x9FFFFFFF  }
0xc3: {  	(tm) =	ssettm $0x7FFFFFFF  }
tec
execute0_lowered:
.L_overlay_start_1:
0x0: {  	(tag) =	ssettag $0x1  }
0x1: {  	s1 =	rddreg [dreg:$0x0]  }
0x2: {  	s9 =	rddreg [dreg:$0x1]  }
0x3: {  	s2 =	rddreg [dreg:$0x2]  }
0x4: {  	s0 =	rddreg [dreg:$0x3]  }
0x5: {  	s3 =	simm.s32 $0x0;
	s4 =	srdreg.scid;
	s12 =	stileid.u32  }
0x6: {  	s16 =	simm.s32 $0x200;
	s17 =	simm.s32 $0x100;
	s18 =	simm.s32 $0x4  }
0x7: {  	s19 =	simm.s32 $0x180;
	s20 =	simm.s32 $0x1;
	s21 =	simm.s32 $0x2  }
0x8: {  	s22 =	simm.s32 $0x2A00;
	s23 =	simm.s32 $0x0;
	[smem:$0x7FF] =	sst s3  }
0x9: {  	s8 =	sand.u32 $0x1, s4;
	s31 =	sshll.u32 s12, $0x1;
	s4 =	sadd.s32 $0xD200, s9  }
0xa: {  	s5 =	sadd.s32 $0x3400, s9;
	s6 =	sor.u32 s8, s31;
	s10 =	smul.u32 $0x27100, s8  }
0xb: {  	s7 =	sadd.s32 $0x17000, s9;
	p0 =	sne.s32 s12, $0x0;
	s6 =	smul.u32 $0x2710, s6  }
.Ltmp0:
0xc: {  	_ =	strace $0x80000053;
	s11 =	ssub.s32 $0x2, s8;
	(pc) =	sbr.rel .LBB2_1-.Ltmp0, $4  }
0xd: {  	s8 =	sadd.s32 $0x20E00, s9;
	s13 =	sshrl.u32 s11, $0x1;
	s15 =	sadd.s32 s10, s9  }
0xe: {  	s13 =	ssub.s32 s11, s13;
	s14 =	sshrl.u32 s6, $0x3;
	s10 =	sadd.s32 $0x50, s6  }
0xf: {  	s11 =	sadd.s32 $0x48000, s15;
	s12 =	smax.u32 s13, $0x1;
	s13 =	sshrl.u32 @!p0 s2, $0x3  }
0x10: {  	s15 =	simm.s32 $0x50;
	s9 =	sadd.s32 s4, s14;
	s14 =	simm.s32 $0x3  }
.LBB2_10:
0x11: {  	[bflag:$0x0] =	sbarrier.arrive $0xFFFF;
	s24 =	simm.s32 @!p0 $0x1C03;
	s23 =	sadd.s32 $0x1, s23  }
0x12: {  	[hbm:s11], [sflag:s24] =	dma.local @!p0 [spmem:s13], $0x27100  }
0x13: {  	p1 =	sne.s32 s23, s12  }
.Ltmp1:
0x14: {  	_ = 	snop;
	(pc) =	sbr.rel @!p1 .LBB2_11-.Ltmp1, $4  }
0x15: {  	s24 =	simm.s32 @!p0 $0x3  }
0x16: {  	_ =	swait.ge @!p0 [sflag:s24], $0x27100  }
0x17: {  	[sflag:s24] =	ssyncset.done @!p0 $0x0  }
0x18: {  	[sflag:s24] =	ssyncadd.s32 @!p0 $0xFFFD8F00  }
.LBB2_1:
0x19: {  	s24 =	simm.s32 @!p0 $0x1C03  }
0x1a: {  	[spmem:s13], [sflag:s24] =	dma.local @!p0 [hbm:s8], $0x27100  }
0x1b: {  	s24 =	simm.s32 @!p0 $0x3  }
0x1c: {  	_ =	swait.ge @!p0 [sflag:s24], $0x27100  }
0x1d: {  	[sflag:s24] =	ssyncset.done @!p0 $0x0  }
0x1e: {  	[sflag:s24] =	ssyncadd.s32 @!p0 $0xFFFD8F00  }
0x1f: {  	[tilespmem:s3], [sflag:$0x3] =	stream.linear.gather [hbm4b:s9+s3], $0x50, $0x38;
	[tilespmem:$0x18A80] =	vst v63  }
0x20: {  	_ =	swait.ge [sflag:s14], $0x50  }
.Ltmp2:
0x21: {  	[sflag:s14] =	ssyncset.done $0x0;
	(pc) =	sbr.rel .LBB2_2-.Ltmp2, $4  }
0x22: {  	[sflag:s14] =	ssyncadd.s32 $0xFFFFFFB0  }
0x23: {  	[tilespmem:s16], [sflag:$0x1] =	stream.indirect.gather [hbm4b:s1+s15], $0x80, s3, s15, $0xb8;
	[tilespmem:$0x18A80] =	vst v63  }
0x24: {  	[bflag:$0x0] =	sbarrier.arrive $0xFFFF  }
0x25: {  	s24 =	simm.s32 $0x0  }
.LBB2_8:
0x26: {  	[tilespmem:s25+$0x30] =	vst v8  }
0x27: {  	[tilespmem:s25+$0xFFFFFFC0] =	vst v6  }
0x28: {  	v0 =	vmul.f32 v0, v1;
	[tilespmem:s25+$0x10] =	vst v7  }
0x29: {  	v4 =	vmul.f32 v4, v1;
	[tilespmem:s25+$0xFFFFFFE0] =	vst v5  }
0x2a: {  	v2 =	vmul.f32 v2, v1;
	[tilespmem:s25+$0xFFFFFFF0] =	vst v0  }
0x2b: {  	v63 =	vmul.f32 v3, v1;
	[tilespmem:s25+$0x0] =	vst v4  }
0x2c: {  	[tilespmem:s25+$0x20] =	vst v2  }
0x2d: {  	[tilespmem:s25+$0xFFFFFFD0] =	vst v63;
	s25 =	simm.s32 $0x3  }
0x2e: {  	[spmem:s2] =	stream.indirect.scatter.add.f32 [tilespmem:s22], [sflag:$0x3], $0x80, s17, s15, $0xb8;
	[tilespmem:$0x18A80] =	vst v63  }
.LBB2_9:
0x2f: {  	s24 =	sadd.s32 $0x1, s24  }
0x30: {  	p1 =	sne.s32 s24, $0x7D  }
.Ltmp3:
0x31: {  	_ = 	snop;
	(pc) =	sbr.rel @!p1 .LBB2_10-.Ltmp3, $4  }
0x32: {  	_ = 	snop  }
0x33: {  	_ =	swait.ge [sflag:s25], $0x2800  }
0x34: {  	[sflag:s25] =	ssyncset.done $0x0  }
0x35: {  	[sflag:s25] =	ssyncadd.s32 $0xFFFFD800  }
.LBB2_2:
0x36: {  	s25 =	sand.u32 $0x1, s24  }
0x37: {  	p1 =	seq.s32 s25, $0x1  }
.Ltmp4:
0x38: {  	_ = 	snop;
	(pc) =	sbr.rel @p1 .LBB2_6-.Ltmp4, $1  }
0x39: {  	_ =	sdelay $0x3  }
0x3a: {  	s25 =	sor.u32 $0x1, s24  }
0x3b: {  	p1 =	sgt.u32 s25, $0x7C  }
0x3c: {  	s25 =	smul.u32 @!p1 $0x50, s25;
	_ =	sdelay $0x1  }
0x3d: {  	s25 =	sadd.s32 @!p1 s6, s25  }
0x3e: {  	s25 =	sshrl.u32 @!p1 s25, $0x3  }
0x3f: {  	s26 =	simm.s32 @!p1 $0x0;
	s28 =	simm.s32 @!p1 $0x80;
	s25 =	sadd.s32 @!p1 s4, s25  }
0x40: {  	[tilespmem:s28], [sflag:$0x4] =	stream.linear.gather @!p1 [hbm4b:s25+s26], $0x50, $0x38;
	[tilespmem:$0x18A80] =	vst v63  }
0x41: {  	s29 =	smul.u32 $0x50, s24;
	s25 =	simm.s32 @!p1 $0x4  }
0x42: {  	_ =	swait.ge @!p1 [sflag:s25], $0x50  }
0x43: {  	s29 =	sadd.s32 s6, s29;
	[sflag:s25] =	ssyncset.done @!p1 $0x0  }
0x44: {  	s26 =	simm.s32 @!p1 $0x2A00;
	[sflag:s25] =	ssyncadd.s32 @!p1 $0xFFFFFFB0;
	s25 =	simm.s32 @!p1 $0x50  }
0x45: {  	[tilespmem:s26], [sflag:$0x2] =	stream.indirect.gather @!p1 [hbm4b:s1+s25], $0x80, s28, s25, $0xb8;
	[tilespmem:$0x18A80] =	vst v63  }
0x46: {  	s25 =	sshrl.u32 s29, $0x3  }
0x47: {  	s28 =	simm.s32 $0x0;
	s30 =	sadd.s32 s5, s25  }
0x48: {  	[tilespmem:s17], [sflag:$0x4] =	stream.linear.gather [hbm4b:s30+s28], $0x50, $0x38;
	[tilespmem:$0x18A80] =	vst v63  }
0x49: {  	_ =	swait.ge [sflag:s18], $0x50  }
0x4a: {  	[sflag:s18] =	ssyncset.done $0x0  }
0x4b: {  	s25 =	sadd.s32 s7, s25;
	[sflag:s18] =	ssyncadd.s32 $0xFFFFFFB0  }
0x4c: {  	[tilespmem:s19], [sflag:$0x4] =	stream.linear.gather [hbm4b:s25+s28], $0x50, $0x38;
	[tilespmem:$0x18A80] =	vst v63  }
0x4d: {  	_ =	swait.ge [sflag:s18], $0x50  }
0x4e: {  	[sflag:s18] =	ssyncset.done $0x0  }
0x4f: {  	[sflag:s18] =	ssyncadd.s32 $0xFFFFFFB0  }
0x50: {  	_ =	swait.ge [sflag:s20], $0x2800  }
0x51: {  	[sflag:s20] =	ssyncset.done $0x0  }
0x52: {  	s25 =	simm.s32 $0x240;
	[sflag:s20] =	ssyncadd.s32 $0xFFFFD800  }
0x53: {  	v4 =	vld [tilespmem:s25+$0x30]  }
0x54: {  	v7 =	vld [tilespmem:s25+$0x10]  }
0x55: {  	s31 =	simm.s32 $0x0;
	v5 =	vld [tilespmem:s25+$0xFFFFFFC0]  }
0x56: {  	v1 =	vld.msk [tilespmem:s31+$0x180 ss:$0x0], $0xffff  }
0x57: {  	v9 =	vld [tilespmem:s25+$0xFFFFFFE0]  }
0x58: {  	v0 =	vld [tilespmem:s25+$0xFFFFFFF0]  }
0x59: {  	v2 =	vld [tilespmem:s25+$0x20]  }
0x5a: {  	v3 =	vld [tilespmem:s25+$0xFFFFFFD0]  }
0x5b: {  	v8 =	vmul.f32 v4, v1;
	v4 =	vld [tilespmem:s25+$0x0]  }
0x5c: {  	v6 =	vmul.f32 v1, v5  }
0x5d: {  	s26 =	simm.s32 $0x4;
	s28 =	simm.s32 $0x240;
	v5 =	vmul.f32 v9, v1;
	v7 =	vmul.f32 v7, v1  }
.LBB2_4:
0x5e: {  	p1 =	sne.s32 s26, $0x13C  }
0x5f: {  	v3 =	vmul.f32 v3, v1;
	v2 =	vmul.f32 v2, v1;
	[tilespmem:s25+$0x30] =	vst v8;
	s28 =	sadd.s32 $0x80, s28;
	s29 =	smov.u32 s26;
	s26 =	sadd.s32 $0x4, s26  }
0x60: {  	[tilespmem:s25+$0xFFFFFFC0] =	vst v6;
	v6 =	vmul.f32 v0, v1;
	v1 =	vmul.f32 v4, v1  }
0x61: {  	[tilespmem:s25+$0x10] =	vst v7  }
0x62: {  	[tilespmem:s25+$0xFFFFFFE0] =	vst v5  }
0x63: {  	v0 =	vld [tilespmem:s28+$0xFFFFFFF0];
	[tilespmem:s25+$0xFFFFFFF0] =	vst v6  }
0x64: {  	v5 =	vld [tilespmem:s28+$0x30];
	[tilespmem:s25+$0x0] =	vst v1  }
0x65: {  	v7 =	vld [tilespmem:s28+$0x10];
	[tilespmem:s25+$0x20] =	vst v2  }
0x66: {  	s29 =	sshra.s32 s29, $0x2;
	v6 =	vld [tilespmem:s28+$0xFFFFFFC0];
	[tilespmem:s25+$0xFFFFFFD0] =	vst v3;
	s25 =	smov.u32 s28  }
0x67: {  	v1 =	vld.msk [tilespmem:s29+$0x180 ss:$0x0], $0xffff  }
0x68: {  	v9 =	vld [tilespmem:s28+$0xFFFFFFE0]  }
0x69: {  	v2 =	vld [tilespmem:s28+$0x20]  }
.Ltmp5:
0x6a: {  	v3 =	vld [tilespmem:s28+$0xFFFFFFD0];
	(pc) =	sbr.rel @p1 .LBB2_4-.Ltmp5, $3  }
0x6b: {  	v4 =	vld [tilespmem:s28+$0x0];
	_ =	sdelay $0x1  }
0x6c: {  	v6 =	vmul.f32 v1, v6;
	v8 =	vmul.f32 v5, v1  }
0x6d: {  	v7 =	vmul.f32 v7, v1;
	v5 =	vmul.f32 v9, v1  }
0x6e: {  	[tilespmem:s25+$0x30] =	vst v8  }
0x6f: {  	[tilespmem:s25+$0xFFFFFFC0] =	vst v6  }
0x70: {  	v0 =	vmul.f32 v0, v1;
	[tilespmem:s25+$0x10] =	vst v7  }
0x71: {  	v2 =	vmul.f32 v2, v1;
	[tilespmem:s25+$0xFFFFFFE0] =	vst v5  }
.Ltmp6:
0x72: {  	v63 =	vmul.f32 v3, v1;
	[tilespmem:s25+$0xFFFFFFF0] =	vst v0;
	(pc) =	sbr.rel .LBB2_9-.Ltmp6, $4  }
0x73: {  	v4 =	vmul.f32 v4, v1;
	[tilespmem:s25+$0x20] =	vst v2  }
0x74: {  	[tilespmem:s25+$0xFFFFFFD0] =	vst v63  }
0x75: {  	[tilespmem:s25+$0x0] =	vst v4;
	s25 =	simm.s32 $0x4  }
0x76: {  	[spmem:s2] =	stream.indirect.scatter.add.f32 [tilespmem:s16], [sflag:$0x4], $0x80, s17, s15, $0xb8;
	[tilespmem:$0x18A80] =	vst v63  }
.LBB2_6:
0x77: {  	s25 =	smul.u32 $0x50, s24;
	_ =	sdelay $0x1  }
0x78: {  	s26 =	sadd.s32 s25, s10  }
0x79: {  	s26 =	sshrl.u32 s26, $0x3  }
0x7a: {  	s28 =	simm.s32 $0x0;
	s26 =	sadd.s32 s4, s26  }
0x7b: {  	[tilespmem:s28], [sflag:$0x4] =	stream.linear.gather [hbm4b:s26+s28], $0x50, $0x38;
	[tilespmem:$0x18A80] =	vst v63  }
0x7c: {  	_ =	swait.ge [sflag:s18], $0x50  }
0x7d: {  	s25 =	sadd.s32 s6, s25;
	[sflag:s18] =	ssyncset.done $0x0  }
0x7e: {  	s25 =	sshrl.u32 s25, $0x3;
	[sflag:s18] =	ssyncadd.s32 $0xFFFFFFB0  }
0x7f: {  	[tilespmem:s16], [sflag:$0x1] =	stream.indirect.gather [hbm4b:s1+s15], $0x80, s28, s15, $0xb8;
	[tilespmem:$0x18A80] =	vst v63  }
0x80: {  	s30 =	sadd.s32 s5, s25  }
0x81: {  	[tilespmem:s17], [sflag:$0x4] =	stream.linear.gather [hbm4b:s30+s28], $0x50, $0x38;
	[tilespmem:$0x18A80] =	vst v63  }
0x82: {  	_ =	swait.ge [sflag:s18], $0x50  }
0x83: {  	[sflag:s18] =	ssyncset.done $0x0  }
0x84: {  	s25 =	sadd.s32 s7, s25;
	[sflag:s18] =	ssyncadd.s32 $0xFFFFFFB0  }
0x85: {  	[tilespmem:s19], [sflag:$0x4] =	stream.linear.gather [hbm4b:s25+s28], $0x50, $0x38;
	[tilespmem:$0x18A80] =	vst v63  }
0x86: {  	_ =	swait.ge [sflag:s18], $0x50  }
0x87: {  	[sflag:s18] =	ssyncset.done $0x0  }
0x88: {  	[sflag:s18] =	ssyncadd.s32 $0xFFFFFFB0  }
0x89: {  	_ =	swait.ge [sflag:s21], $0x2800  }
0x8a: {  	[sflag:s21] =	ssyncset.done $0x0  }
0x8b: {  	s25 =	simm.s32 $0x2A40;
	[sflag:s21] =	ssyncadd.s32 $0xFFFFD800  }
0x8c: {  	v4 =	vld [tilespmem:s25+$0x30]  }
0x8d: {  	v7 =	vld [tilespmem:s25+$0x10]  }
0x8e: {  	s31 =	simm.s32 $0x0;
	v5 =	vld [tilespmem:s25+$0xFFFFFFC0]  }
0x8f: {  	v1 =	vld.msk [tilespmem:s31+$0x180 ss:$0x0], $0xffff  }
0x90: {  	v9 =	vld [tilespmem:s25+$0xFFFFFFE0]  }
0x91: {  	v0 =	vld [tilespmem:s25+$0xFFFFFFF0]  }
0x92: {  	v2 =	vld [tilespmem:s25+$0x20]  }
0x93: {  	v3 =	vld [tilespmem:s25+$0xFFFFFFD0]  }
0x94: {  	v8 =	vmul.f32 v4, v1;
	v4 =	vld [tilespmem:s25+$0x0]  }
0x95: {  	v6 =	vmul.f32 v1, v5  }
0x96: {  	s26 =	simm.s32 $0x4;
	s28 =	simm.s32 $0x2A40;
	v5 =	vmul.f32 v9, v1;
	v7 =	vmul.f32 v7, v1  }
.LBB2_7:
0x97: {  	p1 =	sne.s32 s26, $0x13C  }
0x98: {  	v3 =	vmul.f32 v3, v1;
	v2 =	vmul.f32 v2, v1;
	[tilespmem:s25+$0x30] =	vst v8;
	s28 =	sadd.s32 $0x80, s28;
	s29 =	smov.u32 s26;
	s26 =	sadd.s32 $0x4, s26  }
0x99: {  	[tilespmem:s25+$0xFFFFFFC0] =	vst v6;
	v6 =	vmul.f32 v0, v1;
	v1 =	vmul.f32 v4, v1  }
0x9a: {  	[tilespmem:s25+$0x10] =	vst v7  }
0x9b: {  	[tilespmem:s25+$0xFFFFFFE0] =	vst v5  }
0x9c: {  	v0 =	vld [tilespmem:s28+$0xFFFFFFF0];
	[tilespmem:s25+$0xFFFFFFF0] =	vst v6  }
0x9d: {  	v5 =	vld [tilespmem:s28+$0x30];
	[tilespmem:s25+$0x0] =	vst v1  }
0x9e: {  	v7 =	vld [tilespmem:s28+$0x10];
	[tilespmem:s25+$0x20] =	vst v2  }
0x9f: {  	s29 =	sshra.s32 s29, $0x2;
	v6 =	vld [tilespmem:s28+$0xFFFFFFC0];
	[tilespmem:s25+$0xFFFFFFD0] =	vst v3;
	s25 =	smov.u32 s28  }
0xa0: {  	v1 =	vld.msk [tilespmem:s29+$0x180 ss:$0x0], $0xffff  }
0xa1: {  	v9 =	vld [tilespmem:s28+$0xFFFFFFE0]  }
0xa2: {  	v2 =	vld [tilespmem:s28+$0x20]  }
.Ltmp7:
0xa3: {  	v3 =	vld [tilespmem:s28+$0xFFFFFFD0];
	(pc) =	sbr.rel @p1 .LBB2_7-.Ltmp7, $3  }
0xa4: {  	v4 =	vld [tilespmem:s28+$0x0];
	_ =	sdelay $0x1  }
0xa5: {  	v6 =	vmul.f32 v1, v6;
	v8 =	vmul.f32 v5, v1  }
0xa6: {  	v7 =	vmul.f32 v7, v1;
	v5 =	vmul.f32 v9, v1  }
.Ltmp8:
0xa7: {  	_ = 	snop;
	(pc) =	sbr.rel .LBB2_8-.Ltmp8, $1  }
0xa8: {  	_ =	sdelay $0x3  }
.LBB2_11:
0xa9: {  	_ =	sfence.sel $0x180000  }
0xaa: {  	[bflag:$0x0] =	sbarrier.arrive $0xFFFF  }
0xab: {  	_ =	strace $0x90000053  }
0xac: {  	s0 =	sadd.s32 @!p0 $0x100000, s0;
	[bflag:$0x2] =	sbarrier.arrive $0xFFFF  }
0xad: {  	[sflag:s0] =	ssyncadd.tile.s32 @!p0 $0x1;
	_ =	shalt  }
.Lfunc_end2:
_tile_overlayer_lowered:
.L_overlay_start_2:
0xae: {  	(tag) =	ssettag $0x2  }
0xaf: {  	s0 =	rddreg [dreg:$0x0];
	s2 =	stileid.u32  }
0xb0: {  	s1 =	rddreg [dreg:$0x1];
	p0 =	sne.s32 s2, $0x0  }
0xb1: {  	s3 =	rddreg [dreg:$0x2];
	[bflag:$0x3] =	sbarrier.arrive $0xFFFF;
	s2 =	simm.s32 @!p0 $0x1C03  }
0xb2: {  	[timem:s3], [sflag:s2] =	dma.local @!p0 [hbm:s0], s1  }
0xb3: {  	s0 =	simm.s32 @!p0 $0x3  }
0xb4: {  	_ =	swait.ge @!p0 [sflag:s0], s1  }
0xb5: {  	s1 =	ssub.s32 @!p0 $0x0, s1;
	[sflag:s0] =	ssyncset.done @!p0 $0x0  }
0xb6: {  	[sflag:s0] =	ssyncadd.s32 @!p0 s1  }
0xb7: {  	[bflag:$0x3] =	sbarrier.arrive $0xFFFF  }
0xb8: {  	_ =	shalt  }

</sc_bundles>
